<compile_context>
chip_gen: v7x
topology: tpu7x:2x2x1
jax: 0.10.2.dev20260603
libtpu: 0.0.44.dev20260713+nightly
codegen_flags: <defaults>
</compile_context>

<pallas_src>
import functools

import jax
import jax.numpy as jnp
from jax import lax
from jax.experimental import pallas as pl
from jax.experimental.pallas import tpu as pltpu
from jax.experimental.pallas import tpu_sc as plsc

SR = 44100
MIN_DUR = 24
MAX_DUR = 600
N_TIME = 2048
T_BINS = 128
OUT_W = 64
TOT_MIN = float(MIN_DUR * SR)
TOT_MAX = float(MAX_DUR * SR)

TB = 2048
BN = 16


def _start_emb_sc(aidx, gidx, artist_w, bow_aug, n, k, w):
    info = plsc.get_sparse_core_info()
    nw = info.num_cores * info.num_subcores
    b = n // nw
    mesh = plsc.VectorSubcoreMesh(core_axis_name="c", subcore_axis_name="s")

    @functools.partial(
        pl.kernel,
        mesh=mesh,
        out_type=jax.ShapeDtypeStruct((n, w), jnp.float32),
        scratch_types=[
            pltpu.VMEM((b,), jnp.int32),
            pltpu.VMEM((b * k,), jnp.int32),
            pltpu.VMEM((b, w), jnp.float32),
            pltpu.VMEM((b * k, w), jnp.float32),
            pltpu.VMEM((b, w), jnp.float32),
            pltpu.SemaphoreType.DMA,
        ],
        compiler_params=pltpu.CompilerParams(use_tc_tiling_on_sc=False),
    )
    def sc_kernel(aidx_hbm, gidx_hbm, aw_hbm, bw_hbm, out_hbm,
                  aidx_v, gidx_v, arows, grows, acc, sem):
        wid = lax.axis_index("s") * info.num_cores + lax.axis_index("c")
        pltpu.sync_copy(aidx_hbm.at[pl.ds(wid * b, b)], aidx_v)
        pltpu.sync_copy(gidx_hbm.at[pl.ds(wid * b * k, b * k)], gidx_v)
        pltpu.async_copy(aw_hbm.at[aidx_v], arows, sem).wait()
        pltpu.async_copy(bw_hbm.at[gidx_v], grows, sem).wait()
        for i in range(b):
            for wv in range(w // 16):
                s = arows[i, pl.ds(wv * 16, 16)]
                for j in range(k):
                    s = s + grows[i * k + j, pl.ds(wv * 16, 16)]
                acc[i, pl.ds(wv * 16, 16)] = s
        pltpu.sync_copy(acc, out_hbm.at[pl.ds(wid * b, b)])

    return sc_kernel(aidx, gidx, artist_w, bow_aug)


def _pos_body(y_ref, dw_ref, dwt_ref, o_ref):
    lanes = lax.broadcasted_iota(jnp.int32, (1, T_BINS), 1)
    interp = (lax.broadcasted_iota(jnp.int32, (TB, 1), 0).astype(jnp.float32)
              / float(N_TIME))
    for ns in range(BN):
        n = pl.program_id(0) * BN + ns
        tot = y_ref[n, 0].astype(jnp.float32)
        off_i = y_ref[n, 1]
        len_i = y_ref[n, 2]
        start = off_i.astype(jnp.float32)
        end = (off_i + len_i).astype(jnp.float32)

        pos_a = start + (end - start) * interp
        xs_a = T_BINS * (pos_a / TOT_MAX)
        ps_r = start / tot
        pe_r = jnp.clip(end / tot, 0.0, 1.0)
        pos_r = ps_r + (pe_r - ps_r) * interp
        xs_r = T_BINS * pos_r

        bins_a = jnp.minimum(jnp.floor(xs_a).astype(jnp.int32), T_BINS - 1)
        bins_r = jnp.minimum(jnp.floor(xs_r).astype(jnp.int32), T_BINS - 1)
        oh = jnp.concatenate([(bins_a == lanes).astype(jnp.bfloat16),
                              (bins_r == lanes).astype(jnp.bfloat16)], axis=1)
        emb = jnp.dot(oh, dw_ref[...], preferred_element_type=jnp.float32)

        xt = T_BINS * ((tot - TOT_MIN) / (TOT_MAX - TOT_MIN))
        bin_t = jnp.minimum(jnp.floor(xt).astype(jnp.int32), T_BINS - 1)
        oh_t = (bin_t == lanes).astype(jnp.bfloat16)
        embt = jnp.dot(oh_t, dwt_ref[...], preferred_element_type=jnp.float32)

        o_ref[ns] = emb + embt


def _pos_emb_tc(y, total_w, abs_w, rel_w, n, w, interpret=False):
    dw = jnp.concatenate([abs_w, rel_w], axis=0).astype(jnp.bfloat16)
    dwt = total_w.astype(jnp.bfloat16)
    grid = (n // BN,)
    return pl.pallas_call(
        _pos_body,
        grid=grid,
        in_specs=[
            pl.BlockSpec(memory_space=pltpu.SMEM),
            pl.BlockSpec((2 * T_BINS, w), lambda i: (0, 0)),
            pl.BlockSpec((T_BINS, w), lambda i: (0, 0)),
        ],
        out_specs=pl.BlockSpec((BN, TB, w), lambda i: (i, 0, 0)),
        out_shape=jax.ShapeDtypeStruct((n, N_TIME, w), jnp.float32),
        compiler_params=pltpu.CompilerParams(
            dimension_semantics=("parallel",),
            vmem_limit_bytes=100 * 1024 * 1024),
        interpret=interpret,
    )(y, dw, dwt)


def kernel(y, bow_genre_w, artist_w, total_w, abs_w, rel_w):
    n = y.shape[0]
    k = y.shape[1] - 4
    g = bow_genre_w.shape[0]
    w = bow_genre_w.shape[1]

    artist_idx = y[:, 3].astype(jnp.int32)
    genre = y[:, 4:]
    gidx = jnp.where(genre < 0, g, genre).astype(jnp.int32).reshape(-1)
    bow_aug = jnp.concatenate(
        [bow_genre_w, jnp.zeros((1, w), jnp.float32)], axis=0)

    start2d = _start_emb_sc(artist_idx, gidx, artist_w, bow_aug, n, k, w)
    start_emb = start2d.reshape(n, 1, w)
    pos_emb = _pos_emb_tc(y, total_w, abs_w, rel_w, n, w)
    return (start_emb, pos_emb)

# --- scband reference (transcript-rebuilt; emitter-appended) ---
"""Pipeline reference for scband-label-conditioner-47957604827309 (READ-ONLY COPY).

The authoritative reference and input builder live on the scoring server;
editing this copy changes nothing except your own understanding.
"""

import jax, jax.numpy as jnp
import numpy as np

SR = 44100
MIN_DUR = 24
MAX_DUR = 600
N_TIME = 2048
T_BINS = 128
OUT_W = 64
GENRE_BINS = 1000
ARTIST_BINS = 100000
MAX_BOW = 12
INIT_STD = 0.01  # 0.01 * init_scale(=1.0)
TOT_MIN = float(MIN_DUR * SR)
TOT_MAX = float(MAX_DUR * SR)


def setup_inputs(seed: int = 0) -> dict:
    key = jax.random.key(seed)
    ks = jax.random.split(key, 10)
    N = 256
    total = jax.random.randint(ks[0], (N, 1), int(TOT_MIN), int(TOT_MAX))
    u1 = jax.random.uniform(ks[1], (N, 1))
    offset = (u1 * total.astype(jnp.float32) * 0.5).astype(jnp.int32)
    u2 = jax.random.uniform(ks[2], (N, 1))
    length = (u2 * (total - offset).astype(jnp.float32) * 0.9).astype(jnp.int32)
    artist = jax.random.randint(ks[3], (N, 1), 0, ARTIST_BINS)
    genre = jax.random.randint(ks[4], (N, MAX_BOW), -1, GENRE_BINS)
    y = jnp.concatenate([total.astype(jnp.int32), offset, length,
                         artist.astype(jnp.int32), genre.astype(jnp.int32)], axis=1)
    bow_genre_w = jax.random.normal(ks[5], (GENRE_BINS, OUT_W), dtype=jnp.float32) * INIT_STD
    artist_w = jax.random.normal(ks[6], (ARTIST_BINS, OUT_W), dtype=jnp.float32) * INIT_STD
    total_w = jax.random.normal(ks[7], (T_BINS, OUT_W), dtype=jnp.float32) * INIT_STD
    abs_w = jax.random.normal(ks[8], (T_BINS, OUT_W), dtype=jnp.float32) * INIT_STD
    rel_w = jax.random.normal(ks[9], (T_BINS, OUT_W), dtype=jnp.float32) * INIT_STD
    return {"y": y, "bow_genre_w": bow_genre_w, "artist_w": artist_w,
            "total_w": total_w, "abs_w": abs_w, "rel_w": rel_w}


def _range_emb(table, pos_start, pos_end, pos_min, pos_max, n_time, clamp):
    ps = pos_start.astype(jnp.float32)
    pe = None
    if pos_end is not None:
        pe = pos_end.astype(jnp.float32)
        if clamp:
            pe = jnp.clip(pe, pos_min, pos_max)
    if n_time != 1:
        interpolation = (jnp.arange(n_time, dtype=jnp.float32).reshape(1, n_time) / n_time)
        position = ps + (pe - ps) * interpolation
    else:
        position = ps
    normalised = (position - pos_min) / (pos_max - pos_min)
    bins = jnp.clip(jnp.floor(T_BINS * normalised).astype(jnp.int32), 0, T_BINS - 1)
    return jnp.take(table, bins, axis=0)


def reference(y, bow_genre_w, artist_w, total_w, abs_w, rel_w):
    total_length = y[:, 0:1]
    offset = y[:, 1:2]
    length = y[:, 2:3]
    artist = y[:, 3:4]
    genre = y[:, 4:]
    # start embedding: artist + bag-of-words genre (mask out -1 padding)
    artist_emb = jnp.take(artist_w, artist, axis=0)  # [N,1,W]
    mask = (genre >= 0).astype(jnp.float32)[..., None]
    genre_emb = (jnp.take(bow_genre_w, jnp.clip(genre, 0, None), axis=0) * mask).sum(axis=1, keepdims=True)
    start_emb = genre_emb + artist_emb  # [N,1,W]
    # time signal
    start = offset.astype(jnp.float32)
    end = (offset + length).astype(jnp.float32)
    tot = total_length.astype(jnp.float32)
    pos_emb = (_range_emb(total_w, tot, None, TOT_MIN, TOT_MAX, 1, False)
               + _range_emb(abs_w, start, end, 0.0, TOT_MAX, N_TIME, False)
               + _range_emb(rel_w, start / tot, end / tot, 0.0, 1.0, N_TIME, True))
    return (start_emb, pos_emb)

if __name__ == "__main__":
    import jax
    _d = setup_inputs()
    print(jax.jit(kernel)(*tuple(_d.values())))

</pallas_src>

<mosaic_0001>
#map = affine_map<(d0, d1) -> (0)>
#map1 = affine_map<(d0, d1) -> (0, 0)>
module attributes {stable_mosaic.version = 14 : i64} {
  func.func @sc_kernel(%arg0: i32, %arg1: i32, %arg2: memref<256xi32, #tpu.memory_space<hbm>>, %arg3: memref<3072xi32, #tpu.memory_space<hbm>>, %arg4: memref<100000x64xf32, #tpu.memory_space<hbm>>, %arg5: memref<1001x64xf32, #tpu.memory_space<hbm>>, %arg6: memref<256x64xf32, #tpu.memory_space<hbm>>, %arg7: memref<8xi32, #tpu.memory_space<vmem>>, %arg8: memref<96xi32, #tpu.memory_space<vmem>>, %arg9: memref<8x64xf32, #tpu.memory_space<vmem>>, %arg10: memref<96x64xf32, #tpu.memory_space<vmem>>, %arg11: memref<8x64xf32, #tpu.memory_space<vmem>>, %arg12: memref<!tpu.dma_semaphore, #tpu.memory_space<semaphore_mem>>) attributes {dimension_semantics = [#tpu.dimension_semantics<core_parallel>, #tpu.dimension_semantics<subcore_parallel>], iteration_bounds = array<i64: 2, 16>, scalar_prefetch = 0 : i64, scratch_operands = 6 : i64, tpu.core_type = #tpu.core_type<sc_vector_subcore>, window_params = [{transform_indices = #map}, {transform_indices = #map}, {transform_indices = #map1}, {transform_indices = #map1}, {transform_indices = #map1}]} {
    %mul3A = arith.constant 2 : i32
    %mul3A_0 = arith.muli %arg1, %mul3A : i32
    %add3A = arith.addi %mul3A_0, %arg0 : i32
    %mul3A_1 = arith.constant 8 : i32
    %mul3A_2 = arith.muli %add3A, %mul3A_1 : i32
    "tpu.region"() ({
      %run_scoped3A = tpu.sem_alloc : memref<!tpu.dma_semaphore, #tpu.memory_space<semaphore_mem>>
      %dma_start3A_2673 = tpu.memref_slice %arg2[%mul3A_2] : memref<256xi32, #tpu.memory_space<hbm>> -> memref<8xi32, #tpu.memory_space<hbm>>
      %dma_start3A_2674 = tpu.memref_slice %arg2[%mul3A_2] : memref<256xi32, #tpu.memory_space<hbm>> -> memref<8xi32, #tpu.memory_space<hbm>>
      tpu.enqueue_dma source(%dma_start3A_2674 : memref<8xi32, #tpu.memory_space<hbm>>) target(%arg7 : memref<8xi32, #tpu.memory_space<vmem>>) target_semaphore(%run_scoped3A : memref<!tpu.dma_semaphore, #tpu.memory_space<semaphore_mem>>)
      %dma_wait3A_2675 = tpu.memref_slice %arg2[%mul3A_2] : memref<256xi32, #tpu.memory_space<hbm>> -> memref<8xi32, #tpu.memory_space<hbm>>
      %dma_wait3A_2676 = tpu.memref_slice %arg2[%mul3A_2] : memref<256xi32, #tpu.memory_space<hbm>> -> memref<8xi32, #tpu.memory_space<hbm>>
      tpu.wait_dma2 semaphore(%run_scoped3A : memref<!tpu.dma_semaphore, #tpu.memory_space<semaphore_mem>>) src(%dma_wait3A_2676 : memref<8xi32, #tpu.memory_space<hbm>>) dst(%arg7 : memref<8xi32, #tpu.memory_space<vmem>>)
      tpu.yield
    }) : () -> ()
    %mul3A_3 = arith.constant 8 : i32
    %mul3A_4 = arith.muli %add3A, %mul3A_3 : i32
    %mul3A_5 = arith.constant 12 : i32
    %mul3A_6 = arith.muli %mul3A_4, %mul3A_5 : i32
    "tpu.region"() ({
      %run_scoped3A = tpu.sem_alloc : memref<!tpu.dma_semaphore, #tpu.memory_space<semaphore_mem>>
      %dma_start3A_2673 = tpu.memref_slice %arg3[%mul3A_6] : memref<3072xi32, #tpu.memory_space<hbm>> -> memref<96xi32, #tpu.memory_space<hbm>>
      %dma_start3A_2674 = tpu.memref_slice %arg3[%mul3A_6] : memref<3072xi32, #tpu.memory_space<hbm>> -> memref<96xi32, #tpu.memory_space<hbm>>
      tpu.enqueue_dma source(%dma_start3A_2674 : memref<96xi32, #tpu.memory_space<hbm>>) target(%arg8 : memref<96xi32, #tpu.memory_space<vmem>>) target_semaphore(%run_scoped3A : memref<!tpu.dma_semaphore, #tpu.memory_space<semaphore_mem>>)
      %dma_wait3A_2675 = tpu.memref_slice %arg3[%mul3A_6] : memref<3072xi32, #tpu.memory_space<hbm>> -> memref<96xi32, #tpu.memory_space<hbm>>
      %dma_wait3A_2676 = tpu.memref_slice %arg3[%mul3A_6] : memref<3072xi32, #tpu.memory_space<hbm>> -> memref<96xi32, #tpu.memory_space<hbm>>
      tpu.wait_dma2 semaphore(%run_scoped3A : memref<!tpu.dma_semaphore, #tpu.memory_space<semaphore_mem>>) src(%dma_wait3A_2676 : memref<96xi32, #tpu.memory_space<hbm>>) dst(%arg8 : memref<96xi32, #tpu.memory_space<vmem>>)
      tpu.yield
    }) : () -> ()
    %dma_start3A = arith.constant 0 : i32
    %dma_start3A_7 = arith.constant 0 : i32
    %dma_start3A_8 = tpu.memref_slice %arg4[%dma_start3A, %dma_start3A_7] : memref<100000x64xf32, #tpu.memory_space<hbm>> -> memref<100000x64xf32, #tpu.memory_space<hbm>>
    tpu.enqueue_indirect_dma source(%dma_start3A_8 : memref<100000x64xf32, #tpu.memory_space<hbm>>) target(%arg9 : memref<8x64xf32, #tpu.memory_space<vmem>>) offsets(%arg7 : memref<8xi32, #tpu.memory_space<vmem>>) semaphore(%arg12 : memref<!tpu.dma_semaphore, #tpu.memory_space<semaphore_mem>>)
    %dma_wait3A = arith.constant 0 : i32
    %dma_wait3A_9 = arith.constant 0 : i32
    %dma_wait3A_10 = tpu.memref_slice %arg4[%dma_wait3A, %dma_wait3A_9] : memref<100000x64xf32, #tpu.memory_space<hbm>> -> memref<100000x64xf32, #tpu.memory_space<hbm>>
    tpu.wait_indirect_dma semaphore(%arg12 : memref<!tpu.dma_semaphore, #tpu.memory_space<semaphore_mem>>) src(%dma_wait3A_10 : memref<100000x64xf32, #tpu.memory_space<hbm>>) dst(%arg9 : memref<8x64xf32, #tpu.memory_space<vmem>>)
    %dma_start3A_11 = arith.constant 0 : i32
    %dma_start3A_12 = arith.constant 0 : i32
    %dma_start3A_13 = tpu.memref_slice %arg5[%dma_start3A_11, %dma_start3A_12] : memref<1001x64xf32, #tpu.memory_space<hbm>> -> memref<1001x64xf32, #tpu.memory_space<hbm>>
    tpu.enqueue_indirect_dma source(%dma_start3A_13 : memref<1001x64xf32, #tpu.memory_space<hbm>>) target(%arg10 : memref<96x64xf32, #tpu.memory_space<vmem>>) offsets(%arg8 : memref<96xi32, #tpu.memory_space<vmem>>) semaphore(%arg12 : memref<!tpu.dma_semaphore, #tpu.memory_space<semaphore_mem>>)
    %dma_wait3A_14 = arith.constant 0 : i32
    %dma_wait3A_15 = arith.constant 0 : i32
    %dma_wait3A_16 = tpu.memref_slice %arg5[%dma_wait3A_14, %dma_wait3A_15] : memref<1001x64xf32, #tpu.memory_space<hbm>> -> memref<1001x64xf32, #tpu.memory_space<hbm>>
    tpu.wait_indirect_dma semaphore(%arg12 : memref<!tpu.dma_semaphore, #tpu.memory_space<semaphore_mem>>) src(%dma_wait3A_16 : memref<1001x64xf32, #tpu.memory_space<hbm>>) dst(%arg10 : memref<96x64xf32, #tpu.memory_space<vmem>>)
    %get3A = arith.constant 0 : i32
    %get3A_17 = arith.index_cast %get3A : i32 to index
    %get3A_18 = arith.constant 0 : index
    %get3A_19 = tpu.vector_load %arg9[%get3A_17, %get3A_18] {strides = array<i32>} : memref<8x64xf32, #tpu.memory_space<vmem>>, vector<1x16xf32>,
    %get3A_20 = vector.shape_cast %get3A_19 : vector<1x16xf32> to vector<16xf32>
    %get3A_21 = arith.constant 0 : i32
    %get3A_22 = arith.index_cast %get3A_21 : i32 to index
    %get3A_23 = arith.constant 0 : index
    %get3A_24 = tpu.vector_load %arg10[%get3A_22, %get3A_23] {strides = array<i32>} : memref<96x64xf32, #tpu.memory_space<vmem>>, vector<1x16xf32>,
    %get3A_25 = vector.shape_cast %get3A_24 : vector<1x16xf32> to vector<16xf32>
    %add3A_26 = arith.addf %get3A_20, %get3A_25 : vector<16xf32>
    %get3A_27 = arith.constant 1 : i32
    %get3A_28 = arith.index_cast %get3A_27 : i32 to index
    %get3A_29 = arith.constant 0 : index
    %get3A_30 = tpu.vector_load %arg10[%get3A_28, %get3A_29] {strides = array<i32>} : memref<96x64xf32, #tpu.memory_space<vmem>>, vector<1x16xf32>,
    %get3A_31 = vector.shape_cast %get3A_30 : vector<1x16xf32> to vector<16xf32>
    %add3A_32 = arith.addf %add3A_26, %get3A_31 : vector<16xf32>
    %get3A_33 = arith.constant 2 : i32
    %get3A_34 = arith.index_cast %get3A_33 : i32 to index
    %get3A_35 = arith.constant 0 : index
    %get3A_36 = tpu.vector_load %arg10[%get3A_34, %get3A_35] {strides = array<i32>} : memref<96x64xf32, #tpu.memory_space<vmem>>, vector<1x16xf32>,
    %get3A_37 = vector.shape_cast %get3A_36 : vector<1x16xf32> to vector<16xf32>
    %add3A_38 = arith.addf %add3A_32, %get3A_37 : vector<16xf32>
    %get3A_39 = arith.constant 3 : i32
    %get3A_40 = arith.index_cast %get3A_39 : i32 to index
    %get3A_41 = arith.constant 0 : index
    %get3A_42 = tpu.vector_load %arg10[%get3A_40, %get3A_41] {strides = array<i32>} : memref<96x64xf32, #tpu.memory_space<vmem>>, vector<1x16xf32>,
    %get3A_43 = vector.shape_cast %get3A_42 : vector<1x16xf32> to vector<16xf32>
    %add3A_44 = arith.addf %add3A_38, %get3A_43 : vector<16xf32>
    %get3A_45 = arith.constant 4 : i32
    %get3A_46 = arith.index_cast %get3A_45 : i32 to index
    %get3A_47 = arith.constant 0 : index
    %get3A_48 = tpu.vector_load %arg10[%get3A_46, %get3A_47] {strides = array<i32>} : memref<96x64xf32, #tpu.memory_space<vmem>>, vector<1x16xf32>,
    %get3A_49 = vector.shape_cast %get3A_48 : vector<1x16xf32> to vector<16xf32>
    %add3A_50 = arith.addf %add3A_44, %get3A_49 : vector<16xf32>
    %get3A_51 = arith.constant 5 : i32
    %get3A_52 = arith.index_cast %get3A_51 : i32 to index
    %get3A_53 = arith.constant 0 : index
    %get3A_54 = tpu.vector_load %arg10[%get3A_52, %get3A_53] {strides = array<i32>} : memref<96x64xf32, #tpu.memory_space<vmem>>, vector<1x16xf32>,
    %get3A_55 = vector.shape_cast %get3A_54 : vector<1x16xf32> to vector<16xf32>
    %add3A_56 = arith.addf %add3A_50, %get3A_55 : vector<16xf32>
    %get3A_57 = arith.constant 6 : i32
    %get3A_58 = arith.index_cast %get3A_57 : i32 to index
    %get3A_59 = arith.constant 0 : index
    %get3A_60 = tpu.vector_load %arg10[%get3A_58, %get3A_59] {strides = array<i32>} : memref<96x64xf32, #tpu.memory_space<vmem>>, vector<1x16xf32>,
    %get3A_61 = vector.shape_cast %get3A_60 : vector<1x16xf32> to vector<16xf32>
    %add3A_62 = arith.addf %add3A_56, %get3A_61 : vector<16xf32>
    %get3A_63 = arith.constant 7 : i32
    %get3A_64 = arith.index_cast %get3A_63 : i32 to index
    %get3A_65 = arith.constant 0 : index
    %get3A_66 = tpu.vector_load %arg10[%get3A_64, %get3A_65] {strides = array<i32>} : memref<96x64xf32, #tpu.memory_space<vmem>>, vector<1x16xf32>,
    %get3A_67 = vector.shape_cast %get3A_66 : vector<1x16xf32> to vector<16xf32>
    %add3A_68 = arith.addf %add3A_62, %get3A_67 : vector<16xf32>
    %get3A_69 = arith.constant 8 : i32
    %get3A_70 = arith.index_cast %get3A_69 : i32 to index
    %get3A_71 = arith.constant 0 : index
    %get3A_72 = tpu.vector_load %arg10[%get3A_70, %get3A_71] {strides = array<i32>} : memref<96x64xf32, #tpu.memory_space<vmem>>, vector<1x16xf32>,
    %get3A_73 = vector.shape_cast %get3A_72 : vector<1x16xf32> to vector<16xf32>
    %add3A_74 = arith.addf %add3A_68, %get3A_73 : vector<16xf32>
    %get3A_75 = arith.constant 9 : i32
    %get3A_76 = arith.index_cast %get3A_75 : i32 to index
    %get3A_77 = arith.constant 0 : index
    %get3A_78 = tpu.vector_load %arg10[%get3A_76, %get3A_77] {strides = array<i32>} : memref<96x64xf32, #tpu.memory_space<vmem>>, vector<1x16xf32>,
    %get3A_79 = vector.shape_cast %get3A_78 : vector<1x16xf32> to vector<16xf32>
    %add3A_80 = arith.addf %add3A_74, %get3A_79 : vector<16xf32>
    %get3A_81 = arith.constant 10 : i32
    %get3A_82 = arith.index_cast %get3A_81 : i32 to index
    %get3A_83 = arith.constant 0 : index
    %get3A_84 = tpu.vector_load %arg10[%get3A_82, %get3A_83] {strides = array<i32>} : memref<96x64xf32, #tpu.memory_space<vmem>>, vector<1x16xf32>,
    %get3A_85 = vector.shape_cast %get3A_84 : vector<1x16xf32> to vector<16xf32>
    %add3A_86 = arith.addf %add3A_80, %get3A_85 : vector<16xf32>
    %get3A_87 = arith.constant 11 : i32
    %get3A_88 = arith.index_cast %get3A_87 : i32 to index
    %get3A_89 = arith.constant 0 : index
    %get3A_90 = tpu.vector_load %arg10[%get3A_88, %get3A_89] {strides = array<i32>} : memref<96x64xf32, #tpu.memory_space<vmem>>, vector<1x16xf32>,
    %get3A_91 = vector.shape_cast %get3A_90 : vector<1x16xf32> to vector<16xf32>
    %add3A_92 = arith.addf %add3A_86, %get3A_91 : vector<16xf32>
    %swap3A = arith.constant 0 : i32
    %swap3A_93 = arith.index_cast %swap3A : i32 to index
    %swap3A_94 = arith.constant 0 : index
    %swap3A_95 = tpu.vector_load %arg11[%swap3A_93, %swap3A_94] {strides = array<i32>} : memref<8x64xf32, #tpu.memory_space<vmem>>, vector<1x16xf32>,
    %swap3A_96 = vector.shape_cast %swap3A_95 : vector<1x16xf32> to vector<16xf32>
    %swap3A_97 = vector.shape_cast %add3A_92 : vector<16xf32> to vector<1x16xf32>
    tpu.vector_store %arg11[%swap3A_93, %swap3A_94], %swap3A_97 {strides = array<i32>} : memref<8x64xf32, #tpu.memory_space<vmem>>, vector<1x16xf32>,
    %get3A_98 = arith.constant 0 : i32
    %get3A_99 = arith.index_cast %get3A_98 : i32 to index
    %get3A_100 = arith.constant 16 : index
    %get3A_101 = tpu.vector_load %arg9[%get3A_99, %get3A_100] {strides = array<i32>} : memref<8x64xf32, #tpu.memory_space<vmem>>, vector<1x16xf32>,
    %get3A_102 = vector.shape_cast %get3A_101 : vector<1x16xf32> to vector<16xf32>
    %get3A_103 = arith.constant 0 : i32
    %get3A_104 = arith.index_cast %get3A_103 : i32 to index
    %get3A_105 = arith.constant 16 : index
    %get3A_106 = tpu.vector_load %arg10[%get3A_104, %get3A_105] {strides = array<i32>} : memref<96x64xf32, #tpu.memory_space<vmem>>, vector<1x16xf32>,
    %get3A_107 = vector.shape_cast %get3A_106 : vector<1x16xf32> to vector<16xf32>
    %add3A_108 = arith.addf %get3A_102, %get3A_107 : vector<16xf32>
    %get3A_109 = arith.constant 1 : i32
    %get3A_110 = arith.index_cast %get3A_109 : i32 to index
    %get3A_111 = arith.constant 16 : index
    %get3A_112 = tpu.vector_load %arg10[%get3A_110, %get3A_111] {strides = array<i32>} : memref<96x64xf32, #tpu.memory_space<vmem>>, vector<1x16xf32>,
    %get3A_113 = vector.shape_cast %get3A_112 : vector<1x16xf32> to vector<16xf32>
    %add3A_114 = arith.addf %add3A_108, %get3A_113 : vector<16xf32>
    %get3A_115 = arith.constant 2 : i32
    %get3A_116 = arith.index_cast %get3A_115 : i32 to index
    %get3A_117 = arith.constant 16 : index
    %get3A_118 = tpu.vector_load %arg10[%get3A_116, %get3A_117] {strides = array<i32>} : memref<96x64xf32, #tpu.memory_space<vmem>>, vector<1x16xf32>,
    %get3A_119 = vector.shape_cast %get3A_118 : vector<1x16xf32> to vector<16xf32>
    %add3A_120 = arith.addf %add3A_114, %get3A_119 : vector<16xf32>
    %get3A_121 = arith.constant 3 : i32
    %get3A_122 = arith.index_cast %get3A_121 : i32 to index
    %get3A_123 = arith.constant 16 : index
    %get3A_124 = tpu.vector_load %arg10[%get3A_122, %get3A_123] {strides = array<i32>} : memref<96x64xf32, #tpu.memory_space<vmem>>, vector<1x16xf32>,
    %get3A_125 = vector.shape_cast %get3A_124 : vector<1x16xf32> to vector<16xf32>
    %add3A_126 = arith.addf %add3A_120, %get3A_125 : vector<16xf32>
    %get3A_127 = arith.constant 4 : i32
    %get3A_128 = arith.index_cast %get3A_127 : i32 to index
    %get3A_129 = arith.constant 16 : index
    %get3A_130 = tpu.vector_load %arg10[%get3A_128, %get3A_129] {strides = array<i32>} : memref<96x64xf32, #tpu.memory_space<vmem>>, vector<1x16xf32>,
    %get3A_131 = vector.shape_cast %get3A_130 : vector<1x16xf32> to vector<16xf32>
    %add3A_132 = arith.addf %add3A_126, %get3A_131 : vector<16xf32>
    %get3A_133 = arith.constant 5 : i32
    %get3A_134 = arith.index_cast %get3A_133 : i32 to index
    %get3A_135 = arith.constant 16 : index
    %get3A_136 = tpu.vector_load %arg10[%get3A_134, %get3A_135] {strides = array<i32>} : memref<96x64xf32, #tpu.memory_space<vmem>>, vector<1x16xf32>,
    %get3A_137 = vector.shape_cast %get3A_136 : vector<1x16xf32> to vector<16xf32>
    %add3A_138 = arith.addf %add3A_132, %get3A_137 : vector<16xf32>
    %get3A_139 = arith.constant 6 : i32
    %get3A_140 = arith.index_cast %get3A_139 : i32 to index
    %get3A_141 = arith.constant 16 : index
    %get3A_142 = tpu.vector_load %arg10[%get3A_140, %get3A_141] {strides = array<i32>} : memref<96x64xf32, #tpu.memory_space<vmem>>, vector<1x16xf32>,
    %get3A_143 = vector.shape_cast %get3A_142 : vector<1x16xf32> to vector<16xf32>
    %add3A_144 = arith.addf %add3A_138, %get3A_143 : vector<16xf32>
    %get3A_145 = arith.constant 7 : i32
    %get3A_146 = arith.index_cast %get3A_145 : i32 to index
    %get3A_147 = arith.constant 16 : index
    %get3A_148 = tpu.vector_load %arg10[%get3A_146, %get3A_147] {strides = array<i32>} : memref<96x64xf32, #tpu.memory_space<vmem>>, vector<1x16xf32>,
    %get3A_149 = vector.shape_cast %get3A_148 : vector<1x16xf32> to vector<16xf32>
    %add3A_150 = arith.addf %add3A_144, %get3A_149 : vector<16xf32>
    %get3A_151 = arith.constant 8 : i32
    %get3A_152 = arith.index_cast %get3A_151 : i32 to index
    %get3A_153 = arith.constant 16 : index
    %get3A_154 = tpu.vector_load %arg10[%get3A_152, %get3A_153] {strides = array<i32>} : memref<96x64xf32, #tpu.memory_space<vmem>>, vector<1x16xf32>,
    %get3A_155 = vector.shape_cast %get3A_154 : vector<1x16xf32> to vector<16xf32>
    %add3A_156 = arith.addf %add3A_150, %get3A_155 : vector<16xf32>
    %get3A_157 = arith.constant 9 : i32
    %get3A_158 = arith.index_cast %get3A_157 : i32 to index
    %get3A_159 = arith.constant 16 : index
    %get3A_160 = tpu.vector_load %arg10[%get3A_158, %get3A_159] {strides = array<i32>} : memref<96x64xf32, #tpu.memory_space<vmem>>, vector<1x16xf32>,
    %get3A_161 = vector.shape_cast %get3A_160 : vector<1x16xf32> to vector<16xf32>
    %add3A_162 = arith.addf %add3A_156, %get3A_161 : vector<16xf32>
    %get3A_163 = arith.constant 10 : i32
    %get3A_164 = arith.index_cast %get3A_163 : i32 to index
    %get3A_165 = arith.constant 16 : index
    %get3A_166 = tpu.vector_load %arg10[%get3A_164, %get3A_165] {strides = array<i32>} : memref<96x64xf32, #tpu.memory_space<vmem>>, vector<1x16xf32>,
    %get3A_167 = vector.shape_cast %get3A_166 : vector<1x16xf32> to vector<16xf32>
    %add3A_168 = arith.addf %add3A_162, %get3A_167 : vector<16xf32>
    %get3A_169 = arith.constant 11 : i32
    %get3A_170 = arith.index_cast %get3A_169 : i32 to index
    %get3A_171 = arith.constant 16 : index
    %get3A_172 = tpu.vector_load %arg10[%get3A_170, %get3A_171] {strides = array<i32>} : memref<96x64xf32, #tpu.memory_space<vmem>>, vector<1x16xf32>,
    %get3A_173 = vector.shape_cast %get3A_172 : vector<1x16xf32> to vector<16xf32>
    %add3A_174 = arith.addf %add3A_168, %get3A_173 : vector<16xf32>
    %swap3A_175 = arith.constant 0 : i32
    %swap3A_176 = arith.index_cast %swap3A_175 : i32 to index
    %swap3A_177 = arith.constant 16 : index
    %swap3A_178 = tpu.vector_load %arg11[%swap3A_176, %swap3A_177] {strides = array<i32>} : memref<8x64xf32, #tpu.memory_space<vmem>>, vector<1x16xf32>,
    %swap3A_179 = vector.shape_cast %swap3A_178 : vector<1x16xf32> to vector<16xf32>
    %swap3A_180 = vector.shape_cast %add3A_174 : vector<16xf32> to vector<1x16xf32>
    tpu.vector_store %arg11[%swap3A_176, %swap3A_177], %swap3A_180 {strides = array<i32>} : memref<8x64xf32, #tpu.memory_space<vmem>>, vector<1x16xf32>,
    %get3A_181 = arith.constant 0 : i32
    %get3A_182 = arith.index_cast %get3A_181 : i32 to index
    %get3A_183 = arith.constant 32 : index
    %get3A_184 = tpu.vector_load %arg9[%get3A_182, %get3A_183] {strides = array<i32>} : memref<8x64xf32, #tpu.memory_space<vmem>>, vector<1x16xf32>,
    %get3A_185 = vector.shape_cast %get3A_184 : vector<1x16xf32> to vector<16xf32>
    %get3A_186 = arith.constant 0 : i32
    %get3A_187 = arith.index_cast %get3A_186 : i32 to index
    %get3A_188 = arith.constant 32 : index
    %get3A_189 = tpu.vector_load %arg10[%get3A_187, %get3A_188] {strides = array<i32>} : memref<96x64xf32, #tpu.memory_space<vmem>>, vector<1x16xf32>,
    %get3A_190 = vector.shape_cast %get3A_189 : vector<1x16xf32> to vector<16xf32>
    %add3A_191 = arith.addf %get3A_185, %get3A_190 : vector<16xf32>
    %get3A_192 = arith.constant 1 : i32
    %get3A_193 = arith.index_cast %get3A_192 : i32 to index
    %get3A_194 = arith.constant 32 : index
    %get3A_195 = tpu.vector_load %arg10[%get3A_193, %get3A_194] {strides = array<i32>} : memref<96x64xf32, #tpu.memory_space<vmem>>, vector<1x16xf32>,
    %get3A_196 = vector.shape_cast %get3A_195 : vector<1x16xf32> to vector<16xf32>
    %add3A_197 = arith.addf %add3A_191, %get3A_196 : vector<16xf32>
    %get3A_198 = arith.constant 2 : i32
    %get3A_199 = arith.index_cast %get3A_198 : i32 to index
    %get3A_200 = arith.constant 32 : index
    %get3A_201 = tpu.vector_load %arg10[%get3A_199, %get3A_200] {strides = array<i32>} : memref<96x64xf32, #tpu.memory_space<vmem>>, vector<1x16xf32>,
    %get3A_202 = vector.shape_cast %get3A_201 : vector<1x16xf32> to vector<16xf32>
    %add3A_203 = arith.addf %add3A_197, %get3A_202 : vector<16xf32>
    %get3A_204 = arith.constant 3 : i32
    %get3A_205 = arith.index_cast %get3A_204 : i32 to index
    %get3A_206 = arith.constant 32 : index
    %get3A_207 = tpu.vector_load %arg10[%get3A_205, %get3A_206] {strides = array<i32>} : memref<96x64xf32, #tpu.memory_space<vmem>>, vector<1x16xf32>,
    %get3A_208 = vector.shape_cast %get3A_207 : vector<1x16xf32> to vector<16xf32>
    %add3A_209 = arith.addf %add3A_203, %get3A_208 : vector<16xf32>
    %get3A_210 = arith.constant 4 : i32
    %get3A_211 = arith.index_cast %get3A_210 : i32 to index
    %get3A_212 = arith.constant 32 : index
    %get3A_213 = tpu.vector_load %arg10[%get3A_211, %get3A_212] {strides = array<i32>} : memref<96x64xf32, #tpu.memory_space<vmem>>, vector<1x16xf32>,
    %get3A_214 = vector.shape_cast %get3A_213 : vector<1x16xf32> to vector<16xf32>
    %add3A_215 = arith.addf %add3A_209, %get3A_214 : vector<16xf32>
    %get3A_216 = arith.constant 5 : i32
    %get3A_217 = arith.index_cast %get3A_216 : i32 to index
    %get3A_218 = arith.constant 32 : index
    %get3A_219 = tpu.vector_load %arg10[%get3A_217, %get3A_218] {strides = array<i32>} : memref<96x64xf32, #tpu.memory_space<vmem>>, vector<1x16xf32>,
    %get3A_220 = vector.shape_cast %get3A_219 : vector<1x16xf32> to vector<16xf32>
    %add3A_221 = arith.addf %add3A_215, %get3A_220 : vector<16xf32>
    %get3A_222 = arith.constant 6 : i32
    %get3A_223 = arith.index_cast %get3A_222 : i32 to index
    %get3A_224 = arith.constant 32 : index
    %get3A_225 = tpu.vector_load %arg10[%get3A_223, %get3A_224] {strides = array<i32>} : memref<96x64xf32, #tpu.memory_space<vmem>>, vector<1x16xf32>,
    %get3A_226 = vector.shape_cast %get3A_225 : vector<1x16xf32> to vector<16xf32>
    %add3A_227 = arith.addf %add3A_221, %get3A_226 : vector<16xf32>
    %get3A_228 = arith.constant 7 : i32
    %get3A_229 = arith.index_cast %get3A_228 : i32 to index
    %get3A_230 = arith.constant 32 : index
    %get3A_231 = tpu.vector_load %arg10[%get3A_229, %get3A_230] {strides = array<i32>} : memref<96x64xf32, #tpu.memory_space<vmem>>, vector<1x16xf32>,
    %get3A_232 = vector.shape_cast %get3A_231 : vector<1x16xf32> to vector<16xf32>
    %add3A_233 = arith.addf %add3A_227, %get3A_232 : vector<16xf32>
    %get3A_234 = arith.constant 8 : i32
    %get3A_235 = arith.index_cast %get3A_234 : i32 to index
    %get3A_236 = arith.constant 32 : index
    %get3A_237 = tpu.vector_load %arg10[%get3A_235, %get3A_236] {strides = array<i32>} : memref<96x64xf32, #tpu.memory_space<vmem>>, vector<1x16xf32>,
    %get3A_238 = vector.shape_cast %get3A_237 : vector<1x16xf32> to vector<16xf32>
    %add3A_239 = arith.addf %add3A_233, %get3A_238 : vector<16xf32>
    %get3A_240 = arith.constant 9 : i32
    %get3A_241 = arith.index_cast %get3A_240 : i32 to index
    %get3A_242 = arith.constant 32 : index
    %get3A_243 = tpu.vector_load %arg10[%get3A_241, %get3A_242] {strides = array<i32>} : memref<96x64xf32, #tpu.memory_space<vmem>>, vector<1x16xf32>,
    %get3A_244 = vector.shape_cast %get3A_243 : vector<1x16xf32> to vector<16xf32>
    %add3A_245 = arith.addf %add3A_239, %get3A_244 : vector<16xf32>
    %get3A_246 = arith.constant 10 : i32
    %get3A_247 = arith.index_cast %get3A_246 : i32 to index
    %get3A_248 = arith.constant 32 : index
    %get3A_249 = tpu.vector_load %arg10[%get3A_247, %get3A_248] {strides = array<i32>} : memref<96x64xf32, #tpu.memory_space<vmem>>, vector<1x16xf32>,
    %get3A_250 = vector.shape_cast %get3A_249 : vector<1x16xf32> to vector<16xf32>
    %add3A_251 = arith.addf %add3A_245, %get3A_250 : vector<16xf32>
    %get3A_252 = arith.constant 11 : i32
    %get3A_253 = arith.index_cast %get3A_252 : i32 to index
    %get3A_254 = arith.constant 32 : index
    %get3A_255 = tpu.vector_load %arg10[%get3A_253, %get3A_254] {strides = array<i32>} : memref<96x64xf32, #tpu.memory_space<vmem>>, vector<1x16xf32>,
    %get3A_256 = vector.shape_cast %get3A_255 : vector<1x16xf32> to vector<16xf32>
    %add3A_257 = arith.addf %add3A_251, %get3A_256 : vector<16xf32>
    %swap3A_258 = arith.constant 0 : i32
    %swap3A_259 = arith.index_cast %swap3A_258 : i32 to index
    %swap3A_260 = arith.constant 32 : index
    %swap3A_261 = tpu.vector_load %arg11[%swap3A_259, %swap3A_260] {strides = array<i32>} : memref<8x64xf32, #tpu.memory_space<vmem>>, vector<1x16xf32>,
    %swap3A_262 = vector.shape_cast %swap3A_261 : vector<1x16xf32> to vector<16xf32>
    %swap3A_263 = vector.shape_cast %add3A_257 : vector<16xf32> to vector<1x16xf32>
    tpu.vector_store %arg11[%swap3A_259, %swap3A_260], %swap3A_263 {strides = array<i32>} : memref<8x64xf32, #tpu.memory_space<vmem>>, vector<1x16xf32>,
    %get3A_264 = arith.constant 0 : i32
    %get3A_265 = arith.index_cast %get3A_264 : i32 to index
    %get3A_266 = arith.constant 48 : index
    %get3A_267 = tpu.vector_load %arg9[%get3A_265, %get3A_266] {strides = array<i32>} : memref<8x64xf32, #tpu.memory_space<vmem>>, vector<1x16xf32>,
    %get3A_268 = vector.shape_cast %get3A_267 : vector<1x16xf32> to vector<16xf32>
    %get3A_269 = arith.constant 0 : i32
    %get3A_270 = arith.index_cast %get3A_269 : i32 to index
    %get3A_271 = arith.constant 48 : index
    %get3A_272 = tpu.vector_load %arg10[%get3A_270, %get3A_271] {strides = array<i32>} : memref<96x64xf32, #tpu.memory_space<vmem>>, vector<1x16xf32>,
    %get3A_273 = vector.shape_cast %get3A_272 : vector<1x16xf32> to vector<16xf32>
    %add3A_274 = arith.addf %get3A_268, %get3A_273 : vector<16xf32>
    %get3A_275 = arith.constant 1 : i32
    %get3A_276 = arith.index_cast %get3A_275 : i32 to index
    %get3A_277 = arith.constant 48 : index
    %get3A_278 = tpu.vector_load %arg10[%get3A_276, %get3A_277] {strides = array<i32>} : memref<96x64xf32, #tpu.memory_space<vmem>>, vector<1x16xf32>,
    %get3A_279 = vector.shape_cast %get3A_278 : vector<1x16xf32> to vector<16xf32>
    %add3A_280 = arith.addf %add3A_274, %get3A_279 : vector<16xf32>
    %get3A_281 = arith.constant 2 : i32
    %get3A_282 = arith.index_cast %get3A_281 : i32 to index
    %get3A_283 = arith.constant 48 : index
    %get3A_284 = tpu.vector_load %arg10[%get3A_282, %get3A_283] {strides = array<i32>} : memref<96x64xf32, #tpu.memory_space<vmem>>, vector<1x16xf32>,
    %get3A_285 = vector.shape_cast %get3A_284 : vector<1x16xf32> to vector<16xf32>
    %add3A_286 = arith.addf %add3A_280, %get3A_285 : vector<16xf32>
    %get3A_287 = arith.constant 3 : i32
    %get3A_288 = arith.index_cast %get3A_287 : i32 to index
    %get3A_289 = arith.constant 48 : index
    %get3A_290 = tpu.vector_load %arg10[%get3A_288, %get3A_289] {strides = array<i32>} : memref<96x64xf32, #tpu.memory_space<vmem>>, vector<1x16xf32>,
    %get3A_291 = vector.shape_cast %get3A_290 : vector<1x16xf32> to vector<16xf32>
    %add3A_292 = arith.addf %add3A_286, %get3A_291 : vector<16xf32>
    %get3A_293 = arith.constant 4 : i32
    %get3A_294 = arith.index_cast %get3A_293 : i32 to index
    %get3A_295 = arith.constant 48 : index
    %get3A_296 = tpu.vector_load %arg10[%get3A_294, %get3A_295] {strides = array<i32>} : memref<96x64xf32, #tpu.memory_space<vmem>>, vector<1x16xf32>,
    %get3A_297 = vector.shape_cast %get3A_296 : vector<1x16xf32> to vector<16xf32>
    %add3A_298 = arith.addf %add3A_292, %get3A_297 : vector<16xf32>
    %get3A_299 = arith.constant 5 : i32
    %get3A_300 = arith.index_cast %get3A_299 : i32 to index
    %get3A_301 = arith.constant 48 : index
    %get3A_302 = tpu.vector_load %arg10[%get3A_300, %get3A_301] {strides = array<i32>} : memref<96x64xf32, #tpu.memory_space<vmem>>, vector<1x16xf32>,
    %get3A_303 = vector.shape_cast %get3A_302 : vector<1x16xf32> to vector<16xf32>
    %add3A_304 = arith.addf %add3A_298, %get3A_303 : vector<16xf32>
    %get3A_305 = arith.constant 6 : i32
    %get3A_306 = arith.index_cast %get3A_305 : i32 to index
    %get3A_307 = arith.constant 48 : index
    %get3A_308 = tpu.vector_load %arg10[%get3A_306, %get3A_307] {strides = array<i32>} : memref<96x64xf32, #tpu.memory_space<vmem>>, vector<1x16xf32>,
    %get3A_309 = vector.shape_cast %get3A_308 : vector<1x16xf32> to vector<16xf32>
    %add3A_310 = arith.addf %add3A_304, %get3A_309 : vector<16xf32>
    %get3A_311 = arith.constant 7 : i32
    %get3A_312 = arith.index_cast %get3A_311 : i32 to index
    %get3A_313 = arith.constant 48 : index
    %get3A_314 = tpu.vector_load %arg10[%get3A_312, %get3A_313] {strides = array<i32>} : memref<96x64xf32, #tpu.memory_space<vmem>>, vector<1x16xf32>,
    %get3A_315 = vector.shape_cast %get3A_314 : vector<1x16xf32> to vector<16xf32>
    %add3A_316 = arith.addf %add3A_310, %get3A_315 : vector<16xf32>
    %get3A_317 = arith.constant 8 : i32
    %get3A_318 = arith.index_cast %get3A_317 : i32 to index
    %get3A_319 = arith.constant 48 : index
    %get3A_320 = tpu.vector_load %arg10[%get3A_318, %get3A_319] {strides = array<i32>} : memref<96x64xf32, #tpu.memory_space<vmem>>, vector<1x16xf32>,
    %get3A_321 = vector.shape_cast %get3A_320 : vector<1x16xf32> to vector<16xf32>
    %add3A_322 = arith.addf %add3A_316, %get3A_321 : vector<16xf32>
    %get3A_323 = arith.constant 9 : i32
    %get3A_324 = arith.index_cast %get3A_323 : i32 to index
    %get3A_325 = arith.constant 48 : index
    %get3A_326 = tpu.vector_load %arg10[%get3A_324, %get3A_325] {strides = array<i32>} : memref<96x64xf32, #tpu.memory_space<vmem>>, vector<1x16xf32>,
    %get3A_327 = vector.shape_cast %get3A_326 : vector<1x16xf32> to vector<16xf32>
    %add3A_328 = arith.addf %add3A_322, %get3A_327 : vector<16xf32>
    %get3A_329 = arith.constant 10 : i32
    %get3A_330 = arith.index_cast %get3A_329 : i32 to index
    %get3A_331 = arith.constant 48 : index
    %get3A_332 = tpu.vector_load %arg10[%get3A_330, %get3A_331] {strides = array<i32>} : memref<96x64xf32, #tpu.memory_space<vmem>>, vector<1x16xf32>,
    %get3A_333 = vector.shape_cast %get3A_332 : vector<1x16xf32> to vector<16xf32>
    %add3A_334 = arith.addf %add3A_328, %get3A_333 : vector<16xf32>
    %get3A_335 = arith.constant 11 : i32
    %get3A_336 = arith.index_cast %get3A_335 : i32 to index
    %get3A_337 = arith.constant 48 : index
    %get3A_338 = tpu.vector_load %arg10[%get3A_336, %get3A_337] {strides = array<i32>} : memref<96x64xf32, #tpu.memory_space<vmem>>, vector<1x16xf32>,
    %get3A_339 = vector.shape_cast %get3A_338 : vector<1x16xf32> to vector<16xf32>
    %add3A_340 = arith.addf %add3A_334, %get3A_339 : vector<16xf32>
    %swap3A_341 = arith.constant 0 : i32
    %swap3A_342 = arith.index_cast %swap3A_341 : i32 to index
    %swap3A_343 = arith.constant 48 : index
    %swap3A_344 = tpu.vector_load %arg11[%swap3A_342, %swap3A_343] {strides = array<i32>} : memref<8x64xf32, #tpu.memory_space<vmem>>, vector<1x16xf32>,
    %swap3A_345 = vector.shape_cast %swap3A_344 : vector<1x16xf32> to vector<16xf32>
    %swap3A_346 = vector.shape_cast %add3A_340 : vector<16xf32> to vector<1x16xf32>
    tpu.vector_store %arg11[%swap3A_342, %swap3A_343], %swap3A_346 {strides = array<i32>} : memref<8x64xf32, #tpu.memory_space<vmem>>, vector<1x16xf32>,
    %get3A_347 = arith.constant 1 : i32
    %get3A_348 = arith.index_cast %get3A_347 : i32 to index
    %get3A_349 = arith.constant 0 : index
    %get3A_350 = tpu.vector_load %arg9[%get3A_348, %get3A_349] {strides = array<i32>} : memref<8x64xf32, #tpu.memory_space<vmem>>, vector<1x16xf32>,
    %get3A_351 = vector.shape_cast %get3A_350 : vector<1x16xf32> to vector<16xf32>
    %get3A_352 = arith.constant 12 : i32
    %get3A_353 = arith.index_cast %get3A_352 : i32 to index
    %get3A_354 = arith.constant 0 : index
    %get3A_355 = tpu.vector_load %arg10[%get3A_353, %get3A_354] {strides = array<i32>} : memref<96x64xf32, #tpu.memory_space<vmem>>, vector<1x16xf32>,
    %get3A_356 = vector.shape_cast %get3A_355 : vector<1x16xf32> to vector<16xf32>
    %add3A_357 = arith.addf %get3A_351, %get3A_356 : vector<16xf32>
    %get3A_358 = arith.constant 13 : i32
    %get3A_359 = arith.index_cast %get3A_358 : i32 to index
    %get3A_360 = arith.constant 0 : index
    %get3A_361 = tpu.vector_load %arg10[%get3A_359, %get3A_360] {strides = array<i32>} : memref<96x64xf32, #tpu.memory_space<vmem>>, vector<1x16xf32>,
    %get3A_362 = vector.shape_cast %get3A_361 : vector<1x16xf32> to vector<16xf32>
    %add3A_363 = arith.addf %add3A_357, %get3A_362 : vector<16xf32>
    %get3A_364 = arith.constant 14 : i32
    %get3A_365 = arith.index_cast %get3A_364 : i32 to index
    %get3A_366 = arith.constant 0 : index
    %get3A_367 = tpu.vector_load %arg10[%get3A_365, %get3A_366] {strides = array<i32>} : memref<96x64xf32, #tpu.memory_space<vmem>>, vector<1x16xf32>,
    %get3A_368 = vector.shape_cast %get3A_367 : vector<1x16xf32> to vector<16xf32>
    %add3A_369 = arith.addf %add3A_363, %get3A_368 : vector<16xf32>
    %get3A_370 = arith.constant 15 : i32
    %get3A_371 = arith.index_cast %get3A_370 : i32 to index
    %get3A_372 = arith.constant 0 : index
    %get3A_373 = tpu.vector_load %arg10[%get3A_371, %get3A_372] {strides = array<i32>} : memref<96x64xf32, #tpu.memory_space<vmem>>, vector<1x16xf32>,
    %get3A_374 = vector.shape_cast %get3A_373 : vector<1x16xf32> to vector<16xf32>
    %add3A_375 = arith.addf %add3A_369, %get3A_374 : vector<16xf32>
    %get3A_376 = arith.constant 16 : i32
    %get3A_377 = arith.index_cast %get3A_376 : i32 to index
    %get3A_378 = arith.constant 0 : index
    %get3A_379 = tpu.vector_load %arg10[%get3A_377, %get3A_378] {strides = array<i32>} : memref<96x64xf32, #tpu.memory_space<vmem>>, vector<1x16xf32>,
    %get3A_380 = vector.shape_cast %get3A_379 : vector<1x16xf32> to vector<16xf32>
    %add3A_381 = arith.addf %add3A_375, %get3A_380 : vector<16xf32>
    %get3A_382 = arith.constant 17 : i32
    %get3A_383 = arith.index_cast %get3A_382 : i32 to index
    %get3A_384 = arith.constant 0 : index
    %get3A_385 = tpu.vector_load %arg10[%get3A_383, %get3A_384] {strides = array<i32>} : memref<96x64xf32, #tpu.memory_space<vmem>>, vector<1x16xf32>,
    %get3A_386 = vector.shape_cast %get3A_385 : vector<1x16xf32> to vector<16xf32>
    %add3A_387 = arith.addf %add3A_381, %get3A_386 : vector<16xf32>
    %get3A_388 = arith.constant 18 : i32
    %get3A_389 = arith.index_cast %get3A_388 : i32 to index
    %get3A_390 = arith.constant 0 : index
    %get3A_391 = tpu.vector_load %arg10[%get3A_389, %get3A_390] {strides = array<i32>} : memref<96x64xf32, #tpu.memory_space<vmem>>, vector<1x16xf32>,
    %get3A_392 = vector.shape_cast %get3A_391 : vector<1x16xf32> to vector<16xf32>
    %add3A_393 = arith.addf %add3A_387, %get3A_392 : vector<16xf32>
    %get3A_394 = arith.constant 19 : i32
    %get3A_395 = arith.index_cast %get3A_394 : i32 to index
    %get3A_396 = arith.constant 0 : index
    %get3A_397 = tpu.vector_load %arg10[%get3A_395, %get3A_396] {strides = array<i32>} : memref<96x64xf32, #tpu.memory_space<vmem>>, vector<1x16xf32>,
    %get3A_398 = vector.shape_cast %get3A_397 : vector<1x16xf32> to vector<16xf32>
    %add3A_399 = arith.addf %add3A_393, %get3A_398 : vector<16xf32>
    %get3A_400 = arith.constant 20 : i32
    %get3A_401 = arith.index_cast %get3A_400 : i32 to index
    %get3A_402 = arith.constant 0 : index
    %get3A_403 = tpu.vector_load %arg10[%get3A_401, %get3A_402] {strides = array<i32>} : memref<96x64xf32, #tpu.memory_space<vmem>>, vector<1x16xf32>,
    %get3A_404 = vector.shape_cast %get3A_403 : vector<1x16xf32> to vector<16xf32>
    %add3A_405 = arith.addf %add3A_399, %get3A_404 : vector<16xf32>
    %get3A_406 = arith.constant 21 : i32
    %get3A_407 = arith.index_cast %get3A_406 : i32 to index
    %get3A_408 = arith.constant 0 : index
    %get3A_409 = tpu.vector_load %arg10[%get3A_407, %get3A_408] {strides = array<i32>} : memref<96x64xf32, #tpu.memory_space<vmem>>, vector<1x16xf32>,
    %get3A_410 = vector.shape_cast %get3A_409 : vector<1x16xf32> to vector<16xf32>
    %add3A_411 = arith.addf %add3A_405, %get3A_410 : vector<16xf32>
    %get3A_412 = arith.constant 22 : i32
    %get3A_413 = arith.index_cast %get3A_412 : i32 to index
    %get3A_414 = arith.constant 0 : index
    %get3A_415 = tpu.vector_load %arg10[%get3A_413, %get3A_414] {strides = array<i32>} : memref<96x64xf32, #tpu.memory_space<vmem>>, vector<1x16xf32>,
    %get3A_416 = vector.shape_cast %get3A_415 : vector<1x16xf32> to vector<16xf32>
    %add3A_417 = arith.addf %add3A_411, %get3A_416 : vector<16xf32>
    %get3A_418 = arith.constant 23 : i32
    %get3A_419 = arith.index_cast %get3A_418 : i32 to index
    %get3A_420 = arith.constant 0 : index
    %get3A_421 = tpu.vector_load %arg10[%get3A_419, %get3A_420] {strides = array<i32>} : memref<96x64xf32, #tpu.memory_space<vmem>>, vector<1x16xf32>,
    %get3A_422 = vector.shape_cast %get3A_421 : vector<1x16xf32> to vector<16xf32>
    %add3A_423 = arith.addf %add3A_417, %get3A_422 : vector<16xf32>
    %swap3A_424 = arith.constant 1 : i32
    %swap3A_425 = arith.index_cast %swap3A_424 : i32 to index
    %swap3A_426 = arith.constant 0 : index
    %swap3A_427 = tpu.vector_load %arg11[%swap3A_425, %swap3A_426] {strides = array<i32>} : memref<8x64xf32, #tpu.memory_space<vmem>>, vector<1x16xf32>,
    %swap3A_428 = vector.shape_cast %swap3A_427 : vector<1x16xf32> to vector<16xf32>
    %swap3A_429 = vector.shape_cast %add3A_423 : vector<16xf32> to vector<1x16xf32>
    tpu.vector_store %arg11[%swap3A_425, %swap3A_426], %swap3A_429 {strides = array<i32>} : memref<8x64xf32, #tpu.memory_space<vmem>>, vector<1x16xf32>,
    %get3A_430 = arith.constant 1 : i32
    %get3A_431 = arith.index_cast %get3A_430 : i32 to index
    %get3A_432 = arith.constant 16 : index
    %get3A_433 = tpu.vector_load %arg9[%get3A_431, %get3A_432] {strides = array<i32>} : memref<8x64xf32, #tpu.memory_space<vmem>>, vector<1x16xf32>,
    %get3A_434 = vector.shape_cast %get3A_433 : vector<1x16xf32> to vector<16xf32>
    %get3A_435 = arith.constant 12 : i32
    %get3A_436 = arith.index_cast %get3A_435 : i32 to index
    %get3A_437 = arith.constant 16 : index
    %get3A_438 = tpu.vector_load %arg10[%get3A_436, %get3A_437] {strides = array<i32>} : memref<96x64xf32, #tpu.memory_space<vmem>>, vector<1x16xf32>,
    %get3A_439 = vector.shape_cast %get3A_438 : vector<1x16xf32> to vector<16xf32>
    %add3A_440 = arith.addf %get3A_434, %get3A_439 : vector<16xf32>
    %get3A_441 = arith.constant 13 : i32
    %get3A_442 = arith.index_cast %get3A_441 : i32 to index
    %get3A_443 = arith.constant 16 : index
    %get3A_444 = tpu.vector_load %arg10[%get3A_442, %get3A_443] {strides = array<i32>} : memref<96x64xf32, #tpu.memory_space<vmem>>, vector<1x16xf32>,
    %get3A_445 = vector.shape_cast %get3A_444 : vector<1x16xf32> to vector<16xf32>
    %add3A_446 = arith.addf %add3A_440, %get3A_445 : vector<16xf32>
    %get3A_447 = arith.constant 14 : i32
    %get3A_448 = arith.index_cast %get3A_447 : i32 to index
    %get3A_449 = arith.constant 16 : index
    %get3A_450 = tpu.vector_load %arg10[%get3A_448, %get3A_449] {strides = array<i32>} : memref<96x64xf32, #tpu.memory_space<vmem>>, vector<1x16xf32>,
    %get3A_451 = vector.shape_cast %get3A_450 : vector<1x16xf32> to vector<16xf32>
    %add3A_452 = arith.addf %add3A_446, %get3A_451 : vector<16xf32>
    %get3A_453 = arith.constant 15 : i32
    %get3A_454 = arith.index_cast %get3A_453 : i32 to index
    %get3A_455 = arith.constant 16 : index
    %get3A_456 = tpu.vector_load %arg10[%get3A_454, %get3A_455] {strides = array<i32>} : memref<96x64xf32, #tpu.memory_space<vmem>>, vector<1x16xf32>,
    %get3A_457 = vector.shape_cast %get3A_456 : vector<1x16xf32> to vector<16xf32>
    %add3A_458 = arith.addf %add3A_452, %get3A_457 : vector<16xf32>
    %get3A_459 = arith.constant 16 : i32
    %get3A_460 = arith.index_cast %get3A_459 : i32 to index
    %get3A_461 = arith.constant 16 : index
    %get3A_462 = tpu.vector_load %arg10[%get3A_460, %get3A_461] {strides = array<i32>} : memref<96x64xf32, #tpu.memory_space<vmem>>, vector<1x16xf32>,
    %get3A_463 = vector.shape_cast %get3A_462 : vector<1x16xf32> to vector<16xf32>
    %add3A_464 = arith.addf %add3A_458, %get3A_463 : vector<16xf32>
    %get3A_465 = arith.constant 17 : i32
    %get3A_466 = arith.index_cast %get3A_465 : i32 to index
    %get3A_467 = arith.constant 16 : index
    %get3A_468 = tpu.vector_load %arg10[%get3A_466, %get3A_467] {strides = array<i32>} : memref<96x64xf32, #tpu.memory_space<vmem>>, vector<1x16xf32>,
    %get3A_469 = vector.shape_cast %get3A_468 : vector<1x16xf32> to vector<16xf32>
    %add3A_470 = arith.addf %add3A_464, %get3A_469 : vector<16xf32>
    %get3A_471 = arith.constant 18 : i32
    %get3A_472 = arith.index_cast %get3A_471 : i32 to index
    %get3A_473 = arith.constant 16 : index
    %get3A_474 = tpu.vector_load %arg10[%get3A_472, %get3A_473] {strides = array<i32>} : memref<96x64xf32, #tpu.memory_space<vmem>>, vector<1x16xf32>,
    %get3A_475 = vector.shape_cast %get3A_474 : vector<1x16xf32> to vector<16xf32>
    %add3A_476 = arith.addf %add3A_470, %get3A_475 : vector<16xf32>
    %get3A_477 = arith.constant 19 : i32
    %get3A_478 = arith.index_cast %get3A_477 : i32 to index
    %get3A_479 = arith.constant 16 : index
    %get3A_480 = tpu.vector_load %arg10[%get3A_478, %get3A_479] {strides = array<i32>} : memref<96x64xf32, #tpu.memory_space<vmem>>, vector<1x16xf32>,
    %get3A_481 = vector.shape_cast %get3A_480 : vector<1x16xf32> to vector<16xf32>
    %add3A_482 = arith.addf %add3A_476, %get3A_481 : vector<16xf32>
    %get3A_483 = arith.constant 20 : i32
    %get3A_484 = arith.index_cast %get3A_483 : i32 to index
    %get3A_485 = arith.constant 16 : index
    %get3A_486 = tpu.vector_load %arg10[%get3A_484, %get3A_485] {strides = array<i32>} : memref<96x64xf32, #tpu.memory_space<vmem>>, vector<1x16xf32>,
    %get3A_487 = vector.shape_cast %get3A_486 : vector<1x16xf32> to vector<16xf32>
    %add3A_488 = arith.addf %add3A_482, %get3A_487 : vector<16xf32>
    %get3A_489 = arith.constant 21 : i32
    %get3A_490 = arith.index_cast %get3A_489 : i32 to index
    %get3A_491 = arith.constant 16 : index
    %get3A_492 = tpu.vector_load %arg10[%get3A_490, %get3A_491] {strides = array<i32>} : memref<96x64xf32, #tpu.memory_space<vmem>>, vector<1x16xf32>,
    %get3A_493 = vector.shape_cast %get3A_492 : vector<1x16xf32> to vector<16xf32>
    %add3A_494 = arith.addf %add3A_488, %get3A_493 : vector<16xf32>
    %get3A_495 = arith.constant 22 : i32
    %get3A_496 = arith.index_cast %get3A_495 : i32 to index
    %get3A_497 = arith.constant 16 : index
    %get3A_498 = tpu.vector_load %arg10[%get3A_496, %get3A_497] {strides = array<i32>} : memref<96x64xf32, #tpu.memory_space<vmem>>, vector<1x16xf32>,
    %get3A_499 = vector.shape_cast %get3A_498 : vector<1x16xf32> to vector<16xf32>
    %add3A_500 = arith.addf %add3A_494, %get3A_499 : vector<16xf32>
    %get3A_501 = arith.constant 23 : i32
    %get3A_502 = arith.index_cast %get3A_501 : i32 to index
    %get3A_503 = arith.constant 16 : index
    %get3A_504 = tpu.vector_load %arg10[%get3A_502, %get3A_503] {strides = array<i32>} : memref<96x64xf32, #tpu.memory_space<vmem>>, vector<1x16xf32>,
    %get3A_505 = vector.shape_cast %get3A_504 : vector<1x16xf32> to vector<16xf32>
    %add3A_506 = arith.addf %add3A_500, %get3A_505 : vector<16xf32>
    %swap3A_507 = arith.constant 1 : i32
    %swap3A_508 = arith.index_cast %swap3A_507 : i32 to index
    %swap3A_509 = arith.constant 16 : index
    %swap3A_510 = tpu.vector_load %arg11[%swap3A_508, %swap3A_509] {strides = array<i32>} : memref<8x64xf32, #tpu.memory_space<vmem>>, vector<1x16xf32>,
    %swap3A_511 = vector.shape_cast %swap3A_510 : vector<1x16xf32> to vector<16xf32>
    %swap3A_512 = vector.shape_cast %add3A_506 : vector<16xf32> to vector<1x16xf32>
    tpu.vector_store %arg11[%swap3A_508, %swap3A_509], %swap3A_512 {strides = array<i32>} : memref<8x64xf32, #tpu.memory_space<vmem>>, vector<1x16xf32>,
    %get3A_513 = arith.constant 1 : i32
    %get3A_514 = arith.index_cast %get3A_513 : i32 to index
    %get3A_515 = arith.constant 32 : index
    %get3A_516 = tpu.vector_load %arg9[%get3A_514, %get3A_515] {strides = array<i32>} : memref<8x64xf32, #tpu.memory_space<vmem>>, vector<1x16xf32>,
    %get3A_517 = vector.shape_cast %get3A_516 : vector<1x16xf32> to vector<16xf32>
    %get3A_518 = arith.constant 12 : i32
    %get3A_519 = arith.index_cast %get3A_518 : i32 to index
    %get3A_520 = arith.constant 32 : index
    %get3A_521 = tpu.vector_load %arg10[%get3A_519, %get3A_520] {strides = array<i32>} : memref<96x64xf32, #tpu.memory_space<vmem>>, vector<1x16xf32>,
    %get3A_522 = vector.shape_cast %get3A_521 : vector<1x16xf32> to vector<16xf32>
    %add3A_523 = arith.addf %get3A_517, %get3A_522 : vector<16xf32>
    %get3A_524 = arith.constant 13 : i32
    %get3A_525 = arith.index_cast %get3A_524 : i32 to index
    %get3A_526 = arith.constant 32 : index
    %get3A_527 = tpu.vector_load %arg10[%get3A_525, %get3A_526] {strides = array<i32>} : memref<96x64xf32, #tpu.memory_space<vmem>>, vector<1x16xf32>,
    %get3A_528 = vector.shape_cast %get3A_527 : vector<1x16xf32> to vector<16xf32>
    %add3A_529 = arith.addf %add3A_523, %get3A_528 : vector<16xf32>
    %get3A_530 = arith.constant 14 : i32
    %get3A_531 = arith.index_cast %get3A_530 : i32 to index
    %get3A_532 = arith.constant 32 : index
    %get3A_533 = tpu.vector_load %arg10[%get3A_531, %get3A_532] {strides = array<i32>} : memref<96x64xf32, #tpu.memory_space<vmem>>, vector<1x16xf32>,
    %get3A_534 = vector.shape_cast %get3A_533 : vector<1x16xf32> to vector<16xf32>
    %add3A_535 = arith.addf %add3A_529, %get3A_534 : vector<16xf32>
    %get3A_536 = arith.constant 15 : i32
    %get3A_537 = arith.index_cast %get3A_536 : i32 to index
    %get3A_538 = arith.constant 32 : index
    %get3A_539 = tpu.vector_load %arg10[%get3A_537, %get3A_538] {strides = array<i32>} : memref<96x64xf32, #tpu.memory_space<vmem>>, vector<1x16xf32>,
    %get3A_540 = vector.shape_cast %get3A_539 : vector<1x16xf32> to vector<16xf32>
    %add3A_541 = arith.addf %add3A_535, %get3A_540 : vector<16xf32>
    %get3A_542 = arith.constant 16 : i32
    %get3A_543 = arith.index_cast %get3A_542 : i32 to index
    %get3A_544 = arith.constant 32 : index
    %get3A_545 = tpu.vector_load %arg10[%get3A_543, %get3A_544] {strides = array<i32>} : memref<96x64xf32, #tpu.memory_space<vmem>>, vector<1x16xf32>,
    %get3A_546 = vector.shape_cast %get3A_545 : vector<1x16xf32> to vector<16xf32>
    %add3A_547 = arith.addf %add3A_541, %get3A_546 : vector<16xf32>
    %get3A_548 = arith.constant 17 : i32
    %get3A_549 = arith.index_cast %get3A_548 : i32 to index
    %get3A_550 = arith.constant 32 : index
    %get3A_551 = tpu.vector_load %arg10[%get3A_549, %get3A_550] {strides = array<i32>} : memref<96x64xf32, #tpu.memory_space<vmem>>, vector<1x16xf32>,
    %get3A_552 = vector.shape_cast %get3A_551 : vector<1x16xf32> to vector<16xf32>
    %add3A_553 = arith.addf %add3A_547, %get3A_552 : vector<16xf32>
    %get3A_554 = arith.constant 18 : i32
    %get3A_555 = arith.index_cast %get3A_554 : i32 to index
    %get3A_556 = arith.constant 32 : index
    %get3A_557 = tpu.vector_load %arg10[%get3A_555, %get3A_556] {strides = array<i32>} : memref<96x64xf32, #tpu.memory_space<vmem>>, vector<1x16xf32>,
    %get3A_558 = vector.shape_cast %get3A_557 : vector<1x16xf32> to vector<16xf32>
    %add3A_559 = arith.addf %add3A_553, %get3A_558 : vector<16xf32>
    %get3A_560 = arith.constant 19 : i32
    %get3A_561 = arith.index_cast %get3A_560 : i32 to index
    %get3A_562 = arith.constant 32 : index
    %get3A_563 = tpu.vector_load %arg10[%get3A_561, %get3A_562] {strides = array<i32>} : memref<96x64xf32, #tpu.memory_space<vmem>>, vector<1x16xf32>,
    %get3A_564 = vector.shape_cast %get3A_563 : vector<1x16xf32> to vector<16xf32>
    %add3A_565 = arith.addf %add3A_559, %get3A_564 : vector<16xf32>
    %get3A_566 = arith.constant 20 : i32
    %get3A_567 = arith.index_cast %get3A_566 : i32 to index
    %get3A_568 = arith.constant 32 : index
    %get3A_569 = tpu.vector_load %arg10[%get3A_567, %get3A_568] {strides = array<i32>} : memref<96x64xf32, #tpu.memory_space<vmem>>, vector<1x16xf32>,
    %get3A_570 = vector.shape_cast %get3A_569 : vector<1x16xf32> to vector<16xf32>
    %add3A_571 = arith.addf %add3A_565, %get3A_570 : vector<16xf32>
    %get3A_572 = arith.constant 21 : i32
    %get3A_573 = arith.index_cast %get3A_572 : i32 to index
    %get3A_574 = arith.constant 32 : index
    %get3A_575 = tpu.vector_load %arg10[%get3A_573, %get3A_574] {strides = array<i32>} : memref<96x64xf32, #tpu.memory_space<vmem>>, vector<1x16xf32>,
    %get3A_576 = vector.shape_cast %get3A_575 : vector<1x16xf32> to vector<16xf32>
    %add3A_577 = arith.addf %add3A_571, %get3A_576 : vector<16xf32>
    %get3A_578 = arith.constant 22 : i32
    %get3A_579 = arith.index_cast %get3A_578 : i32 to index
    %get3A_580 = arith.constant 32 : index
    %get3A_581 = tpu.vector_load %arg10[%get3A_579, %get3A_580] {strides = array<i32>} : memref<96x64xf32, #tpu.memory_space<vmem>>, vector<1x16xf32>,
    %get3A_582 = vector.shape_cast %get3A_581 : vector<1x16xf32> to vector<16xf32>
    %add3A_583 = arith.addf %add3A_577, %get3A_582 : vector<16xf32>
    %get3A_584 = arith.constant 23 : i32
    %get3A_585 = arith.index_cast %get3A_584 : i32 to index
    %get3A_586 = arith.constant 32 : index
    %get3A_587 = tpu.vector_load %arg10[%get3A_585, %get3A_586] {strides = array<i32>} : memref<96x64xf32, #tpu.memory_space<vmem>>, vector<1x16xf32>,
    %get3A_588 = vector.shape_cast %get3A_587 : vector<1x16xf32> to vector<16xf32>
    %add3A_589 = arith.addf %add3A_583, %get3A_588 : vector<16xf32>
    %swap3A_590 = arith.constant 1 : i32
    %swap3A_591 = arith.index_cast %swap3A_590 : i32 to index
    %swap3A_592 = arith.constant 32 : index
    %swap3A_593 = tpu.vector_load %arg11[%swap3A_591, %swap3A_592] {strides = array<i32>} : memref<8x64xf32, #tpu.memory_space<vmem>>, vector<1x16xf32>,
    %swap3A_594 = vector.shape_cast %swap3A_593 : vector<1x16xf32> to vector<16xf32>
    %swap3A_595 = vector.shape_cast %add3A_589 : vector<16xf32> to vector<1x16xf32>
    tpu.vector_store %arg11[%swap3A_591, %swap3A_592], %swap3A_595 {strides = array<i32>} : memref<8x64xf32, #tpu.memory_space<vmem>>, vector<1x16xf32>,
    %get3A_596 = arith.constant 1 : i32
    %get3A_597 = arith.index_cast %get3A_596 : i32 to index
    %get3A_598 = arith.constant 48 : index
    %get3A_599 = tpu.vector_load %arg9[%get3A_597, %get3A_598] {strides = array<i32>} : memref<8x64xf32, #tpu.memory_space<vmem>>, vector<1x16xf32>,
    %get3A_600 = vector.shape_cast %get3A_599 : vector<1x16xf32> to vector<16xf32>
    %get3A_601 = arith.constant 12 : i32
    %get3A_602 = arith.index_cast %get3A_601 : i32 to index
    %get3A_603 = arith.constant 48 : index
    %get3A_604 = tpu.vector_load %arg10[%get3A_602, %get3A_603] {strides = array<i32>} : memref<96x64xf32, #tpu.memory_space<vmem>>, vector<1x16xf32>,
    %get3A_605 = vector.shape_cast %get3A_604 : vector<1x16xf32> to vector<16xf32>
    %add3A_606 = arith.addf %get3A_600, %get3A_605 : vector<16xf32>
    %get3A_607 = arith.constant 13 : i32
    %get3A_608 = arith.index_cast %get3A_607 : i32 to index
    %get3A_609 = arith.constant 48 : index
    %get3A_610 = tpu.vector_load %arg10[%get3A_608, %get3A_609] {strides = array<i32>} : memref<96x64xf32, #tpu.memory_space<vmem>>, vector<1x16xf32>,
    %get3A_611 = vector.shape_cast %get3A_610 : vector<1x16xf32> to vector<16xf32>
    %add3A_612 = arith.addf %add3A_606, %get3A_611 : vector<16xf32>
    %get3A_613 = arith.constant 14 : i32
    %get3A_614 = arith.index_cast %get3A_613 : i32 to index
    %get3A_615 = arith.constant 48 : index
    %get3A_616 = tpu.vector_load %arg10[%get3A_614, %get3A_615] {strides = array<i32>} : memref<96x64xf32, #tpu.memory_space<vmem>>, vector<1x16xf32>,
    %get3A_617 = vector.shape_cast %get3A_616 : vector<1x16xf32> to vector<16xf32>
    %add3A_618 = arith.addf %add3A_612, %get3A_617 : vector<16xf32>
    %get3A_619 = arith.constant 15 : i32
    %get3A_620 = arith.index_cast %get3A_619 : i32 to index
    %get3A_621 = arith.constant 48 : index
    %get3A_622 = tpu.vector_load %arg10[%get3A_620, %get3A_621] {strides = array<i32>} : memref<96x64xf32, #tpu.memory_space<vmem>>, vector<1x16xf32>,
    %get3A_623 = vector.shape_cast %get3A_622 : vector<1x16xf32> to vector<16xf32>
    %add3A_624 = arith.addf %add3A_618, %get3A_623 : vector<16xf32>
    %get3A_625 = arith.constant 16 : i32
    %get3A_626 = arith.index_cast %get3A_625 : i32 to index
    %get3A_627 = arith.constant 48 : index
    %get3A_628 = tpu.vector_load %arg10[%get3A_626, %get3A_627] {strides = array<i32>} : memref<96x64xf32, #tpu.memory_space<vmem>>, vector<1x16xf32>,
    %get3A_629 = vector.shape_cast %get3A_628 : vector<1x16xf32> to vector<16xf32>
    %add3A_630 = arith.addf %add3A_624, %get3A_629 : vector<16xf32>
    %get3A_631 = arith.constant 17 : i32
    %get3A_632 = arith.index_cast %get3A_631 : i32 to index
    %get3A_633 = arith.constant 48 : index
    %get3A_634 = tpu.vector_load %arg10[%get3A_632, %get3A_633] {strides = array<i32>} : memref<96x64xf32, #tpu.memory_space<vmem>>, vector<1x16xf32>,
    %get3A_635 = vector.shape_cast %get3A_634 : vector<1x16xf32> to vector<16xf32>
    %add3A_636 = arith.addf %add3A_630, %get3A_635 : vector<16xf32>
    %get3A_637 = arith.constant 18 : i32
    %get3A_638 = arith.index_cast %get3A_637 : i32 to index
    %get3A_639 = arith.constant 48 : index
    %get3A_640 = tpu.vector_load %arg10[%get3A_638, %get3A_639] {strides = array<i32>} : memref<96x64xf32, #tpu.memory_space<vmem>>, vector<1x16xf32>,
    %get3A_641 = vector.shape_cast %get3A_640 : vector<1x16xf32> to vector<16xf32>
    %add3A_642 = arith.addf %add3A_636, %get3A_641 : vector<16xf32>
    %get3A_643 = arith.constant 19 : i32
    %get3A_644 = arith.index_cast %get3A_643 : i32 to index
    %get3A_645 = arith.constant 48 : index
    %get3A_646 = tpu.vector_load %arg10[%get3A_644, %get3A_645] {strides = array<i32>} : memref<96x64xf32, #tpu.memory_space<vmem>>, vector<1x16xf32>,
    %get3A_647 = vector.shape_cast %get3A_646 : vector<1x16xf32> to vector<16xf32>
    %add3A_648 = arith.addf %add3A_642, %get3A_647 : vector<16xf32>
    %get3A_649 = arith.constant 20 : i32
    %get3A_650 = arith.index_cast %get3A_649 : i32 to index
    %get3A_651 = arith.constant 48 : index
    %get3A_652 = tpu.vector_load %arg10[%get3A_650, %get3A_651] {strides = array<i32>} : memref<96x64xf32, #tpu.memory_space<vmem>>, vector<1x16xf32>,
    %get3A_653 = vector.shape_cast %get3A_652 : vector<1x16xf32> to vector<16xf32>
    %add3A_654 = arith.addf %add3A_648, %get3A_653 : vector<16xf32>
    %get3A_655 = arith.constant 21 : i32
    %get3A_656 = arith.index_cast %get3A_655 : i32 to index
    %get3A_657 = arith.constant 48 : index
    %get3A_658 = tpu.vector_load %arg10[%get3A_656, %get3A_657] {strides = array<i32>} : memref<96x64xf32, #tpu.memory_space<vmem>>, vector<1x16xf32>,
    %get3A_659 = vector.shape_cast %get3A_658 : vector<1x16xf32> to vector<16xf32>
    %add3A_660 = arith.addf %add3A_654, %get3A_659 : vector<16xf32>
    %get3A_661 = arith.constant 22 : i32
    %get3A_662 = arith.index_cast %get3A_661 : i32 to index
    %get3A_663 = arith.constant 48 : index
    %get3A_664 = tpu.vector_load %arg10[%get3A_662, %get3A_663] {strides = array<i32>} : memref<96x64xf32, #tpu.memory_space<vmem>>, vector<1x16xf32>,
    %get3A_665 = vector.shape_cast %get3A_664 : vector<1x16xf32> to vector<16xf32>
    %add3A_666 = arith.addf %add3A_660, %get3A_665 : vector<16xf32>
    %get3A_667 = arith.constant 23 : i32
    %get3A_668 = arith.index_cast %get3A_667 : i32 to index
    %get3A_669 = arith.constant 48 : index
    %get3A_670 = tpu.vector_load %arg10[%get3A_668, %get3A_669] {strides = array<i32>} : memref<96x64xf32, #tpu.memory_space<vmem>>, vector<1x16xf32>,
    %get3A_671 = vector.shape_cast %get3A_670 : vector<1x16xf32> to vector<16xf32>
    %add3A_672 = arith.addf %add3A_666, %get3A_671 : vector<16xf32>
    %swap3A_673 = arith.constant 1 : i32
    %swap3A_674 = arith.index_cast %swap3A_673 : i32 to index
    %swap3A_675 = arith.constant 48 : index
    %swap3A_676 = tpu.vector_load %arg11[%swap3A_674, %swap3A_675] {strides = array<i32>} : memref<8x64xf32, #tpu.memory_space<vmem>>, vector<1x16xf32>,
    %swap3A_677 = vector.shape_cast %swap3A_676 : vector<1x16xf32> to vector<16xf32>
    %swap3A_678 = vector.shape_cast %add3A_672 : vector<16xf32> to vector<1x16xf32>
    tpu.vector_store %arg11[%swap3A_674, %swap3A_675], %swap3A_678 {strides = array<i32>} : memref<8x64xf32, #tpu.memory_space<vmem>>, vector<1x16xf32>,
    %get3A_679 = arith.constant 2 : i32
    %get3A_680 = arith.index_cast %get3A_679 : i32 to index
    %get3A_681 = arith.constant 0 : index
    %get3A_682 = tpu.vector_load %arg9[%get3A_680, %get3A_681] {strides = array<i32>} : memref<8x64xf32, #tpu.memory_space<vmem>>, vector<1x16xf32>,
    %get3A_683 = vector.shape_cast %get3A_682 : vector<1x16xf32> to vector<16xf32>
    %get3A_684 = arith.constant 24 : i32
    %get3A_685 = arith.index_cast %get3A_684 : i32 to index
    %get3A_686 = arith.constant 0 : index
    %get3A_687 = tpu.vector_load %arg10[%get3A_685, %get3A_686] {strides = array<i32>} : memref<96x64xf32, #tpu.memory_space<vmem>>, vector<1x16xf32>,
    %get3A_688 = vector.shape_cast %get3A_687 : vector<1x16xf32> to vector<16xf32>
    %add3A_689 = arith.addf %get3A_683, %get3A_688 : vector<16xf32>
    %get3A_690 = arith.constant 25 : i32
    %get3A_691 = arith.index_cast %get3A_690 : i32 to index
    %get3A_692 = arith.constant 0 : index
    %get3A_693 = tpu.vector_load %arg10[%get3A_691, %get3A_692] {strides = array<i32>} : memref<96x64xf32, #tpu.memory_space<vmem>>, vector<1x16xf32>,
    %get3A_694 = vector.shape_cast %get3A_693 : vector<1x16xf32> to vector<16xf32>
    %add3A_695 = arith.addf %add3A_689, %get3A_694 : vector<16xf32>
    %get3A_696 = arith.constant 26 : i32
    %get3A_697 = arith.index_cast %get3A_696 : i32 to index
    %get3A_698 = arith.constant 0 : index
    %get3A_699 = tpu.vector_load %arg10[%get3A_697, %get3A_698] {strides = array<i32>} : memref<96x64xf32, #tpu.memory_space<vmem>>, vector<1x16xf32>,
    %get3A_700 = vector.shape_cast %get3A_699 : vector<1x16xf32> to vector<16xf32>
    %add3A_701 = arith.addf %add3A_695, %get3A_700 : vector<16xf32>
    %get3A_702 = arith.constant 27 : i32
    %get3A_703 = arith.index_cast %get3A_702 : i32 to index
    %get3A_704 = arith.constant 0 : index
    %get3A_705 = tpu.vector_load %arg10[%get3A_703, %get3A_704] {strides = array<i32>} : memref<96x64xf32, #tpu.memory_space<vmem>>, vector<1x16xf32>,
    %get3A_706 = vector.shape_cast %get3A_705 : vector<1x16xf32> to vector<16xf32>
    %add3A_707 = arith.addf %add3A_701, %get3A_706 : vector<16xf32>
    %get3A_708 = arith.constant 28 : i32
    %get3A_709 = arith.index_cast %get3A_708 : i32 to index
    %get3A_710 = arith.constant 0 : index
    %get3A_711 = tpu.vector_load %arg10[%get3A_709, %get3A_710] {strides = array<i32>} : memref<96x64xf32, #tpu.memory_space<vmem>>, vector<1x16xf32>,
    %get3A_712 = vector.shape_cast %get3A_711 : vector<1x16xf32> to vector<16xf32>
    %add3A_713 = arith.addf %add3A_707, %get3A_712 : vector<16xf32>
    %get3A_714 = arith.constant 29 : i32
    %get3A_715 = arith.index_cast %get3A_714 : i32 to index
    %get3A_716 = arith.constant 0 : index
    %get3A_717 = tpu.vector_load %arg10[%get3A_715, %get3A_716] {strides = array<i32>} : memref<96x64xf32, #tpu.memory_space<vmem>>, vector<1x16xf32>,
    %get3A_718 = vector.shape_cast %get3A_717 : vector<1x16xf32> to vector<16xf32>
    %add3A_719 = arith.addf %add3A_713, %get3A_718 : vector<16xf32>
    %get3A_720 = arith.constant 30 : i32
    %get3A_721 = arith.index_cast %get3A_720 : i32 to index
    %get3A_722 = arith.constant 0 : index
    %get3A_723 = tpu.vector_load %arg10[%get3A_721, %get3A_722] {strides = array<i32>} : memref<96x64xf32, #tpu.memory_space<vmem>>, vector<1x16xf32>,
    %get3A_724 = vector.shape_cast %get3A_723 : vector<1x16xf32> to vector<16xf32>
    %add3A_725 = arith.addf %add3A_719, %get3A_724 : vector<16xf32>
    %get3A_726 = arith.constant 31 : i32
    %get3A_727 = arith.index_cast %get3A_726 : i32 to index
    %get3A_728 = arith.constant 0 : index
    %get3A_729 = tpu.vector_load %arg10[%get3A_727, %get3A_728] {strides = array<i32>} : memref<96x64xf32, #tpu.memory_space<vmem>>, vector<1x16xf32>,
    %get3A_730 = vector.shape_cast %get3A_729 : vector<1x16xf32> to vector<16xf32>
    %add3A_731 = arith.addf %add3A_725, %get3A_730 : vector<16xf32>
    %get3A_732 = arith.constant 32 : i32
    %get3A_733 = arith.index_cast %get3A_732 : i32 to index
    %get3A_734 = arith.constant 0 : index
    %get3A_735 = tpu.vector_load %arg10[%get3A_733, %get3A_734] {strides = array<i32>} : memref<96x64xf32, #tpu.memory_space<vmem>>, vector<1x16xf32>,
    %get3A_736 = vector.shape_cast %get3A_735 : vector<1x16xf32> to vector<16xf32>
    %add3A_737 = arith.addf %add3A_731, %get3A_736 : vector<16xf32>
    %get3A_738 = arith.constant 33 : i32
    %get3A_739 = arith.index_cast %get3A_738 : i32 to index
    %get3A_740 = arith.constant 0 : index
    %get3A_741 = tpu.vector_load %arg10[%get3A_739, %get3A_740] {strides = array<i32>} : memref<96x64xf32, #tpu.memory_space<vmem>>, vector<1x16xf32>,
    %get3A_742 = vector.shape_cast %get3A_741 : vector<1x16xf32> to vector<16xf32>
    %add3A_743 = arith.addf %add3A_737, %get3A_742 : vector<16xf32>
    %get3A_744 = arith.constant 34 : i32
    %get3A_745 = arith.index_cast %get3A_744 : i32 to index
    %get3A_746 = arith.constant 0 : index
    %get3A_747 = tpu.vector_load %arg10[%get3A_745, %get3A_746] {strides = array<i32>} : memref<96x64xf32, #tpu.memory_space<vmem>>, vector<1x16xf32>,
    %get3A_748 = vector.shape_cast %get3A_747 : vector<1x16xf32> to vector<16xf32>
    %add3A_749 = arith.addf %add3A_743, %get3A_748 : vector<16xf32>
    %get3A_750 = arith.constant 35 : i32
    %get3A_751 = arith.index_cast %get3A_750 : i32 to index
    %get3A_752 = arith.constant 0 : index
    %get3A_753 = tpu.vector_load %arg10[%get3A_751, %get3A_752] {strides = array<i32>} : memref<96x64xf32, #tpu.memory_space<vmem>>, vector<1x16xf32>,
    %get3A_754 = vector.shape_cast %get3A_753 : vector<1x16xf32> to vector<16xf32>
    %add3A_755 = arith.addf %add3A_749, %get3A_754 : vector<16xf32>
    %swap3A_756 = arith.constant 2 : i32
    %swap3A_757 = arith.index_cast %swap3A_756 : i32 to index
    %swap3A_758 = arith.constant 0 : index
    %swap3A_759 = tpu.vector_load %arg11[%swap3A_757, %swap3A_758] {strides = array<i32>} : memref<8x64xf32, #tpu.memory_space<vmem>>, vector<1x16xf32>,
    %swap3A_760 = vector.shape_cast %swap3A_759 : vector<1x16xf32> to vector<16xf32>
    %swap3A_761 = vector.shape_cast %add3A_755 : vector<16xf32> to vector<1x16xf32>
    tpu.vector_store %arg11[%swap3A_757, %swap3A_758], %swap3A_761 {strides = array<i32>} : memref<8x64xf32, #tpu.memory_space<vmem>>, vector<1x16xf32>,
    %get3A_762 = arith.constant 2 : i32
    %get3A_763 = arith.index_cast %get3A_762 : i32 to index
    %get3A_764 = arith.constant 16 : index
    %get3A_765 = tpu.vector_load %arg9[%get3A_763, %get3A_764] {strides = array<i32>} : memref<8x64xf32, #tpu.memory_space<vmem>>, vector<1x16xf32>,
    %get3A_766 = vector.shape_cast %get3A_765 : vector<1x16xf32> to vector<16xf32>
    %get3A_767 = arith.constant 24 : i32
    %get3A_768 = arith.index_cast %get3A_767 : i32 to index
    %get3A_769 = arith.constant 16 : index
    %get3A_770 = tpu.vector_load %arg10[%get3A_768, %get3A_769] {strides = array<i32>} : memref<96x64xf32, #tpu.memory_space<vmem>>, vector<1x16xf32>,
    %get3A_771 = vector.shape_cast %get3A_770 : vector<1x16xf32> to vector<16xf32>
    %add3A_772 = arith.addf %get3A_766, %get3A_771 : vector<16xf32>
    %get3A_773 = arith.constant 25 : i32
    %get3A_774 = arith.index_cast %get3A_773 : i32 to index
    %get3A_775 = arith.constant 16 : index
    %get3A_776 = tpu.vector_load %arg10[%get3A_774, %get3A_775] {strides = array<i32>} : memref<96x64xf32, #tpu.memory_space<vmem>>, vector<1x16xf32>,
    %get3A_777 = vector.shape_cast %get3A_776 : vector<1x16xf32> to vector<16xf32>
    %add3A_778 = arith.addf %add3A_772, %get3A_777 : vector<16xf32>
    %get3A_779 = arith.constant 26 : i32
    %get3A_780 = arith.index_cast %get3A_779 : i32 to index
    %get3A_781 = arith.constant 16 : index
    %get3A_782 = tpu.vector_load %arg10[%get3A_780, %get3A_781] {strides = array<i32>} : memref<96x64xf32, #tpu.memory_space<vmem>>, vector<1x16xf32>,
    %get3A_783 = vector.shape_cast %get3A_782 : vector<1x16xf32> to vector<16xf32>
    %add3A_784 = arith.addf %add3A_778, %get3A_783 : vector<16xf32>
    %get3A_785 = arith.constant 27 : i32
    %get3A_786 = arith.index_cast %get3A_785 : i32 to index
    %get3A_787 = arith.constant 16 : index
    %get3A_788 = tpu.vector_load %arg10[%get3A_786, %get3A_787] {strides = array<i32>} : memref<96x64xf32, #tpu.memory_space<vmem>>, vector<1x16xf32>,
    %get3A_789 = vector.shape_cast %get3A_788 : vector<1x16xf32> to vector<16xf32>
    %add3A_790 = arith.addf %add3A_784, %get3A_789 : vector<16xf32>
    %get3A_791 = arith.constant 28 : i32
    %get3A_792 = arith.index_cast %get3A_791 : i32 to index
    %get3A_793 = arith.constant 16 : index
    %get3A_794 = tpu.vector_load %arg10[%get3A_792, %get3A_793] {strides = array<i32>} : memref<96x64xf32, #tpu.memory_space<vmem>>, vector<1x16xf32>,
    %get3A_795 = vector.shape_cast %get3A_794 : vector<1x16xf32> to vector<16xf32>
    %add3A_796 = arith.addf %add3A_790, %get3A_795 : vector<16xf32>
    %get3A_797 = arith.constant 29 : i32
    %get3A_798 = arith.index_cast %get3A_797 : i32 to index
    %get3A_799 = arith.constant 16 : index
    %get3A_800 = tpu.vector_load %arg10[%get3A_798, %get3A_799] {strides = array<i32>} : memref<96x64xf32, #tpu.memory_space<vmem>>, vector<1x16xf32>,
    %get3A_801 = vector.shape_cast %get3A_800 : vector<1x16xf32> to vector<16xf32>
    %add3A_802 = arith.addf %add3A_796, %get3A_801 : vector<16xf32>
    %get3A_803 = arith.constant 30 : i32
    %get3A_804 = arith.index_cast %get3A_803 : i32 to index
    %get3A_805 = arith.constant 16 : index
    %get3A_806 = tpu.vector_load %arg10[%get3A_804, %get3A_805] {strides = array<i32>} : memref<96x64xf32, #tpu.memory_space<vmem>>, vector<1x16xf32>,
    %get3A_807 = vector.shape_cast %get3A_806 : vector<1x16xf32> to vector<16xf32>
    %add3A_808 = arith.addf %add3A_802, %get3A_807 : vector<16xf32>
    %get3A_809 = arith.constant 31 : i32
    %get3A_810 = arith.index_cast %get3A_809 : i32 to index
    %get3A_811 = arith.constant 16 : index
    %get3A_812 = tpu.vector_load %arg10[%get3A_810, %get3A_811] {strides = array<i32>} : memref<96x64xf32, #tpu.memory_space<vmem>>, vector<1x16xf32>,
    %get3A_813 = vector.shape_cast %get3A_812 : vector<1x16xf32> to vector<16xf32>
    %add3A_814 = arith.addf %add3A_808, %get3A_813 : vector<16xf32>
    %get3A_815 = arith.constant 32 : i32
    %get3A_816 = arith.index_cast %get3A_815 : i32 to index
    %get3A_817 = arith.constant 16 : index
    %get3A_818 = tpu.vector_load %arg10[%get3A_816, %get3A_817] {strides = array<i32>} : memref<96x64xf32, #tpu.memory_space<vmem>>, vector<1x16xf32>,
    %get3A_819 = vector.shape_cast %get3A_818 : vector<1x16xf32> to vector<16xf32>
    %add3A_820 = arith.addf %add3A_814, %get3A_819 : vector<16xf32>
    %get3A_821 = arith.constant 33 : i32
    %get3A_822 = arith.index_cast %get3A_821 : i32 to index
    %get3A_823 = arith.constant 16 : index
    %get3A_824 = tpu.vector_load %arg10[%get3A_822, %get3A_823] {strides = array<i32>} : memref<96x64xf32, #tpu.memory_space<vmem>>, vector<1x16xf32>,
    %get3A_825 = vector.shape_cast %get3A_824 : vector<1x16xf32> to vector<16xf32>
    %add3A_826 = arith.addf %add3A_820, %get3A_825 : vector<16xf32>
    %get3A_827 = arith.constant 34 : i32
    %get3A_828 = arith.index_cast %get3A_827 : i32 to index
    %get3A_829 = arith.constant 16 : index
    %get3A_830 = tpu.vector_load %arg10[%get3A_828, %get3A_829] {strides = array<i32>} : memref<96x64xf32, #tpu.memory_space<vmem>>, vector<1x16xf32>,
    %get3A_831 = vector.shape_cast %get3A_830 : vector<1x16xf32> to vector<16xf32>
    %add3A_832 = arith.addf %add3A_826, %get3A_831 : vector<16xf32>
    %get3A_833 = arith.constant 35 : i32
    %get3A_834 = arith.index_cast %get3A_833 : i32 to index
    %get3A_835 = arith.constant 16 : index
    %get3A_836 = tpu.vector_load %arg10[%get3A_834, %get3A_835] {strides = array<i32>} : memref<96x64xf32, #tpu.memory_space<vmem>>, vector<1x16xf32>,
    %get3A_837 = vector.shape_cast %get3A_836 : vector<1x16xf32> to vector<16xf32>
    %add3A_838 = arith.addf %add3A_832, %get3A_837 : vector<16xf32>
    %swap3A_839 = arith.constant 2 : i32
    %swap3A_840 = arith.index_cast %swap3A_839 : i32 to index
    %swap3A_841 = arith.constant 16 : index
    %swap3A_842 = tpu.vector_load %arg11[%swap3A_840, %swap3A_841] {strides = array<i32>} : memref<8x64xf32, #tpu.memory_space<vmem>>, vector<1x16xf32>,
    %swap3A_843 = vector.shape_cast %swap3A_842 : vector<1x16xf32> to vector<16xf32>
    %swap3A_844 = vector.shape_cast %add3A_838 : vector<16xf32> to vector<1x16xf32>
    tpu.vector_store %arg11[%swap3A_840, %swap3A_841], %swap3A_844 {strides = array<i32>} : memref<8x64xf32, #tpu.memory_space<vmem>>, vector<1x16xf32>,
    %get3A_845 = arith.constant 2 : i32
    %get3A_846 = arith.index_cast %get3A_845 : i32 to index
    %get3A_847 = arith.constant 32 : index
    %get3A_848 = tpu.vector_load %arg9[%get3A_846, %get3A_847] {strides = array<i32>} : memref<8x64xf32, #tpu.memory_space<vmem>>, vector<1x16xf32>,
    %get3A_849 = vector.shape_cast %get3A_848 : vector<1x16xf32> to vector<16xf32>
    %get3A_850 = arith.constant 24 : i32
    %get3A_851 = arith.index_cast %get3A_850 : i32 to index
    %get3A_852 = arith.constant 32 : index
    %get3A_853 = tpu.vector_load %arg10[%get3A_851, %get3A_852] {strides = array<i32>} : memref<96x64xf32, #tpu.memory_space<vmem>>, vector<1x16xf32>,
    %get3A_854 = vector.shape_cast %get3A_853 : vector<1x16xf32> to vector<16xf32>
    %add3A_855 = arith.addf %get3A_849, %get3A_854 : vector<16xf32>
    %get3A_856 = arith.constant 25 : i32
    %get3A_857 = arith.index_cast %get3A_856 : i32 to index
    %get3A_858 = arith.constant 32 : index
    %get3A_859 = tpu.vector_load %arg10[%get3A_857, %get3A_858] {strides = array<i32>} : memref<96x64xf32, #tpu.memory_space<vmem>>, vector<1x16xf32>,
    %get3A_860 = vector.shape_cast %get3A_859 : vector<1x16xf32> to vector<16xf32>
    %add3A_861 = arith.addf %add3A_855, %get3A_860 : vector<16xf32>
    %get3A_862 = arith.constant 26 : i32
    %get3A_863 = arith.index_cast %get3A_862 : i32 to index
    %get3A_864 = arith.constant 32 : index
    %get3A_865 = tpu.vector_load %arg10[%get3A_863, %get3A_864] {strides = array<i32>} : memref<96x64xf32, #tpu.memory_space<vmem>>, vector<1x16xf32>,
    %get3A_866 = vector.shape_cast %get3A_865 : vector<1x16xf32> to vector<16xf32>
    %add3A_867 = arith.addf %add3A_861, %get3A_866 : vector<16xf32>
    %get3A_868 = arith.constant 27 : i32
    %get3A_869 = arith.index_cast %get3A_868 : i32 to index
    %get3A_870 = arith.constant 32 : index
    %get3A_871 = tpu.vector_load %arg10[%get3A_869, %get3A_870] {strides = array<i32>} : memref<96x64xf32, #tpu.memory_space<vmem>>, vector<1x16xf32>,
    %get3A_872 = vector.shape_cast %get3A_871 : vector<1x16xf32> to vector<16xf32>
    %add3A_873 = arith.addf %add3A_867, %get3A_872 : vector<16xf32>
    %get3A_874 = arith.constant 28 : i32
    %get3A_875 = arith.index_cast %get3A_874 : i32 to index
    %get3A_876 = arith.constant 32 : index
    %get3A_877 = tpu.vector_load %arg10[%get3A_875, %get3A_876] {strides = array<i32>} : memref<96x64xf32, #tpu.memory_space<vmem>>, vector<1x16xf32>,
    %get3A_878 = vector.shape_cast %get3A_877 : vector<1x16xf32> to vector<16xf32>
    %add3A_879 = arith.addf %add3A_873, %get3A_878 : vector<16xf32>
    %get3A_880 = arith.constant 29 : i32
    %get3A_881 = arith.index_cast %get3A_880 : i32 to index
    %get3A_882 = arith.constant 32 : index
    %get3A_883 = tpu.vector_load %arg10[%get3A_881, %get3A_882] {strides = array<i32>} : memref<96x64xf32, #tpu.memory_space<vmem>>, vector<1x16xf32>,
    %get3A_884 = vector.shape_cast %get3A_883 : vector<1x16xf32> to vector<16xf32>
    %add3A_885 = arith.addf %add3A_879, %get3A_884 : vector<16xf32>
    %get3A_886 = arith.constant 30 : i32
    %get3A_887 = arith.index_cast %get3A_886 : i32 to index
    %get3A_888 = arith.constant 32 : index
    %get3A_889 = tpu.vector_load %arg10[%get3A_887, %get3A_888] {strides = array<i32>} : memref<96x64xf32, #tpu.memory_space<vmem>>, vector<1x16xf32>,
    %get3A_890 = vector.shape_cast %get3A_889 : vector<1x16xf32> to vector<16xf32>
    %add3A_891 = arith.addf %add3A_885, %get3A_890 : vector<16xf32>
    %get3A_892 = arith.constant 31 : i32
    %get3A_893 = arith.index_cast %get3A_892 : i32 to index
    %get3A_894 = arith.constant 32 : index
    %get3A_895 = tpu.vector_load %arg10[%get3A_893, %get3A_894] {strides = array<i32>} : memref<96x64xf32, #tpu.memory_space<vmem>>, vector<1x16xf32>,
    %get3A_896 = vector.shape_cast %get3A_895 : vector<1x16xf32> to vector<16xf32>
    %add3A_897 = arith.addf %add3A_891, %get3A_896 : vector<16xf32>
    %get3A_898 = arith.constant 32 : i32
    %get3A_899 = arith.index_cast %get3A_898 : i32 to index
    %get3A_900 = arith.constant 32 : index
    %get3A_901 = tpu.vector_load %arg10[%get3A_899, %get3A_900] {strides = array<i32>} : memref<96x64xf32, #tpu.memory_space<vmem>>, vector<1x16xf32>,
    %get3A_902 = vector.shape_cast %get3A_901 : vector<1x16xf32> to vector<16xf32>
    %add3A_903 = arith.addf %add3A_897, %get3A_902 : vector<16xf32>
    %get3A_904 = arith.constant 33 : i32
    %get3A_905 = arith.index_cast %get3A_904 : i32 to index
    %get3A_906 = arith.constant 32 : index
    %get3A_907 = tpu.vector_load %arg10[%get3A_905, %get3A_906] {strides = array<i32>} : memref<96x64xf32, #tpu.memory_space<vmem>>, vector<1x16xf32>,
    %get3A_908 = vector.shape_cast %get3A_907 : vector<1x16xf32> to vector<16xf32>
    %add3A_909 = arith.addf %add3A_903, %get3A_908 : vector<16xf32>
    %get3A_910 = arith.constant 34 : i32
    %get3A_911 = arith.index_cast %get3A_910 : i32 to index
    %get3A_912 = arith.constant 32 : index
    %get3A_913 = tpu.vector_load %arg10[%get3A_911, %get3A_912] {strides = array<i32>} : memref<96x64xf32, #tpu.memory_space<vmem>>, vector<1x16xf32>,
    %get3A_914 = vector.shape_cast %get3A_913 : vector<1x16xf32> to vector<16xf32>
    %add3A_915 = arith.addf %add3A_909, %get3A_914 : vector<16xf32>
    %get3A_916 = arith.constant 35 : i32
    %get3A_917 = arith.index_cast %get3A_916 : i32 to index
    %get3A_918 = arith.constant 32 : index
    %get3A_919 = tpu.vector_load %arg10[%get3A_917, %get3A_918] {strides = array<i32>} : memref<96x64xf32, #tpu.memory_space<vmem>>, vector<1x16xf32>,
    %get3A_920 = vector.shape_cast %get3A_919 : vector<1x16xf32> to vector<16xf32>
    %add3A_921 = arith.addf %add3A_915, %get3A_920 : vector<16xf32>
    %swap3A_922 = arith.constant 2 : i32
    %swap3A_923 = arith.index_cast %swap3A_922 : i32 to index
    %swap3A_924 = arith.constant 32 : index
    %swap3A_925 = tpu.vector_load %arg11[%swap3A_923, %swap3A_924] {strides = array<i32>} : memref<8x64xf32, #tpu.memory_space<vmem>>, vector<1x16xf32>,
    %swap3A_926 = vector.shape_cast %swap3A_925 : vector<1x16xf32> to vector<16xf32>
    %swap3A_927 = vector.shape_cast %add3A_921 : vector<16xf32> to vector<1x16xf32>
    tpu.vector_store %arg11[%swap3A_923, %swap3A_924], %swap3A_927 {strides = array<i32>} : memref<8x64xf32, #tpu.memory_space<vmem>>, vector<1x16xf32>,
    %get3A_928 = arith.constant 2 : i32
    %get3A_929 = arith.index_cast %get3A_928 : i32 to index
    %get3A_930 = arith.constant 48 : index
    %get3A_931 = tpu.vector_load %arg9[%get3A_929, %get3A_930] {strides = array<i32>} : memref<8x64xf32, #tpu.memory_space<vmem>>, vector<1x16xf32>,
    %get3A_932 = vector.shape_cast %get3A_931 : vector<1x16xf32> to vector<16xf32>
    %get3A_933 = arith.constant 24 : i32
    %get3A_934 = arith.index_cast %get3A_933 : i32 to index
    %get3A_935 = arith.constant 48 : index
    %get3A_936 = tpu.vector_load %arg10[%get3A_934, %get3A_935] {strides = array<i32>} : memref<96x64xf32, #tpu.memory_space<vmem>>, vector<1x16xf32>,
    %get3A_937 = vector.shape_cast %get3A_936 : vector<1x16xf32> to vector<16xf32>
    %add3A_938 = arith.addf %get3A_932, %get3A_937 : vector<16xf32>
    %get3A_939 = arith.constant 25 : i32
    %get3A_940 = arith.index_cast %get3A_939 : i32 to index
    %get3A_941 = arith.constant 48 : index
    %get3A_942 = tpu.vector_load %arg10[%get3A_940, %get3A_941] {strides = array<i32>} : memref<96x64xf32, #tpu.memory_space<vmem>>, vector<1x16xf32>,
    %get3A_943 = vector.shape_cast %get3A_942 : vector<1x16xf32> to vector<16xf32>
    %add3A_944 = arith.addf %add3A_938, %get3A_943 : vector<16xf32>
    %get3A_945 = arith.constant 26 : i32
    %get3A_946 = arith.index_cast %get3A_945 : i32 to index
    %get3A_947 = arith.constant 48 : index
    %get3A_948 = tpu.vector_load %arg10[%get3A_946, %get3A_947] {strides = array<i32>} : memref<96x64xf32, #tpu.memory_space<vmem>>, vector<1x16xf32>,
    %get3A_949 = vector.shape_cast %get3A_948 : vector<1x16xf32> to vector<16xf32>
    %add3A_950 = arith.addf %add3A_944, %get3A_949 : vector<16xf32>
    %get3A_951 = arith.constant 27 : i32
    %get3A_952 = arith.index_cast %get3A_951 : i32 to index
    %get3A_953 = arith.constant 48 : index
    %get3A_954 = tpu.vector_load %arg10[%get3A_952, %get3A_953] {strides = array<i32>} : memref<96x64xf32, #tpu.memory_space<vmem>>, vector<1x16xf32>,
    %get3A_955 = vector.shape_cast %get3A_954 : vector<1x16xf32> to vector<16xf32>
    %add3A_956 = arith.addf %add3A_950, %get3A_955 : vector<16xf32>
    %get3A_957 = arith.constant 28 : i32
    %get3A_958 = arith.index_cast %get3A_957 : i32 to index
    %get3A_959 = arith.constant 48 : index
    %get3A_960 = tpu.vector_load %arg10[%get3A_958, %get3A_959] {strides = array<i32>} : memref<96x64xf32, #tpu.memory_space<vmem>>, vector<1x16xf32>,
    %get3A_961 = vector.shape_cast %get3A_960 : vector<1x16xf32> to vector<16xf32>
    %add3A_962 = arith.addf %add3A_956, %get3A_961 : vector<16xf32>
    %get3A_963 = arith.constant 29 : i32
    %get3A_964 = arith.index_cast %get3A_963 : i32 to index
    %get3A_965 = arith.constant 48 : index
    %get3A_966 = tpu.vector_load %arg10[%get3A_964, %get3A_965] {strides = array<i32>} : memref<96x64xf32, #tpu.memory_space<vmem>>, vector<1x16xf32>,
    %get3A_967 = vector.shape_cast %get3A_966 : vector<1x16xf32> to vector<16xf32>
    %add3A_968 = arith.addf %add3A_962, %get3A_967 : vector<16xf32>
    %get3A_969 = arith.constant 30 : i32
    %get3A_970 = arith.index_cast %get3A_969 : i32 to index
    %get3A_971 = arith.constant 48 : index
    %get3A_972 = tpu.vector_load %arg10[%get3A_970, %get3A_971] {strides = array<i32>} : memref<96x64xf32, #tpu.memory_space<vmem>>, vector<1x16xf32>,
    %get3A_973 = vector.shape_cast %get3A_972 : vector<1x16xf32> to vector<16xf32>
    %add3A_974 = arith.addf %add3A_968, %get3A_973 : vector<16xf32>
    %get3A_975 = arith.constant 31 : i32
    %get3A_976 = arith.index_cast %get3A_975 : i32 to index
    %get3A_977 = arith.constant 48 : index
    %get3A_978 = tpu.vector_load %arg10[%get3A_976, %get3A_977] {strides = array<i32>} : memref<96x64xf32, #tpu.memory_space<vmem>>, vector<1x16xf32>,
    %get3A_979 = vector.shape_cast %get3A_978 : vector<1x16xf32> to vector<16xf32>
    %add3A_980 = arith.addf %add3A_974, %get3A_979 : vector<16xf32>
    %get3A_981 = arith.constant 32 : i32
    %get3A_982 = arith.index_cast %get3A_981 : i32 to index
    %get3A_983 = arith.constant 48 : index
    %get3A_984 = tpu.vector_load %arg10[%get3A_982, %get3A_983] {strides = array<i32>} : memref<96x64xf32, #tpu.memory_space<vmem>>, vector<1x16xf32>,
    %get3A_985 = vector.shape_cast %get3A_984 : vector<1x16xf32> to vector<16xf32>
    %add3A_986 = arith.addf %add3A_980, %get3A_985 : vector<16xf32>
    %get3A_987 = arith.constant 33 : i32
    %get3A_988 = arith.index_cast %get3A_987 : i32 to index
    %get3A_989 = arith.constant 48 : index
    %get3A_990 = tpu.vector_load %arg10[%get3A_988, %get3A_989] {strides = array<i32>} : memref<96x64xf32, #tpu.memory_space<vmem>>, vector<1x16xf32>,
    %get3A_991 = vector.shape_cast %get3A_990 : vector<1x16xf32> to vector<16xf32>
    %add3A_992 = arith.addf %add3A_986, %get3A_991 : vector<16xf32>
    %get3A_993 = arith.constant 34 : i32
    %get3A_994 = arith.index_cast %get3A_993 : i32 to index
    %get3A_995 = arith.constant 48 : index
    %get3A_996 = tpu.vector_load %arg10[%get3A_994, %get3A_995] {strides = array<i32>} : memref<96x64xf32, #tpu.memory_space<vmem>>, vector<1x16xf32>,
    %get3A_997 = vector.shape_cast %get3A_996 : vector<1x16xf32> to vector<16xf32>
    %add3A_998 = arith.addf %add3A_992, %get3A_997 : vector<16xf32>
    %get3A_999 = arith.constant 35 : i32
    %get3A_1000 = arith.index_cast %get3A_999 : i32 to index
    %get3A_1001 = arith.constant 48 : index
    %get3A_1002 = tpu.vector_load %arg10[%get3A_1000, %get3A_1001] {strides = array<i32>} : memref<96x64xf32, #tpu.memory_space<vmem>>, vector<1x16xf32>,
    %get3A_1003 = vector.shape_cast %get3A_1002 : vector<1x16xf32> to vector<16xf32>
    %add3A_1004 = arith.addf %add3A_998, %get3A_1003 : vector<16xf32>
    %swap3A_1005 = arith.constant 2 : i32
    %swap3A_1006 = arith.index_cast %swap3A_1005 : i32 to index
    %swap3A_1007 = arith.constant 48 : index
    %swap3A_1008 = tpu.vector_load %arg11[%swap3A_1006, %swap3A_1007] {strides = array<i32>} : memref<8x64xf32, #tpu.memory_space<vmem>>, vector<1x16xf32>,
    %swap3A_1009 = vector.shape_cast %swap3A_1008 : vector<1x16xf32> to vector<16xf32>
    %swap3A_1010 = vector.shape_cast %add3A_1004 : vector<16xf32> to vector<1x16xf32>
    tpu.vector_store %arg11[%swap3A_1006, %swap3A_1007], %swap3A_1010 {strides = array<i32>} : memref<8x64xf32, #tpu.memory_space<vmem>>, vector<1x16xf32>,
    %get3A_1011 = arith.constant 3 : i32
    %get3A_1012 = arith.index_cast %get3A_1011 : i32 to index
    %get3A_1013 = arith.constant 0 : index
    %get3A_1014 = tpu.vector_load %arg9[%get3A_1012, %get3A_1013] {strides = array<i32>} : memref<8x64xf32, #tpu.memory_space<vmem>>, vector<1x16xf32>,
    %get3A_1015 = vector.shape_cast %get3A_1014 : vector<1x16xf32> to vector<16xf32>
    %get3A_1016 = arith.constant 36 : i32
    %get3A_1017 = arith.index_cast %get3A_1016 : i32 to index
    %get3A_1018 = arith.constant 0 : index
    %get3A_1019 = tpu.vector_load %arg10[%get3A_1017, %get3A_1018] {strides = array<i32>} : memref<96x64xf32, #tpu.memory_space<vmem>>, vector<1x16xf32>,
    %get3A_1020 = vector.shape_cast %get3A_1019 : vector<1x16xf32> to vector<16xf32>
    %add3A_1021 = arith.addf %get3A_1015, %get3A_1020 : vector<16xf32>
    %get3A_1022 = arith.constant 37 : i32
    %get3A_1023 = arith.index_cast %get3A_1022 : i32 to index
    %get3A_1024 = arith.constant 0 : index
    %get3A_1025 = tpu.vector_load %arg10[%get3A_1023, %get3A_1024] {strides = array<i32>} : memref<96x64xf32, #tpu.memory_space<vmem>>, vector<1x16xf32>,
    %get3A_1026 = vector.shape_cast %get3A_1025 : vector<1x16xf32> to vector<16xf32>
    %add3A_1027 = arith.addf %add3A_1021, %get3A_1026 : vector<16xf32>
    %get3A_1028 = arith.constant 38 : i32
    %get3A_1029 = arith.index_cast %get3A_1028 : i32 to index
    %get3A_1030 = arith.constant 0 : index
    %get3A_1031 = tpu.vector_load %arg10[%get3A_1029, %get3A_1030] {strides = array<i32>} : memref<96x64xf32, #tpu.memory_space<vmem>>, vector<1x16xf32>,
    %get3A_1032 = vector.shape_cast %get3A_1031 : vector<1x16xf32> to vector<16xf32>
    %add3A_1033 = arith.addf %add3A_1027, %get3A_1032 : vector<16xf32>
    %get3A_1034 = arith.constant 39 : i32
    %get3A_1035 = arith.index_cast %get3A_1034 : i32 to index
    %get3A_1036 = arith.constant 0 : index
    %get3A_1037 = tpu.vector_load %arg10[%get3A_1035, %get3A_1036] {strides = array<i32>} : memref<96x64xf32, #tpu.memory_space<vmem>>, vector<1x16xf32>,
    %get3A_1038 = vector.shape_cast %get3A_1037 : vector<1x16xf32> to vector<16xf32>
    %add3A_1039 = arith.addf %add3A_1033, %get3A_1038 : vector<16xf32>
    %get3A_1040 = arith.constant 40 : i32
    %get3A_1041 = arith.index_cast %get3A_1040 : i32 to index
    %get3A_1042 = arith.constant 0 : index
    %get3A_1043 = tpu.vector_load %arg10[%get3A_1041, %get3A_1042] {strides = array<i32>} : memref<96x64xf32, #tpu.memory_space<vmem>>, vector<1x16xf32>,
    %get3A_1044 = vector.shape_cast %get3A_1043 : vector<1x16xf32> to vector<16xf32>
    %add3A_1045 = arith.addf %add3A_1039, %get3A_1044 : vector<16xf32>
    %get3A_1046 = arith.constant 41 : i32
    %get3A_1047 = arith.index_cast %get3A_1046 : i32 to index
    %get3A_1048 = arith.constant 0 : index
    %get3A_1049 = tpu.vector_load %arg10[%get3A_1047, %get3A_1048] {strides = array<i32>} : memref<96x64xf32, #tpu.memory_space<vmem>>, vector<1x16xf32>,
    %get3A_1050 = vector.shape_cast %get3A_1049 : vector<1x16xf32> to vector<16xf32>
    %add3A_1051 = arith.addf %add3A_1045, %get3A_1050 : vector<16xf32>
    %get3A_1052 = arith.constant 42 : i32
    %get3A_1053 = arith.index_cast %get3A_1052 : i32 to index
    %get3A_1054 = arith.constant 0 : index
    %get3A_1055 = tpu.vector_load %arg10[%get3A_1053, %get3A_1054] {strides = array<i32>} : memref<96x64xf32, #tpu.memory_space<vmem>>, vector<1x16xf32>,
    %get3A_1056 = vector.shape_cast %get3A_1055 : vector<1x16xf32> to vector<16xf32>
    %add3A_1057 = arith.addf %add3A_1051, %get3A_1056 : vector<16xf32>
    %get3A_1058 = arith.constant 43 : i32
    %get3A_1059 = arith.index_cast %get3A_1058 : i32 to index
    %get3A_1060 = arith.constant 0 : index
    %get3A_1061 = tpu.vector_load %arg10[%get3A_1059, %get3A_1060] {strides = array<i32>} : memref<96x64xf32, #tpu.memory_space<vmem>>, vector<1x16xf32>,
    %get3A_1062 = vector.shape_cast %get3A_1061 : vector<1x16xf32> to vector<16xf32>
    %add3A_1063 = arith.addf %add3A_1057, %get3A_1062 : vector<16xf32>
    %get3A_1064 = arith.constant 44 : i32
    %get3A_1065 = arith.index_cast %get3A_1064 : i32 to index
    %get3A_1066 = arith.constant 0 : index
    %get3A_1067 = tpu.vector_load %arg10[%get3A_1065, %get3A_1066] {strides = array<i32>} : memref<96x64xf32, #tpu.memory_space<vmem>>, vector<1x16xf32>,
    %get3A_1068 = vector.shape_cast %get3A_1067 : vector<1x16xf32> to vector<16xf32>
    %add3A_1069 = arith.addf %add3A_1063, %get3A_1068 : vector<16xf32>
    %get3A_1070 = arith.constant 45 : i32
    %get3A_1071 = arith.index_cast %get3A_1070 : i32 to index
    %get3A_1072 = arith.constant 0 : index
    %get3A_1073 = tpu.vector_load %arg10[%get3A_1071, %get3A_1072] {strides = array<i32>} : memref<96x64xf32, #tpu.memory_space<vmem>>, vector<1x16xf32>,
    %get3A_1074 = vector.shape_cast %get3A_1073 : vector<1x16xf32> to vector<16xf32>
    %add3A_1075 = arith.addf %add3A_1069, %get3A_1074 : vector<16xf32>
    %get3A_1076 = arith.constant 46 : i32
    %get3A_1077 = arith.index_cast %get3A_1076 : i32 to index
    %get3A_1078 = arith.constant 0 : index
    %get3A_1079 = tpu.vector_load %arg10[%get3A_1077, %get3A_1078] {strides = array<i32>} : memref<96x64xf32, #tpu.memory_space<vmem>>, vector<1x16xf32>,
    %get3A_1080 = vector.shape_cast %get3A_1079 : vector<1x16xf32> to vector<16xf32>
    %add3A_1081 = arith.addf %add3A_1075, %get3A_1080 : vector<16xf32>
    %get3A_1082 = arith.constant 47 : i32
    %get3A_1083 = arith.index_cast %get3A_1082 : i32 to index
    %get3A_1084 = arith.constant 0 : index
    %get3A_1085 = tpu.vector_load %arg10[%get3A_1083, %get3A_1084] {strides = array<i32>} : memref<96x64xf32, #tpu.memory_space<vmem>>, vector<1x16xf32>,
    %get3A_1086 = vector.shape_cast %get3A_1085 : vector<1x16xf32> to vector<16xf32>
    %add3A_1087 = arith.addf %add3A_1081, %get3A_1086 : vector<16xf32>
    %swap3A_1088 = arith.constant 3 : i32
    %swap3A_1089 = arith.index_cast %swap3A_1088 : i32 to index
    %swap3A_1090 = arith.constant 0 : index
    %swap3A_1091 = tpu.vector_load %arg11[%swap3A_1089, %swap3A_1090] {strides = array<i32>} : memref<8x64xf32, #tpu.memory_space<vmem>>, vector<1x16xf32>,
    %swap3A_1092 = vector.shape_cast %swap3A_1091 : vector<1x16xf32> to vector<16xf32>
    %swap3A_1093 = vector.shape_cast %add3A_1087 : vector<16xf32> to vector<1x16xf32>
    tpu.vector_store %arg11[%swap3A_1089, %swap3A_1090], %swap3A_1093 {strides = array<i32>} : memref<8x64xf32, #tpu.memory_space<vmem>>, vector<1x16xf32>,
    %get3A_1094 = arith.constant 3 : i32
    %get3A_1095 = arith.index_cast %get3A_1094 : i32 to index
    %get3A_1096 = arith.constant 16 : index
    %get3A_1097 = tpu.vector_load %arg9[%get3A_1095, %get3A_1096] {strides = array<i32>} : memref<8x64xf32, #tpu.memory_space<vmem>>, vector<1x16xf32>,
    %get3A_1098 = vector.shape_cast %get3A_1097 : vector<1x16xf32> to vector<16xf32>
    %get3A_1099 = arith.constant 36 : i32
    %get3A_1100 = arith.index_cast %get3A_1099 : i32 to index
    %get3A_1101 = arith.constant 16 : index
    %get3A_1102 = tpu.vector_load %arg10[%get3A_1100, %get3A_1101] {strides = array<i32>} : memref<96x64xf32, #tpu.memory_space<vmem>>, vector<1x16xf32>,
    %get3A_1103 = vector.shape_cast %get3A_1102 : vector<1x16xf32> to vector<16xf32>
    %add3A_1104 = arith.addf %get3A_1098, %get3A_1103 : vector<16xf32>
    %get3A_1105 = arith.constant 37 : i32
    %get3A_1106 = arith.index_cast %get3A_1105 : i32 to index
    %get3A_1107 = arith.constant 16 : index
    %get3A_1108 = tpu.vector_load %arg10[%get3A_1106, %get3A_1107] {strides = array<i32>} : memref<96x64xf32, #tpu.memory_space<vmem>>, vector<1x16xf32>,
    %get3A_1109 = vector.shape_cast %get3A_1108 : vector<1x16xf32> to vector<16xf32>
    %add3A_1110 = arith.addf %add3A_1104, %get3A_1109 : vector<16xf32>
    %get3A_1111 = arith.constant 38 : i32
    %get3A_1112 = arith.index_cast %get3A_1111 : i32 to index
    %get3A_1113 = arith.constant 16 : index
    %get3A_1114 = tpu.vector_load %arg10[%get3A_1112, %get3A_1113] {strides = array<i32>} : memref<96x64xf32, #tpu.memory_space<vmem>>, vector<1x16xf32>,
    %get3A_1115 = vector.shape_cast %get3A_1114 : vector<1x16xf32> to vector<16xf32>
    %add3A_1116 = arith.addf %add3A_1110, %get3A_1115 : vector<16xf32>
    %get3A_1117 = arith.constant 39 : i32
    %get3A_1118 = arith.index_cast %get3A_1117 : i32 to index
    %get3A_1119 = arith.constant 16 : index
    %get3A_1120 = tpu.vector_load %arg10[%get3A_1118, %get3A_1119] {strides = array<i32>} : memref<96x64xf32, #tpu.memory_space<vmem>>, vector<1x16xf32>,
    %get3A_1121 = vector.shape_cast %get3A_1120 : vector<1x16xf32> to vector<16xf32>
    %add3A_1122 = arith.addf %add3A_1116, %get3A_1121 : vector<16xf32>
    %get3A_1123 = arith.constant 40 : i32
    %get3A_1124 = arith.index_cast %get3A_1123 : i32 to index
    %get3A_1125 = arith.constant 16 : index
    %get3A_1126 = tpu.vector_load %arg10[%get3A_1124, %get3A_1125] {strides = array<i32>} : memref<96x64xf32, #tpu.memory_space<vmem>>, vector<1x16xf32>,
    %get3A_1127 = vector.shape_cast %get3A_1126 : vector<1x16xf32> to vector<16xf32>
    %add3A_1128 = arith.addf %add3A_1122, %get3A_1127 : vector<16xf32>
    %get3A_1129 = arith.constant 41 : i32
    %get3A_1130 = arith.index_cast %get3A_1129 : i32 to index
    %get3A_1131 = arith.constant 16 : index
    %get3A_1132 = tpu.vector_load %arg10[%get3A_1130, %get3A_1131] {strides = array<i32>} : memref<96x64xf32, #tpu.memory_space<vmem>>, vector<1x16xf32>,
    %get3A_1133 = vector.shape_cast %get3A_1132 : vector<1x16xf32> to vector<16xf32>
    %add3A_1134 = arith.addf %add3A_1128, %get3A_1133 : vector<16xf32>
    %get3A_1135 = arith.constant 42 : i32
    %get3A_1136 = arith.index_cast %get3A_1135 : i32 to index
    %get3A_1137 = arith.constant 16 : index
    %get3A_1138 = tpu.vector_load %arg10[%get3A_1136, %get3A_1137] {strides = array<i32>} : memref<96x64xf32, #tpu.memory_space<vmem>>, vector<1x16xf32>,
    %get3A_1139 = vector.shape_cast %get3A_1138 : vector<1x16xf32> to vector<16xf32>
    %add3A_1140 = arith.addf %add3A_1134, %get3A_1139 : vector<16xf32>
    %get3A_1141 = arith.constant 43 : i32
    %get3A_1142 = arith.index_cast %get3A_1141 : i32 to index
    %get3A_1143 = arith.constant 16 : index
    %get3A_1144 = tpu.vector_load %arg10[%get3A_1142, %get3A_1143] {strides = array<i32>} : memref<96x64xf32, #tpu.memory_space<vmem>>, vector<1x16xf32>,
    %get3A_1145 = vector.shape_cast %get3A_1144 : vector<1x16xf32> to vector<16xf32>
    %add3A_1146 = arith.addf %add3A_1140, %get3A_1145 : vector<16xf32>
    %get3A_1147 = arith.constant 44 : i32
    %get3A_1148 = arith.index_cast %get3A_1147 : i32 to index
    %get3A_1149 = arith.constant 16 : index
    %get3A_1150 = tpu.vector_load %arg10[%get3A_1148, %get3A_1149] {strides = array<i32>} : memref<96x64xf32, #tpu.memory_space<vmem>>, vector<1x16xf32>,
    %get3A_1151 = vector.shape_cast %get3A_1150 : vector<1x16xf32> to vector<16xf32>
    %add3A_1152 = arith.addf %add3A_1146, %get3A_1151 : vector<16xf32>
    %get3A_1153 = arith.constant 45 : i32
    %get3A_1154 = arith.index_cast %get3A_1153 : i32 to index
    %get3A_1155 = arith.constant 16 : index
    %get3A_1156 = tpu.vector_load %arg10[%get3A_1154, %get3A_1155] {strides = array<i32>} : memref<96x64xf32, #tpu.memory_space<vmem>>, vector<1x16xf32>,
    %get3A_1157 = vector.shape_cast %get3A_1156 : vector<1x16xf32> to vector<16xf32>
    %add3A_1158 = arith.addf %add3A_1152, %get3A_1157 : vector<16xf32>
    %get3A_1159 = arith.constant 46 : i32
    %get3A_1160 = arith.index_cast %get3A_1159 : i32 to index
    %get3A_1161 = arith.constant 16 : index
    %get3A_1162 = tpu.vector_load %arg10[%get3A_1160, %get3A_1161] {strides = array<i32>} : memref<96x64xf32, #tpu.memory_space<vmem>>, vector<1x16xf32>,
    %get3A_1163 = vector.shape_cast %get3A_1162 : vector<1x16xf32> to vector<16xf32>
    %add3A_1164 = arith.addf %add3A_1158, %get3A_1163 : vector<16xf32>
    %get3A_1165 = arith.constant 47 : i32
    %get3A_1166 = arith.index_cast %get3A_1165 : i32 to index
    %get3A_1167 = arith.constant 16 : index
    %get3A_1168 = tpu.vector_load %arg10[%get3A_1166, %get3A_1167] {strides = array<i32>} : memref<96x64xf32, #tpu.memory_space<vmem>>, vector<1x16xf32>,
    %get3A_1169 = vector.shape_cast %get3A_1168 : vector<1x16xf32> to vector<16xf32>
    %add3A_1170 = arith.addf %add3A_1164, %get3A_1169 : vector<16xf32>
    %swap3A_1171 = arith.constant 3 : i32
    %swap3A_1172 = arith.index_cast %swap3A_1171 : i32 to index
    %swap3A_1173 = arith.constant 16 : index
    %swap3A_1174 = tpu.vector_load %arg11[%swap3A_1172, %swap3A_1173] {strides = array<i32>} : memref<8x64xf32, #tpu.memory_space<vmem>>, vector<1x16xf32>,
    %swap3A_1175 = vector.shape_cast %swap3A_1174 : vector<1x16xf32> to vector<16xf32>
    %swap3A_1176 = vector.shape_cast %add3A_1170 : vector<16xf32> to vector<1x16xf32>
    tpu.vector_store %arg11[%swap3A_1172, %swap3A_1173], %swap3A_1176 {strides = array<i32>} : memref<8x64xf32, #tpu.memory_space<vmem>>, vector<1x16xf32>,
    %get3A_1177 = arith.constant 3 : i32
    %get3A_1178 = arith.index_cast %get3A_1177 : i32 to index
    %get3A_1179 = arith.constant 32 : index
    %get3A_1180 = tpu.vector_load %arg9[%get3A_1178, %get3A_1179] {strides = array<i32>} : memref<8x64xf32, #tpu.memory_space<vmem>>, vector<1x16xf32>,
    %get3A_1181 = vector.shape_cast %get3A_1180 : vector<1x16xf32> to vector<16xf32>
    %get3A_1182 = arith.constant 36 : i32
    %get3A_1183 = arith.index_cast %get3A_1182 : i32 to index
    %get3A_1184 = arith.constant 32 : index
    %get3A_1185 = tpu.vector_load %arg10[%get3A_1183, %get3A_1184] {strides = array<i32>} : memref<96x64xf32, #tpu.memory_space<vmem>>, vector<1x16xf32>,
    %get3A_1186 = vector.shape_cast %get3A_1185 : vector<1x16xf32> to vector<16xf32>
    %add3A_1187 = arith.addf %get3A_1181, %get3A_1186 : vector<16xf32>
    %get3A_1188 = arith.constant 37 : i32
    %get3A_1189 = arith.index_cast %get3A_1188 : i32 to index
    %get3A_1190 = arith.constant 32 : index
    %get3A_1191 = tpu.vector_load %arg10[%get3A_1189, %get3A_1190] {strides = array<i32>} : memref<96x64xf32, #tpu.memory_space<vmem>>, vector<1x16xf32>,
    %get3A_1192 = vector.shape_cast %get3A_1191 : vector<1x16xf32> to vector<16xf32>
    %add3A_1193 = arith.addf %add3A_1187, %get3A_1192 : vector<16xf32>
    %get3A_1194 = arith.constant 38 : i32
    %get3A_1195 = arith.index_cast %get3A_1194 : i32 to index
    %get3A_1196 = arith.constant 32 : index
    %get3A_1197 = tpu.vector_load %arg10[%get3A_1195, %get3A_1196] {strides = array<i32>} : memref<96x64xf32, #tpu.memory_space<vmem>>, vector<1x16xf32>,
    %get3A_1198 = vector.shape_cast %get3A_1197 : vector<1x16xf32> to vector<16xf32>
    %add3A_1199 = arith.addf %add3A_1193, %get3A_1198 : vector<16xf32>
    %get3A_1200 = arith.constant 39 : i32
    %get3A_1201 = arith.index_cast %get3A_1200 : i32 to index
    %get3A_1202 = arith.constant 32 : index
    %get3A_1203 = tpu.vector_load %arg10[%get3A_1201, %get3A_1202] {strides = array<i32>} : memref<96x64xf32, #tpu.memory_space<vmem>>, vector<1x16xf32>,
    %get3A_1204 = vector.shape_cast %get3A_1203 : vector<1x16xf32> to vector<16xf32>
    %add3A_1205 = arith.addf %add3A_1199, %get3A_1204 : vector<16xf32>
    %get3A_1206 = arith.constant 40 : i32
    %get3A_1207 = arith.index_cast %get3A_1206 : i32 to index
    %get3A_1208 = arith.constant 32 : index
    %get3A_1209 = tpu.vector_load %arg10[%get3A_1207, %get3A_1208] {strides = array<i32>} : memref<96x64xf32, #tpu.memory_space<vmem>>, vector<1x16xf32>,
    %get3A_1210 = vector.shape_cast %get3A_1209 : vector<1x16xf32> to vector<16xf32>
    %add3A_1211 = arith.addf %add3A_1205, %get3A_1210 : vector<16xf32>
    %get3A_1212 = arith.constant 41 : i32
    %get3A_1213 = arith.index_cast %get3A_1212 : i32 to index
    %get3A_1214 = arith.constant 32 : index
    %get3A_1215 = tpu.vector_load %arg10[%get3A_1213, %get3A_1214] {strides = array<i32>} : memref<96x64xf32, #tpu.memory_space<vmem>>, vector<1x16xf32>,
    %get3A_1216 = vector.shape_cast %get3A_1215 : vector<1x16xf32> to vector<16xf32>
    %add3A_1217 = arith.addf %add3A_1211, %get3A_1216 : vector<16xf32>
    %get3A_1218 = arith.constant 42 : i32
    %get3A_1219 = arith.index_cast %get3A_1218 : i32 to index
    %get3A_1220 = arith.constant 32 : index
    %get3A_1221 = tpu.vector_load %arg10[%get3A_1219, %get3A_1220] {strides = array<i32>} : memref<96x64xf32, #tpu.memory_space<vmem>>, vector<1x16xf32>,
    %get3A_1222 = vector.shape_cast %get3A_1221 : vector<1x16xf32> to vector<16xf32>
    %add3A_1223 = arith.addf %add3A_1217, %get3A_1222 : vector<16xf32>
    %get3A_1224 = arith.constant 43 : i32
    %get3A_1225 = arith.index_cast %get3A_1224 : i32 to index
    %get3A_1226 = arith.constant 32 : index
    %get3A_1227 = tpu.vector_load %arg10[%get3A_1225, %get3A_1226] {strides = array<i32>} : memref<96x64xf32, #tpu.memory_space<vmem>>, vector<1x16xf32>,
    %get3A_1228 = vector.shape_cast %get3A_1227 : vector<1x16xf32> to vector<16xf32>
    %add3A_1229 = arith.addf %add3A_1223, %get3A_1228 : vector<16xf32>
    %get3A_1230 = arith.constant 44 : i32
    %get3A_1231 = arith.index_cast %get3A_1230 : i32 to index
    %get3A_1232 = arith.constant 32 : index
    %get3A_1233 = tpu.vector_load %arg10[%get3A_1231, %get3A_1232] {strides = array<i32>} : memref<96x64xf32, #tpu.memory_space<vmem>>, vector<1x16xf32>,
    %get3A_1234 = vector.shape_cast %get3A_1233 : vector<1x16xf32> to vector<16xf32>
    %add3A_1235 = arith.addf %add3A_1229, %get3A_1234 : vector<16xf32>
    %get3A_1236 = arith.constant 45 : i32
    %get3A_1237 = arith.index_cast %get3A_1236 : i32 to index
    %get3A_1238 = arith.constant 32 : index
    %get3A_1239 = tpu.vector_load %arg10[%get3A_1237, %get3A_1238] {strides = array<i32>} : memref<96x64xf32, #tpu.memory_space<vmem>>, vector<1x16xf32>,
    %get3A_1240 = vector.shape_cast %get3A_1239 : vector<1x16xf32> to vector<16xf32>
    %add3A_1241 = arith.addf %add3A_1235, %get3A_1240 : vector<16xf32>
    %get3A_1242 = arith.constant 46 : i32
    %get3A_1243 = arith.index_cast %get3A_1242 : i32 to index
    %get3A_1244 = arith.constant 32 : index
    %get3A_1245 = tpu.vector_load %arg10[%get3A_1243, %get3A_1244] {strides = array<i32>} : memref<96x64xf32, #tpu.memory_space<vmem>>, vector<1x16xf32>,
    %get3A_1246 = vector.shape_cast %get3A_1245 : vector<1x16xf32> to vector<16xf32>
    %add3A_1247 = arith.addf %add3A_1241, %get3A_1246 : vector<16xf32>
    %get3A_1248 = arith.constant 47 : i32
    %get3A_1249 = arith.index_cast %get3A_1248 : i32 to index
    %get3A_1250 = arith.constant 32 : index
    %get3A_1251 = tpu.vector_load %arg10[%get3A_1249, %get3A_1250] {strides = array<i32>} : memref<96x64xf32, #tpu.memory_space<vmem>>, vector<1x16xf32>,
    %get3A_1252 = vector.shape_cast %get3A_1251 : vector<1x16xf32> to vector<16xf32>
    %add3A_1253 = arith.addf %add3A_1247, %get3A_1252 : vector<16xf32>
    %swap3A_1254 = arith.constant 3 : i32
    %swap3A_1255 = arith.index_cast %swap3A_1254 : i32 to index
    %swap3A_1256 = arith.constant 32 : index
    %swap3A_1257 = tpu.vector_load %arg11[%swap3A_1255, %swap3A_1256] {strides = array<i32>} : memref<8x64xf32, #tpu.memory_space<vmem>>, vector<1x16xf32>,
    %swap3A_1258 = vector.shape_cast %swap3A_1257 : vector<1x16xf32> to vector<16xf32>
    %swap3A_1259 = vector.shape_cast %add3A_1253 : vector<16xf32> to vector<1x16xf32>
    tpu.vector_store %arg11[%swap3A_1255, %swap3A_1256], %swap3A_1259 {strides = array<i32>} : memref<8x64xf32, #tpu.memory_space<vmem>>, vector<1x16xf32>,
    %get3A_1260 = arith.constant 3 : i32
    %get3A_1261 = arith.index_cast %get3A_1260 : i32 to index
    %get3A_1262 = arith.constant 48 : index
    %get3A_1263 = tpu.vector_load %arg9[%get3A_1261, %get3A_1262] {strides = array<i32>} : memref<8x64xf32, #tpu.memory_space<vmem>>, vector<1x16xf32>,
    %get3A_1264 = vector.shape_cast %get3A_1263 : vector<1x16xf32> to vector<16xf32>
    %get3A_1265 = arith.constant 36 : i32
    %get3A_1266 = arith.index_cast %get3A_1265 : i32 to index
    %get3A_1267 = arith.constant 48 : index
    %get3A_1268 = tpu.vector_load %arg10[%get3A_1266, %get3A_1267] {strides = array<i32>} : memref<96x64xf32, #tpu.memory_space<vmem>>, vector<1x16xf32>,
    %get3A_1269 = vector.shape_cast %get3A_1268 : vector<1x16xf32> to vector<16xf32>
    %add3A_1270 = arith.addf %get3A_1264, %get3A_1269 : vector<16xf32>
    %get3A_1271 = arith.constant 37 : i32
    %get3A_1272 = arith.index_cast %get3A_1271 : i32 to index
    %get3A_1273 = arith.constant 48 : index
    %get3A_1274 = tpu.vector_load %arg10[%get3A_1272, %get3A_1273] {strides = array<i32>} : memref<96x64xf32, #tpu.memory_space<vmem>>, vector<1x16xf32>,
    %get3A_1275 = vector.shape_cast %get3A_1274 : vector<1x16xf32> to vector<16xf32>
    %add3A_1276 = arith.addf %add3A_1270, %get3A_1275 : vector<16xf32>
    %get3A_1277 = arith.constant 38 : i32
    %get3A_1278 = arith.index_cast %get3A_1277 : i32 to index
    %get3A_1279 = arith.constant 48 : index
    %get3A_1280 = tpu.vector_load %arg10[%get3A_1278, %get3A_1279] {strides = array<i32>} : memref<96x64xf32, #tpu.memory_space<vmem>>, vector<1x16xf32>,
    %get3A_1281 = vector.shape_cast %get3A_1280 : vector<1x16xf32> to vector<16xf32>
    %add3A_1282 = arith.addf %add3A_1276, %get3A_1281 : vector<16xf32>
    %get3A_1283 = arith.constant 39 : i32
    %get3A_1284 = arith.index_cast %get3A_1283 : i32 to index
    %get3A_1285 = arith.constant 48 : index
    %get3A_1286 = tpu.vector_load %arg10[%get3A_1284, %get3A_1285] {strides = array<i32>} : memref<96x64xf32, #tpu.memory_space<vmem>>, vector<1x16xf32>,
    %get3A_1287 = vector.shape_cast %get3A_1286 : vector<1x16xf32> to vector<16xf32>
    %add3A_1288 = arith.addf %add3A_1282, %get3A_1287 : vector<16xf32>
    %get3A_1289 = arith.constant 40 : i32
    %get3A_1290 = arith.index_cast %get3A_1289 : i32 to index
    %get3A_1291 = arith.constant 48 : index
    %get3A_1292 = tpu.vector_load %arg10[%get3A_1290, %get3A_1291] {strides = array<i32>} : memref<96x64xf32, #tpu.memory_space<vmem>>, vector<1x16xf32>,
    %get3A_1293 = vector.shape_cast %get3A_1292 : vector<1x16xf32> to vector<16xf32>
    %add3A_1294 = arith.addf %add3A_1288, %get3A_1293 : vector<16xf32>
    %get3A_1295 = arith.constant 41 : i32
    %get3A_1296 = arith.index_cast %get3A_1295 : i32 to index
    %get3A_1297 = arith.constant 48 : index
    %get3A_1298 = tpu.vector_load %arg10[%get3A_1296, %get3A_1297] {strides = array<i32>} : memref<96x64xf32, #tpu.memory_space<vmem>>, vector<1x16xf32>,
    %get3A_1299 = vector.shape_cast %get3A_1298 : vector<1x16xf32> to vector<16xf32>
    %add3A_1300 = arith.addf %add3A_1294, %get3A_1299 : vector<16xf32>
    %get3A_1301 = arith.constant 42 : i32
    %get3A_1302 = arith.index_cast %get3A_1301 : i32 to index
    %get3A_1303 = arith.constant 48 : index
    %get3A_1304 = tpu.vector_load %arg10[%get3A_1302, %get3A_1303] {strides = array<i32>} : memref<96x64xf32, #tpu.memory_space<vmem>>, vector<1x16xf32>,
    %get3A_1305 = vector.shape_cast %get3A_1304 : vector<1x16xf32> to vector<16xf32>
    %add3A_1306 = arith.addf %add3A_1300, %get3A_1305 : vector<16xf32>
    %get3A_1307 = arith.constant 43 : i32
    %get3A_1308 = arith.index_cast %get3A_1307 : i32 to index
    %get3A_1309 = arith.constant 48 : index
    %get3A_1310 = tpu.vector_load %arg10[%get3A_1308, %get3A_1309] {strides = array<i32>} : memref<96x64xf32, #tpu.memory_space<vmem>>, vector<1x16xf32>,
    %get3A_1311 = vector.shape_cast %get3A_1310 : vector<1x16xf32> to vector<16xf32>
    %add3A_1312 = arith.addf %add3A_1306, %get3A_1311 : vector<16xf32>
    %get3A_1313 = arith.constant 44 : i32
    %get3A_1314 = arith.index_cast %get3A_1313 : i32 to index
    %get3A_1315 = arith.constant 48 : index
    %get3A_1316 = tpu.vector_load %arg10[%get3A_1314, %get3A_1315] {strides = array<i32>} : memref<96x64xf32, #tpu.memory_space<vmem>>, vector<1x16xf32>,
    %get3A_1317 = vector.shape_cast %get3A_1316 : vector<1x16xf32> to vector<16xf32>
    %add3A_1318 = arith.addf %add3A_1312, %get3A_1317 : vector<16xf32>
    %get3A_1319 = arith.constant 45 : i32
    %get3A_1320 = arith.index_cast %get3A_1319 : i32 to index
    %get3A_1321 = arith.constant 48 : index
    %get3A_1322 = tpu.vector_load %arg10[%get3A_1320, %get3A_1321] {strides = array<i32>} : memref<96x64xf32, #tpu.memory_space<vmem>>, vector<1x16xf32>,
    %get3A_1323 = vector.shape_cast %get3A_1322 : vector<1x16xf32> to vector<16xf32>
    %add3A_1324 = arith.addf %add3A_1318, %get3A_1323 : vector<16xf32>
    %get3A_1325 = arith.constant 46 : i32
    %get3A_1326 = arith.index_cast %get3A_1325 : i32 to index
    %get3A_1327 = arith.constant 48 : index
    %get3A_1328 = tpu.vector_load %arg10[%get3A_1326, %get3A_1327] {strides = array<i32>} : memref<96x64xf32, #tpu.memory_space<vmem>>, vector<1x16xf32>,
    %get3A_1329 = vector.shape_cast %get3A_1328 : vector<1x16xf32> to vector<16xf32>
    %add3A_1330 = arith.addf %add3A_1324, %get3A_1329 : vector<16xf32>
    %get3A_1331 = arith.constant 47 : i32
    %get3A_1332 = arith.index_cast %get3A_1331 : i32 to index
    %get3A_1333 = arith.constant 48 : index
    %get3A_1334 = tpu.vector_load %arg10[%get3A_1332, %get3A_1333] {strides = array<i32>} : memref<96x64xf32, #tpu.memory_space<vmem>>, vector<1x16xf32>,
    %get3A_1335 = vector.shape_cast %get3A_1334 : vector<1x16xf32> to vector<16xf32>
    %add3A_1336 = arith.addf %add3A_1330, %get3A_1335 : vector<16xf32>
    %swap3A_1337 = arith.constant 3 : i32
    %swap3A_1338 = arith.index_cast %swap3A_1337 : i32 to index
    %swap3A_1339 = arith.constant 48 : index
    %swap3A_1340 = tpu.vector_load %arg11[%swap3A_1338, %swap3A_1339] {strides = array<i32>} : memref<8x64xf32, #tpu.memory_space<vmem>>, vector<1x16xf32>,
    %swap3A_1341 = vector.shape_cast %swap3A_1340 : vector<1x16xf32> to vector<16xf32>
    %swap3A_1342 = vector.shape_cast %add3A_1336 : vector<16xf32> to vector<1x16xf32>
    tpu.vector_store %arg11[%swap3A_1338, %swap3A_1339], %swap3A_1342 {strides = array<i32>} : memref<8x64xf32, #tpu.memory_space<vmem>>, vector<1x16xf32>,
    %get3A_1343 = arith.constant 4 : i32
    %get3A_1344 = arith.index_cast %get3A_1343 : i32 to index
    %get3A_1345 = arith.constant 0 : index
    %get3A_1346 = tpu.vector_load %arg9[%get3A_1344, %get3A_1345] {strides = array<i32>} : memref<8x64xf32, #tpu.memory_space<vmem>>, vector<1x16xf32>,
    %get3A_1347 = vector.shape_cast %get3A_1346 : vector<1x16xf32> to vector<16xf32>
    %get3A_1348 = arith.constant 48 : i32
    %get3A_1349 = arith.index_cast %get3A_1348 : i32 to index
    %get3A_1350 = arith.constant 0 : index
    %get3A_1351 = tpu.vector_load %arg10[%get3A_1349, %get3A_1350] {strides = array<i32>} : memref<96x64xf32, #tpu.memory_space<vmem>>, vector<1x16xf32>,
    %get3A_1352 = vector.shape_cast %get3A_1351 : vector<1x16xf32> to vector<16xf32>
    %add3A_1353 = arith.addf %get3A_1347, %get3A_1352 : vector<16xf32>
    %get3A_1354 = arith.constant 49 : i32
    %get3A_1355 = arith.index_cast %get3A_1354 : i32 to index
    %get3A_1356 = arith.constant 0 : index
    %get3A_1357 = tpu.vector_load %arg10[%get3A_1355, %get3A_1356] {strides = array<i32>} : memref<96x64xf32, #tpu.memory_space<vmem>>, vector<1x16xf32>,
    %get3A_1358 = vector.shape_cast %get3A_1357 : vector<1x16xf32> to vector<16xf32>
    %add3A_1359 = arith.addf %add3A_1353, %get3A_1358 : vector<16xf32>
    %get3A_1360 = arith.constant 50 : i32
    %get3A_1361 = arith.index_cast %get3A_1360 : i32 to index
    %get3A_1362 = arith.constant 0 : index
    %get3A_1363 = tpu.vector_load %arg10[%get3A_1361, %get3A_1362] {strides = array<i32>} : memref<96x64xf32, #tpu.memory_space<vmem>>, vector<1x16xf32>,
    %get3A_1364 = vector.shape_cast %get3A_1363 : vector<1x16xf32> to vector<16xf32>
    %add3A_1365 = arith.addf %add3A_1359, %get3A_1364 : vector<16xf32>
    %get3A_1366 = arith.constant 51 : i32
    %get3A_1367 = arith.index_cast %get3A_1366 : i32 to index
    %get3A_1368 = arith.constant 0 : index
    %get3A_1369 = tpu.vector_load %arg10[%get3A_1367, %get3A_1368] {strides = array<i32>} : memref<96x64xf32, #tpu.memory_space<vmem>>, vector<1x16xf32>,
    %get3A_1370 = vector.shape_cast %get3A_1369 : vector<1x16xf32> to vector<16xf32>
    %add3A_1371 = arith.addf %add3A_1365, %get3A_1370 : vector<16xf32>
    %get3A_1372 = arith.constant 52 : i32
    %get3A_1373 = arith.index_cast %get3A_1372 : i32 to index
    %get3A_1374 = arith.constant 0 : index
    %get3A_1375 = tpu.vector_load %arg10[%get3A_1373, %get3A_1374] {strides = array<i32>} : memref<96x64xf32, #tpu.memory_space<vmem>>, vector<1x16xf32>,
    %get3A_1376 = vector.shape_cast %get3A_1375 : vector<1x16xf32> to vector<16xf32>
    %add3A_1377 = arith.addf %add3A_1371, %get3A_1376 : vector<16xf32>
    %get3A_1378 = arith.constant 53 : i32
    %get3A_1379 = arith.index_cast %get3A_1378 : i32 to index
    %get3A_1380 = arith.constant 0 : index
    %get3A_1381 = tpu.vector_load %arg10[%get3A_1379, %get3A_1380] {strides = array<i32>} : memref<96x64xf32, #tpu.memory_space<vmem>>, vector<1x16xf32>,
    %get3A_1382 = vector.shape_cast %get3A_1381 : vector<1x16xf32> to vector<16xf32>
    %add3A_1383 = arith.addf %add3A_1377, %get3A_1382 : vector<16xf32>
    %get3A_1384 = arith.constant 54 : i32
    %get3A_1385 = arith.index_cast %get3A_1384 : i32 to index
    %get3A_1386 = arith.constant 0 : index
    %get3A_1387 = tpu.vector_load %arg10[%get3A_1385, %get3A_1386] {strides = array<i32>} : memref<96x64xf32, #tpu.memory_space<vmem>>, vector<1x16xf32>,
    %get3A_1388 = vector.shape_cast %get3A_1387 : vector<1x16xf32> to vector<16xf32>
    %add3A_1389 = arith.addf %add3A_1383, %get3A_1388 : vector<16xf32>
    %get3A_1390 = arith.constant 55 : i32
    %get3A_1391 = arith.index_cast %get3A_1390 : i32 to index
    %get3A_1392 = arith.constant 0 : index
    %get3A_1393 = tpu.vector_load %arg10[%get3A_1391, %get3A_1392] {strides = array<i32>} : memref<96x64xf32, #tpu.memory_space<vmem>>, vector<1x16xf32>,
    %get3A_1394 = vector.shape_cast %get3A_1393 : vector<1x16xf32> to vector<16xf32>
    %add3A_1395 = arith.addf %add3A_1389, %get3A_1394 : vector<16xf32>
    %get3A_1396 = arith.constant 56 : i32
    %get3A_1397 = arith.index_cast %get3A_1396 : i32 to index
    %get3A_1398 = arith.constant 0 : index
    %get3A_1399 = tpu.vector_load %arg10[%get3A_1397, %get3A_1398] {strides = array<i32>} : memref<96x64xf32, #tpu.memory_space<vmem>>, vector<1x16xf32>,
    %get3A_1400 = vector.shape_cast %get3A_1399 : vector<1x16xf32> to vector<16xf32>
    %add3A_1401 = arith.addf %add3A_1395, %get3A_1400 : vector<16xf32>
    %get3A_1402 = arith.constant 57 : i32
    %get3A_1403 = arith.index_cast %get3A_1402 : i32 to index
    %get3A_1404 = arith.constant 0 : index
    %get3A_1405 = tpu.vector_load %arg10[%get3A_1403, %get3A_1404] {strides = array<i32>} : memref<96x64xf32, #tpu.memory_space<vmem>>, vector<1x16xf32>,
    %get3A_1406 = vector.shape_cast %get3A_1405 : vector<1x16xf32> to vector<16xf32>
    %add3A_1407 = arith.addf %add3A_1401, %get3A_1406 : vector<16xf32>
    %get3A_1408 = arith.constant 58 : i32
    %get3A_1409 = arith.index_cast %get3A_1408 : i32 to index
    %get3A_1410 = arith.constant 0 : index
    %get3A_1411 = tpu.vector_load %arg10[%get3A_1409, %get3A_1410] {strides = array<i32>} : memref<96x64xf32, #tpu.memory_space<vmem>>, vector<1x16xf32>,
    %get3A_1412 = vector.shape_cast %get3A_1411 : vector<1x16xf32> to vector<16xf32>
    %add3A_1413 = arith.addf %add3A_1407, %get3A_1412 : vector<16xf32>
    %get3A_1414 = arith.constant 59 : i32
    %get3A_1415 = arith.index_cast %get3A_1414 : i32 to index
    %get3A_1416 = arith.constant 0 : index
    %get3A_1417 = tpu.vector_load %arg10[%get3A_1415, %get3A_1416] {strides = array<i32>} : memref<96x64xf32, #tpu.memory_space<vmem>>, vector<1x16xf32>,
    %get3A_1418 = vector.shape_cast %get3A_1417 : vector<1x16xf32> to vector<16xf32>
    %add3A_1419 = arith.addf %add3A_1413, %get3A_1418 : vector<16xf32>
    %swap3A_1420 = arith.constant 4 : i32
    %swap3A_1421 = arith.index_cast %swap3A_1420 : i32 to index
    %swap3A_1422 = arith.constant 0 : index
    %swap3A_1423 = tpu.vector_load %arg11[%swap3A_1421, %swap3A_1422] {strides = array<i32>} : memref<8x64xf32, #tpu.memory_space<vmem>>, vector<1x16xf32>,
    %swap3A_1424 = vector.shape_cast %swap3A_1423 : vector<1x16xf32> to vector<16xf32>
    %swap3A_1425 = vector.shape_cast %add3A_1419 : vector<16xf32> to vector<1x16xf32>
    tpu.vector_store %arg11[%swap3A_1421, %swap3A_1422], %swap3A_1425 {strides = array<i32>} : memref<8x64xf32, #tpu.memory_space<vmem>>, vector<1x16xf32>,
    %get3A_1426 = arith.constant 4 : i32
    %get3A_1427 = arith.index_cast %get3A_1426 : i32 to index
    %get3A_1428 = arith.constant 16 : index
    %get3A_1429 = tpu.vector_load %arg9[%get3A_1427, %get3A_1428] {strides = array<i32>} : memref<8x64xf32, #tpu.memory_space<vmem>>, vector<1x16xf32>,
    %get3A_1430 = vector.shape_cast %get3A_1429 : vector<1x16xf32> to vector<16xf32>
    %get3A_1431 = arith.constant 48 : i32
    %get3A_1432 = arith.index_cast %get3A_1431 : i32 to index
    %get3A_1433 = arith.constant 16 : index
    %get3A_1434 = tpu.vector_load %arg10[%get3A_1432, %get3A_1433] {strides = array<i32>} : memref<96x64xf32, #tpu.memory_space<vmem>>, vector<1x16xf32>,
    %get3A_1435 = vector.shape_cast %get3A_1434 : vector<1x16xf32> to vector<16xf32>
    %add3A_1436 = arith.addf %get3A_1430, %get3A_1435 : vector<16xf32>
    %get3A_1437 = arith.constant 49 : i32
    %get3A_1438 = arith.index_cast %get3A_1437 : i32 to index
    %get3A_1439 = arith.constant 16 : index
    %get3A_1440 = tpu.vector_load %arg10[%get3A_1438, %get3A_1439] {strides = array<i32>} : memref<96x64xf32, #tpu.memory_space<vmem>>, vector<1x16xf32>,
    %get3A_1441 = vector.shape_cast %get3A_1440 : vector<1x16xf32> to vector<16xf32>
    %add3A_1442 = arith.addf %add3A_1436, %get3A_1441 : vector<16xf32>
    %get3A_1443 = arith.constant 50 : i32
    %get3A_1444 = arith.index_cast %get3A_1443 : i32 to index
    %get3A_1445 = arith.constant 16 : index
    %get3A_1446 = tpu.vector_load %arg10[%get3A_1444, %get3A_1445] {strides = array<i32>} : memref<96x64xf32, #tpu.memory_space<vmem>>, vector<1x16xf32>,
    %get3A_1447 = vector.shape_cast %get3A_1446 : vector<1x16xf32> to vector<16xf32>
    %add3A_1448 = arith.addf %add3A_1442, %get3A_1447 : vector<16xf32>
    %get3A_1449 = arith.constant 51 : i32
    %get3A_1450 = arith.index_cast %get3A_1449 : i32 to index
    %get3A_1451 = arith.constant 16 : index
    %get3A_1452 = tpu.vector_load %arg10[%get3A_1450, %get3A_1451] {strides = array<i32>} : memref<96x64xf32, #tpu.memory_space<vmem>>, vector<1x16xf32>,
    %get3A_1453 = vector.shape_cast %get3A_1452 : vector<1x16xf32> to vector<16xf32>
    %add3A_1454 = arith.addf %add3A_1448, %get3A_1453 : vector<16xf32>
    %get3A_1455 = arith.constant 52 : i32
    %get3A_1456 = arith.index_cast %get3A_1455 : i32 to index
    %get3A_1457 = arith.constant 16 : index
    %get3A_1458 = tpu.vector_load %arg10[%get3A_1456, %get3A_1457] {strides = array<i32>} : memref<96x64xf32, #tpu.memory_space<vmem>>, vector<1x16xf32>,
    %get3A_1459 = vector.shape_cast %get3A_1458 : vector<1x16xf32> to vector<16xf32>
    %add3A_1460 = arith.addf %add3A_1454, %get3A_1459 : vector<16xf32>
    %get3A_1461 = arith.constant 53 : i32
    %get3A_1462 = arith.index_cast %get3A_1461 : i32 to index
    %get3A_1463 = arith.constant 16 : index
    %get3A_1464 = tpu.vector_load %arg10[%get3A_1462, %get3A_1463] {strides = array<i32>} : memref<96x64xf32, #tpu.memory_space<vmem>>, vector<1x16xf32>,
    %get3A_1465 = vector.shape_cast %get3A_1464 : vector<1x16xf32> to vector<16xf32>
    %add3A_1466 = arith.addf %add3A_1460, %get3A_1465 : vector<16xf32>
    %get3A_1467 = arith.constant 54 : i32
    %get3A_1468 = arith.index_cast %get3A_1467 : i32 to index
    %get3A_1469 = arith.constant 16 : index
    %get3A_1470 = tpu.vector_load %arg10[%get3A_1468, %get3A_1469] {strides = array<i32>} : memref<96x64xf32, #tpu.memory_space<vmem>>, vector<1x16xf32>,
    %get3A_1471 = vector.shape_cast %get3A_1470 : vector<1x16xf32> to vector<16xf32>
    %add3A_1472 = arith.addf %add3A_1466, %get3A_1471 : vector<16xf32>
    %get3A_1473 = arith.constant 55 : i32
    %get3A_1474 = arith.index_cast %get3A_1473 : i32 to index
    %get3A_1475 = arith.constant 16 : index
    %get3A_1476 = tpu.vector_load %arg10[%get3A_1474, %get3A_1475] {strides = array<i32>} : memref<96x64xf32, #tpu.memory_space<vmem>>, vector<1x16xf32>,
    %get3A_1477 = vector.shape_cast %get3A_1476 : vector<1x16xf32> to vector<16xf32>
    %add3A_1478 = arith.addf %add3A_1472, %get3A_1477 : vector<16xf32>
    %get3A_1479 = arith.constant 56 : i32
    %get3A_1480 = arith.index_cast %get3A_1479 : i32 to index
    %get3A_1481 = arith.constant 16 : index
    %get3A_1482 = tpu.vector_load %arg10[%get3A_1480, %get3A_1481] {strides = array<i32>} : memref<96x64xf32, #tpu.memory_space<vmem>>, vector<1x16xf32>,
    %get3A_1483 = vector.shape_cast %get3A_1482 : vector<1x16xf32> to vector<16xf32>
    %add3A_1484 = arith.addf %add3A_1478, %get3A_1483 : vector<16xf32>
    %get3A_1485 = arith.constant 57 : i32
    %get3A_1486 = arith.index_cast %get3A_1485 : i32 to index
    %get3A_1487 = arith.constant 16 : index
    %get3A_1488 = tpu.vector_load %arg10[%get3A_1486, %get3A_1487] {strides = array<i32>} : memref<96x64xf32, #tpu.memory_space<vmem>>, vector<1x16xf32>,
    %get3A_1489 = vector.shape_cast %get3A_1488 : vector<1x16xf32> to vector<16xf32>
    %add3A_1490 = arith.addf %add3A_1484, %get3A_1489 : vector<16xf32>
    %get3A_1491 = arith.constant 58 : i32
    %get3A_1492 = arith.index_cast %get3A_1491 : i32 to index
    %get3A_1493 = arith.constant 16 : index
    %get3A_1494 = tpu.vector_load %arg10[%get3A_1492, %get3A_1493] {strides = array<i32>} : memref<96x64xf32, #tpu.memory_space<vmem>>, vector<1x16xf32>,
    %get3A_1495 = vector.shape_cast %get3A_1494 : vector<1x16xf32> to vector<16xf32>
    %add3A_1496 = arith.addf %add3A_1490, %get3A_1495 : vector<16xf32>
    %get3A_1497 = arith.constant 59 : i32
    %get3A_1498 = arith.index_cast %get3A_1497 : i32 to index
    %get3A_1499 = arith.constant 16 : index
    %get3A_1500 = tpu.vector_load %arg10[%get3A_1498, %get3A_1499] {strides = array<i32>} : memref<96x64xf32, #tpu.memory_space<vmem>>, vector<1x16xf32>,
    %get3A_1501 = vector.shape_cast %get3A_1500 : vector<1x16xf32> to vector<16xf32>
    %add3A_1502 = arith.addf %add3A_1496, %get3A_1501 : vector<16xf32>
    %swap3A_1503 = arith.constant 4 : i32
    %swap3A_1504 = arith.index_cast %swap3A_1503 : i32 to index
    %swap3A_1505 = arith.constant 16 : index
    %swap3A_1506 = tpu.vector_load %arg11[%swap3A_1504, %swap3A_1505] {strides = array<i32>} : memref<8x64xf32, #tpu.memory_space<vmem>>, vector<1x16xf32>,
    %swap3A_1507 = vector.shape_cast %swap3A_1506 : vector<1x16xf32> to vector<16xf32>
    %swap3A_1508 = vector.shape_cast %add3A_1502 : vector<16xf32> to vector<1x16xf32>
    tpu.vector_store %arg11[%swap3A_1504, %swap3A_1505], %swap3A_1508 {strides = array<i32>} : memref<8x64xf32, #tpu.memory_space<vmem>>, vector<1x16xf32>,
    %get3A_1509 = arith.constant 4 : i32
    %get3A_1510 = arith.index_cast %get3A_1509 : i32 to index
    %get3A_1511 = arith.constant 32 : index
    %get3A_1512 = tpu.vector_load %arg9[%get3A_1510, %get3A_1511] {strides = array<i32>} : memref<8x64xf32, #tpu.memory_space<vmem>>, vector<1x16xf32>,
    %get3A_1513 = vector.shape_cast %get3A_1512 : vector<1x16xf32> to vector<16xf32>
    %get3A_1514 = arith.constant 48 : i32
    %get3A_1515 = arith.index_cast %get3A_1514 : i32 to index
    %get3A_1516 = arith.constant 32 : index
    %get3A_1517 = tpu.vector_load %arg10[%get3A_1515, %get3A_1516] {strides = array<i32>} : memref<96x64xf32, #tpu.memory_space<vmem>>, vector<1x16xf32>,
    %get3A_1518 = vector.shape_cast %get3A_1517 : vector<1x16xf32> to vector<16xf32>
    %add3A_1519 = arith.addf %get3A_1513, %get3A_1518 : vector<16xf32>
    %get3A_1520 = arith.constant 49 : i32
    %get3A_1521 = arith.index_cast %get3A_1520 : i32 to index
    %get3A_1522 = arith.constant 32 : index
    %get3A_1523 = tpu.vector_load %arg10[%get3A_1521, %get3A_1522] {strides = array<i32>} : memref<96x64xf32, #tpu.memory_space<vmem>>, vector<1x16xf32>,
    %get3A_1524 = vector.shape_cast %get3A_1523 : vector<1x16xf32> to vector<16xf32>
    %add3A_1525 = arith.addf %add3A_1519, %get3A_1524 : vector<16xf32>
    %get3A_1526 = arith.constant 50 : i32
    %get3A_1527 = arith.index_cast %get3A_1526 : i32 to index
    %get3A_1528 = arith.constant 32 : index
    %get3A_1529 = tpu.vector_load %arg10[%get3A_1527, %get3A_1528] {strides = array<i32>} : memref<96x64xf32, #tpu.memory_space<vmem>>, vector<1x16xf32>,
    %get3A_1530 = vector.shape_cast %get3A_1529 : vector<1x16xf32> to vector<16xf32>
    %add3A_1531 = arith.addf %add3A_1525, %get3A_1530 : vector<16xf32>
    %get3A_1532 = arith.constant 51 : i32
    %get3A_1533 = arith.index_cast %get3A_1532 : i32 to index
    %get3A_1534 = arith.constant 32 : index
    %get3A_1535 = tpu.vector_load %arg10[%get3A_1533, %get3A_1534] {strides = array<i32>} : memref<96x64xf32, #tpu.memory_space<vmem>>, vector<1x16xf32>,
    %get3A_1536 = vector.shape_cast %get3A_1535 : vector<1x16xf32> to vector<16xf32>
    %add3A_1537 = arith.addf %add3A_1531, %get3A_1536 : vector<16xf32>
    %get3A_1538 = arith.constant 52 : i32
    %get3A_1539 = arith.index_cast %get3A_1538 : i32 to index
    %get3A_1540 = arith.constant 32 : index
    %get3A_1541 = tpu.vector_load %arg10[%get3A_1539, %get3A_1540] {strides = array<i32>} : memref<96x64xf32, #tpu.memory_space<vmem>>, vector<1x16xf32>,
    %get3A_1542 = vector.shape_cast %get3A_1541 : vector<1x16xf32> to vector<16xf32>
    %add3A_1543 = arith.addf %add3A_1537, %get3A_1542 : vector<16xf32>
    %get3A_1544 = arith.constant 53 : i32
    %get3A_1545 = arith.index_cast %get3A_1544 : i32 to index
    %get3A_1546 = arith.constant 32 : index
    %get3A_1547 = tpu.vector_load %arg10[%get3A_1545, %get3A_1546] {strides = array<i32>} : memref<96x64xf32, #tpu.memory_space<vmem>>, vector<1x16xf32>,
    %get3A_1548 = vector.shape_cast %get3A_1547 : vector<1x16xf32> to vector<16xf32>
    %add3A_1549 = arith.addf %add3A_1543, %get3A_1548 : vector<16xf32>
    %get3A_1550 = arith.constant 54 : i32
    %get3A_1551 = arith.index_cast %get3A_1550 : i32 to index
    %get3A_1552 = arith.constant 32 : index
    %get3A_1553 = tpu.vector_load %arg10[%get3A_1551, %get3A_1552] {strides = array<i32>} : memref<96x64xf32, #tpu.memory_space<vmem>>, vector<1x16xf32>,
    %get3A_1554 = vector.shape_cast %get3A_1553 : vector<1x16xf32> to vector<16xf32>
    %add3A_1555 = arith.addf %add3A_1549, %get3A_1554 : vector<16xf32>
    %get3A_1556 = arith.constant 55 : i32
    %get3A_1557 = arith.index_cast %get3A_1556 : i32 to index
    %get3A_1558 = arith.constant 32 : index
    %get3A_1559 = tpu.vector_load %arg10[%get3A_1557, %get3A_1558] {strides = array<i32>} : memref<96x64xf32, #tpu.memory_space<vmem>>, vector<1x16xf32>,
    %get3A_1560 = vector.shape_cast %get3A_1559 : vector<1x16xf32> to vector<16xf32>
    %add3A_1561 = arith.addf %add3A_1555, %get3A_1560 : vector<16xf32>
    %get3A_1562 = arith.constant 56 : i32
    %get3A_1563 = arith.index_cast %get3A_1562 : i32 to index
    %get3A_1564 = arith.constant 32 : index
    %get3A_1565 = tpu.vector_load %arg10[%get3A_1563, %get3A_1564] {strides = array<i32>} : memref<96x64xf32, #tpu.memory_space<vmem>>, vector<1x16xf32>,
    %get3A_1566 = vector.shape_cast %get3A_1565 : vector<1x16xf32> to vector<16xf32>
    %add3A_1567 = arith.addf %add3A_1561, %get3A_1566 : vector<16xf32>
    %get3A_1568 = arith.constant 57 : i32
    %get3A_1569 = arith.index_cast %get3A_1568 : i32 to index
    %get3A_1570 = arith.constant 32 : index
    %get3A_1571 = tpu.vector_load %arg10[%get3A_1569, %get3A_1570] {strides = array<i32>} : memref<96x64xf32, #tpu.memory_space<vmem>>, vector<1x16xf32>,
    %get3A_1572 = vector.shape_cast %get3A_1571 : vector<1x16xf32> to vector<16xf32>
    %add3A_1573 = arith.addf %add3A_1567, %get3A_1572 : vector<16xf32>
    %get3A_1574 = arith.constant 58 : i32
    %get3A_1575 = arith.index_cast %get3A_1574 : i32 to index
    %get3A_1576 = arith.constant 32 : index
    %get3A_1577 = tpu.vector_load %arg10[%get3A_1575, %get3A_1576] {strides = array<i32>} : memref<96x64xf32, #tpu.memory_space<vmem>>, vector<1x16xf32>,
    %get3A_1578 = vector.shape_cast %get3A_1577 : vector<1x16xf32> to vector<16xf32>
    %add3A_1579 = arith.addf %add3A_1573, %get3A_1578 : vector<16xf32>
    %get3A_1580 = arith.constant 59 : i32
    %get3A_1581 = arith.index_cast %get3A_1580 : i32 to index
    %get3A_1582 = arith.constant 32 : index
    %get3A_1583 = tpu.vector_load %arg10[%get3A_1581, %get3A_1582] {strides = array<i32>} : memref<96x64xf32, #tpu.memory_space<vmem>>, vector<1x16xf32>,
    %get3A_1584 = vector.shape_cast %get3A_1583 : vector<1x16xf32> to vector<16xf32>
    %add3A_1585 = arith.addf %add3A_1579, %get3A_1584 : vector<16xf32>
    %swap3A_1586 = arith.constant 4 : i32
    %swap3A_1587 = arith.index_cast %swap3A_1586 : i32 to index
    %swap3A_1588 = arith.constant 32 : index
    %swap3A_1589 = tpu.vector_load %arg11[%swap3A_1587, %swap3A_1588] {strides = array<i32>} : memref<8x64xf32, #tpu.memory_space<vmem>>, vector<1x16xf32>,
    %swap3A_1590 = vector.shape_cast %swap3A_1589 : vector<1x16xf32> to vector<16xf32>
    %swap3A_1591 = vector.shape_cast %add3A_1585 : vector<16xf32> to vector<1x16xf32>
    tpu.vector_store %arg11[%swap3A_1587, %swap3A_1588], %swap3A_1591 {strides = array<i32>} : memref<8x64xf32, #tpu.memory_space<vmem>>, vector<1x16xf32>,
    %get3A_1592 = arith.constant 4 : i32
    %get3A_1593 = arith.index_cast %get3A_1592 : i32 to index
    %get3A_1594 = arith.constant 48 : index
    %get3A_1595 = tpu.vector_load %arg9[%get3A_1593, %get3A_1594] {strides = array<i32>} : memref<8x64xf32, #tpu.memory_space<vmem>>, vector<1x16xf32>,
    %get3A_1596 = vector.shape_cast %get3A_1595 : vector<1x16xf32> to vector<16xf32>
    %get3A_1597 = arith.constant 48 : i32
    %get3A_1598 = arith.index_cast %get3A_1597 : i32 to index
    %get3A_1599 = arith.constant 48 : index
    %get3A_1600 = tpu.vector_load %arg10[%get3A_1598, %get3A_1599] {strides = array<i32>} : memref<96x64xf32, #tpu.memory_space<vmem>>, vector<1x16xf32>,
    %get3A_1601 = vector.shape_cast %get3A_1600 : vector<1x16xf32> to vector<16xf32>
    %add3A_1602 = arith.addf %get3A_1596, %get3A_1601 : vector<16xf32>
    %get3A_1603 = arith.constant 49 : i32
    %get3A_1604 = arith.index_cast %get3A_1603 : i32 to index
    %get3A_1605 = arith.constant 48 : index
    %get3A_1606 = tpu.vector_load %arg10[%get3A_1604, %get3A_1605] {strides = array<i32>} : memref<96x64xf32, #tpu.memory_space<vmem>>, vector<1x16xf32>,
    %get3A_1607 = vector.shape_cast %get3A_1606 : vector<1x16xf32> to vector<16xf32>
    %add3A_1608 = arith.addf %add3A_1602, %get3A_1607 : vector<16xf32>
    %get3A_1609 = arith.constant 50 : i32
    %get3A_1610 = arith.index_cast %get3A_1609 : i32 to index
    %get3A_1611 = arith.constant 48 : index
    %get3A_1612 = tpu.vector_load %arg10[%get3A_1610, %get3A_1611] {strides = array<i32>} : memref<96x64xf32, #tpu.memory_space<vmem>>, vector<1x16xf32>,
    %get3A_1613 = vector.shape_cast %get3A_1612 : vector<1x16xf32> to vector<16xf32>
    %add3A_1614 = arith.addf %add3A_1608, %get3A_1613 : vector<16xf32>
    %get3A_1615 = arith.constant 51 : i32
    %get3A_1616 = arith.index_cast %get3A_1615 : i32 to index
    %get3A_1617 = arith.constant 48 : index
    %get3A_1618 = tpu.vector_load %arg10[%get3A_1616, %get3A_1617] {strides = array<i32>} : memref<96x64xf32, #tpu.memory_space<vmem>>, vector<1x16xf32>,
    %get3A_1619 = vector.shape_cast %get3A_1618 : vector<1x16xf32> to vector<16xf32>
    %add3A_1620 = arith.addf %add3A_1614, %get3A_1619 : vector<16xf32>
    %get3A_1621 = arith.constant 52 : i32
    %get3A_1622 = arith.index_cast %get3A_1621 : i32 to index
    %get3A_1623 = arith.constant 48 : index
    %get3A_1624 = tpu.vector_load %arg10[%get3A_1622, %get3A_1623] {strides = array<i32>} : memref<96x64xf32, #tpu.memory_space<vmem>>, vector<1x16xf32>,
    %get3A_1625 = vector.shape_cast %get3A_1624 : vector<1x16xf32> to vector<16xf32>
    %add3A_1626 = arith.addf %add3A_1620, %get3A_1625 : vector<16xf32>
    %get3A_1627 = arith.constant 53 : i32
    %get3A_1628 = arith.index_cast %get3A_1627 : i32 to index
    %get3A_1629 = arith.constant 48 : index
    %get3A_1630 = tpu.vector_load %arg10[%get3A_1628, %get3A_1629] {strides = array<i32>} : memref<96x64xf32, #tpu.memory_space<vmem>>, vector<1x16xf32>,
    %get3A_1631 = vector.shape_cast %get3A_1630 : vector<1x16xf32> to vector<16xf32>
    %add3A_1632 = arith.addf %add3A_1626, %get3A_1631 : vector<16xf32>
    %get3A_1633 = arith.constant 54 : i32
    %get3A_1634 = arith.index_cast %get3A_1633 : i32 to index
    %get3A_1635 = arith.constant 48 : index
    %get3A_1636 = tpu.vector_load %arg10[%get3A_1634, %get3A_1635] {strides = array<i32>} : memref<96x64xf32, #tpu.memory_space<vmem>>, vector<1x16xf32>,
    %get3A_1637 = vector.shape_cast %get3A_1636 : vector<1x16xf32> to vector<16xf32>
    %add3A_1638 = arith.addf %add3A_1632, %get3A_1637 : vector<16xf32>
    %get3A_1639 = arith.constant 55 : i32
    %get3A_1640 = arith.index_cast %get3A_1639 : i32 to index
    %get3A_1641 = arith.constant 48 : index
    %get3A_1642 = tpu.vector_load %arg10[%get3A_1640, %get3A_1641] {strides = array<i32>} : memref<96x64xf32, #tpu.memory_space<vmem>>, vector<1x16xf32>,
    %get3A_1643 = vector.shape_cast %get3A_1642 : vector<1x16xf32> to vector<16xf32>
    %add3A_1644 = arith.addf %add3A_1638, %get3A_1643 : vector<16xf32>
    %get3A_1645 = arith.constant 56 : i32
    %get3A_1646 = arith.index_cast %get3A_1645 : i32 to index
    %get3A_1647 = arith.constant 48 : index
    %get3A_1648 = tpu.vector_load %arg10[%get3A_1646, %get3A_1647] {strides = array<i32>} : memref<96x64xf32, #tpu.memory_space<vmem>>, vector<1x16xf32>,
    %get3A_1649 = vector.shape_cast %get3A_1648 : vector<1x16xf32> to vector<16xf32>
    %add3A_1650 = arith.addf %add3A_1644, %get3A_1649 : vector<16xf32>
    %get3A_1651 = arith.constant 57 : i32
    %get3A_1652 = arith.index_cast %get3A_1651 : i32 to index
    %get3A_1653 = arith.constant 48 : index
    %get3A_1654 = tpu.vector_load %arg10[%get3A_1652, %get3A_1653] {strides = array<i32>} : memref<96x64xf32, #tpu.memory_space<vmem>>, vector<1x16xf32>,
    %get3A_1655 = vector.shape_cast %get3A_1654 : vector<1x16xf32> to vector<16xf32>
    %add3A_1656 = arith.addf %add3A_1650, %get3A_1655 : vector<16xf32>
    %get3A_1657 = arith.constant 58 : i32
    %get3A_1658 = arith.index_cast %get3A_1657 : i32 to index
    %get3A_1659 = arith.constant 48 : index
    %get3A_1660 = tpu.vector_load %arg10[%get3A_1658, %get3A_1659] {strides = array<i32>} : memref<96x64xf32, #tpu.memory_space<vmem>>, vector<1x16xf32>,
    %get3A_1661 = vector.shape_cast %get3A_1660 : vector<1x16xf32> to vector<16xf32>
    %add3A_1662 = arith.addf %add3A_1656, %get3A_1661 : vector<16xf32>
    %get3A_1663 = arith.constant 59 : i32
    %get3A_1664 = arith.index_cast %get3A_1663 : i32 to index
    %get3A_1665 = arith.constant 48 : index
    %get3A_1666 = tpu.vector_load %arg10[%get3A_1664, %get3A_1665] {strides = array<i32>} : memref<96x64xf32, #tpu.memory_space<vmem>>, vector<1x16xf32>,
    %get3A_1667 = vector.shape_cast %get3A_1666 : vector<1x16xf32> to vector<16xf32>
    %add3A_1668 = arith.addf %add3A_1662, %get3A_1667 : vector<16xf32>
    %swap3A_1669 = arith.constant 4 : i32
    %swap3A_1670 = arith.index_cast %swap3A_1669 : i32 to index
    %swap3A_1671 = arith.constant 48 : index
    %swap3A_1672 = tpu.vector_load %arg11[%swap3A_1670, %swap3A_1671] {strides = array<i32>} : memref<8x64xf32, #tpu.memory_space<vmem>>, vector<1x16xf32>,
    %swap3A_1673 = vector.shape_cast %swap3A_1672 : vector<1x16xf32> to vector<16xf32>
    %swap3A_1674 = vector.shape_cast %add3A_1668 : vector<16xf32> to vector<1x16xf32>
    tpu.vector_store %arg11[%swap3A_1670, %swap3A_1671], %swap3A_1674 {strides = array<i32>} : memref<8x64xf32, #tpu.memory_space<vmem>>, vector<1x16xf32>,
    %get3A_1675 = arith.constant 5 : i32
    %get3A_1676 = arith.index_cast %get3A_1675 : i32 to index
    %get3A_1677 = arith.constant 0 : index
    %get3A_1678 = tpu.vector_load %arg9[%get3A_1676, %get3A_1677] {strides = array<i32>} : memref<8x64xf32, #tpu.memory_space<vmem>>, vector<1x16xf32>,
    %get3A_1679 = vector.shape_cast %get3A_1678 : vector<1x16xf32> to vector<16xf32>
    %get3A_1680 = arith.constant 60 : i32
    %get3A_1681 = arith.index_cast %get3A_1680 : i32 to index
    %get3A_1682 = arith.constant 0 : index
    %get3A_1683 = tpu.vector_load %arg10[%get3A_1681, %get3A_1682] {strides = array<i32>} : memref<96x64xf32, #tpu.memory_space<vmem>>, vector<1x16xf32>,
    %get3A_1684 = vector.shape_cast %get3A_1683 : vector<1x16xf32> to vector<16xf32>
    %add3A_1685 = arith.addf %get3A_1679, %get3A_1684 : vector<16xf32>
    %get3A_1686 = arith.constant 61 : i32
    %get3A_1687 = arith.index_cast %get3A_1686 : i32 to index
    %get3A_1688 = arith.constant 0 : index
    %get3A_1689 = tpu.vector_load %arg10[%get3A_1687, %get3A_1688] {strides = array<i32>} : memref<96x64xf32, #tpu.memory_space<vmem>>, vector<1x16xf32>,
    %get3A_1690 = vector.shape_cast %get3A_1689 : vector<1x16xf32> to vector<16xf32>
    %add3A_1691 = arith.addf %add3A_1685, %get3A_1690 : vector<16xf32>
    %get3A_1692 = arith.constant 62 : i32
    %get3A_1693 = arith.index_cast %get3A_1692 : i32 to index
    %get3A_1694 = arith.constant 0 : index
    %get3A_1695 = tpu.vector_load %arg10[%get3A_1693, %get3A_1694] {strides = array<i32>} : memref<96x64xf32, #tpu.memory_space<vmem>>, vector<1x16xf32>,
    %get3A_1696 = vector.shape_cast %get3A_1695 : vector<1x16xf32> to vector<16xf32>
    %add3A_1697 = arith.addf %add3A_1691, %get3A_1696 : vector<16xf32>
    %get3A_1698 = arith.constant 63 : i32
    %get3A_1699 = arith.index_cast %get3A_1698 : i32 to index
    %get3A_1700 = arith.constant 0 : index
    %get3A_1701 = tpu.vector_load %arg10[%get3A_1699, %get3A_1700] {strides = array<i32>} : memref<96x64xf32, #tpu.memory_space<vmem>>, vector<1x16xf32>,
    %get3A_1702 = vector.shape_cast %get3A_1701 : vector<1x16xf32> to vector<16xf32>
    %add3A_1703 = arith.addf %add3A_1697, %get3A_1702 : vector<16xf32>
    %get3A_1704 = arith.constant 64 : i32
    %get3A_1705 = arith.index_cast %get3A_1704 : i32 to index
    %get3A_1706 = arith.constant 0 : index
    %get3A_1707 = tpu.vector_load %arg10[%get3A_1705, %get3A_1706] {strides = array<i32>} : memref<96x64xf32, #tpu.memory_space<vmem>>, vector<1x16xf32>,
    %get3A_1708 = vector.shape_cast %get3A_1707 : vector<1x16xf32> to vector<16xf32>
    %add3A_1709 = arith.addf %add3A_1703, %get3A_1708 : vector<16xf32>
    %get3A_1710 = arith.constant 65 : i32
    %get3A_1711 = arith.index_cast %get3A_1710 : i32 to index
    %get3A_1712 = arith.constant 0 : index
    %get3A_1713 = tpu.vector_load %arg10[%get3A_1711, %get3A_1712] {strides = array<i32>} : memref<96x64xf32, #tpu.memory_space<vmem>>, vector<1x16xf32>,
    %get3A_1714 = vector.shape_cast %get3A_1713 : vector<1x16xf32> to vector<16xf32>
    %add3A_1715 = arith.addf %add3A_1709, %get3A_1714 : vector<16xf32>
    %get3A_1716 = arith.constant 66 : i32
    %get3A_1717 = arith.index_cast %get3A_1716 : i32 to index
    %get3A_1718 = arith.constant 0 : index
    %get3A_1719 = tpu.vector_load %arg10[%get3A_1717, %get3A_1718] {strides = array<i32>} : memref<96x64xf32, #tpu.memory_space<vmem>>, vector<1x16xf32>,
    %get3A_1720 = vector.shape_cast %get3A_1719 : vector<1x16xf32> to vector<16xf32>
    %add3A_1721 = arith.addf %add3A_1715, %get3A_1720 : vector<16xf32>
    %get3A_1722 = arith.constant 67 : i32
    %get3A_1723 = arith.index_cast %get3A_1722 : i32 to index
    %get3A_1724 = arith.constant 0 : index
    %get3A_1725 = tpu.vector_load %arg10[%get3A_1723, %get3A_1724] {strides = array<i32>} : memref<96x64xf32, #tpu.memory_space<vmem>>, vector<1x16xf32>,
    %get3A_1726 = vector.shape_cast %get3A_1725 : vector<1x16xf32> to vector<16xf32>
    %add3A_1727 = arith.addf %add3A_1721, %get3A_1726 : vector<16xf32>
    %get3A_1728 = arith.constant 68 : i32
    %get3A_1729 = arith.index_cast %get3A_1728 : i32 to index
    %get3A_1730 = arith.constant 0 : index
    %get3A_1731 = tpu.vector_load %arg10[%get3A_1729, %get3A_1730] {strides = array<i32>} : memref<96x64xf32, #tpu.memory_space<vmem>>, vector<1x16xf32>,
    %get3A_1732 = vector.shape_cast %get3A_1731 : vector<1x16xf32> to vector<16xf32>
    %add3A_1733 = arith.addf %add3A_1727, %get3A_1732 : vector<16xf32>
    %get3A_1734 = arith.constant 69 : i32
    %get3A_1735 = arith.index_cast %get3A_1734 : i32 to index
    %get3A_1736 = arith.constant 0 : index
    %get3A_1737 = tpu.vector_load %arg10[%get3A_1735, %get3A_1736] {strides = array<i32>} : memref<96x64xf32, #tpu.memory_space<vmem>>, vector<1x16xf32>,
    %get3A_1738 = vector.shape_cast %get3A_1737 : vector<1x16xf32> to vector<16xf32>
    %add3A_1739 = arith.addf %add3A_1733, %get3A_1738 : vector<16xf32>
    %get3A_1740 = arith.constant 70 : i32
    %get3A_1741 = arith.index_cast %get3A_1740 : i32 to index
    %get3A_1742 = arith.constant 0 : index
    %get3A_1743 = tpu.vector_load %arg10[%get3A_1741, %get3A_1742] {strides = array<i32>} : memref<96x64xf32, #tpu.memory_space<vmem>>, vector<1x16xf32>,
    %get3A_1744 = vector.shape_cast %get3A_1743 : vector<1x16xf32> to vector<16xf32>
    %add3A_1745 = arith.addf %add3A_1739, %get3A_1744 : vector<16xf32>
    %get3A_1746 = arith.constant 71 : i32
    %get3A_1747 = arith.index_cast %get3A_1746 : i32 to index
    %get3A_1748 = arith.constant 0 : index
    %get3A_1749 = tpu.vector_load %arg10[%get3A_1747, %get3A_1748] {strides = array<i32>} : memref<96x64xf32, #tpu.memory_space<vmem>>, vector<1x16xf32>,
    %get3A_1750 = vector.shape_cast %get3A_1749 : vector<1x16xf32> to vector<16xf32>
    %add3A_1751 = arith.addf %add3A_1745, %get3A_1750 : vector<16xf32>
    %swap3A_1752 = arith.constant 5 : i32
    %swap3A_1753 = arith.index_cast %swap3A_1752 : i32 to index
    %swap3A_1754 = arith.constant 0 : index
    %swap3A_1755 = tpu.vector_load %arg11[%swap3A_1753, %swap3A_1754] {strides = array<i32>} : memref<8x64xf32, #tpu.memory_space<vmem>>, vector<1x16xf32>,
    %swap3A_1756 = vector.shape_cast %swap3A_1755 : vector<1x16xf32> to vector<16xf32>
    %swap3A_1757 = vector.shape_cast %add3A_1751 : vector<16xf32> to vector<1x16xf32>
    tpu.vector_store %arg11[%swap3A_1753, %swap3A_1754], %swap3A_1757 {strides = array<i32>} : memref<8x64xf32, #tpu.memory_space<vmem>>, vector<1x16xf32>,
    %get3A_1758 = arith.constant 5 : i32
    %get3A_1759 = arith.index_cast %get3A_1758 : i32 to index
    %get3A_1760 = arith.constant 16 : index
    %get3A_1761 = tpu.vector_load %arg9[%get3A_1759, %get3A_1760] {strides = array<i32>} : memref<8x64xf32, #tpu.memory_space<vmem>>, vector<1x16xf32>,
    %get3A_1762 = vector.shape_cast %get3A_1761 : vector<1x16xf32> to vector<16xf32>
    %get3A_1763 = arith.constant 60 : i32
    %get3A_1764 = arith.index_cast %get3A_1763 : i32 to index
    %get3A_1765 = arith.constant 16 : index
    %get3A_1766 = tpu.vector_load %arg10[%get3A_1764, %get3A_1765] {strides = array<i32>} : memref<96x64xf32, #tpu.memory_space<vmem>>, vector<1x16xf32>,
    %get3A_1767 = vector.shape_cast %get3A_1766 : vector<1x16xf32> to vector<16xf32>
    %add3A_1768 = arith.addf %get3A_1762, %get3A_1767 : vector<16xf32>
    %get3A_1769 = arith.constant 61 : i32
    %get3A_1770 = arith.index_cast %get3A_1769 : i32 to index
    %get3A_1771 = arith.constant 16 : index
    %get3A_1772 = tpu.vector_load %arg10[%get3A_1770, %get3A_1771] {strides = array<i32>} : memref<96x64xf32, #tpu.memory_space<vmem>>, vector<1x16xf32>,
    %get3A_1773 = vector.shape_cast %get3A_1772 : vector<1x16xf32> to vector<16xf32>
    %add3A_1774 = arith.addf %add3A_1768, %get3A_1773 : vector<16xf32>
    %get3A_1775 = arith.constant 62 : i32
    %get3A_1776 = arith.index_cast %get3A_1775 : i32 to index
    %get3A_1777 = arith.constant 16 : index
    %get3A_1778 = tpu.vector_load %arg10[%get3A_1776, %get3A_1777] {strides = array<i32>} : memref<96x64xf32, #tpu.memory_space<vmem>>, vector<1x16xf32>,
    %get3A_1779 = vector.shape_cast %get3A_1778 : vector<1x16xf32> to vector<16xf32>
    %add3A_1780 = arith.addf %add3A_1774, %get3A_1779 : vector<16xf32>
    %get3A_1781 = arith.constant 63 : i32
    %get3A_1782 = arith.index_cast %get3A_1781 : i32 to index
    %get3A_1783 = arith.constant 16 : index
    %get3A_1784 = tpu.vector_load %arg10[%get3A_1782, %get3A_1783] {strides = array<i32>} : memref<96x64xf32, #tpu.memory_space<vmem>>, vector<1x16xf32>,
    %get3A_1785 = vector.shape_cast %get3A_1784 : vector<1x16xf32> to vector<16xf32>
    %add3A_1786 = arith.addf %add3A_1780, %get3A_1785 : vector<16xf32>
    %get3A_1787 = arith.constant 64 : i32
    %get3A_1788 = arith.index_cast %get3A_1787 : i32 to index
    %get3A_1789 = arith.constant 16 : index
    %get3A_1790 = tpu.vector_load %arg10[%get3A_1788, %get3A_1789] {strides = array<i32>} : memref<96x64xf32, #tpu.memory_space<vmem>>, vector<1x16xf32>,
    %get3A_1791 = vector.shape_cast %get3A_1790 : vector<1x16xf32> to vector<16xf32>
    %add3A_1792 = arith.addf %add3A_1786, %get3A_1791 : vector<16xf32>
    %get3A_1793 = arith.constant 65 : i32
    %get3A_1794 = arith.index_cast %get3A_1793 : i32 to index
    %get3A_1795 = arith.constant 16 : index
    %get3A_1796 = tpu.vector_load %arg10[%get3A_1794, %get3A_1795] {strides = array<i32>} : memref<96x64xf32, #tpu.memory_space<vmem>>, vector<1x16xf32>,
    %get3A_1797 = vector.shape_cast %get3A_1796 : vector<1x16xf32> to vector<16xf32>
    %add3A_1798 = arith.addf %add3A_1792, %get3A_1797 : vector<16xf32>
    %get3A_1799 = arith.constant 66 : i32
    %get3A_1800 = arith.index_cast %get3A_1799 : i32 to index
    %get3A_1801 = arith.constant 16 : index
    %get3A_1802 = tpu.vector_load %arg10[%get3A_1800, %get3A_1801] {strides = array<i32>} : memref<96x64xf32, #tpu.memory_space<vmem>>, vector<1x16xf32>,
    %get3A_1803 = vector.shape_cast %get3A_1802 : vector<1x16xf32> to vector<16xf32>
    %add3A_1804 = arith.addf %add3A_1798, %get3A_1803 : vector<16xf32>
    %get3A_1805 = arith.constant 67 : i32
    %get3A_1806 = arith.index_cast %get3A_1805 : i32 to index
    %get3A_1807 = arith.constant 16 : index
    %get3A_1808 = tpu.vector_load %arg10[%get3A_1806, %get3A_1807] {strides = array<i32>} : memref<96x64xf32, #tpu.memory_space<vmem>>, vector<1x16xf32>,
    %get3A_1809 = vector.shape_cast %get3A_1808 : vector<1x16xf32> to vector<16xf32>
    %add3A_1810 = arith.addf %add3A_1804, %get3A_1809 : vector<16xf32>
    %get3A_1811 = arith.constant 68 : i32
    %get3A_1812 = arith.index_cast %get3A_1811 : i32 to index
    %get3A_1813 = arith.constant 16 : index
    %get3A_1814 = tpu.vector_load %arg10[%get3A_1812, %get3A_1813] {strides = array<i32>} : memref<96x64xf32, #tpu.memory_space<vmem>>, vector<1x16xf32>,
    %get3A_1815 = vector.shape_cast %get3A_1814 : vector<1x16xf32> to vector<16xf32>
    %add3A_1816 = arith.addf %add3A_1810, %get3A_1815 : vector<16xf32>
    %get3A_1817 = arith.constant 69 : i32
    %get3A_1818 = arith.index_cast %get3A_1817 : i32 to index
    %get3A_1819 = arith.constant 16 : index
    %get3A_1820 = tpu.vector_load %arg10[%get3A_1818, %get3A_1819] {strides = array<i32>} : memref<96x64xf32, #tpu.memory_space<vmem>>, vector<1x16xf32>,
    %get3A_1821 = vector.shape_cast %get3A_1820 : vector<1x16xf32> to vector<16xf32>
    %add3A_1822 = arith.addf %add3A_1816, %get3A_1821 : vector<16xf32>
    %get3A_1823 = arith.constant 70 : i32
    %get3A_1824 = arith.index_cast %get3A_1823 : i32 to index
    %get3A_1825 = arith.constant 16 : index
    %get3A_1826 = tpu.vector_load %arg10[%get3A_1824, %get3A_1825] {strides = array<i32>} : memref<96x64xf32, #tpu.memory_space<vmem>>, vector<1x16xf32>,
    %get3A_1827 = vector.shape_cast %get3A_1826 : vector<1x16xf32> to vector<16xf32>
    %add3A_1828 = arith.addf %add3A_1822, %get3A_1827 : vector<16xf32>
    %get3A_1829 = arith.constant 71 : i32
    %get3A_1830 = arith.index_cast %get3A_1829 : i32 to index
    %get3A_1831 = arith.constant 16 : index
    %get3A_1832 = tpu.vector_load %arg10[%get3A_1830, %get3A_1831] {strides = array<i32>} : memref<96x64xf32, #tpu.memory_space<vmem>>, vector<1x16xf32>,
    %get3A_1833 = vector.shape_cast %get3A_1832 : vector<1x16xf32> to vector<16xf32>
    %add3A_1834 = arith.addf %add3A_1828, %get3A_1833 : vector<16xf32>
    %swap3A_1835 = arith.constant 5 : i32
    %swap3A_1836 = arith.index_cast %swap3A_1835 : i32 to index
    %swap3A_1837 = arith.constant 16 : index
    %swap3A_1838 = tpu.vector_load %arg11[%swap3A_1836, %swap3A_1837] {strides = array<i32>} : memref<8x64xf32, #tpu.memory_space<vmem>>, vector<1x16xf32>,
    %swap3A_1839 = vector.shape_cast %swap3A_1838 : vector<1x16xf32> to vector<16xf32>
    %swap3A_1840 = vector.shape_cast %add3A_1834 : vector<16xf32> to vector<1x16xf32>
    tpu.vector_store %arg11[%swap3A_1836, %swap3A_1837], %swap3A_1840 {strides = array<i32>} : memref<8x64xf32, #tpu.memory_space<vmem>>, vector<1x16xf32>,
    %get3A_1841 = arith.constant 5 : i32
    %get3A_1842 = arith.index_cast %get3A_1841 : i32 to index
    %get3A_1843 = arith.constant 32 : index
    %get3A_1844 = tpu.vector_load %arg9[%get3A_1842, %get3A_1843] {strides = array<i32>} : memref<8x64xf32, #tpu.memory_space<vmem>>, vector<1x16xf32>,
    %get3A_1845 = vector.shape_cast %get3A_1844 : vector<1x16xf32> to vector<16xf32>
    %get3A_1846 = arith.constant 60 : i32
    %get3A_1847 = arith.index_cast %get3A_1846 : i32 to index
    %get3A_1848 = arith.constant 32 : index
    %get3A_1849 = tpu.vector_load %arg10[%get3A_1847, %get3A_1848] {strides = array<i32>} : memref<96x64xf32, #tpu.memory_space<vmem>>, vector<1x16xf32>,
    %get3A_1850 = vector.shape_cast %get3A_1849 : vector<1x16xf32> to vector<16xf32>
    %add3A_1851 = arith.addf %get3A_1845, %get3A_1850 : vector<16xf32>
    %get3A_1852 = arith.constant 61 : i32
    %get3A_1853 = arith.index_cast %get3A_1852 : i32 to index
    %get3A_1854 = arith.constant 32 : index
    %get3A_1855 = tpu.vector_load %arg10[%get3A_1853, %get3A_1854] {strides = array<i32>} : memref<96x64xf32, #tpu.memory_space<vmem>>, vector<1x16xf32>,
    %get3A_1856 = vector.shape_cast %get3A_1855 : vector<1x16xf32> to vector<16xf32>
    %add3A_1857 = arith.addf %add3A_1851, %get3A_1856 : vector<16xf32>
    %get3A_1858 = arith.constant 62 : i32
    %get3A_1859 = arith.index_cast %get3A_1858 : i32 to index
    %get3A_1860 = arith.constant 32 : index
    %get3A_1861 = tpu.vector_load %arg10[%get3A_1859, %get3A_1860] {strides = array<i32>} : memref<96x64xf32, #tpu.memory_space<vmem>>, vector<1x16xf32>,
    %get3A_1862 = vector.shape_cast %get3A_1861 : vector<1x16xf32> to vector<16xf32>
    %add3A_1863 = arith.addf %add3A_1857, %get3A_1862 : vector<16xf32>
    %get3A_1864 = arith.constant 63 : i32
    %get3A_1865 = arith.index_cast %get3A_1864 : i32 to index
    %get3A_1866 = arith.constant 32 : index
    %get3A_1867 = tpu.vector_load %arg10[%get3A_1865, %get3A_1866] {strides = array<i32>} : memref<96x64xf32, #tpu.memory_space<vmem>>, vector<1x16xf32>,
    %get3A_1868 = vector.shape_cast %get3A_1867 : vector<1x16xf32> to vector<16xf32>
    %add3A_1869 = arith.addf %add3A_1863, %get3A_1868 : vector<16xf32>
    %get3A_1870 = arith.constant 64 : i32
    %get3A_1871 = arith.index_cast %get3A_1870 : i32 to index
    %get3A_1872 = arith.constant 32 : index
    %get3A_1873 = tpu.vector_load %arg10[%get3A_1871, %get3A_1872] {strides = array<i32>} : memref<96x64xf32, #tpu.memory_space<vmem>>, vector<1x16xf32>,
    %get3A_1874 = vector.shape_cast %get3A_1873 : vector<1x16xf32> to vector<16xf32>
    %add3A_1875 = arith.addf %add3A_1869, %get3A_1874 : vector<16xf32>
    %get3A_1876 = arith.constant 65 : i32
    %get3A_1877 = arith.index_cast %get3A_1876 : i32 to index
    %get3A_1878 = arith.constant 32 : index
    %get3A_1879 = tpu.vector_load %arg10[%get3A_1877, %get3A_1878] {strides = array<i32>} : memref<96x64xf32, #tpu.memory_space<vmem>>, vector<1x16xf32>,
    %get3A_1880 = vector.shape_cast %get3A_1879 : vector<1x16xf32> to vector<16xf32>
    %add3A_1881 = arith.addf %add3A_1875, %get3A_1880 : vector<16xf32>
    %get3A_1882 = arith.constant 66 : i32
    %get3A_1883 = arith.index_cast %get3A_1882 : i32 to index
    %get3A_1884 = arith.constant 32 : index
    %get3A_1885 = tpu.vector_load %arg10[%get3A_1883, %get3A_1884] {strides = array<i32>} : memref<96x64xf32, #tpu.memory_space<vmem>>, vector<1x16xf32>,
    %get3A_1886 = vector.shape_cast %get3A_1885 : vector<1x16xf32> to vector<16xf32>
    %add3A_1887 = arith.addf %add3A_1881, %get3A_1886 : vector<16xf32>
    %get3A_1888 = arith.constant 67 : i32
    %get3A_1889 = arith.index_cast %get3A_1888 : i32 to index
    %get3A_1890 = arith.constant 32 : index
    %get3A_1891 = tpu.vector_load %arg10[%get3A_1889, %get3A_1890] {strides = array<i32>} : memref<96x64xf32, #tpu.memory_space<vmem>>, vector<1x16xf32>,
    %get3A_1892 = vector.shape_cast %get3A_1891 : vector<1x16xf32> to vector<16xf32>
    %add3A_1893 = arith.addf %add3A_1887, %get3A_1892 : vector<16xf32>
    %get3A_1894 = arith.constant 68 : i32
    %get3A_1895 = arith.index_cast %get3A_1894 : i32 to index
    %get3A_1896 = arith.constant 32 : index
    %get3A_1897 = tpu.vector_load %arg10[%get3A_1895, %get3A_1896] {strides = array<i32>} : memref<96x64xf32, #tpu.memory_space<vmem>>, vector<1x16xf32>,
    %get3A_1898 = vector.shape_cast %get3A_1897 : vector<1x16xf32> to vector<16xf32>
    %add3A_1899 = arith.addf %add3A_1893, %get3A_1898 : vector<16xf32>
    %get3A_1900 = arith.constant 69 : i32
    %get3A_1901 = arith.index_cast %get3A_1900 : i32 to index
    %get3A_1902 = arith.constant 32 : index
    %get3A_1903 = tpu.vector_load %arg10[%get3A_1901, %get3A_1902] {strides = array<i32>} : memref<96x64xf32, #tpu.memory_space<vmem>>, vector<1x16xf32>,
    %get3A_1904 = vector.shape_cast %get3A_1903 : vector<1x16xf32> to vector<16xf32>
    %add3A_1905 = arith.addf %add3A_1899, %get3A_1904 : vector<16xf32>
    %get3A_1906 = arith.constant 70 : i32
    %get3A_1907 = arith.index_cast %get3A_1906 : i32 to index
    %get3A_1908 = arith.constant 32 : index
    %get3A_1909 = tpu.vector_load %arg10[%get3A_1907, %get3A_1908] {strides = array<i32>} : memref<96x64xf32, #tpu.memory_space<vmem>>, vector<1x16xf32>,
    %get3A_1910 = vector.shape_cast %get3A_1909 : vector<1x16xf32> to vector<16xf32>
    %add3A_1911 = arith.addf %add3A_1905, %get3A_1910 : vector<16xf32>
    %get3A_1912 = arith.constant 71 : i32
    %get3A_1913 = arith.index_cast %get3A_1912 : i32 to index
    %get3A_1914 = arith.constant 32 : index
    %get3A_1915 = tpu.vector_load %arg10[%get3A_1913, %get3A_1914] {strides = array<i32>} : memref<96x64xf32, #tpu.memory_space<vmem>>, vector<1x16xf32>,
    %get3A_1916 = vector.shape_cast %get3A_1915 : vector<1x16xf32> to vector<16xf32>
    %add3A_1917 = arith.addf %add3A_1911, %get3A_1916 : vector<16xf32>
    %swap3A_1918 = arith.constant 5 : i32
    %swap3A_1919 = arith.index_cast %swap3A_1918 : i32 to index
    %swap3A_1920 = arith.constant 32 : index
    %swap3A_1921 = tpu.vector_load %arg11[%swap3A_1919, %swap3A_1920] {strides = array<i32>} : memref<8x64xf32, #tpu.memory_space<vmem>>, vector<1x16xf32>,
    %swap3A_1922 = vector.shape_cast %swap3A_1921 : vector<1x16xf32> to vector<16xf32>
    %swap3A_1923 = vector.shape_cast %add3A_1917 : vector<16xf32> to vector<1x16xf32>
    tpu.vector_store %arg11[%swap3A_1919, %swap3A_1920], %swap3A_1923 {strides = array<i32>} : memref<8x64xf32, #tpu.memory_space<vmem>>, vector<1x16xf32>,
    %get3A_1924 = arith.constant 5 : i32
    %get3A_1925 = arith.index_cast %get3A_1924 : i32 to index
    %get3A_1926 = arith.constant 48 : index
    %get3A_1927 = tpu.vector_load %arg9[%get3A_1925, %get3A_1926] {strides = array<i32>} : memref<8x64xf32, #tpu.memory_space<vmem>>, vector<1x16xf32>,
    %get3A_1928 = vector.shape_cast %get3A_1927 : vector<1x16xf32> to vector<16xf32>
    %get3A_1929 = arith.constant 60 : i32
    %get3A_1930 = arith.index_cast %get3A_1929 : i32 to index
    %get3A_1931 = arith.constant 48 : index
    %get3A_1932 = tpu.vector_load %arg10[%get3A_1930, %get3A_1931] {strides = array<i32>} : memref<96x64xf32, #tpu.memory_space<vmem>>, vector<1x16xf32>,
    %get3A_1933 = vector.shape_cast %get3A_1932 : vector<1x16xf32> to vector<16xf32>
    %add3A_1934 = arith.addf %get3A_1928, %get3A_1933 : vector<16xf32>
    %get3A_1935 = arith.constant 61 : i32
    %get3A_1936 = arith.index_cast %get3A_1935 : i32 to index
    %get3A_1937 = arith.constant 48 : index
    %get3A_1938 = tpu.vector_load %arg10[%get3A_1936, %get3A_1937] {strides = array<i32>} : memref<96x64xf32, #tpu.memory_space<vmem>>, vector<1x16xf32>,
    %get3A_1939 = vector.shape_cast %get3A_1938 : vector<1x16xf32> to vector<16xf32>
    %add3A_1940 = arith.addf %add3A_1934, %get3A_1939 : vector<16xf32>
    %get3A_1941 = arith.constant 62 : i32
    %get3A_1942 = arith.index_cast %get3A_1941 : i32 to index
    %get3A_1943 = arith.constant 48 : index
    %get3A_1944 = tpu.vector_load %arg10[%get3A_1942, %get3A_1943] {strides = array<i32>} : memref<96x64xf32, #tpu.memory_space<vmem>>, vector<1x16xf32>,
    %get3A_1945 = vector.shape_cast %get3A_1944 : vector<1x16xf32> to vector<16xf32>
    %add3A_1946 = arith.addf %add3A_1940, %get3A_1945 : vector<16xf32>
    %get3A_1947 = arith.constant 63 : i32
    %get3A_1948 = arith.index_cast %get3A_1947 : i32 to index
    %get3A_1949 = arith.constant 48 : index
    %get3A_1950 = tpu.vector_load %arg10[%get3A_1948, %get3A_1949] {strides = array<i32>} : memref<96x64xf32, #tpu.memory_space<vmem>>, vector<1x16xf32>,
    %get3A_1951 = vector.shape_cast %get3A_1950 : vector<1x16xf32> to vector<16xf32>
    %add3A_1952 = arith.addf %add3A_1946, %get3A_1951 : vector<16xf32>
    %get3A_1953 = arith.constant 64 : i32
    %get3A_1954 = arith.index_cast %get3A_1953 : i32 to index
    %get3A_1955 = arith.constant 48 : index
    %get3A_1956 = tpu.vector_load %arg10[%get3A_1954, %get3A_1955] {strides = array<i32>} : memref<96x64xf32, #tpu.memory_space<vmem>>, vector<1x16xf32>,
    %get3A_1957 = vector.shape_cast %get3A_1956 : vector<1x16xf32> to vector<16xf32>
    %add3A_1958 = arith.addf %add3A_1952, %get3A_1957 : vector<16xf32>
    %get3A_1959 = arith.constant 65 : i32
    %get3A_1960 = arith.index_cast %get3A_1959 : i32 to index
    %get3A_1961 = arith.constant 48 : index
    %get3A_1962 = tpu.vector_load %arg10[%get3A_1960, %get3A_1961] {strides = array<i32>} : memref<96x64xf32, #tpu.memory_space<vmem>>, vector<1x16xf32>,
    %get3A_1963 = vector.shape_cast %get3A_1962 : vector<1x16xf32> to vector<16xf32>
    %add3A_1964 = arith.addf %add3A_1958, %get3A_1963 : vector<16xf32>
    %get3A_1965 = arith.constant 66 : i32
    %get3A_1966 = arith.index_cast %get3A_1965 : i32 to index
    %get3A_1967 = arith.constant 48 : index
    %get3A_1968 = tpu.vector_load %arg10[%get3A_1966, %get3A_1967] {strides = array<i32>} : memref<96x64xf32, #tpu.memory_space<vmem>>, vector<1x16xf32>,
    %get3A_1969 = vector.shape_cast %get3A_1968 : vector<1x16xf32> to vector<16xf32>
    %add3A_1970 = arith.addf %add3A_1964, %get3A_1969 : vector<16xf32>
    %get3A_1971 = arith.constant 67 : i32
    %get3A_1972 = arith.index_cast %get3A_1971 : i32 to index
    %get3A_1973 = arith.constant 48 : index
    %get3A_1974 = tpu.vector_load %arg10[%get3A_1972, %get3A_1973] {strides = array<i32>} : memref<96x64xf32, #tpu.memory_space<vmem>>, vector<1x16xf32>,
    %get3A_1975 = vector.shape_cast %get3A_1974 : vector<1x16xf32> to vector<16xf32>
    %add3A_1976 = arith.addf %add3A_1970, %get3A_1975 : vector<16xf32>
    %get3A_1977 = arith.constant 68 : i32
    %get3A_1978 = arith.index_cast %get3A_1977 : i32 to index
    %get3A_1979 = arith.constant 48 : index
    %get3A_1980 = tpu.vector_load %arg10[%get3A_1978, %get3A_1979] {strides = array<i32>} : memref<96x64xf32, #tpu.memory_space<vmem>>, vector<1x16xf32>,
    %get3A_1981 = vector.shape_cast %get3A_1980 : vector<1x16xf32> to vector<16xf32>
    %add3A_1982 = arith.addf %add3A_1976, %get3A_1981 : vector<16xf32>
    %get3A_1983 = arith.constant 69 : i32
    %get3A_1984 = arith.index_cast %get3A_1983 : i32 to index
    %get3A_1985 = arith.constant 48 : index
    %get3A_1986 = tpu.vector_load %arg10[%get3A_1984, %get3A_1985] {strides = array<i32>} : memref<96x64xf32, #tpu.memory_space<vmem>>, vector<1x16xf32>,
    %get3A_1987 = vector.shape_cast %get3A_1986 : vector<1x16xf32> to vector<16xf32>
    %add3A_1988 = arith.addf %add3A_1982, %get3A_1987 : vector<16xf32>
    %get3A_1989 = arith.constant 70 : i32
    %get3A_1990 = arith.index_cast %get3A_1989 : i32 to index
    %get3A_1991 = arith.constant 48 : index
    %get3A_1992 = tpu.vector_load %arg10[%get3A_1990, %get3A_1991] {strides = array<i32>} : memref<96x64xf32, #tpu.memory_space<vmem>>, vector<1x16xf32>,
    %get3A_1993 = vector.shape_cast %get3A_1992 : vector<1x16xf32> to vector<16xf32>
    %add3A_1994 = arith.addf %add3A_1988, %get3A_1993 : vector<16xf32>
    %get3A_1995 = arith.constant 71 : i32
    %get3A_1996 = arith.index_cast %get3A_1995 : i32 to index
    %get3A_1997 = arith.constant 48 : index
    %get3A_1998 = tpu.vector_load %arg10[%get3A_1996, %get3A_1997] {strides = array<i32>} : memref<96x64xf32, #tpu.memory_space<vmem>>, vector<1x16xf32>,
    %get3A_1999 = vector.shape_cast %get3A_1998 : vector<1x16xf32> to vector<16xf32>
    %add3A_2000 = arith.addf %add3A_1994, %get3A_1999 : vector<16xf32>
    %swap3A_2001 = arith.constant 5 : i32
    %swap3A_2002 = arith.index_cast %swap3A_2001 : i32 to index
    %swap3A_2003 = arith.constant 48 : index
    %swap3A_2004 = tpu.vector_load %arg11[%swap3A_2002, %swap3A_2003] {strides = array<i32>} : memref<8x64xf32, #tpu.memory_space<vmem>>, vector<1x16xf32>,
    %swap3A_2005 = vector.shape_cast %swap3A_2004 : vector<1x16xf32> to vector<16xf32>
    %swap3A_2006 = vector.shape_cast %add3A_2000 : vector<16xf32> to vector<1x16xf32>
    tpu.vector_store %arg11[%swap3A_2002, %swap3A_2003], %swap3A_2006 {strides = array<i32>} : memref<8x64xf32, #tpu.memory_space<vmem>>, vector<1x16xf32>,
    %get3A_2007 = arith.constant 6 : i32
    %get3A_2008 = arith.index_cast %get3A_2007 : i32 to index
    %get3A_2009 = arith.constant 0 : index
    %get3A_2010 = tpu.vector_load %arg9[%get3A_2008, %get3A_2009] {strides = array<i32>} : memref<8x64xf32, #tpu.memory_space<vmem>>, vector<1x16xf32>,
    %get3A_2011 = vector.shape_cast %get3A_2010 : vector<1x16xf32> to vector<16xf32>
    %get3A_2012 = arith.constant 72 : i32
    %get3A_2013 = arith.index_cast %get3A_2012 : i32 to index
    %get3A_2014 = arith.constant 0 : index
    %get3A_2015 = tpu.vector_load %arg10[%get3A_2013, %get3A_2014] {strides = array<i32>} : memref<96x64xf32, #tpu.memory_space<vmem>>, vector<1x16xf32>,
    %get3A_2016 = vector.shape_cast %get3A_2015 : vector<1x16xf32> to vector<16xf32>
    %add3A_2017 = arith.addf %get3A_2011, %get3A_2016 : vector<16xf32>
    %get3A_2018 = arith.constant 73 : i32
    %get3A_2019 = arith.index_cast %get3A_2018 : i32 to index
    %get3A_2020 = arith.constant 0 : index
    %get3A_2021 = tpu.vector_load %arg10[%get3A_2019, %get3A_2020] {strides = array<i32>} : memref<96x64xf32, #tpu.memory_space<vmem>>, vector<1x16xf32>,
    %get3A_2022 = vector.shape_cast %get3A_2021 : vector<1x16xf32> to vector<16xf32>
    %add3A_2023 = arith.addf %add3A_2017, %get3A_2022 : vector<16xf32>
    %get3A_2024 = arith.constant 74 : i32
    %get3A_2025 = arith.index_cast %get3A_2024 : i32 to index
    %get3A_2026 = arith.constant 0 : index
    %get3A_2027 = tpu.vector_load %arg10[%get3A_2025, %get3A_2026] {strides = array<i32>} : memref<96x64xf32, #tpu.memory_space<vmem>>, vector<1x16xf32>,
    %get3A_2028 = vector.shape_cast %get3A_2027 : vector<1x16xf32> to vector<16xf32>
    %add3A_2029 = arith.addf %add3A_2023, %get3A_2028 : vector<16xf32>
    %get3A_2030 = arith.constant 75 : i32
    %get3A_2031 = arith.index_cast %get3A_2030 : i32 to index
    %get3A_2032 = arith.constant 0 : index
    %get3A_2033 = tpu.vector_load %arg10[%get3A_2031, %get3A_2032] {strides = array<i32>} : memref<96x64xf32, #tpu.memory_space<vmem>>, vector<1x16xf32>,
    %get3A_2034 = vector.shape_cast %get3A_2033 : vector<1x16xf32> to vector<16xf32>
    %add3A_2035 = arith.addf %add3A_2029, %get3A_2034 : vector<16xf32>
    %get3A_2036 = arith.constant 76 : i32
    %get3A_2037 = arith.index_cast %get3A_2036 : i32 to index
    %get3A_2038 = arith.constant 0 : index
    %get3A_2039 = tpu.vector_load %arg10[%get3A_2037, %get3A_2038] {strides = array<i32>} : memref<96x64xf32, #tpu.memory_space<vmem>>, vector<1x16xf32>,
    %get3A_2040 = vector.shape_cast %get3A_2039 : vector<1x16xf32> to vector<16xf32>
    %add3A_2041 = arith.addf %add3A_2035, %get3A_2040 : vector<16xf32>
    %get3A_2042 = arith.constant 77 : i32
    %get3A_2043 = arith.index_cast %get3A_2042 : i32 to index
    %get3A_2044 = arith.constant 0 : index
    %get3A_2045 = tpu.vector_load %arg10[%get3A_2043, %get3A_2044] {strides = array<i32>} : memref<96x64xf32, #tpu.memory_space<vmem>>, vector<1x16xf32>,
    %get3A_2046 = vector.shape_cast %get3A_2045 : vector<1x16xf32> to vector<16xf32>
    %add3A_2047 = arith.addf %add3A_2041, %get3A_2046 : vector<16xf32>
    %get3A_2048 = arith.constant 78 : i32
    %get3A_2049 = arith.index_cast %get3A_2048 : i32 to index
    %get3A_2050 = arith.constant 0 : index
    %get3A_2051 = tpu.vector_load %arg10[%get3A_2049, %get3A_2050] {strides = array<i32>} : memref<96x64xf32, #tpu.memory_space<vmem>>, vector<1x16xf32>,
    %get3A_2052 = vector.shape_cast %get3A_2051 : vector<1x16xf32> to vector<16xf32>
    %add3A_2053 = arith.addf %add3A_2047, %get3A_2052 : vector<16xf32>
    %get3A_2054 = arith.constant 79 : i32
    %get3A_2055 = arith.index_cast %get3A_2054 : i32 to index
    %get3A_2056 = arith.constant 0 : index
    %get3A_2057 = tpu.vector_load %arg10[%get3A_2055, %get3A_2056] {strides = array<i32>} : memref<96x64xf32, #tpu.memory_space<vmem>>, vector<1x16xf32>,
    %get3A_2058 = vector.shape_cast %get3A_2057 : vector<1x16xf32> to vector<16xf32>
    %add3A_2059 = arith.addf %add3A_2053, %get3A_2058 : vector<16xf32>
    %get3A_2060 = arith.constant 80 : i32
    %get3A_2061 = arith.index_cast %get3A_2060 : i32 to index
    %get3A_2062 = arith.constant 0 : index
    %get3A_2063 = tpu.vector_load %arg10[%get3A_2061, %get3A_2062] {strides = array<i32>} : memref<96x64xf32, #tpu.memory_space<vmem>>, vector<1x16xf32>,
    %get3A_2064 = vector.shape_cast %get3A_2063 : vector<1x16xf32> to vector<16xf32>
    %add3A_2065 = arith.addf %add3A_2059, %get3A_2064 : vector<16xf32>
    %get3A_2066 = arith.constant 81 : i32
    %get3A_2067 = arith.index_cast %get3A_2066 : i32 to index
    %get3A_2068 = arith.constant 0 : index
    %get3A_2069 = tpu.vector_load %arg10[%get3A_2067, %get3A_2068] {strides = array<i32>} : memref<96x64xf32, #tpu.memory_space<vmem>>, vector<1x16xf32>,
    %get3A_2070 = vector.shape_cast %get3A_2069 : vector<1x16xf32> to vector<16xf32>
    %add3A_2071 = arith.addf %add3A_2065, %get3A_2070 : vector<16xf32>
    %get3A_2072 = arith.constant 82 : i32
    %get3A_2073 = arith.index_cast %get3A_2072 : i32 to index
    %get3A_2074 = arith.constant 0 : index
    %get3A_2075 = tpu.vector_load %arg10[%get3A_2073, %get3A_2074] {strides = array<i32>} : memref<96x64xf32, #tpu.memory_space<vmem>>, vector<1x16xf32>,
    %get3A_2076 = vector.shape_cast %get3A_2075 : vector<1x16xf32> to vector<16xf32>
    %add3A_2077 = arith.addf %add3A_2071, %get3A_2076 : vector<16xf32>
    %get3A_2078 = arith.constant 83 : i32
    %get3A_2079 = arith.index_cast %get3A_2078 : i32 to index
    %get3A_2080 = arith.constant 0 : index
    %get3A_2081 = tpu.vector_load %arg10[%get3A_2079, %get3A_2080] {strides = array<i32>} : memref<96x64xf32, #tpu.memory_space<vmem>>, vector<1x16xf32>,
    %get3A_2082 = vector.shape_cast %get3A_2081 : vector<1x16xf32> to vector<16xf32>
    %add3A_2083 = arith.addf %add3A_2077, %get3A_2082 : vector<16xf32>
    %swap3A_2084 = arith.constant 6 : i32
    %swap3A_2085 = arith.index_cast %swap3A_2084 : i32 to index
    %swap3A_2086 = arith.constant 0 : index
    %swap3A_2087 = tpu.vector_load %arg11[%swap3A_2085, %swap3A_2086] {strides = array<i32>} : memref<8x64xf32, #tpu.memory_space<vmem>>, vector<1x16xf32>,
    %swap3A_2088 = vector.shape_cast %swap3A_2087 : vector<1x16xf32> to vector<16xf32>
    %swap3A_2089 = vector.shape_cast %add3A_2083 : vector<16xf32> to vector<1x16xf32>
    tpu.vector_store %arg11[%swap3A_2085, %swap3A_2086], %swap3A_2089 {strides = array<i32>} : memref<8x64xf32, #tpu.memory_space<vmem>>, vector<1x16xf32>,
    %get3A_2090 = arith.constant 6 : i32
    %get3A_2091 = arith.index_cast %get3A_2090 : i32 to index
    %get3A_2092 = arith.constant 16 : index
    %get3A_2093 = tpu.vector_load %arg9[%get3A_2091, %get3A_2092] {strides = array<i32>} : memref<8x64xf32, #tpu.memory_space<vmem>>, vector<1x16xf32>,
    %get3A_2094 = vector.shape_cast %get3A_2093 : vector<1x16xf32> to vector<16xf32>
    %get3A_2095 = arith.constant 72 : i32
    %get3A_2096 = arith.index_cast %get3A_2095 : i32 to index
    %get3A_2097 = arith.constant 16 : index
    %get3A_2098 = tpu.vector_load %arg10[%get3A_2096, %get3A_2097] {strides = array<i32>} : memref<96x64xf32, #tpu.memory_space<vmem>>, vector<1x16xf32>,
    %get3A_2099 = vector.shape_cast %get3A_2098 : vector<1x16xf32> to vector<16xf32>
    %add3A_2100 = arith.addf %get3A_2094, %get3A_2099 : vector<16xf32>
    %get3A_2101 = arith.constant 73 : i32
    %get3A_2102 = arith.index_cast %get3A_2101 : i32 to index
    %get3A_2103 = arith.constant 16 : index
    %get3A_2104 = tpu.vector_load %arg10[%get3A_2102, %get3A_2103] {strides = array<i32>} : memref<96x64xf32, #tpu.memory_space<vmem>>, vector<1x16xf32>,
    %get3A_2105 = vector.shape_cast %get3A_2104 : vector<1x16xf32> to vector<16xf32>
    %add3A_2106 = arith.addf %add3A_2100, %get3A_2105 : vector<16xf32>
    %get3A_2107 = arith.constant 74 : i32
    %get3A_2108 = arith.index_cast %get3A_2107 : i32 to index
    %get3A_2109 = arith.constant 16 : index
    %get3A_2110 = tpu.vector_load %arg10[%get3A_2108, %get3A_2109] {strides = array<i32>} : memref<96x64xf32, #tpu.memory_space<vmem>>, vector<1x16xf32>,
    %get3A_2111 = vector.shape_cast %get3A_2110 : vector<1x16xf32> to vector<16xf32>
    %add3A_2112 = arith.addf %add3A_2106, %get3A_2111 : vector<16xf32>
    %get3A_2113 = arith.constant 75 : i32
    %get3A_2114 = arith.index_cast %get3A_2113 : i32 to index
    %get3A_2115 = arith.constant 16 : index
    %get3A_2116 = tpu.vector_load %arg10[%get3A_2114, %get3A_2115] {strides = array<i32>} : memref<96x64xf32, #tpu.memory_space<vmem>>, vector<1x16xf32>,
    %get3A_2117 = vector.shape_cast %get3A_2116 : vector<1x16xf32> to vector<16xf32>
    %add3A_2118 = arith.addf %add3A_2112, %get3A_2117 : vector<16xf32>
    %get3A_2119 = arith.constant 76 : i32
    %get3A_2120 = arith.index_cast %get3A_2119 : i32 to index
    %get3A_2121 = arith.constant 16 : index
    %get3A_2122 = tpu.vector_load %arg10[%get3A_2120, %get3A_2121] {strides = array<i32>} : memref<96x64xf32, #tpu.memory_space<vmem>>, vector<1x16xf32>,
    %get3A_2123 = vector.shape_cast %get3A_2122 : vector<1x16xf32> to vector<16xf32>
    %add3A_2124 = arith.addf %add3A_2118, %get3A_2123 : vector<16xf32>
    %get3A_2125 = arith.constant 77 : i32
    %get3A_2126 = arith.index_cast %get3A_2125 : i32 to index
    %get3A_2127 = arith.constant 16 : index
    %get3A_2128 = tpu.vector_load %arg10[%get3A_2126, %get3A_2127] {strides = array<i32>} : memref<96x64xf32, #tpu.memory_space<vmem>>, vector<1x16xf32>,
    %get3A_2129 = vector.shape_cast %get3A_2128 : vector<1x16xf32> to vector<16xf32>
    %add3A_2130 = arith.addf %add3A_2124, %get3A_2129 : vector<16xf32>
    %get3A_2131 = arith.constant 78 : i32
    %get3A_2132 = arith.index_cast %get3A_2131 : i32 to index
    %get3A_2133 = arith.constant 16 : index
    %get3A_2134 = tpu.vector_load %arg10[%get3A_2132, %get3A_2133] {strides = array<i32>} : memref<96x64xf32, #tpu.memory_space<vmem>>, vector<1x16xf32>,
    %get3A_2135 = vector.shape_cast %get3A_2134 : vector<1x16xf32> to vector<16xf32>
    %add3A_2136 = arith.addf %add3A_2130, %get3A_2135 : vector<16xf32>
    %get3A_2137 = arith.constant 79 : i32
    %get3A_2138 = arith.index_cast %get3A_2137 : i32 to index
    %get3A_2139 = arith.constant 16 : index
    %get3A_2140 = tpu.vector_load %arg10[%get3A_2138, %get3A_2139] {strides = array<i32>} : memref<96x64xf32, #tpu.memory_space<vmem>>, vector<1x16xf32>,
    %get3A_2141 = vector.shape_cast %get3A_2140 : vector<1x16xf32> to vector<16xf32>
    %add3A_2142 = arith.addf %add3A_2136, %get3A_2141 : vector<16xf32>
    %get3A_2143 = arith.constant 80 : i32
    %get3A_2144 = arith.index_cast %get3A_2143 : i32 to index
    %get3A_2145 = arith.constant 16 : index
    %get3A_2146 = tpu.vector_load %arg10[%get3A_2144, %get3A_2145] {strides = array<i32>} : memref<96x64xf32, #tpu.memory_space<vmem>>, vector<1x16xf32>,
    %get3A_2147 = vector.shape_cast %get3A_2146 : vector<1x16xf32> to vector<16xf32>
    %add3A_2148 = arith.addf %add3A_2142, %get3A_2147 : vector<16xf32>
    %get3A_2149 = arith.constant 81 : i32
    %get3A_2150 = arith.index_cast %get3A_2149 : i32 to index
    %get3A_2151 = arith.constant 16 : index
    %get3A_2152 = tpu.vector_load %arg10[%get3A_2150, %get3A_2151] {strides = array<i32>} : memref<96x64xf32, #tpu.memory_space<vmem>>, vector<1x16xf32>,
    %get3A_2153 = vector.shape_cast %get3A_2152 : vector<1x16xf32> to vector<16xf32>
    %add3A_2154 = arith.addf %add3A_2148, %get3A_2153 : vector<16xf32>
    %get3A_2155 = arith.constant 82 : i32
    %get3A_2156 = arith.index_cast %get3A_2155 : i32 to index
    %get3A_2157 = arith.constant 16 : index
    %get3A_2158 = tpu.vector_load %arg10[%get3A_2156, %get3A_2157] {strides = array<i32>} : memref<96x64xf32, #tpu.memory_space<vmem>>, vector<1x16xf32>,
    %get3A_2159 = vector.shape_cast %get3A_2158 : vector<1x16xf32> to vector<16xf32>
    %add3A_2160 = arith.addf %add3A_2154, %get3A_2159 : vector<16xf32>
    %get3A_2161 = arith.constant 83 : i32
    %get3A_2162 = arith.index_cast %get3A_2161 : i32 to index
    %get3A_2163 = arith.constant 16 : index
    %get3A_2164 = tpu.vector_load %arg10[%get3A_2162, %get3A_2163] {strides = array<i32>} : memref<96x64xf32, #tpu.memory_space<vmem>>, vector<1x16xf32>,
    %get3A_2165 = vector.shape_cast %get3A_2164 : vector<1x16xf32> to vector<16xf32>
    %add3A_2166 = arith.addf %add3A_2160, %get3A_2165 : vector<16xf32>
    %swap3A_2167 = arith.constant 6 : i32
    %swap3A_2168 = arith.index_cast %swap3A_2167 : i32 to index
    %swap3A_2169 = arith.constant 16 : index
    %swap3A_2170 = tpu.vector_load %arg11[%swap3A_2168, %swap3A_2169] {strides = array<i32>} : memref<8x64xf32, #tpu.memory_space<vmem>>, vector<1x16xf32>,
    %swap3A_2171 = vector.shape_cast %swap3A_2170 : vector<1x16xf32> to vector<16xf32>
    %swap3A_2172 = vector.shape_cast %add3A_2166 : vector<16xf32> to vector<1x16xf32>
    tpu.vector_store %arg11[%swap3A_2168, %swap3A_2169], %swap3A_2172 {strides = array<i32>} : memref<8x64xf32, #tpu.memory_space<vmem>>, vector<1x16xf32>,
    %get3A_2173 = arith.constant 6 : i32
    %get3A_2174 = arith.index_cast %get3A_2173 : i32 to index
    %get3A_2175 = arith.constant 32 : index
    %get3A_2176 = tpu.vector_load %arg9[%get3A_2174, %get3A_2175] {strides = array<i32>} : memref<8x64xf32, #tpu.memory_space<vmem>>, vector<1x16xf32>,
    %get3A_2177 = vector.shape_cast %get3A_2176 : vector<1x16xf32> to vector<16xf32>
    %get3A_2178 = arith.constant 72 : i32
    %get3A_2179 = arith.index_cast %get3A_2178 : i32 to index
    %get3A_2180 = arith.constant 32 : index
    %get3A_2181 = tpu.vector_load %arg10[%get3A_2179, %get3A_2180] {strides = array<i32>} : memref<96x64xf32, #tpu.memory_space<vmem>>, vector<1x16xf32>,
    %get3A_2182 = vector.shape_cast %get3A_2181 : vector<1x16xf32> to vector<16xf32>
    %add3A_2183 = arith.addf %get3A_2177, %get3A_2182 : vector<16xf32>
    %get3A_2184 = arith.constant 73 : i32
    %get3A_2185 = arith.index_cast %get3A_2184 : i32 to index
    %get3A_2186 = arith.constant 32 : index
    %get3A_2187 = tpu.vector_load %arg10[%get3A_2185, %get3A_2186] {strides = array<i32>} : memref<96x64xf32, #tpu.memory_space<vmem>>, vector<1x16xf32>,
    %get3A_2188 = vector.shape_cast %get3A_2187 : vector<1x16xf32> to vector<16xf32>
    %add3A_2189 = arith.addf %add3A_2183, %get3A_2188 : vector<16xf32>
    %get3A_2190 = arith.constant 74 : i32
    %get3A_2191 = arith.index_cast %get3A_2190 : i32 to index
    %get3A_2192 = arith.constant 32 : index
    %get3A_2193 = tpu.vector_load %arg10[%get3A_2191, %get3A_2192] {strides = array<i32>} : memref<96x64xf32, #tpu.memory_space<vmem>>, vector<1x16xf32>,
    %get3A_2194 = vector.shape_cast %get3A_2193 : vector<1x16xf32> to vector<16xf32>
    %add3A_2195 = arith.addf %add3A_2189, %get3A_2194 : vector<16xf32>
    %get3A_2196 = arith.constant 75 : i32
    %get3A_2197 = arith.index_cast %get3A_2196 : i32 to index
    %get3A_2198 = arith.constant 32 : index
    %get3A_2199 = tpu.vector_load %arg10[%get3A_2197, %get3A_2198] {strides = array<i32>} : memref<96x64xf32, #tpu.memory_space<vmem>>, vector<1x16xf32>,
    %get3A_2200 = vector.shape_cast %get3A_2199 : vector<1x16xf32> to vector<16xf32>
    %add3A_2201 = arith.addf %add3A_2195, %get3A_2200 : vector<16xf32>
    %get3A_2202 = arith.constant 76 : i32
    %get3A_2203 = arith.index_cast %get3A_2202 : i32 to index
    %get3A_2204 = arith.constant 32 : index
    %get3A_2205 = tpu.vector_load %arg10[%get3A_2203, %get3A_2204] {strides = array<i32>} : memref<96x64xf32, #tpu.memory_space<vmem>>, vector<1x16xf32>,
    %get3A_2206 = vector.shape_cast %get3A_2205 : vector<1x16xf32> to vector<16xf32>
    %add3A_2207 = arith.addf %add3A_2201, %get3A_2206 : vector<16xf32>
    %get3A_2208 = arith.constant 77 : i32
    %get3A_2209 = arith.index_cast %get3A_2208 : i32 to index
    %get3A_2210 = arith.constant 32 : index
    %get3A_2211 = tpu.vector_load %arg10[%get3A_2209, %get3A_2210] {strides = array<i32>} : memref<96x64xf32, #tpu.memory_space<vmem>>, vector<1x16xf32>,
    %get3A_2212 = vector.shape_cast %get3A_2211 : vector<1x16xf32> to vector<16xf32>
    %add3A_2213 = arith.addf %add3A_2207, %get3A_2212 : vector<16xf32>
    %get3A_2214 = arith.constant 78 : i32
    %get3A_2215 = arith.index_cast %get3A_2214 : i32 to index
    %get3A_2216 = arith.constant 32 : index
    %get3A_2217 = tpu.vector_load %arg10[%get3A_2215, %get3A_2216] {strides = array<i32>} : memref<96x64xf32, #tpu.memory_space<vmem>>, vector<1x16xf32>,
    %get3A_2218 = vector.shape_cast %get3A_2217 : vector<1x16xf32> to vector<16xf32>
    %add3A_2219 = arith.addf %add3A_2213, %get3A_2218 : vector<16xf32>
    %get3A_2220 = arith.constant 79 : i32
    %get3A_2221 = arith.index_cast %get3A_2220 : i32 to index
    %get3A_2222 = arith.constant 32 : index
    %get3A_2223 = tpu.vector_load %arg10[%get3A_2221, %get3A_2222] {strides = array<i32>} : memref<96x64xf32, #tpu.memory_space<vmem>>, vector<1x16xf32>,
    %get3A_2224 = vector.shape_cast %get3A_2223 : vector<1x16xf32> to vector<16xf32>
    %add3A_2225 = arith.addf %add3A_2219, %get3A_2224 : vector<16xf32>
    %get3A_2226 = arith.constant 80 : i32
    %get3A_2227 = arith.index_cast %get3A_2226 : i32 to index
    %get3A_2228 = arith.constant 32 : index
    %get3A_2229 = tpu.vector_load %arg10[%get3A_2227, %get3A_2228] {strides = array<i32>} : memref<96x64xf32, #tpu.memory_space<vmem>>, vector<1x16xf32>,
    %get3A_2230 = vector.shape_cast %get3A_2229 : vector<1x16xf32> to vector<16xf32>
    %add3A_2231 = arith.addf %add3A_2225, %get3A_2230 : vector<16xf32>
    %get3A_2232 = arith.constant 81 : i32
    %get3A_2233 = arith.index_cast %get3A_2232 : i32 to index
    %get3A_2234 = arith.constant 32 : index
    %get3A_2235 = tpu.vector_load %arg10[%get3A_2233, %get3A_2234] {strides = array<i32>} : memref<96x64xf32, #tpu.memory_space<vmem>>, vector<1x16xf32>,
    %get3A_2236 = vector.shape_cast %get3A_2235 : vector<1x16xf32> to vector<16xf32>
    %add3A_2237 = arith.addf %add3A_2231, %get3A_2236 : vector<16xf32>
    %get3A_2238 = arith.constant 82 : i32
    %get3A_2239 = arith.index_cast %get3A_2238 : i32 to index
    %get3A_2240 = arith.constant 32 : index
    %get3A_2241 = tpu.vector_load %arg10[%get3A_2239, %get3A_2240] {strides = array<i32>} : memref<96x64xf32, #tpu.memory_space<vmem>>, vector<1x16xf32>,
    %get3A_2242 = vector.shape_cast %get3A_2241 : vector<1x16xf32> to vector<16xf32>
    %add3A_2243 = arith.addf %add3A_2237, %get3A_2242 : vector<16xf32>
    %get3A_2244 = arith.constant 83 : i32
    %get3A_2245 = arith.index_cast %get3A_2244 : i32 to index
    %get3A_2246 = arith.constant 32 : index
    %get3A_2247 = tpu.vector_load %arg10[%get3A_2245, %get3A_2246] {strides = array<i32>} : memref<96x64xf32, #tpu.memory_space<vmem>>, vector<1x16xf32>,
    %get3A_2248 = vector.shape_cast %get3A_2247 : vector<1x16xf32> to vector<16xf32>
    %add3A_2249 = arith.addf %add3A_2243, %get3A_2248 : vector<16xf32>
    %swap3A_2250 = arith.constant 6 : i32
    %swap3A_2251 = arith.index_cast %swap3A_2250 : i32 to index
    %swap3A_2252 = arith.constant 32 : index
    %swap3A_2253 = tpu.vector_load %arg11[%swap3A_2251, %swap3A_2252] {strides = array<i32>} : memref<8x64xf32, #tpu.memory_space<vmem>>, vector<1x16xf32>,
    %swap3A_2254 = vector.shape_cast %swap3A_2253 : vector<1x16xf32> to vector<16xf32>
    %swap3A_2255 = vector.shape_cast %add3A_2249 : vector<16xf32> to vector<1x16xf32>
    tpu.vector_store %arg11[%swap3A_2251, %swap3A_2252], %swap3A_2255 {strides = array<i32>} : memref<8x64xf32, #tpu.memory_space<vmem>>, vector<1x16xf32>,
    %get3A_2256 = arith.constant 6 : i32
    %get3A_2257 = arith.index_cast %get3A_2256 : i32 to index
    %get3A_2258 = arith.constant 48 : index
    %get3A_2259 = tpu.vector_load %arg9[%get3A_2257, %get3A_2258] {strides = array<i32>} : memref<8x64xf32, #tpu.memory_space<vmem>>, vector<1x16xf32>,
    %get3A_2260 = vector.shape_cast %get3A_2259 : vector<1x16xf32> to vector<16xf32>
    %get3A_2261 = arith.constant 72 : i32
    %get3A_2262 = arith.index_cast %get3A_2261 : i32 to index
    %get3A_2263 = arith.constant 48 : index
    %get3A_2264 = tpu.vector_load %arg10[%get3A_2262, %get3A_2263] {strides = array<i32>} : memref<96x64xf32, #tpu.memory_space<vmem>>, vector<1x16xf32>,
    %get3A_2265 = vector.shape_cast %get3A_2264 : vector<1x16xf32> to vector<16xf32>
    %add3A_2266 = arith.addf %get3A_2260, %get3A_2265 : vector<16xf32>
    %get3A_2267 = arith.constant 73 : i32
    %get3A_2268 = arith.index_cast %get3A_2267 : i32 to index
    %get3A_2269 = arith.constant 48 : index
    %get3A_2270 = tpu.vector_load %arg10[%get3A_2268, %get3A_2269] {strides = array<i32>} : memref<96x64xf32, #tpu.memory_space<vmem>>, vector<1x16xf32>,
    %get3A_2271 = vector.shape_cast %get3A_2270 : vector<1x16xf32> to vector<16xf32>
    %add3A_2272 = arith.addf %add3A_2266, %get3A_2271 : vector<16xf32>
    %get3A_2273 = arith.constant 74 : i32
    %get3A_2274 = arith.index_cast %get3A_2273 : i32 to index
    %get3A_2275 = arith.constant 48 : index
    %get3A_2276 = tpu.vector_load %arg10[%get3A_2274, %get3A_2275] {strides = array<i32>} : memref<96x64xf32, #tpu.memory_space<vmem>>, vector<1x16xf32>,
    %get3A_2277 = vector.shape_cast %get3A_2276 : vector<1x16xf32> to vector<16xf32>
    %add3A_2278 = arith.addf %add3A_2272, %get3A_2277 : vector<16xf32>
    %get3A_2279 = arith.constant 75 : i32
    %get3A_2280 = arith.index_cast %get3A_2279 : i32 to index
    %get3A_2281 = arith.constant 48 : index
    %get3A_2282 = tpu.vector_load %arg10[%get3A_2280, %get3A_2281] {strides = array<i32>} : memref<96x64xf32, #tpu.memory_space<vmem>>, vector<1x16xf32>,
    %get3A_2283 = vector.shape_cast %get3A_2282 : vector<1x16xf32> to vector<16xf32>
    %add3A_2284 = arith.addf %add3A_2278, %get3A_2283 : vector<16xf32>
    %get3A_2285 = arith.constant 76 : i32
    %get3A_2286 = arith.index_cast %get3A_2285 : i32 to index
    %get3A_2287 = arith.constant 48 : index
    %get3A_2288 = tpu.vector_load %arg10[%get3A_2286, %get3A_2287] {strides = array<i32>} : memref<96x64xf32, #tpu.memory_space<vmem>>, vector<1x16xf32>,
    %get3A_2289 = vector.shape_cast %get3A_2288 : vector<1x16xf32> to vector<16xf32>
    %add3A_2290 = arith.addf %add3A_2284, %get3A_2289 : vector<16xf32>
    %get3A_2291 = arith.constant 77 : i32
    %get3A_2292 = arith.index_cast %get3A_2291 : i32 to index
    %get3A_2293 = arith.constant 48 : index
    %get3A_2294 = tpu.vector_load %arg10[%get3A_2292, %get3A_2293] {strides = array<i32>} : memref<96x64xf32, #tpu.memory_space<vmem>>, vector<1x16xf32>,
    %get3A_2295 = vector.shape_cast %get3A_2294 : vector<1x16xf32> to vector<16xf32>
    %add3A_2296 = arith.addf %add3A_2290, %get3A_2295 : vector<16xf32>
    %get3A_2297 = arith.constant 78 : i32
    %get3A_2298 = arith.index_cast %get3A_2297 : i32 to index
    %get3A_2299 = arith.constant 48 : index
    %get3A_2300 = tpu.vector_load %arg10[%get3A_2298, %get3A_2299] {strides = array<i32>} : memref<96x64xf32, #tpu.memory_space<vmem>>, vector<1x16xf32>,
    %get3A_2301 = vector.shape_cast %get3A_2300 : vector<1x16xf32> to vector<16xf32>
    %add3A_2302 = arith.addf %add3A_2296, %get3A_2301 : vector<16xf32>
    %get3A_2303 = arith.constant 79 : i32
    %get3A_2304 = arith.index_cast %get3A_2303 : i32 to index
    %get3A_2305 = arith.constant 48 : index
    %get3A_2306 = tpu.vector_load %arg10[%get3A_2304, %get3A_2305] {strides = array<i32>} : memref<96x64xf32, #tpu.memory_space<vmem>>, vector<1x16xf32>,
    %get3A_2307 = vector.shape_cast %get3A_2306 : vector<1x16xf32> to vector<16xf32>
    %add3A_2308 = arith.addf %add3A_2302, %get3A_2307 : vector<16xf32>
    %get3A_2309 = arith.constant 80 : i32
    %get3A_2310 = arith.index_cast %get3A_2309 : i32 to index
    %get3A_2311 = arith.constant 48 : index
    %get3A_2312 = tpu.vector_load %arg10[%get3A_2310, %get3A_2311] {strides = array<i32>} : memref<96x64xf32, #tpu.memory_space<vmem>>, vector<1x16xf32>,
    %get3A_2313 = vector.shape_cast %get3A_2312 : vector<1x16xf32> to vector<16xf32>
    %add3A_2314 = arith.addf %add3A_2308, %get3A_2313 : vector<16xf32>
    %get3A_2315 = arith.constant 81 : i32
    %get3A_2316 = arith.index_cast %get3A_2315 : i32 to index
    %get3A_2317 = arith.constant 48 : index
    %get3A_2318 = tpu.vector_load %arg10[%get3A_2316, %get3A_2317] {strides = array<i32>} : memref<96x64xf32, #tpu.memory_space<vmem>>, vector<1x16xf32>,
    %get3A_2319 = vector.shape_cast %get3A_2318 : vector<1x16xf32> to vector<16xf32>
    %add3A_2320 = arith.addf %add3A_2314, %get3A_2319 : vector<16xf32>
    %get3A_2321 = arith.constant 82 : i32
    %get3A_2322 = arith.index_cast %get3A_2321 : i32 to index
    %get3A_2323 = arith.constant 48 : index
    %get3A_2324 = tpu.vector_load %arg10[%get3A_2322, %get3A_2323] {strides = array<i32>} : memref<96x64xf32, #tpu.memory_space<vmem>>, vector<1x16xf32>,
    %get3A_2325 = vector.shape_cast %get3A_2324 : vector<1x16xf32> to vector<16xf32>
    %add3A_2326 = arith.addf %add3A_2320, %get3A_2325 : vector<16xf32>
    %get3A_2327 = arith.constant 83 : i32
    %get3A_2328 = arith.index_cast %get3A_2327 : i32 to index
    %get3A_2329 = arith.constant 48 : index
    %get3A_2330 = tpu.vector_load %arg10[%get3A_2328, %get3A_2329] {strides = array<i32>} : memref<96x64xf32, #tpu.memory_space<vmem>>, vector<1x16xf32>,
    %get3A_2331 = vector.shape_cast %get3A_2330 : vector<1x16xf32> to vector<16xf32>
    %add3A_2332 = arith.addf %add3A_2326, %get3A_2331 : vector<16xf32>
    %swap3A_2333 = arith.constant 6 : i32
    %swap3A_2334 = arith.index_cast %swap3A_2333 : i32 to index
    %swap3A_2335 = arith.constant 48 : index
    %swap3A_2336 = tpu.vector_load %arg11[%swap3A_2334, %swap3A_2335] {strides = array<i32>} : memref<8x64xf32, #tpu.memory_space<vmem>>, vector<1x16xf32>,
    %swap3A_2337 = vector.shape_cast %swap3A_2336 : vector<1x16xf32> to vector<16xf32>
    %swap3A_2338 = vector.shape_cast %add3A_2332 : vector<16xf32> to vector<1x16xf32>
    tpu.vector_store %arg11[%swap3A_2334, %swap3A_2335], %swap3A_2338 {strides = array<i32>} : memref<8x64xf32, #tpu.memory_space<vmem>>, vector<1x16xf32>,
    %get3A_2339 = arith.constant 7 : i32
    %get3A_2340 = arith.index_cast %get3A_2339 : i32 to index
    %get3A_2341 = arith.constant 0 : index
    %get3A_2342 = tpu.vector_load %arg9[%get3A_2340, %get3A_2341] {strides = array<i32>} : memref<8x64xf32, #tpu.memory_space<vmem>>, vector<1x16xf32>,
    %get3A_2343 = vector.shape_cast %get3A_2342 : vector<1x16xf32> to vector<16xf32>
    %get3A_2344 = arith.constant 84 : i32
    %get3A_2345 = arith.index_cast %get3A_2344 : i32 to index
    %get3A_2346 = arith.constant 0 : index
    %get3A_2347 = tpu.vector_load %arg10[%get3A_2345, %get3A_2346] {strides = array<i32>} : memref<96x64xf32, #tpu.memory_space<vmem>>, vector<1x16xf32>,
    %get3A_2348 = vector.shape_cast %get3A_2347 : vector<1x16xf32> to vector<16xf32>
    %add3A_2349 = arith.addf %get3A_2343, %get3A_2348 : vector<16xf32>
    %get3A_2350 = arith.constant 85 : i32
    %get3A_2351 = arith.index_cast %get3A_2350 : i32 to index
    %get3A_2352 = arith.constant 0 : index
    %get3A_2353 = tpu.vector_load %arg10[%get3A_2351, %get3A_2352] {strides = array<i32>} : memref<96x64xf32, #tpu.memory_space<vmem>>, vector<1x16xf32>,
    %get3A_2354 = vector.shape_cast %get3A_2353 : vector<1x16xf32> to vector<16xf32>
    %add3A_2355 = arith.addf %add3A_2349, %get3A_2354 : vector<16xf32>
    %get3A_2356 = arith.constant 86 : i32
    %get3A_2357 = arith.index_cast %get3A_2356 : i32 to index
    %get3A_2358 = arith.constant 0 : index
    %get3A_2359 = tpu.vector_load %arg10[%get3A_2357, %get3A_2358] {strides = array<i32>} : memref<96x64xf32, #tpu.memory_space<vmem>>, vector<1x16xf32>,
    %get3A_2360 = vector.shape_cast %get3A_2359 : vector<1x16xf32> to vector<16xf32>
    %add3A_2361 = arith.addf %add3A_2355, %get3A_2360 : vector<16xf32>
    %get3A_2362 = arith.constant 87 : i32
    %get3A_2363 = arith.index_cast %get3A_2362 : i32 to index
    %get3A_2364 = arith.constant 0 : index
    %get3A_2365 = tpu.vector_load %arg10[%get3A_2363, %get3A_2364] {strides = array<i32>} : memref<96x64xf32, #tpu.memory_space<vmem>>, vector<1x16xf32>,
    %get3A_2366 = vector.shape_cast %get3A_2365 : vector<1x16xf32> to vector<16xf32>
    %add3A_2367 = arith.addf %add3A_2361, %get3A_2366 : vector<16xf32>
    %get3A_2368 = arith.constant 88 : i32
    %get3A_2369 = arith.index_cast %get3A_2368 : i32 to index
    %get3A_2370 = arith.constant 0 : index
    %get3A_2371 = tpu.vector_load %arg10[%get3A_2369, %get3A_2370] {strides = array<i32>} : memref<96x64xf32, #tpu.memory_space<vmem>>, vector<1x16xf32>,
    %get3A_2372 = vector.shape_cast %get3A_2371 : vector<1x16xf32> to vector<16xf32>
    %add3A_2373 = arith.addf %add3A_2367, %get3A_2372 : vector<16xf32>
    %get3A_2374 = arith.constant 89 : i32
    %get3A_2375 = arith.index_cast %get3A_2374 : i32 to index
    %get3A_2376 = arith.constant 0 : index
    %get3A_2377 = tpu.vector_load %arg10[%get3A_2375, %get3A_2376] {strides = array<i32>} : memref<96x64xf32, #tpu.memory_space<vmem>>, vector<1x16xf32>,
    %get3A_2378 = vector.shape_cast %get3A_2377 : vector<1x16xf32> to vector<16xf32>
    %add3A_2379 = arith.addf %add3A_2373, %get3A_2378 : vector<16xf32>
    %get3A_2380 = arith.constant 90 : i32
    %get3A_2381 = arith.index_cast %get3A_2380 : i32 to index
    %get3A_2382 = arith.constant 0 : index
    %get3A_2383 = tpu.vector_load %arg10[%get3A_2381, %get3A_2382] {strides = array<i32>} : memref<96x64xf32, #tpu.memory_space<vmem>>, vector<1x16xf32>,
    %get3A_2384 = vector.shape_cast %get3A_2383 : vector<1x16xf32> to vector<16xf32>
    %add3A_2385 = arith.addf %add3A_2379, %get3A_2384 : vector<16xf32>
    %get3A_2386 = arith.constant 91 : i32
    %get3A_2387 = arith.index_cast %get3A_2386 : i32 to index
    %get3A_2388 = arith.constant 0 : index
    %get3A_2389 = tpu.vector_load %arg10[%get3A_2387, %get3A_2388] {strides = array<i32>} : memref<96x64xf32, #tpu.memory_space<vmem>>, vector<1x16xf32>,
    %get3A_2390 = vector.shape_cast %get3A_2389 : vector<1x16xf32> to vector<16xf32>
    %add3A_2391 = arith.addf %add3A_2385, %get3A_2390 : vector<16xf32>
    %get3A_2392 = arith.constant 92 : i32
    %get3A_2393 = arith.index_cast %get3A_2392 : i32 to index
    %get3A_2394 = arith.constant 0 : index
    %get3A_2395 = tpu.vector_load %arg10[%get3A_2393, %get3A_2394] {strides = array<i32>} : memref<96x64xf32, #tpu.memory_space<vmem>>, vector<1x16xf32>,
    %get3A_2396 = vector.shape_cast %get3A_2395 : vector<1x16xf32> to vector<16xf32>
    %add3A_2397 = arith.addf %add3A_2391, %get3A_2396 : vector<16xf32>
    %get3A_2398 = arith.constant 93 : i32
    %get3A_2399 = arith.index_cast %get3A_2398 : i32 to index
    %get3A_2400 = arith.constant 0 : index
    %get3A_2401 = tpu.vector_load %arg10[%get3A_2399, %get3A_2400] {strides = array<i32>} : memref<96x64xf32, #tpu.memory_space<vmem>>, vector<1x16xf32>,
    %get3A_2402 = vector.shape_cast %get3A_2401 : vector<1x16xf32> to vector<16xf32>
    %add3A_2403 = arith.addf %add3A_2397, %get3A_2402 : vector<16xf32>
    %get3A_2404 = arith.constant 94 : i32
    %get3A_2405 = arith.index_cast %get3A_2404 : i32 to index
    %get3A_2406 = arith.constant 0 : index
    %get3A_2407 = tpu.vector_load %arg10[%get3A_2405, %get3A_2406] {strides = array<i32>} : memref<96x64xf32, #tpu.memory_space<vmem>>, vector<1x16xf32>,
    %get3A_2408 = vector.shape_cast %get3A_2407 : vector<1x16xf32> to vector<16xf32>
    %add3A_2409 = arith.addf %add3A_2403, %get3A_2408 : vector<16xf32>
    %get3A_2410 = arith.constant 95 : i32
    %get3A_2411 = arith.index_cast %get3A_2410 : i32 to index
    %get3A_2412 = arith.constant 0 : index
    %get3A_2413 = tpu.vector_load %arg10[%get3A_2411, %get3A_2412] {strides = array<i32>} : memref<96x64xf32, #tpu.memory_space<vmem>>, vector<1x16xf32>,
    %get3A_2414 = vector.shape_cast %get3A_2413 : vector<1x16xf32> to vector<16xf32>
    %add3A_2415 = arith.addf %add3A_2409, %get3A_2414 : vector<16xf32>
    %swap3A_2416 = arith.constant 7 : i32
    %swap3A_2417 = arith.index_cast %swap3A_2416 : i32 to index
    %swap3A_2418 = arith.constant 0 : index
    %swap3A_2419 = tpu.vector_load %arg11[%swap3A_2417, %swap3A_2418] {strides = array<i32>} : memref<8x64xf32, #tpu.memory_space<vmem>>, vector<1x16xf32>,
    %swap3A_2420 = vector.shape_cast %swap3A_2419 : vector<1x16xf32> to vector<16xf32>
    %swap3A_2421 = vector.shape_cast %add3A_2415 : vector<16xf32> to vector<1x16xf32>
    tpu.vector_store %arg11[%swap3A_2417, %swap3A_2418], %swap3A_2421 {strides = array<i32>} : memref<8x64xf32, #tpu.memory_space<vmem>>, vector<1x16xf32>,
    %get3A_2422 = arith.constant 7 : i32
    %get3A_2423 = arith.index_cast %get3A_2422 : i32 to index
    %get3A_2424 = arith.constant 16 : index
    %get3A_2425 = tpu.vector_load %arg9[%get3A_2423, %get3A_2424] {strides = array<i32>} : memref<8x64xf32, #tpu.memory_space<vmem>>, vector<1x16xf32>,
    %get3A_2426 = vector.shape_cast %get3A_2425 : vector<1x16xf32> to vector<16xf32>
    %get3A_2427 = arith.constant 84 : i32
    %get3A_2428 = arith.index_cast %get3A_2427 : i32 to index
    %get3A_2429 = arith.constant 16 : index
    %get3A_2430 = tpu.vector_load %arg10[%get3A_2428, %get3A_2429] {strides = array<i32>} : memref<96x64xf32, #tpu.memory_space<vmem>>, vector<1x16xf32>,
    %get3A_2431 = vector.shape_cast %get3A_2430 : vector<1x16xf32> to vector<16xf32>
    %add3A_2432 = arith.addf %get3A_2426, %get3A_2431 : vector<16xf32>
    %get3A_2433 = arith.constant 85 : i32
    %get3A_2434 = arith.index_cast %get3A_2433 : i32 to index
    %get3A_2435 = arith.constant 16 : index
    %get3A_2436 = tpu.vector_load %arg10[%get3A_2434, %get3A_2435] {strides = array<i32>} : memref<96x64xf32, #tpu.memory_space<vmem>>, vector<1x16xf32>,
    %get3A_2437 = vector.shape_cast %get3A_2436 : vector<1x16xf32> to vector<16xf32>
    %add3A_2438 = arith.addf %add3A_2432, %get3A_2437 : vector<16xf32>
    %get3A_2439 = arith.constant 86 : i32
    %get3A_2440 = arith.index_cast %get3A_2439 : i32 to index
    %get3A_2441 = arith.constant 16 : index
    %get3A_2442 = tpu.vector_load %arg10[%get3A_2440, %get3A_2441] {strides = array<i32>} : memref<96x64xf32, #tpu.memory_space<vmem>>, vector<1x16xf32>,
    %get3A_2443 = vector.shape_cast %get3A_2442 : vector<1x16xf32> to vector<16xf32>
    %add3A_2444 = arith.addf %add3A_2438, %get3A_2443 : vector<16xf32>
    %get3A_2445 = arith.constant 87 : i32
    %get3A_2446 = arith.index_cast %get3A_2445 : i32 to index
    %get3A_2447 = arith.constant 16 : index
    %get3A_2448 = tpu.vector_load %arg10[%get3A_2446, %get3A_2447] {strides = array<i32>} : memref<96x64xf32, #tpu.memory_space<vmem>>, vector<1x16xf32>,
    %get3A_2449 = vector.shape_cast %get3A_2448 : vector<1x16xf32> to vector<16xf32>
    %add3A_2450 = arith.addf %add3A_2444, %get3A_2449 : vector<16xf32>
    %get3A_2451 = arith.constant 88 : i32
    %get3A_2452 = arith.index_cast %get3A_2451 : i32 to index
    %get3A_2453 = arith.constant 16 : index
    %get3A_2454 = tpu.vector_load %arg10[%get3A_2452, %get3A_2453] {strides = array<i32>} : memref<96x64xf32, #tpu.memory_space<vmem>>, vector<1x16xf32>,
    %get3A_2455 = vector.shape_cast %get3A_2454 : vector<1x16xf32> to vector<16xf32>
    %add3A_2456 = arith.addf %add3A_2450, %get3A_2455 : vector<16xf32>
    %get3A_2457 = arith.constant 89 : i32
    %get3A_2458 = arith.index_cast %get3A_2457 : i32 to index
    %get3A_2459 = arith.constant 16 : index
    %get3A_2460 = tpu.vector_load %arg10[%get3A_2458, %get3A_2459] {strides = array<i32>} : memref<96x64xf32, #tpu.memory_space<vmem>>, vector<1x16xf32>,
    %get3A_2461 = vector.shape_cast %get3A_2460 : vector<1x16xf32> to vector<16xf32>
    %add3A_2462 = arith.addf %add3A_2456, %get3A_2461 : vector<16xf32>
    %get3A_2463 = arith.constant 90 : i32
    %get3A_2464 = arith.index_cast %get3A_2463 : i32 to index
    %get3A_2465 = arith.constant 16 : index
    %get3A_2466 = tpu.vector_load %arg10[%get3A_2464, %get3A_2465] {strides = array<i32>} : memref<96x64xf32, #tpu.memory_space<vmem>>, vector<1x16xf32>,
    %get3A_2467 = vector.shape_cast %get3A_2466 : vector<1x16xf32> to vector<16xf32>
    %add3A_2468 = arith.addf %add3A_2462, %get3A_2467 : vector<16xf32>
    %get3A_2469 = arith.constant 91 : i32
    %get3A_2470 = arith.index_cast %get3A_2469 : i32 to index
    %get3A_2471 = arith.constant 16 : index
    %get3A_2472 = tpu.vector_load %arg10[%get3A_2470, %get3A_2471] {strides = array<i32>} : memref<96x64xf32, #tpu.memory_space<vmem>>, vector<1x16xf32>,
    %get3A_2473 = vector.shape_cast %get3A_2472 : vector<1x16xf32> to vector<16xf32>
    %add3A_2474 = arith.addf %add3A_2468, %get3A_2473 : vector<16xf32>
    %get3A_2475 = arith.constant 92 : i32
    %get3A_2476 = arith.index_cast %get3A_2475 : i32 to index
    %get3A_2477 = arith.constant 16 : index
    %get3A_2478 = tpu.vector_load %arg10[%get3A_2476, %get3A_2477] {strides = array<i32>} : memref<96x64xf32, #tpu.memory_space<vmem>>, vector<1x16xf32>,
    %get3A_2479 = vector.shape_cast %get3A_2478 : vector<1x16xf32> to vector<16xf32>
    %add3A_2480 = arith.addf %add3A_2474, %get3A_2479 : vector<16xf32>
    %get3A_2481 = arith.constant 93 : i32
    %get3A_2482 = arith.index_cast %get3A_2481 : i32 to index
    %get3A_2483 = arith.constant 16 : index
    %get3A_2484 = tpu.vector_load %arg10[%get3A_2482, %get3A_2483] {strides = array<i32>} : memref<96x64xf32, #tpu.memory_space<vmem>>, vector<1x16xf32>,
    %get3A_2485 = vector.shape_cast %get3A_2484 : vector<1x16xf32> to vector<16xf32>
    %add3A_2486 = arith.addf %add3A_2480, %get3A_2485 : vector<16xf32>
    %get3A_2487 = arith.constant 94 : i32
    %get3A_2488 = arith.index_cast %get3A_2487 : i32 to index
    %get3A_2489 = arith.constant 16 : index
    %get3A_2490 = tpu.vector_load %arg10[%get3A_2488, %get3A_2489] {strides = array<i32>} : memref<96x64xf32, #tpu.memory_space<vmem>>, vector<1x16xf32>,
    %get3A_2491 = vector.shape_cast %get3A_2490 : vector<1x16xf32> to vector<16xf32>
    %add3A_2492 = arith.addf %add3A_2486, %get3A_2491 : vector<16xf32>
    %get3A_2493 = arith.constant 95 : i32
    %get3A_2494 = arith.index_cast %get3A_2493 : i32 to index
    %get3A_2495 = arith.constant 16 : index
    %get3A_2496 = tpu.vector_load %arg10[%get3A_2494, %get3A_2495] {strides = array<i32>} : memref<96x64xf32, #tpu.memory_space<vmem>>, vector<1x16xf32>,
    %get3A_2497 = vector.shape_cast %get3A_2496 : vector<1x16xf32> to vector<16xf32>
    %add3A_2498 = arith.addf %add3A_2492, %get3A_2497 : vector<16xf32>
    %swap3A_2499 = arith.constant 7 : i32
    %swap3A_2500 = arith.index_cast %swap3A_2499 : i32 to index
    %swap3A_2501 = arith.constant 16 : index
    %swap3A_2502 = tpu.vector_load %arg11[%swap3A_2500, %swap3A_2501] {strides = array<i32>} : memref<8x64xf32, #tpu.memory_space<vmem>>, vector<1x16xf32>,
    %swap3A_2503 = vector.shape_cast %swap3A_2502 : vector<1x16xf32> to vector<16xf32>
    %swap3A_2504 = vector.shape_cast %add3A_2498 : vector<16xf32> to vector<1x16xf32>
    tpu.vector_store %arg11[%swap3A_2500, %swap3A_2501], %swap3A_2504 {strides = array<i32>} : memref<8x64xf32, #tpu.memory_space<vmem>>, vector<1x16xf32>,
    %get3A_2505 = arith.constant 7 : i32
    %get3A_2506 = arith.index_cast %get3A_2505 : i32 to index
    %get3A_2507 = arith.constant 32 : index
    %get3A_2508 = tpu.vector_load %arg9[%get3A_2506, %get3A_2507] {strides = array<i32>} : memref<8x64xf32, #tpu.memory_space<vmem>>, vector<1x16xf32>,
    %get3A_2509 = vector.shape_cast %get3A_2508 : vector<1x16xf32> to vector<16xf32>
    %get3A_2510 = arith.constant 84 : i32
    %get3A_2511 = arith.index_cast %get3A_2510 : i32 to index
    %get3A_2512 = arith.constant 32 : index
    %get3A_2513 = tpu.vector_load %arg10[%get3A_2511, %get3A_2512] {strides = array<i32>} : memref<96x64xf32, #tpu.memory_space<vmem>>, vector<1x16xf32>,
    %get3A_2514 = vector.shape_cast %get3A_2513 : vector<1x16xf32> to vector<16xf32>
    %add3A_2515 = arith.addf %get3A_2509, %get3A_2514 : vector<16xf32>
    %get3A_2516 = arith.constant 85 : i32
    %get3A_2517 = arith.index_cast %get3A_2516 : i32 to index
    %get3A_2518 = arith.constant 32 : index
    %get3A_2519 = tpu.vector_load %arg10[%get3A_2517, %get3A_2518] {strides = array<i32>} : memref<96x64xf32, #tpu.memory_space<vmem>>, vector<1x16xf32>,
    %get3A_2520 = vector.shape_cast %get3A_2519 : vector<1x16xf32> to vector<16xf32>
    %add3A_2521 = arith.addf %add3A_2515, %get3A_2520 : vector<16xf32>
    %get3A_2522 = arith.constant 86 : i32
    %get3A_2523 = arith.index_cast %get3A_2522 : i32 to index
    %get3A_2524 = arith.constant 32 : index
    %get3A_2525 = tpu.vector_load %arg10[%get3A_2523, %get3A_2524] {strides = array<i32>} : memref<96x64xf32, #tpu.memory_space<vmem>>, vector<1x16xf32>,
    %get3A_2526 = vector.shape_cast %get3A_2525 : vector<1x16xf32> to vector<16xf32>
    %add3A_2527 = arith.addf %add3A_2521, %get3A_2526 : vector<16xf32>
    %get3A_2528 = arith.constant 87 : i32
    %get3A_2529 = arith.index_cast %get3A_2528 : i32 to index
    %get3A_2530 = arith.constant 32 : index
    %get3A_2531 = tpu.vector_load %arg10[%get3A_2529, %get3A_2530] {strides = array<i32>} : memref<96x64xf32, #tpu.memory_space<vmem>>, vector<1x16xf32>,
    %get3A_2532 = vector.shape_cast %get3A_2531 : vector<1x16xf32> to vector<16xf32>
    %add3A_2533 = arith.addf %add3A_2527, %get3A_2532 : vector<16xf32>
    %get3A_2534 = arith.constant 88 : i32
    %get3A_2535 = arith.index_cast %get3A_2534 : i32 to index
    %get3A_2536 = arith.constant 32 : index
    %get3A_2537 = tpu.vector_load %arg10[%get3A_2535, %get3A_2536] {strides = array<i32>} : memref<96x64xf32, #tpu.memory_space<vmem>>, vector<1x16xf32>,
    %get3A_2538 = vector.shape_cast %get3A_2537 : vector<1x16xf32> to vector<16xf32>
    %add3A_2539 = arith.addf %add3A_2533, %get3A_2538 : vector<16xf32>
    %get3A_2540 = arith.constant 89 : i32
    %get3A_2541 = arith.index_cast %get3A_2540 : i32 to index
    %get3A_2542 = arith.constant 32 : index
    %get3A_2543 = tpu.vector_load %arg10[%get3A_2541, %get3A_2542] {strides = array<i32>} : memref<96x64xf32, #tpu.memory_space<vmem>>, vector<1x16xf32>,
    %get3A_2544 = vector.shape_cast %get3A_2543 : vector<1x16xf32> to vector<16xf32>
    %add3A_2545 = arith.addf %add3A_2539, %get3A_2544 : vector<16xf32>
    %get3A_2546 = arith.constant 90 : i32
    %get3A_2547 = arith.index_cast %get3A_2546 : i32 to index
    %get3A_2548 = arith.constant 32 : index
    %get3A_2549 = tpu.vector_load %arg10[%get3A_2547, %get3A_2548] {strides = array<i32>} : memref<96x64xf32, #tpu.memory_space<vmem>>, vector<1x16xf32>,
    %get3A_2550 = vector.shape_cast %get3A_2549 : vector<1x16xf32> to vector<16xf32>
    %add3A_2551 = arith.addf %add3A_2545, %get3A_2550 : vector<16xf32>
    %get3A_2552 = arith.constant 91 : i32
    %get3A_2553 = arith.index_cast %get3A_2552 : i32 to index
    %get3A_2554 = arith.constant 32 : index
    %get3A_2555 = tpu.vector_load %arg10[%get3A_2553, %get3A_2554] {strides = array<i32>} : memref<96x64xf32, #tpu.memory_space<vmem>>, vector<1x16xf32>,
    %get3A_2556 = vector.shape_cast %get3A_2555 : vector<1x16xf32> to vector<16xf32>
    %add3A_2557 = arith.addf %add3A_2551, %get3A_2556 : vector<16xf32>
    %get3A_2558 = arith.constant 92 : i32
    %get3A_2559 = arith.index_cast %get3A_2558 : i32 to index
    %get3A_2560 = arith.constant 32 : index
    %get3A_2561 = tpu.vector_load %arg10[%get3A_2559, %get3A_2560] {strides = array<i32>} : memref<96x64xf32, #tpu.memory_space<vmem>>, vector<1x16xf32>,
    %get3A_2562 = vector.shape_cast %get3A_2561 : vector<1x16xf32> to vector<16xf32>
    %add3A_2563 = arith.addf %add3A_2557, %get3A_2562 : vector<16xf32>
    %get3A_2564 = arith.constant 93 : i32
    %get3A_2565 = arith.index_cast %get3A_2564 : i32 to index
    %get3A_2566 = arith.constant 32 : index
    %get3A_2567 = tpu.vector_load %arg10[%get3A_2565, %get3A_2566] {strides = array<i32>} : memref<96x64xf32, #tpu.memory_space<vmem>>, vector<1x16xf32>,
    %get3A_2568 = vector.shape_cast %get3A_2567 : vector<1x16xf32> to vector<16xf32>
    %add3A_2569 = arith.addf %add3A_2563, %get3A_2568 : vector<16xf32>
    %get3A_2570 = arith.constant 94 : i32
    %get3A_2571 = arith.index_cast %get3A_2570 : i32 to index
    %get3A_2572 = arith.constant 32 : index
    %get3A_2573 = tpu.vector_load %arg10[%get3A_2571, %get3A_2572] {strides = array<i32>} : memref<96x64xf32, #tpu.memory_space<vmem>>, vector<1x16xf32>,
    %get3A_2574 = vector.shape_cast %get3A_2573 : vector<1x16xf32> to vector<16xf32>
    %add3A_2575 = arith.addf %add3A_2569, %get3A_2574 : vector<16xf32>
    %get3A_2576 = arith.constant 95 : i32
    %get3A_2577 = arith.index_cast %get3A_2576 : i32 to index
    %get3A_2578 = arith.constant 32 : index
    %get3A_2579 = tpu.vector_load %arg10[%get3A_2577, %get3A_2578] {strides = array<i32>} : memref<96x64xf32, #tpu.memory_space<vmem>>, vector<1x16xf32>,
    %get3A_2580 = vector.shape_cast %get3A_2579 : vector<1x16xf32> to vector<16xf32>
    %add3A_2581 = arith.addf %add3A_2575, %get3A_2580 : vector<16xf32>
    %swap3A_2582 = arith.constant 7 : i32
    %swap3A_2583 = arith.index_cast %swap3A_2582 : i32 to index
    %swap3A_2584 = arith.constant 32 : index
    %swap3A_2585 = tpu.vector_load %arg11[%swap3A_2583, %swap3A_2584] {strides = array<i32>} : memref<8x64xf32, #tpu.memory_space<vmem>>, vector<1x16xf32>,
    %swap3A_2586 = vector.shape_cast %swap3A_2585 : vector<1x16xf32> to vector<16xf32>
    %swap3A_2587 = vector.shape_cast %add3A_2581 : vector<16xf32> to vector<1x16xf32>
    tpu.vector_store %arg11[%swap3A_2583, %swap3A_2584], %swap3A_2587 {strides = array<i32>} : memref<8x64xf32, #tpu.memory_space<vmem>>, vector<1x16xf32>,
    %get3A_2588 = arith.constant 7 : i32
    %get3A_2589 = arith.index_cast %get3A_2588 : i32 to index
    %get3A_2590 = arith.constant 48 : index
    %get3A_2591 = tpu.vector_load %arg9[%get3A_2589, %get3A_2590] {strides = array<i32>} : memref<8x64xf32, #tpu.memory_space<vmem>>, vector<1x16xf32>,
    %get3A_2592 = vector.shape_cast %get3A_2591 : vector<1x16xf32> to vector<16xf32>
    %get3A_2593 = arith.constant 84 : i32
    %get3A_2594 = arith.index_cast %get3A_2593 : i32 to index
    %get3A_2595 = arith.constant 48 : index
    %get3A_2596 = tpu.vector_load %arg10[%get3A_2594, %get3A_2595] {strides = array<i32>} : memref<96x64xf32, #tpu.memory_space<vmem>>, vector<1x16xf32>,
    %get3A_2597 = vector.shape_cast %get3A_2596 : vector<1x16xf32> to vector<16xf32>
    %add3A_2598 = arith.addf %get3A_2592, %get3A_2597 : vector<16xf32>
    %get3A_2599 = arith.constant 85 : i32
    %get3A_2600 = arith.index_cast %get3A_2599 : i32 to index
    %get3A_2601 = arith.constant 48 : index
    %get3A_2602 = tpu.vector_load %arg10[%get3A_2600, %get3A_2601] {strides = array<i32>} : memref<96x64xf32, #tpu.memory_space<vmem>>, vector<1x16xf32>,
    %get3A_2603 = vector.shape_cast %get3A_2602 : vector<1x16xf32> to vector<16xf32>
    %add3A_2604 = arith.addf %add3A_2598, %get3A_2603 : vector<16xf32>
    %get3A_2605 = arith.constant 86 : i32
    %get3A_2606 = arith.index_cast %get3A_2605 : i32 to index
    %get3A_2607 = arith.constant 48 : index
    %get3A_2608 = tpu.vector_load %arg10[%get3A_2606, %get3A_2607] {strides = array<i32>} : memref<96x64xf32, #tpu.memory_space<vmem>>, vector<1x16xf32>,
    %get3A_2609 = vector.shape_cast %get3A_2608 : vector<1x16xf32> to vector<16xf32>
    %add3A_2610 = arith.addf %add3A_2604, %get3A_2609 : vector<16xf32>
    %get3A_2611 = arith.constant 87 : i32
    %get3A_2612 = arith.index_cast %get3A_2611 : i32 to index
    %get3A_2613 = arith.constant 48 : index
    %get3A_2614 = tpu.vector_load %arg10[%get3A_2612, %get3A_2613] {strides = array<i32>} : memref<96x64xf32, #tpu.memory_space<vmem>>, vector<1x16xf32>,
    %get3A_2615 = vector.shape_cast %get3A_2614 : vector<1x16xf32> to vector<16xf32>
    %add3A_2616 = arith.addf %add3A_2610, %get3A_2615 : vector<16xf32>
    %get3A_2617 = arith.constant 88 : i32
    %get3A_2618 = arith.index_cast %get3A_2617 : i32 to index
    %get3A_2619 = arith.constant 48 : index
    %get3A_2620 = tpu.vector_load %arg10[%get3A_2618, %get3A_2619] {strides = array<i32>} : memref<96x64xf32, #tpu.memory_space<vmem>>, vector<1x16xf32>,
    %get3A_2621 = vector.shape_cast %get3A_2620 : vector<1x16xf32> to vector<16xf32>
    %add3A_2622 = arith.addf %add3A_2616, %get3A_2621 : vector<16xf32>
    %get3A_2623 = arith.constant 89 : i32
    %get3A_2624 = arith.index_cast %get3A_2623 : i32 to index
    %get3A_2625 = arith.constant 48 : index
    %get3A_2626 = tpu.vector_load %arg10[%get3A_2624, %get3A_2625] {strides = array<i32>} : memref<96x64xf32, #tpu.memory_space<vmem>>, vector<1x16xf32>,
    %get3A_2627 = vector.shape_cast %get3A_2626 : vector<1x16xf32> to vector<16xf32>
    %add3A_2628 = arith.addf %add3A_2622, %get3A_2627 : vector<16xf32>
    %get3A_2629 = arith.constant 90 : i32
    %get3A_2630 = arith.index_cast %get3A_2629 : i32 to index
    %get3A_2631 = arith.constant 48 : index
    %get3A_2632 = tpu.vector_load %arg10[%get3A_2630, %get3A_2631] {strides = array<i32>} : memref<96x64xf32, #tpu.memory_space<vmem>>, vector<1x16xf32>,
    %get3A_2633 = vector.shape_cast %get3A_2632 : vector<1x16xf32> to vector<16xf32>
    %add3A_2634 = arith.addf %add3A_2628, %get3A_2633 : vector<16xf32>
    %get3A_2635 = arith.constant 91 : i32
    %get3A_2636 = arith.index_cast %get3A_2635 : i32 to index
    %get3A_2637 = arith.constant 48 : index
    %get3A_2638 = tpu.vector_load %arg10[%get3A_2636, %get3A_2637] {strides = array<i32>} : memref<96x64xf32, #tpu.memory_space<vmem>>, vector<1x16xf32>,
    %get3A_2639 = vector.shape_cast %get3A_2638 : vector<1x16xf32> to vector<16xf32>
    %add3A_2640 = arith.addf %add3A_2634, %get3A_2639 : vector<16xf32>
    %get3A_2641 = arith.constant 92 : i32
    %get3A_2642 = arith.index_cast %get3A_2641 : i32 to index
    %get3A_2643 = arith.constant 48 : index
    %get3A_2644 = tpu.vector_load %arg10[%get3A_2642, %get3A_2643] {strides = array<i32>} : memref<96x64xf32, #tpu.memory_space<vmem>>, vector<1x16xf32>,
    %get3A_2645 = vector.shape_cast %get3A_2644 : vector<1x16xf32> to vector<16xf32>
    %add3A_2646 = arith.addf %add3A_2640, %get3A_2645 : vector<16xf32>
    %get3A_2647 = arith.constant 93 : i32
    %get3A_2648 = arith.index_cast %get3A_2647 : i32 to index
    %get3A_2649 = arith.constant 48 : index
    %get3A_2650 = tpu.vector_load %arg10[%get3A_2648, %get3A_2649] {strides = array<i32>} : memref<96x64xf32, #tpu.memory_space<vmem>>, vector<1x16xf32>,
    %get3A_2651 = vector.shape_cast %get3A_2650 : vector<1x16xf32> to vector<16xf32>
    %add3A_2652 = arith.addf %add3A_2646, %get3A_2651 : vector<16xf32>
    %get3A_2653 = arith.constant 94 : i32
    %get3A_2654 = arith.index_cast %get3A_2653 : i32 to index
    %get3A_2655 = arith.constant 48 : index
    %get3A_2656 = tpu.vector_load %arg10[%get3A_2654, %get3A_2655] {strides = array<i32>} : memref<96x64xf32, #tpu.memory_space<vmem>>, vector<1x16xf32>,
    %get3A_2657 = vector.shape_cast %get3A_2656 : vector<1x16xf32> to vector<16xf32>
    %add3A_2658 = arith.addf %add3A_2652, %get3A_2657 : vector<16xf32>
    %get3A_2659 = arith.constant 95 : i32
    %get3A_2660 = arith.index_cast %get3A_2659 : i32 to index
    %get3A_2661 = arith.constant 48 : index
    %get3A_2662 = tpu.vector_load %arg10[%get3A_2660, %get3A_2661] {strides = array<i32>} : memref<96x64xf32, #tpu.memory_space<vmem>>, vector<1x16xf32>,
    %get3A_2663 = vector.shape_cast %get3A_2662 : vector<1x16xf32> to vector<16xf32>
    %add3A_2664 = arith.addf %add3A_2658, %get3A_2663 : vector<16xf32>
    %swap3A_2665 = arith.constant 7 : i32
    %swap3A_2666 = arith.index_cast %swap3A_2665 : i32 to index
    %swap3A_2667 = arith.constant 48 : index
    %swap3A_2668 = tpu.vector_load %arg11[%swap3A_2666, %swap3A_2667] {strides = array<i32>} : memref<8x64xf32, #tpu.memory_space<vmem>>, vector<1x16xf32>,
    %swap3A_2669 = vector.shape_cast %swap3A_2668 : vector<1x16xf32> to vector<16xf32>
    %swap3A_2670 = vector.shape_cast %add3A_2664 : vector<16xf32> to vector<1x16xf32>
    tpu.vector_store %arg11[%swap3A_2666, %swap3A_2667], %swap3A_2670 {strides = array<i32>} : memref<8x64xf32, #tpu.memory_space<vmem>>, vector<1x16xf32>,
    %mul3A_2671 = arith.constant 8 : i32
    %mul3A_2672 = arith.muli %add3A, %mul3A_2671 : i32
    "tpu.region"() ({
      %run_scoped3A = tpu.sem_alloc : memref<!tpu.dma_semaphore, #tpu.memory_space<semaphore_mem>>
      %dma_start3A_2673 = arith.constant 0 : i32
      %dma_start3A_2674 = tpu.memref_slice %arg6[%mul3A_2672, %dma_start3A_2673] : memref<256x64xf32, #tpu.memory_space<hbm>> -> memref<8x64xf32, #tpu.memory_space<hbm>>
      %dma_start3A_2675 = arith.constant 0 : i32
      %dma_start3A_2676 = tpu.memref_slice %arg6[%mul3A_2672, %dma_start3A_2675] : memref<256x64xf32, #tpu.memory_space<hbm>> -> memref<8x64xf32, #tpu.memory_space<hbm>>
      tpu.enqueue_dma source(%arg11 : memref<8x64xf32, #tpu.memory_space<vmem>>) target(%dma_start3A_2676 : memref<8x64xf32, #tpu.memory_space<hbm>>) target_semaphore(%run_scoped3A : memref<!tpu.dma_semaphore, #tpu.memory_space<semaphore_mem>>)
      %dma_wait3A_2677 = arith.constant 0 : i32
      %dma_wait3A_2678 = tpu.memref_slice %arg6[%mul3A_2672, %dma_wait3A_2677] : memref<256x64xf32, #tpu.memory_space<hbm>> -> memref<8x64xf32, #tpu.memory_space<hbm>>
      %dma_wait3A_2679 = arith.constant 0 : i32
      %dma_wait3A_2680 = tpu.memref_slice %arg6[%mul3A_2672, %dma_wait3A_2679] : memref<256x64xf32, #tpu.memory_space<hbm>> -> memref<8x64xf32, #tpu.memory_space<hbm>>
      tpu.wait_dma2 semaphore(%run_scoped3A : memref<!tpu.dma_semaphore, #tpu.memory_space<semaphore_mem>>) src(%arg11 : memref<8x64xf32, #tpu.memory_space<vmem>>) dst(%dma_wait3A_2680 : memref<8x64xf32, #tpu.memory_space<hbm>>)
      tpu.yield
    }) : () -> ()
    return
  }
}

module attributes {stable_mosaic.version = 14 : i64} {
  func.func @_pos_body(%arg0: i32, %arg1: memref<256x16xi32, #tpu.memory_space<smem>>, %arg2: memref<256x64xbf16, #tpu.memory_space<vmem>>, %arg3: memref<128x64xbf16, #tpu.memory_space<vmem>>, %arg4: memref<16x2048x64xf32, #tpu.memory_space<vmem>>) attributes {dimension_semantics = [#tpu.dimension_semantics<parallel>], iteration_bounds = array<i64: 16>, scalar_prefetch = 0 : i64, scratch_operands = 0 : i64, tpu.core_type = #tpu.core_type<tc>, window_params = [{transform_indices = @transform_0, window_bounds = array<i64: 256, 16>}, {pipeline_mode = #tpu.pipeline_mode<synchronous>, transform_indices = @transform_1, window_bounds = array<i64: 256, 64>}, {pipeline_mode = #tpu.pipeline_mode<synchronous>, transform_indices = @transform_2, window_bounds = array<i64: 128, 64>}, {transform_indices = @transform_3, window_bounds = array<i64: 16, 2048, 64>}]} {
    %iota3A = tpu.iota {dimensions = array<i32: 1>} : vector<1x128xi32>
    %iota3A_0 = tpu.iota {dimensions = array<i32: 0>} : vector<2048x1xi32>
    %convert_element_type3A = arith.sitofp %iota3A_0 : vector<2048x1xi32> to vector<2048x1xf32>
    %div3A = arith.constant 2.048000e+03 : f32
    %div3A_1 = vector.broadcast %div3A : f32 to vector<2048x1xf32>
    %div3A_2 = arith.divf %convert_element_type3A, %div3A_1 : vector<2048x1xf32>
    %mul3A = arith.constant 16 : i32
    %mul3A_3 = arith.muli %arg0, %mul3A : i32
    %add3A = arith.constant 0 : i32
    %add3A_4 = arith.addi %mul3A_3, %add3A : i32
    %get3A = arith.index_cast %add3A_4 : i32 to index
    %get3A_5 = arith.constant 0 : index
    %get3A_6 = memref.load %arg1[%get3A, %get3A_5] : memref<256x16xi32, #tpu.memory_space<smem>>
    %convert_element_type3A_7 = arith.sitofp %get3A_6 : i32 to f32
    %get3A_8 = arith.index_cast %add3A_4 : i32 to index
    %get3A_9 = arith.constant 1 : index
    %get3A_10 = memref.load %arg1[%get3A_8, %get3A_9] : memref<256x16xi32, #tpu.memory_space<smem>>
    %get3A_11 = arith.index_cast %add3A_4 : i32 to index
    %get3A_12 = arith.constant 2 : index
    %get3A_13 = memref.load %arg1[%get3A_11, %get3A_12] : memref<256x16xi32, #tpu.memory_space<smem>>
    %convert_element_type3A_14 = arith.sitofp %get3A_10 : i32 to f32
    %add3A_15 = arith.addi %get3A_10, %get3A_13 : i32
    %convert_element_type3A_16 = arith.sitofp %add3A_15 : i32 to f32
    %sub3A = arith.subf %convert_element_type3A_16, %convert_element_type3A_14 : f32
    %mul3A_17 = vector.broadcast %sub3A : f32 to vector<2048x1xf32>
    %mul3A_18 = arith.mulf %mul3A_17, %div3A_2 : vector<2048x1xf32>
    %add3A_19 = vector.broadcast %convert_element_type3A_14 : f32 to vector<2048x1xf32>
    %add3A_20 = arith.addf %add3A_19, %mul3A_18 : vector<2048x1xf32>
    %div3A_21 = arith.constant 2.646000e+07 : f32
    %div3A_22 = vector.broadcast %div3A_21 : f32 to vector<2048x1xf32>
    %div3A_23 = arith.divf %add3A_20, %div3A_22 : vector<2048x1xf32>
    %mul3A_24 = arith.constant 1.280000e+02 : f32
    %mul3A_25 = vector.broadcast %mul3A_24 : f32 to vector<2048x1xf32>
    %mul3A_26 = arith.mulf %mul3A_25, %div3A_23 : vector<2048x1xf32>
    %div3A_27 = arith.divf %convert_element_type3A_14, %convert_element_type3A_7 : f32
    %div3A_28 = arith.divf %convert_element_type3A_16, %convert_element_type3A_7 : f32
    %jit3A = arith.constant 0.000000e+00 : f32
    %jit3A_29 = arith.constant 1.000000e+00 : f32
    %max3A = arith.maximumf %jit3A, %div3A_28 : f32
    %min3A = arith.minimumf %jit3A_29, %max3A : f32
    %sub3A_30 = arith.subf %min3A, %div3A_27 : f32
    %mul3A_31 = vector.broadcast %sub3A_30 : f32 to vector<2048x1xf32>
    %mul3A_32 = arith.mulf %mul3A_31, %div3A_2 : vector<2048x1xf32>
    %add3A_33 = vector.broadcast %div3A_27 : f32 to vector<2048x1xf32>
    %add3A_34 = arith.addf %add3A_33, %mul3A_32 : vector<2048x1xf32>
    %mul3A_35 = arith.constant 1.280000e+02 : f32
    %mul3A_36 = vector.broadcast %mul3A_35 : f32 to vector<2048x1xf32>
    %mul3A_37 = arith.mulf %mul3A_36, %add3A_34 : vector<2048x1xf32>
    %floor3A = math.floor %mul3A_26 : vector<2048x1xf32>
    %convert_element_type3A_38 = arith.fptosi %floor3A : vector<2048x1xf32> to vector<2048x1xi32>
    %min3A_39 = arith.constant 127 : i32
    %min3A_40 = vector.broadcast %min3A_39 : i32 to vector<2048x1xi32>
    %min3A_41 = arith.minsi %convert_element_type3A_38, %min3A_40 : vector<2048x1xi32>
    %floor3A_42 = math.floor %mul3A_37 : vector<2048x1xf32>
    %convert_element_type3A_43 = arith.fptosi %floor3A_42 : vector<2048x1xf32> to vector<2048x1xi32>
    %min3A_44 = arith.constant 127 : i32
    %min3A_45 = vector.broadcast %min3A_44 : i32 to vector<2048x1xi32>
    %min3A_46 = arith.minsi %convert_element_type3A_43, %min3A_45 : vector<2048x1xi32>
    %eq3A = vector.broadcast %min3A_41 : vector<2048x1xi32> to vector<2048x128xi32>
    %eq3A_47 = vector.broadcast %iota3A : vector<1x128xi32> to vector<2048x128xi32>
    %eq3A_48 = arith.cmpi eq, %eq3A, %eq3A_47 : vector<2048x128xi32>
    %convert_element_type3A_49 = arith.extui %eq3A_48 : vector<2048x128xi1> to vector<2048x128xi32>
    %convert_element_type3A_50 = arith.sitofp %convert_element_type3A_49 : vector<2048x128xi32> to vector<2048x128xf32>
    %convert_element_type3A_51 = arith.truncf %convert_element_type3A_50 : vector<2048x128xf32> to vector<2048x128xbf16>
    %eq3A_52 = vector.broadcast %min3A_46 : vector<2048x1xi32> to vector<2048x128xi32>
    %eq3A_53 = vector.broadcast %iota3A : vector<1x128xi32> to vector<2048x128xi32>
    %eq3A_54 = arith.cmpi eq, %eq3A_52, %eq3A_53 : vector<2048x128xi32>
    %convert_element_type3A_55 = arith.extui %eq3A_54 : vector<2048x128xi1> to vector<2048x128xi32>
    %convert_element_type3A_56 = arith.sitofp %convert_element_type3A_55 : vector<2048x128xi32> to vector<2048x128xf32>
    %convert_element_type3A_57 = arith.truncf %convert_element_type3A_56 : vector<2048x128xf32> to vector<2048x128xbf16>
    %concatenate3A = tpu.concatenate %convert_element_type3A_51, %convert_element_type3A_57 in 1 : vector<2048x128xbf16>, vector<2048x128xbf16> -> vector<2048x256xbf16>
    %get3A_58 = arith.constant 0 : index
    %get3A_59 = arith.constant 0 : index
    %get3A_60 = vector.load %arg2[%get3A_58, %get3A_59] : memref<256x64xbf16, #tpu.memory_space<vmem>>, vector<256x64xbf16>
    %dot_general3A = arith.constant dense<0.000000e+00> : vector<2048x64xf32>
    %dot_general3A_61 = tpu.matmul %concatenate3A, %get3A_60, %dot_general3A {dimension_numbers = #tpu.dot_dimension_numbers<[1], [0], [0], [1], [0, 0, 1, 1], [], []>, transpose_lhs_hint = false} : vector<2048x256xbf16>, vector<256x64xbf16>, vector<2048x64xf32> -> vector<2048x64xf32>
    %sub3A_62 = arith.constant 1.058400e+06 : f32
    %sub3A_63 = arith.subf %convert_element_type3A_7, %sub3A_62 : f32
    %div3A_64 = arith.constant 2.540160e+07 : f32
    %div3A_65 = arith.divf %sub3A_63, %div3A_64 : f32
    %mul3A_66 = arith.constant 1.280000e+02 : f32
    %mul3A_67 = arith.mulf %mul3A_66, %div3A_65 : f32
    %floor3A_68 = math.floor %mul3A_67 : f32
    %convert_element_type3A_69 = arith.fptosi %floor3A_68 : f32 to i32
    %min3A_70 = arith.constant 127 : i32
    %min3A_71 = arith.minsi %convert_element_type3A_69, %min3A_70 : i32
    %eq3A_72 = vector.broadcast %min3A_71 : i32 to vector<1x128xi32>
    %eq3A_73 = arith.cmpi eq, %eq3A_72, %iota3A : vector<1x128xi32>
    %convert_element_type3A_74 = arith.extui %eq3A_73 : vector<1x128xi1> to vector<1x128xi32>
    %convert_element_type3A_75 = arith.sitofp %convert_element_type3A_74 : vector<1x128xi32> to vector<1x128xf32>
    %convert_element_type3A_76 = arith.truncf %convert_element_type3A_75 : vector<1x128xf32> to vector<1x128xbf16>
    %get3A_77 = arith.constant 0 : index
    %get3A_78 = arith.constant 0 : index
    %get3A_79 = vector.load %arg3[%get3A_77, %get3A_78] : memref<128x64xbf16, #tpu.memory_space<vmem>>, vector<128x64xbf16>
    %dot_general3A_80 = arith.constant dense<0.000000e+00> : vector<1x64xf32>
    %dot_general3A_81 = tpu.matmul %convert_element_type3A_76, %get3A_79, %dot_general3A_80 {dimension_numbers = #tpu.dot_dimension_numbers<[1], [0], [0], [1], [0, 0, 1, 1], [], []>, transpose_lhs_hint = false} : vector<1x128xbf16>, vector<128x64xbf16>, vector<1x64xf32> -> vector<1x64xf32>
    %add3A_82 = vector.broadcast %dot_general3A_81 : vector<1x64xf32> to vector<2048x64xf32>
    %add3A_83 = arith.addf %dot_general3A_61, %add3A_82 : vector<2048x64xf32>
    %swap3A = arith.constant 0 : index
    %swap3A_84 = arith.constant 0 : index
    %swap3A_85 = arith.constant 0 : index
    %swap3A_86 = vector.load %arg4[%swap3A, %swap3A_84, %swap3A_85] : memref<16x2048x64xf32, #tpu.memory_space<vmem>>, vector<1x2048x64xf32>
    %swap3A_87 = vector.shape_cast %swap3A_86 : vector<1x2048x64xf32> to vector<2048x64xf32>
    %swap3A_88 = vector.shape_cast %add3A_83 : vector<2048x64xf32> to vector<1x2048x64xf32>
    tpu.vector_store %arg4[%swap3A, %swap3A_84, %swap3A_85], %swap3A_88 {strides = array<i32>} : memref<16x2048x64xf32, #tpu.memory_space<vmem>>, vector<1x2048x64xf32>,
    %mul3A_89 = arith.constant 16 : i32
    %mul3A_90 = arith.muli %arg0, %mul3A_89 : i32
    %add3A_91 = arith.constant 1 : i32
    %add3A_92 = arith.addi %mul3A_90, %add3A_91 : i32
    %get3A_93 = arith.index_cast %add3A_92 : i32 to index
    %get3A_94 = arith.constant 0 : index
    %get3A_95 = memref.load %arg1[%get3A_93, %get3A_94] : memref<256x16xi32, #tpu.memory_space<smem>>
    %convert_element_type3A_96 = arith.sitofp %get3A_95 : i32 to f32
    %get3A_97 = arith.index_cast %add3A_92 : i32 to index
    %get3A_98 = arith.constant 1 : index
    %get3A_99 = memref.load %arg1[%get3A_97, %get3A_98] : memref<256x16xi32, #tpu.memory_space<smem>>
    %get3A_100 = arith.index_cast %add3A_92 : i32 to index
    %get3A_101 = arith.constant 2 : index
    %get3A_102 = memref.load %arg1[%get3A_100, %get3A_101] : memref<256x16xi32, #tpu.memory_space<smem>>
    %convert_element_type3A_103 = arith.sitofp %get3A_99 : i32 to f32
    %add3A_104 = arith.addi %get3A_99, %get3A_102 : i32
    %convert_element_type3A_105 = arith.sitofp %add3A_104 : i32 to f32
    %sub3A_106 = arith.subf %convert_element_type3A_105, %convert_element_type3A_103 : f32
    %mul3A_107 = vector.broadcast %sub3A_106 : f32 to vector<2048x1xf32>
    %mul3A_108 = arith.mulf %mul3A_107, %div3A_2 : vector<2048x1xf32>
    %add3A_109 = vector.broadcast %convert_element_type3A_103 : f32 to vector<2048x1xf32>
    %add3A_110 = arith.addf %add3A_109, %mul3A_108 : vector<2048x1xf32>
    %div3A_111 = arith.constant 2.646000e+07 : f32
    %div3A_112 = vector.broadcast %div3A_111 : f32 to vector<2048x1xf32>
    %div3A_113 = arith.divf %add3A_110, %div3A_112 : vector<2048x1xf32>
    %mul3A_114 = arith.constant 1.280000e+02 : f32
    %mul3A_115 = vector.broadcast %mul3A_114 : f32 to vector<2048x1xf32>
    %mul3A_116 = arith.mulf %mul3A_115, %div3A_113 : vector<2048x1xf32>
    %div3A_117 = arith.divf %convert_element_type3A_103, %convert_element_type3A_96 : f32
    %div3A_118 = arith.divf %convert_element_type3A_105, %convert_element_type3A_96 : f32
    %jit3A_119 = arith.constant 0.000000e+00 : f32
    %jit3A_120 = arith.constant 1.000000e+00 : f32
    %max3A_121 = arith.maximumf %jit3A_119, %div3A_118 : f32
    %min3A_122 = arith.minimumf %jit3A_120, %max3A_121 : f32
    %sub3A_123 = arith.subf %min3A_122, %div3A_117 : f32
    %mul3A_124 = vector.broadcast %sub3A_123 : f32 to vector<2048x1xf32>
    %mul3A_125 = arith.mulf %mul3A_124, %div3A_2 : vector<2048x1xf32>
    %add3A_126 = vector.broadcast %div3A_117 : f32 to vector<2048x1xf32>
    %add3A_127 = arith.addf %add3A_126, %mul3A_125 : vector<2048x1xf32>
    %mul3A_128 = arith.constant 1.280000e+02 : f32
    %mul3A_129 = vector.broadcast %mul3A_128 : f32 to vector<2048x1xf32>
    %mul3A_130 = arith.mulf %mul3A_129, %add3A_127 : vector<2048x1xf32>
    %floor3A_131 = math.floor %mul3A_116 : vector<2048x1xf32>
    %convert_element_type3A_132 = arith.fptosi %floor3A_131 : vector<2048x1xf32> to vector<2048x1xi32>
    %min3A_133 = arith.constant 127 : i32
    %min3A_134 = vector.broadcast %min3A_133 : i32 to vector<2048x1xi32>
    %min3A_135 = arith.minsi %convert_element_type3A_132, %min3A_134 : vector<2048x1xi32>
    %floor3A_136 = math.floor %mul3A_130 : vector<2048x1xf32>
    %convert_element_type3A_137 = arith.fptosi %floor3A_136 : vector<2048x1xf32> to vector<2048x1xi32>
    %min3A_138 = arith.constant 127 : i32
    %min3A_139 = vector.broadcast %min3A_138 : i32 to vector<2048x1xi32>
    %min3A_140 = arith.minsi %convert_element_type3A_137, %min3A_139 : vector<2048x1xi32>
    %eq3A_141 = vector.broadcast %min3A_135 : vector<2048x1xi32> to vector<2048x128xi32>
    %eq3A_142 = vector.broadcast %iota3A : vector<1x128xi32> to vector<2048x128xi32>
    %eq3A_143 = arith.cmpi eq, %eq3A_141, %eq3A_142 : vector<2048x128xi32>
    %convert_element_type3A_144 = arith.extui %eq3A_143 : vector<2048x128xi1> to vector<2048x128xi32>
    %convert_element_type3A_145 = arith.sitofp %convert_element_type3A_144 : vector<2048x128xi32> to vector<2048x128xf32>
    %convert_element_type3A_146 = arith.truncf %convert_element_type3A_145 : vector<2048x128xf32> to vector<2048x128xbf16>
    %eq3A_147 = vector.broadcast %min3A_140 : vector<2048x1xi32> to vector<2048x128xi32>
    %eq3A_148 = vector.broadcast %iota3A : vector<1x128xi32> to vector<2048x128xi32>
    %eq3A_149 = arith.cmpi eq, %eq3A_147, %eq3A_148 : vector<2048x128xi32>
    %convert_element_type3A_150 = arith.extui %eq3A_149 : vector<2048x128xi1> to vector<2048x128xi32>
    %convert_element_type3A_151 = arith.sitofp %convert_element_type3A_150 : vector<2048x128xi32> to vector<2048x128xf32>
    %convert_element_type3A_152 = arith.truncf %convert_element_type3A_151 : vector<2048x128xf32> to vector<2048x128xbf16>
    %concatenate3A_153 = tpu.concatenate %convert_element_type3A_146, %convert_element_type3A_152 in 1 : vector<2048x128xbf16>, vector<2048x128xbf16> -> vector<2048x256xbf16>
    %get3A_154 = arith.constant 0 : index
    %get3A_155 = arith.constant 0 : index
    %get3A_156 = vector.load %arg2[%get3A_154, %get3A_155] : memref<256x64xbf16, #tpu.memory_space<vmem>>, vector<256x64xbf16>
    %dot_general3A_157 = arith.constant dense<0.000000e+00> : vector<2048x64xf32>
    %dot_general3A_158 = tpu.matmul %concatenate3A_153, %get3A_156, %dot_general3A_157 {dimension_numbers = #tpu.dot_dimension_numbers<[1], [0], [0], [1], [0, 0, 1, 1], [], []>, transpose_lhs_hint = false} : vector<2048x256xbf16>, vector<256x64xbf16>, vector<2048x64xf32> -> vector<2048x64xf32>
    %sub3A_159 = arith.constant 1.058400e+06 : f32
    %sub3A_160 = arith.subf %convert_element_type3A_96, %sub3A_159 : f32
    %div3A_161 = arith.constant 2.540160e+07 : f32
    %div3A_162 = arith.divf %sub3A_160, %div3A_161 : f32
    %mul3A_163 = arith.constant 1.280000e+02 : f32
    %mul3A_164 = arith.mulf %mul3A_163, %div3A_162 : f32
    %floor3A_165 = math.floor %mul3A_164 : f32
    %convert_element_type3A_166 = arith.fptosi %floor3A_165 : f32 to i32
    %min3A_167 = arith.constant 127 : i32
    %min3A_168 = arith.minsi %convert_element_type3A_166, %min3A_167 : i32
    %eq3A_169 = vector.broadcast %min3A_168 : i32 to vector<1x128xi32>
    %eq3A_170 = arith.cmpi eq, %eq3A_169, %iota3A : vector<1x128xi32>
    %convert_element_type3A_171 = arith.extui %eq3A_170 : vector<1x128xi1> to vector<1x128xi32>
    %convert_element_type3A_172 = arith.sitofp %convert_element_type3A_171 : vector<1x128xi32> to vector<1x128xf32>
    %convert_element_type3A_173 = arith.truncf %convert_element_type3A_172 : vector<1x128xf32> to vector<1x128xbf16>
    %get3A_174 = arith.constant 0 : index
    %get3A_175 = arith.constant 0 : index
    %get3A_176 = vector.load %arg3[%get3A_174, %get3A_175] : memref<128x64xbf16, #tpu.memory_space<vmem>>, vector<128x64xbf16>
    %dot_general3A_177 = arith.constant dense<0.000000e+00> : vector<1x64xf32>
    %dot_general3A_178 = tpu.matmul %convert_element_type3A_173, %get3A_176, %dot_general3A_177 {dimension_numbers = #tpu.dot_dimension_numbers<[1], [0], [0], [1], [0, 0, 1, 1], [], []>, transpose_lhs_hint = false} : vector<1x128xbf16>, vector<128x64xbf16>, vector<1x64xf32> -> vector<1x64xf32>
    %add3A_179 = vector.broadcast %dot_general3A_178 : vector<1x64xf32> to vector<2048x64xf32>
    %add3A_180 = arith.addf %dot_general3A_158, %add3A_179 : vector<2048x64xf32>
    %swap3A_181 = arith.constant 1 : index
    %swap3A_182 = arith.constant 0 : index
    %swap3A_183 = arith.constant 0 : index
    %swap3A_184 = vector.load %arg4[%swap3A_181, %swap3A_182, %swap3A_183] : memref<16x2048x64xf32, #tpu.memory_space<vmem>>, vector<1x2048x64xf32>
    %swap3A_185 = vector.shape_cast %swap3A_184 : vector<1x2048x64xf32> to vector<2048x64xf32>
    %swap3A_186 = vector.shape_cast %add3A_180 : vector<2048x64xf32> to vector<1x2048x64xf32>
    tpu.vector_store %arg4[%swap3A_181, %swap3A_182, %swap3A_183], %swap3A_186 {strides = array<i32>} : memref<16x2048x64xf32, #tpu.memory_space<vmem>>, vector<1x2048x64xf32>,
    %mul3A_187 = arith.constant 16 : i32
    %mul3A_188 = arith.muli %arg0, %mul3A_187 : i32
    %add3A_189 = arith.constant 2 : i32
    %add3A_190 = arith.addi %mul3A_188, %add3A_189 : i32
    %get3A_191 = arith.index_cast %add3A_190 : i32 to index
    %get3A_192 = arith.constant 0 : index
    %get3A_193 = memref.load %arg1[%get3A_191, %get3A_192] : memref<256x16xi32, #tpu.memory_space<smem>>
    %convert_element_type3A_194 = arith.sitofp %get3A_193 : i32 to f32
    %get3A_195 = arith.index_cast %add3A_190 : i32 to index
    %get3A_196 = arith.constant 1 : index
    %get3A_197 = memref.load %arg1[%get3A_195, %get3A_196] : memref<256x16xi32, #tpu.memory_space<smem>>
    %get3A_198 = arith.index_cast %add3A_190 : i32 to index
    %get3A_199 = arith.constant 2 : index
    %get3A_200 = memref.load %arg1[%get3A_198, %get3A_199] : memref<256x16xi32, #tpu.memory_space<smem>>
    %convert_element_type3A_201 = arith.sitofp %get3A_197 : i32 to f32
    %add3A_202 = arith.addi %get3A_197, %get3A_200 : i32
    %convert_element_type3A_203 = arith.sitofp %add3A_202 : i32 to f32
    %sub3A_204 = arith.subf %convert_element_type3A_203, %convert_element_type3A_201 : f32
    %mul3A_205 = vector.broadcast %sub3A_204 : f32 to vector<2048x1xf32>
    %mul3A_206 = arith.mulf %mul3A_205, %div3A_2 : vector<2048x1xf32>
    %add3A_207 = vector.broadcast %convert_element_type3A_201 : f32 to vector<2048x1xf32>
    %add3A_208 = arith.addf %add3A_207, %mul3A_206 : vector<2048x1xf32>
    %div3A_209 = arith.constant 2.646000e+07 : f32
    %div3A_210 = vector.broadcast %div3A_209 : f32 to vector<2048x1xf32>
    %div3A_211 = arith.divf %add3A_208, %div3A_210 : vector<2048x1xf32>
    %mul3A_212 = arith.constant 1.280000e+02 : f32
    %mul3A_213 = vector.broadcast %mul3A_212 : f32 to vector<2048x1xf32>
    %mul3A_214 = arith.mulf %mul3A_213, %div3A_211 : vector<2048x1xf32>
    %div3A_215 = arith.divf %convert_element_type3A_201, %convert_element_type3A_194 : f32
    %div3A_216 = arith.divf %convert_element_type3A_203, %convert_element_type3A_194 : f32
    %jit3A_217 = arith.constant 0.000000e+00 : f32
    %jit3A_218 = arith.constant 1.000000e+00 : f32
    %max3A_219 = arith.maximumf %jit3A_217, %div3A_216 : f32
    %min3A_220 = arith.minimumf %jit3A_218, %max3A_219 : f32
    %sub3A_221 = arith.subf %min3A_220, %div3A_215 : f32
    %mul3A_222 = vector.broadcast %sub3A_221 : f32 to vector<2048x1xf32>
    %mul3A_223 = arith.mulf %mul3A_222, %div3A_2 : vector<2048x1xf32>
    %add3A_224 = vector.broadcast %div3A_215 : f32 to vector<2048x1xf32>
    %add3A_225 = arith.addf %add3A_224, %mul3A_223 : vector<2048x1xf32>
    %mul3A_226 = arith.constant 1.280000e+02 : f32
    %mul3A_227 = vector.broadcast %mul3A_226 : f32 to vector<2048x1xf32>
    %mul3A_228 = arith.mulf %mul3A_227, %add3A_225 : vector<2048x1xf32>
    %floor3A_229 = math.floor %mul3A_214 : vector<2048x1xf32>
    %convert_element_type3A_230 = arith.fptosi %floor3A_229 : vector<2048x1xf32> to vector<2048x1xi32>
    %min3A_231 = arith.constant 127 : i32
    %min3A_232 = vector.broadcast %min3A_231 : i32 to vector<2048x1xi32>
    %min3A_233 = arith.minsi %convert_element_type3A_230, %min3A_232 : vector<2048x1xi32>
    %floor3A_234 = math.floor %mul3A_228 : vector<2048x1xf32>
    %convert_element_type3A_235 = arith.fptosi %floor3A_234 : vector<2048x1xf32> to vector<2048x1xi32>
    %min3A_236 = arith.constant 127 : i32
    %min3A_237 = vector.broadcast %min3A_236 : i32 to vector<2048x1xi32>
    %min3A_238 = arith.minsi %convert_element_type3A_235, %min3A_237 : vector<2048x1xi32>
    %eq3A_239 = vector.broadcast %min3A_233 : vector<2048x1xi32> to vector<2048x128xi32>
    %eq3A_240 = vector.broadcast %iota3A : vector<1x128xi32> to vector<2048x128xi32>
    %eq3A_241 = arith.cmpi eq, %eq3A_239, %eq3A_240 : vector<2048x128xi32>
    %convert_element_type3A_242 = arith.extui %eq3A_241 : vector<2048x128xi1> to vector<2048x128xi32>
    %convert_element_type3A_243 = arith.sitofp %convert_element_type3A_242 : vector<2048x128xi32> to vector<2048x128xf32>
    %convert_element_type3A_244 = arith.truncf %convert_element_type3A_243 : vector<2048x128xf32> to vector<2048x128xbf16>
    %eq3A_245 = vector.broadcast %min3A_238 : vector<2048x1xi32> to vector<2048x128xi32>
    %eq3A_246 = vector.broadcast %iota3A : vector<1x128xi32> to vector<2048x128xi32>
    %eq3A_247 = arith.cmpi eq, %eq3A_245, %eq3A_246 : vector<2048x128xi32>
    %convert_element_type3A_248 = arith.extui %eq3A_247 : vector<2048x128xi1> to vector<2048x128xi32>
    %convert_element_type3A_249 = arith.sitofp %convert_element_type3A_248 : vector<2048x128xi32> to vector<2048x128xf32>
    %convert_element_type3A_250 = arith.truncf %convert_element_type3A_249 : vector<2048x128xf32> to vector<2048x128xbf16>
    %concatenate3A_251 = tpu.concatenate %convert_element_type3A_244, %convert_element_type3A_250 in 1 : vector<2048x128xbf16>, vector<2048x128xbf16> -> vector<2048x256xbf16>
    %get3A_252 = arith.constant 0 : index
    %get3A_253 = arith.constant 0 : index
    %get3A_254 = vector.load %arg2[%get3A_252, %get3A_253] : memref<256x64xbf16, #tpu.memory_space<vmem>>, vector<256x64xbf16>
    %dot_general3A_255 = arith.constant dense<0.000000e+00> : vector<2048x64xf32>
    %dot_general3A_256 = tpu.matmul %concatenate3A_251, %get3A_254, %dot_general3A_255 {dimension_numbers = #tpu.dot_dimension_numbers<[1], [0], [0], [1], [0, 0, 1, 1], [], []>, transpose_lhs_hint = false} : vector<2048x256xbf16>, vector<256x64xbf16>, vector<2048x64xf32> -> vector<2048x64xf32>
    %sub3A_257 = arith.constant 1.058400e+06 : f32
    %sub3A_258 = arith.subf %convert_element_type3A_194, %sub3A_257 : f32
    %div3A_259 = arith.constant 2.540160e+07 : f32
    %div3A_260 = arith.divf %sub3A_258, %div3A_259 : f32
    %mul3A_261 = arith.constant 1.280000e+02 : f32
    %mul3A_262 = arith.mulf %mul3A_261, %div3A_260 : f32
    %floor3A_263 = math.floor %mul3A_262 : f32
    %convert_element_type3A_264 = arith.fptosi %floor3A_263 : f32 to i32
    %min3A_265 = arith.constant 127 : i32
    %min3A_266 = arith.minsi %convert_element_type3A_264, %min3A_265 : i32
    %eq3A_267 = vector.broadcast %min3A_266 : i32 to vector<1x128xi32>
    %eq3A_268 = arith.cmpi eq, %eq3A_267, %iota3A : vector<1x128xi32>
    %convert_element_type3A_269 = arith.extui %eq3A_268 : vector<1x128xi1> to vector<1x128xi32>
    %convert_element_type3A_270 = arith.sitofp %convert_element_type3A_269 : vector<1x128xi32> to vector<1x128xf32>
    %convert_element_type3A_271 = arith.truncf %convert_element_type3A_270 : vector<1x128xf32> to vector<1x128xbf16>
    %get3A_272 = arith.constant 0 : index
    %get3A_273 = arith.constant 0 : index
    %get3A_274 = vector.load %arg3[%get3A_272, %get3A_273] : memref<128x64xbf16, #tpu.memory_space<vmem>>, vector<128x64xbf16>
    %dot_general3A_275 = arith.constant dense<0.000000e+00> : vector<1x64xf32>
    %dot_general3A_276 = tpu.matmul %convert_element_type3A_271, %get3A_274, %dot_general3A_275 {dimension_numbers = #tpu.dot_dimension_numbers<[1], [0], [0], [1], [0, 0, 1, 1], [], []>, transpose_lhs_hint = false} : vector<1x128xbf16>, vector<128x64xbf16>, vector<1x64xf32> -> vector<1x64xf32>
    %add3A_277 = vector.broadcast %dot_general3A_276 : vector<1x64xf32> to vector<2048x64xf32>
    %add3A_278 = arith.addf %dot_general3A_256, %add3A_277 : vector<2048x64xf32>
    %swap3A_279 = arith.constant 2 : index
    %swap3A_280 = arith.constant 0 : index
    %swap3A_281 = arith.constant 0 : index
    %swap3A_282 = vector.load %arg4[%swap3A_279, %swap3A_280, %swap3A_281] : memref<16x2048x64xf32, #tpu.memory_space<vmem>>, vector<1x2048x64xf32>
    %swap3A_283 = vector.shape_cast %swap3A_282 : vector<1x2048x64xf32> to vector<2048x64xf32>
    %swap3A_284 = vector.shape_cast %add3A_278 : vector<2048x64xf32> to vector<1x2048x64xf32>
    tpu.vector_store %arg4[%swap3A_279, %swap3A_280, %swap3A_281], %swap3A_284 {strides = array<i32>} : memref<16x2048x64xf32, #tpu.memory_space<vmem>>, vector<1x2048x64xf32>,
    %mul3A_285 = arith.constant 16 : i32
    %mul3A_286 = arith.muli %arg0, %mul3A_285 : i32
    %add3A_287 = arith.constant 3 : i32
    %add3A_288 = arith.addi %mul3A_286, %add3A_287 : i32
    %get3A_289 = arith.index_cast %add3A_288 : i32 to index
    %get3A_290 = arith.constant 0 : index
    %get3A_291 = memref.load %arg1[%get3A_289, %get3A_290] : memref<256x16xi32, #tpu.memory_space<smem>>
    %convert_element_type3A_292 = arith.sitofp %get3A_291 : i32 to f32
    %get3A_293 = arith.index_cast %add3A_288 : i32 to index
    %get3A_294 = arith.constant 1 : index
    %get3A_295 = memref.load %arg1[%get3A_293, %get3A_294] : memref<256x16xi32, #tpu.memory_space<smem>>
    %get3A_296 = arith.index_cast %add3A_288 : i32 to index
    %get3A_297 = arith.constant 2 : index
    %get3A_298 = memref.load %arg1[%get3A_296, %get3A_297] : memref<256x16xi32, #tpu.memory_space<smem>>
    %convert_element_type3A_299 = arith.sitofp %get3A_295 : i32 to f32
    %add3A_300 = arith.addi %get3A_295, %get3A_298 : i32
    %convert_element_type3A_301 = arith.sitofp %add3A_300 : i32 to f32
    %sub3A_302 = arith.subf %convert_element_type3A_301, %convert_element_type3A_299 : f32
    %mul3A_303 = vector.broadcast %sub3A_302 : f32 to vector<2048x1xf32>
    %mul3A_304 = arith.mulf %mul3A_303, %div3A_2 : vector<2048x1xf32>
    %add3A_305 = vector.broadcast %convert_element_type3A_299 : f32 to vector<2048x1xf32>
    %add3A_306 = arith.addf %add3A_305, %mul3A_304 : vector<2048x1xf32>
    %div3A_307 = arith.constant 2.646000e+07 : f32
    %div3A_308 = vector.broadcast %div3A_307 : f32 to vector<2048x1xf32>
    %div3A_309 = arith.divf %add3A_306, %div3A_308 : vector<2048x1xf32>
    %mul3A_310 = arith.constant 1.280000e+02 : f32
    %mul3A_311 = vector.broadcast %mul3A_310 : f32 to vector<2048x1xf32>
    %mul3A_312 = arith.mulf %mul3A_311, %div3A_309 : vector<2048x1xf32>
    %div3A_313 = arith.divf %convert_element_type3A_299, %convert_element_type3A_292 : f32
    %div3A_314 = arith.divf %convert_element_type3A_301, %convert_element_type3A_292 : f32
    %jit3A_315 = arith.constant 0.000000e+00 : f32
    %jit3A_316 = arith.constant 1.000000e+00 : f32
    %max3A_317 = arith.maximumf %jit3A_315, %div3A_314 : f32
    %min3A_318 = arith.minimumf %jit3A_316, %max3A_317 : f32
    %sub3A_319 = arith.subf %min3A_318, %div3A_313 : f32
    %mul3A_320 = vector.broadcast %sub3A_319 : f32 to vector<2048x1xf32>
    %mul3A_321 = arith.mulf %mul3A_320, %div3A_2 : vector<2048x1xf32>
    %add3A_322 = vector.broadcast %div3A_313 : f32 to vector<2048x1xf32>
    %add3A_323 = arith.addf %add3A_322, %mul3A_321 : vector<2048x1xf32>
    %mul3A_324 = arith.constant 1.280000e+02 : f32
    %mul3A_325 = vector.broadcast %mul3A_324 : f32 to vector<2048x1xf32>
    %mul3A_326 = arith.mulf %mul3A_325, %add3A_323 : vector<2048x1xf32>
    %floor3A_327 = math.floor %mul3A_312 : vector<2048x1xf32>
    %convert_element_type3A_328 = arith.fptosi %floor3A_327 : vector<2048x1xf32> to vector<2048x1xi32>
    %min3A_329 = arith.constant 127 : i32
    %min3A_330 = vector.broadcast %min3A_329 : i32 to vector<2048x1xi32>
    %min3A_331 = arith.minsi %convert_element_type3A_328, %min3A_330 : vector<2048x1xi32>
    %floor3A_332 = math.floor %mul3A_326 : vector<2048x1xf32>
    %convert_element_type3A_333 = arith.fptosi %floor3A_332 : vector<2048x1xf32> to vector<2048x1xi32>
    %min3A_334 = arith.constant 127 : i32
    %min3A_335 = vector.broadcast %min3A_334 : i32 to vector<2048x1xi32>
    %min3A_336 = arith.minsi %convert_element_type3A_333, %min3A_335 : vector<2048x1xi32>
    %eq3A_337 = vector.broadcast %min3A_331 : vector<2048x1xi32> to vector<2048x128xi32>
    %eq3A_338 = vector.broadcast %iota3A : vector<1x128xi32> to vector<2048x128xi32>
    %eq3A_339 = arith.cmpi eq, %eq3A_337, %eq3A_338 : vector<2048x128xi32>
    %convert_element_type3A_340 = arith.extui %eq3A_339 : vector<2048x128xi1> to vector<2048x128xi32>
    %convert_element_type3A_341 = arith.sitofp %convert_element_type3A_340 : vector<2048x128xi32> to vector<2048x128xf32>
    %convert_element_type3A_342 = arith.truncf %convert_element_type3A_341 : vector<2048x128xf32> to vector<2048x128xbf16>
    %eq3A_343 = vector.broadcast %min3A_336 : vector<2048x1xi32> to vector<2048x128xi32>
    %eq3A_344 = vector.broadcast %iota3A : vector<1x128xi32> to vector<2048x128xi32>
    %eq3A_345 = arith.cmpi eq, %eq3A_343, %eq3A_344 : vector<2048x128xi32>
    %convert_element_type3A_346 = arith.extui %eq3A_345 : vector<2048x128xi1> to vector<2048x128xi32>
    %convert_element_type3A_347 = arith.sitofp %convert_element_type3A_346 : vector<2048x128xi32> to vector<2048x128xf32>
    %convert_element_type3A_348 = arith.truncf %convert_element_type3A_347 : vector<2048x128xf32> to vector<2048x128xbf16>
    %concatenate3A_349 = tpu.concatenate %convert_element_type3A_342, %convert_element_type3A_348 in 1 : vector<2048x128xbf16>, vector<2048x128xbf16> -> vector<2048x256xbf16>
    %get3A_350 = arith.constant 0 : index
    %get3A_351 = arith.constant 0 : index
    %get3A_352 = vector.load %arg2[%get3A_350, %get3A_351] : memref<256x64xbf16, #tpu.memory_space<vmem>>, vector<256x64xbf16>
    %dot_general3A_353 = arith.constant dense<0.000000e+00> : vector<2048x64xf32>
    %dot_general3A_354 = tpu.matmul %concatenate3A_349, %get3A_352, %dot_general3A_353 {dimension_numbers = #tpu.dot_dimension_numbers<[1], [0], [0], [1], [0, 0, 1, 1], [], []>, transpose_lhs_hint = false} : vector<2048x256xbf16>, vector<256x64xbf16>, vector<2048x64xf32> -> vector<2048x64xf32>
    %sub3A_355 = arith.constant 1.058400e+06 : f32
    %sub3A_356 = arith.subf %convert_element_type3A_292, %sub3A_355 : f32
    %div3A_357 = arith.constant 2.540160e+07 : f32
    %div3A_358 = arith.divf %sub3A_356, %div3A_357 : f32
    %mul3A_359 = arith.constant 1.280000e+02 : f32
    %mul3A_360 = arith.mulf %mul3A_359, %div3A_358 : f32
    %floor3A_361 = math.floor %mul3A_360 : f32
    %convert_element_type3A_362 = arith.fptosi %floor3A_361 : f32 to i32
    %min3A_363 = arith.constant 127 : i32
    %min3A_364 = arith.minsi %convert_element_type3A_362, %min3A_363 : i32
    %eq3A_365 = vector.broadcast %min3A_364 : i32 to vector<1x128xi32>
    %eq3A_366 = arith.cmpi eq, %eq3A_365, %iota3A : vector<1x128xi32>
    %convert_element_type3A_367 = arith.extui %eq3A_366 : vector<1x128xi1> to vector<1x128xi32>
    %convert_element_type3A_368 = arith.sitofp %convert_element_type3A_367 : vector<1x128xi32> to vector<1x128xf32>
    %convert_element_type3A_369 = arith.truncf %convert_element_type3A_368 : vector<1x128xf32> to vector<1x128xbf16>
    %get3A_370 = arith.constant 0 : index
    %get3A_371 = arith.constant 0 : index
    %get3A_372 = vector.load %arg3[%get3A_370, %get3A_371] : memref<128x64xbf16, #tpu.memory_space<vmem>>, vector<128x64xbf16>
    %dot_general3A_373 = arith.constant dense<0.000000e+00> : vector<1x64xf32>
    %dot_general3A_374 = tpu.matmul %convert_element_type3A_369, %get3A_372, %dot_general3A_373 {dimension_numbers = #tpu.dot_dimension_numbers<[1], [0], [0], [1], [0, 0, 1, 1], [], []>, transpose_lhs_hint = false} : vector<1x128xbf16>, vector<128x64xbf16>, vector<1x64xf32> -> vector<1x64xf32>
    %add3A_375 = vector.broadcast %dot_general3A_374 : vector<1x64xf32> to vector<2048x64xf32>
    %add3A_376 = arith.addf %dot_general3A_354, %add3A_375 : vector<2048x64xf32>
    %swap3A_377 = arith.constant 3 : index
    %swap3A_378 = arith.constant 0 : index
    %swap3A_379 = arith.constant 0 : index
    %swap3A_380 = vector.load %arg4[%swap3A_377, %swap3A_378, %swap3A_379] : memref<16x2048x64xf32, #tpu.memory_space<vmem>>, vector<1x2048x64xf32>
    %swap3A_381 = vector.shape_cast %swap3A_380 : vector<1x2048x64xf32> to vector<2048x64xf32>
    %swap3A_382 = vector.shape_cast %add3A_376 : vector<2048x64xf32> to vector<1x2048x64xf32>
    tpu.vector_store %arg4[%swap3A_377, %swap3A_378, %swap3A_379], %swap3A_382 {strides = array<i32>} : memref<16x2048x64xf32, #tpu.memory_space<vmem>>, vector<1x2048x64xf32>,
    %mul3A_383 = arith.constant 16 : i32
    %mul3A_384 = arith.muli %arg0, %mul3A_383 : i32
    %add3A_385 = arith.constant 4 : i32
    %add3A_386 = arith.addi %mul3A_384, %add3A_385 : i32
    %get3A_387 = arith.index_cast %add3A_386 : i32 to index
    %get3A_388 = arith.constant 0 : index
    %get3A_389 = memref.load %arg1[%get3A_387, %get3A_388] : memref<256x16xi32, #tpu.memory_space<smem>>
    %convert_element_type3A_390 = arith.sitofp %get3A_389 : i32 to f32
    %get3A_391 = arith.index_cast %add3A_386 : i32 to index
    %get3A_392 = arith.constant 1 : index
    %get3A_393 = memref.load %arg1[%get3A_391, %get3A_392] : memref<256x16xi32, #tpu.memory_space<smem>>
    %get3A_394 = arith.index_cast %add3A_386 : i32 to index
    %get3A_395 = arith.constant 2 : index
    %get3A_396 = memref.load %arg1[%get3A_394, %get3A_395] : memref<256x16xi32, #tpu.memory_space<smem>>
    %convert_element_type3A_397 = arith.sitofp %get3A_393 : i32 to f32
    %add3A_398 = arith.addi %get3A_393, %get3A_396 : i32
    %convert_element_type3A_399 = arith.sitofp %add3A_398 : i32 to f32
    %sub3A_400 = arith.subf %convert_element_type3A_399, %convert_element_type3A_397 : f32
    %mul3A_401 = vector.broadcast %sub3A_400 : f32 to vector<2048x1xf32>
    %mul3A_402 = arith.mulf %mul3A_401, %div3A_2 : vector<2048x1xf32>
    %add3A_403 = vector.broadcast %convert_element_type3A_397 : f32 to vector<2048x1xf32>
    %add3A_404 = arith.addf %add3A_403, %mul3A_402 : vector<2048x1xf32>
    %div3A_405 = arith.constant 2.646000e+07 : f32
    %div3A_406 = vector.broadcast %div3A_405 : f32 to vector<2048x1xf32>
    %div3A_407 = arith.divf %add3A_404, %div3A_406 : vector<2048x1xf32>
    %mul3A_408 = arith.constant 1.280000e+02 : f32
    %mul3A_409 = vector.broadcast %mul3A_408 : f32 to vector<2048x1xf32>
    %mul3A_410 = arith.mulf %mul3A_409, %div3A_407 : vector<2048x1xf32>
    %div3A_411 = arith.divf %convert_element_type3A_397, %convert_element_type3A_390 : f32
    %div3A_412 = arith.divf %convert_element_type3A_399, %convert_element_type3A_390 : f32
    %jit3A_413 = arith.constant 0.000000e+00 : f32
    %jit3A_414 = arith.constant 1.000000e+00 : f32
    %max3A_415 = arith.maximumf %jit3A_413, %div3A_412 : f32
    %min3A_416 = arith.minimumf %jit3A_414, %max3A_415 : f32
    %sub3A_417 = arith.subf %min3A_416, %div3A_411 : f32
    %mul3A_418 = vector.broadcast %sub3A_417 : f32 to vector<2048x1xf32>
    %mul3A_419 = arith.mulf %mul3A_418, %div3A_2 : vector<2048x1xf32>
    %add3A_420 = vector.broadcast %div3A_411 : f32 to vector<2048x1xf32>
    %add3A_421 = arith.addf %add3A_420, %mul3A_419 : vector<2048x1xf32>
    %mul3A_422 = arith.constant 1.280000e+02 : f32
    %mul3A_423 = vector.broadcast %mul3A_422 : f32 to vector<2048x1xf32>
    %mul3A_424 = arith.mulf %mul3A_423, %add3A_421 : vector<2048x1xf32>
    %floor3A_425 = math.floor %mul3A_410 : vector<2048x1xf32>
    %convert_element_type3A_426 = arith.fptosi %floor3A_425 : vector<2048x1xf32> to vector<2048x1xi32>
    %min3A_427 = arith.constant 127 : i32
    %min3A_428 = vector.broadcast %min3A_427 : i32 to vector<2048x1xi32>
    %min3A_429 = arith.minsi %convert_element_type3A_426, %min3A_428 : vector<2048x1xi32>
    %floor3A_430 = math.floor %mul3A_424 : vector<2048x1xf32>
    %convert_element_type3A_431 = arith.fptosi %floor3A_430 : vector<2048x1xf32> to vector<2048x1xi32>
    %min3A_432 = arith.constant 127 : i32
    %min3A_433 = vector.broadcast %min3A_432 : i32 to vector<2048x1xi32>
    %min3A_434 = arith.minsi %convert_element_type3A_431, %min3A_433 : vector<2048x1xi32>
    %eq3A_435 = vector.broadcast %min3A_429 : vector<2048x1xi32> to vector<2048x128xi32>
    %eq3A_436 = vector.broadcast %iota3A : vector<1x128xi32> to vector<2048x128xi32>
    %eq3A_437 = arith.cmpi eq, %eq3A_435, %eq3A_436 : vector<2048x128xi32>
    %convert_element_type3A_438 = arith.extui %eq3A_437 : vector<2048x128xi1> to vector<2048x128xi32>
    %convert_element_type3A_439 = arith.sitofp %convert_element_type3A_438 : vector<2048x128xi32> to vector<2048x128xf32>
    %convert_element_type3A_440 = arith.truncf %convert_element_type3A_439 : vector<2048x128xf32> to vector<2048x128xbf16>
    %eq3A_441 = vector.broadcast %min3A_434 : vector<2048x1xi32> to vector<2048x128xi32>
    %eq3A_442 = vector.broadcast %iota3A : vector<1x128xi32> to vector<2048x128xi32>
    %eq3A_443 = arith.cmpi eq, %eq3A_441, %eq3A_442 : vector<2048x128xi32>
    %convert_element_type3A_444 = arith.extui %eq3A_443 : vector<2048x128xi1> to vector<2048x128xi32>
    %convert_element_type3A_445 = arith.sitofp %convert_element_type3A_444 : vector<2048x128xi32> to vector<2048x128xf32>
    %convert_element_type3A_446 = arith.truncf %convert_element_type3A_445 : vector<2048x128xf32> to vector<2048x128xbf16>
    %concatenate3A_447 = tpu.concatenate %convert_element_type3A_440, %convert_element_type3A_446 in 1 : vector<2048x128xbf16>, vector<2048x128xbf16> -> vector<2048x256xbf16>
    %get3A_448 = arith.constant 0 : index
    %get3A_449 = arith.constant 0 : index
    %get3A_450 = vector.load %arg2[%get3A_448, %get3A_449] : memref<256x64xbf16, #tpu.memory_space<vmem>>, vector<256x64xbf16>
    %dot_general3A_451 = arith.constant dense<0.000000e+00> : vector<2048x64xf32>
    %dot_general3A_452 = tpu.matmul %concatenate3A_447, %get3A_450, %dot_general3A_451 {dimension_numbers = #tpu.dot_dimension_numbers<[1], [0], [0], [1], [0, 0, 1, 1], [], []>, transpose_lhs_hint = false} : vector<2048x256xbf16>, vector<256x64xbf16>, vector<2048x64xf32> -> vector<2048x64xf32>
    %sub3A_453 = arith.constant 1.058400e+06 : f32
    %sub3A_454 = arith.subf %convert_element_type3A_390, %sub3A_453 : f32
    %div3A_455 = arith.constant 2.540160e+07 : f32
    %div3A_456 = arith.divf %sub3A_454, %div3A_455 : f32
    %mul3A_457 = arith.constant 1.280000e+02 : f32
    %mul3A_458 = arith.mulf %mul3A_457, %div3A_456 : f32
    %floor3A_459 = math.floor %mul3A_458 : f32
    %convert_element_type3A_460 = arith.fptosi %floor3A_459 : f32 to i32
    %min3A_461 = arith.constant 127 : i32
    %min3A_462 = arith.minsi %convert_element_type3A_460, %min3A_461 : i32
    %eq3A_463 = vector.broadcast %min3A_462 : i32 to vector<1x128xi32>
    %eq3A_464 = arith.cmpi eq, %eq3A_463, %iota3A : vector<1x128xi32>
    %convert_element_type3A_465 = arith.extui %eq3A_464 : vector<1x128xi1> to vector<1x128xi32>
    %convert_element_type3A_466 = arith.sitofp %convert_element_type3A_465 : vector<1x128xi32> to vector<1x128xf32>
    %convert_element_type3A_467 = arith.truncf %convert_element_type3A_466 : vector<1x128xf32> to vector<1x128xbf16>
    %get3A_468 = arith.constant 0 : index
    %get3A_469 = arith.constant 0 : index
    %get3A_470 = vector.load %arg3[%get3A_468, %get3A_469] : memref<128x64xbf16, #tpu.memory_space<vmem>>, vector<128x64xbf16>
    %dot_general3A_471 = arith.constant dense<0.000000e+00> : vector<1x64xf32>
    %dot_general3A_472 = tpu.matmul %convert_element_type3A_467, %get3A_470, %dot_general3A_471 {dimension_numbers = #tpu.dot_dimension_numbers<[1], [0], [0], [1], [0, 0, 1, 1], [], []>, transpose_lhs_hint = false} : vector<1x128xbf16>, vector<128x64xbf16>, vector<1x64xf32> -> vector<1x64xf32>
    %add3A_473 = vector.broadcast %dot_general3A_472 : vector<1x64xf32> to vector<2048x64xf32>
    %add3A_474 = arith.addf %dot_general3A_452, %add3A_473 : vector<2048x64xf32>
    %swap3A_475 = arith.constant 4 : index
    %swap3A_476 = arith.constant 0 : index
    %swap3A_477 = arith.constant 0 : index
    %swap3A_478 = vector.load %arg4[%swap3A_475, %swap3A_476, %swap3A_477] : memref<16x2048x64xf32, #tpu.memory_space<vmem>>, vector<1x2048x64xf32>
    %swap3A_479 = vector.shape_cast %swap3A_478 : vector<1x2048x64xf32> to vector<2048x64xf32>
    %swap3A_480 = vector.shape_cast %add3A_474 : vector<2048x64xf32> to vector<1x2048x64xf32>
    tpu.vector_store %arg4[%swap3A_475, %swap3A_476, %swap3A_477], %swap3A_480 {strides = array<i32>} : memref<16x2048x64xf32, #tpu.memory_space<vmem>>, vector<1x2048x64xf32>,
    %mul3A_481 = arith.constant 16 : i32
    %mul3A_482 = arith.muli %arg0, %mul3A_481 : i32
    %add3A_483 = arith.constant 5 : i32
    %add3A_484 = arith.addi %mul3A_482, %add3A_483 : i32
    %get3A_485 = arith.index_cast %add3A_484 : i32 to index
    %get3A_486 = arith.constant 0 : index
    %get3A_487 = memref.load %arg1[%get3A_485, %get3A_486] : memref<256x16xi32, #tpu.memory_space<smem>>
    %convert_element_type3A_488 = arith.sitofp %get3A_487 : i32 to f32
    %get3A_489 = arith.index_cast %add3A_484 : i32 to index
    %get3A_490 = arith.constant 1 : index
    %get3A_491 = memref.load %arg1[%get3A_489, %get3A_490] : memref<256x16xi32, #tpu.memory_space<smem>>
    %get3A_492 = arith.index_cast %add3A_484 : i32 to index
    %get3A_493 = arith.constant 2 : index
    %get3A_494 = memref.load %arg1[%get3A_492, %get3A_493] : memref<256x16xi32, #tpu.memory_space<smem>>
    %convert_element_type3A_495 = arith.sitofp %get3A_491 : i32 to f32
    %add3A_496 = arith.addi %get3A_491, %get3A_494 : i32
    %convert_element_type3A_497 = arith.sitofp %add3A_496 : i32 to f32
    %sub3A_498 = arith.subf %convert_element_type3A_497, %convert_element_type3A_495 : f32
    %mul3A_499 = vector.broadcast %sub3A_498 : f32 to vector<2048x1xf32>
    %mul3A_500 = arith.mulf %mul3A_499, %div3A_2 : vector<2048x1xf32>
    %add3A_501 = vector.broadcast %convert_element_type3A_495 : f32 to vector<2048x1xf32>
    %add3A_502 = arith.addf %add3A_501, %mul3A_500 : vector<2048x1xf32>
    %div3A_503 = arith.constant 2.646000e+07 : f32
    %div3A_504 = vector.broadcast %div3A_503 : f32 to vector<2048x1xf32>
    %div3A_505 = arith.divf %add3A_502, %div3A_504 : vector<2048x1xf32>
    %mul3A_506 = arith.constant 1.280000e+02 : f32
    %mul3A_507 = vector.broadcast %mul3A_506 : f32 to vector<2048x1xf32>
    %mul3A_508 = arith.mulf %mul3A_507, %div3A_505 : vector<2048x1xf32>
    %div3A_509 = arith.divf %convert_element_type3A_495, %convert_element_type3A_488 : f32
    %div3A_510 = arith.divf %convert_element_type3A_497, %convert_element_type3A_488 : f32
    %jit3A_511 = arith.constant 0.000000e+00 : f32
    %jit3A_512 = arith.constant 1.000000e+00 : f32
    %max3A_513 = arith.maximumf %jit3A_511, %div3A_510 : f32
    %min3A_514 = arith.minimumf %jit3A_512, %max3A_513 : f32
    %sub3A_515 = arith.subf %min3A_514, %div3A_509 : f32
    %mul3A_516 = vector.broadcast %sub3A_515 : f32 to vector<2048x1xf32>
    %mul3A_517 = arith.mulf %mul3A_516, %div3A_2 : vector<2048x1xf32>
    %add3A_518 = vector.broadcast %div3A_509 : f32 to vector<2048x1xf32>
    %add3A_519 = arith.addf %add3A_518, %mul3A_517 : vector<2048x1xf32>
    %mul3A_520 = arith.constant 1.280000e+02 : f32
    %mul3A_521 = vector.broadcast %mul3A_520 : f32 to vector<2048x1xf32>
    %mul3A_522 = arith.mulf %mul3A_521, %add3A_519 : vector<2048x1xf32>
    %floor3A_523 = math.floor %mul3A_508 : vector<2048x1xf32>
    %convert_element_type3A_524 = arith.fptosi %floor3A_523 : vector<2048x1xf32> to vector<2048x1xi32>
    %min3A_525 = arith.constant 127 : i32
    %min3A_526 = vector.broadcast %min3A_525 : i32 to vector<2048x1xi32>
    %min3A_527 = arith.minsi %convert_element_type3A_524, %min3A_526 : vector<2048x1xi32>
    %floor3A_528 = math.floor %mul3A_522 : vector<2048x1xf32>
    %convert_element_type3A_529 = arith.fptosi %floor3A_528 : vector<2048x1xf32> to vector<2048x1xi32>
    %min3A_530 = arith.constant 127 : i32
    %min3A_531 = vector.broadcast %min3A_530 : i32 to vector<2048x1xi32>
    %min3A_532 = arith.minsi %convert_element_type3A_529, %min3A_531 : vector<2048x1xi32>
    %eq3A_533 = vector.broadcast %min3A_527 : vector<2048x1xi32> to vector<2048x128xi32>
    %eq3A_534 = vector.broadcast %iota3A : vector<1x128xi32> to vector<2048x128xi32>
    %eq3A_535 = arith.cmpi eq, %eq3A_533, %eq3A_534 : vector<2048x128xi32>
    %convert_element_type3A_536 = arith.extui %eq3A_535 : vector<2048x128xi1> to vector<2048x128xi32>
    %convert_element_type3A_537 = arith.sitofp %convert_element_type3A_536 : vector<2048x128xi32> to vector<2048x128xf32>
    %convert_element_type3A_538 = arith.truncf %convert_element_type3A_537 : vector<2048x128xf32> to vector<2048x128xbf16>
    %eq3A_539 = vector.broadcast %min3A_532 : vector<2048x1xi32> to vector<2048x128xi32>
    %eq3A_540 = vector.broadcast %iota3A : vector<1x128xi32> to vector<2048x128xi32>
    %eq3A_541 = arith.cmpi eq, %eq3A_539, %eq3A_540 : vector<2048x128xi32>
    %convert_element_type3A_542 = arith.extui %eq3A_541 : vector<2048x128xi1> to vector<2048x128xi32>
    %convert_element_type3A_543 = arith.sitofp %convert_element_type3A_542 : vector<2048x128xi32> to vector<2048x128xf32>
    %convert_element_type3A_544 = arith.truncf %convert_element_type3A_543 : vector<2048x128xf32> to vector<2048x128xbf16>
    %concatenate3A_545 = tpu.concatenate %convert_element_type3A_538, %convert_element_type3A_544 in 1 : vector<2048x128xbf16>, vector<2048x128xbf16> -> vector<2048x256xbf16>
    %get3A_546 = arith.constant 0 : index
    %get3A_547 = arith.constant 0 : index
    %get3A_548 = vector.load %arg2[%get3A_546, %get3A_547] : memref<256x64xbf16, #tpu.memory_space<vmem>>, vector<256x64xbf16>
    %dot_general3A_549 = arith.constant dense<0.000000e+00> : vector<2048x64xf32>
    %dot_general3A_550 = tpu.matmul %concatenate3A_545, %get3A_548, %dot_general3A_549 {dimension_numbers = #tpu.dot_dimension_numbers<[1], [0], [0], [1], [0, 0, 1, 1], [], []>, transpose_lhs_hint = false} : vector<2048x256xbf16>, vector<256x64xbf16>, vector<2048x64xf32> -> vector<2048x64xf32>
    %sub3A_551 = arith.constant 1.058400e+06 : f32
    %sub3A_552 = arith.subf %convert_element_type3A_488, %sub3A_551 : f32
    %div3A_553 = arith.constant 2.540160e+07 : f32
    %div3A_554 = arith.divf %sub3A_552, %div3A_553 : f32
    %mul3A_555 = arith.constant 1.280000e+02 : f32
    %mul3A_556 = arith.mulf %mul3A_555, %div3A_554 : f32
    %floor3A_557 = math.floor %mul3A_556 : f32
    %convert_element_type3A_558 = arith.fptosi %floor3A_557 : f32 to i32
    %min3A_559 = arith.constant 127 : i32
    %min3A_560 = arith.minsi %convert_element_type3A_558, %min3A_559 : i32
    %eq3A_561 = vector.broadcast %min3A_560 : i32 to vector<1x128xi32>
    %eq3A_562 = arith.cmpi eq, %eq3A_561, %iota3A : vector<1x128xi32>
    %convert_element_type3A_563 = arith.extui %eq3A_562 : vector<1x128xi1> to vector<1x128xi32>
    %convert_element_type3A_564 = arith.sitofp %convert_element_type3A_563 : vector<1x128xi32> to vector<1x128xf32>
    %convert_element_type3A_565 = arith.truncf %convert_element_type3A_564 : vector<1x128xf32> to vector<1x128xbf16>
    %get3A_566 = arith.constant 0 : index
    %get3A_567 = arith.constant 0 : index
    %get3A_568 = vector.load %arg3[%get3A_566, %get3A_567] : memref<128x64xbf16, #tpu.memory_space<vmem>>, vector<128x64xbf16>
    %dot_general3A_569 = arith.constant dense<0.000000e+00> : vector<1x64xf32>
    %dot_general3A_570 = tpu.matmul %convert_element_type3A_565, %get3A_568, %dot_general3A_569 {dimension_numbers = #tpu.dot_dimension_numbers<[1], [0], [0], [1], [0, 0, 1, 1], [], []>, transpose_lhs_hint = false} : vector<1x128xbf16>, vector<128x64xbf16>, vector<1x64xf32> -> vector<1x64xf32>
    %add3A_571 = vector.broadcast %dot_general3A_570 : vector<1x64xf32> to vector<2048x64xf32>
    %add3A_572 = arith.addf %dot_general3A_550, %add3A_571 : vector<2048x64xf32>
    %swap3A_573 = arith.constant 5 : index
    %swap3A_574 = arith.constant 0 : index
    %swap3A_575 = arith.constant 0 : index
    %swap3A_576 = vector.load %arg4[%swap3A_573, %swap3A_574, %swap3A_575] : memref<16x2048x64xf32, #tpu.memory_space<vmem>>, vector<1x2048x64xf32>
    %swap3A_577 = vector.shape_cast %swap3A_576 : vector<1x2048x64xf32> to vector<2048x64xf32>
    %swap3A_578 = vector.shape_cast %add3A_572 : vector<2048x64xf32> to vector<1x2048x64xf32>
    tpu.vector_store %arg4[%swap3A_573, %swap3A_574, %swap3A_575], %swap3A_578 {strides = array<i32>} : memref<16x2048x64xf32, #tpu.memory_space<vmem>>, vector<1x2048x64xf32>,
    %mul3A_579 = arith.constant 16 : i32
    %mul3A_580 = arith.muli %arg0, %mul3A_579 : i32
    %add3A_581 = arith.constant 6 : i32
    %add3A_582 = arith.addi %mul3A_580, %add3A_581 : i32
    %get3A_583 = arith.index_cast %add3A_582 : i32 to index
    %get3A_584 = arith.constant 0 : index
    %get3A_585 = memref.load %arg1[%get3A_583, %get3A_584] : memref<256x16xi32, #tpu.memory_space<smem>>
    %convert_element_type3A_586 = arith.sitofp %get3A_585 : i32 to f32
    %get3A_587 = arith.index_cast %add3A_582 : i32 to index
    %get3A_588 = arith.constant 1 : index
    %get3A_589 = memref.load %arg1[%get3A_587, %get3A_588] : memref<256x16xi32, #tpu.memory_space<smem>>
    %get3A_590 = arith.index_cast %add3A_582 : i32 to index
    %get3A_591 = arith.constant 2 : index
    %get3A_592 = memref.load %arg1[%get3A_590, %get3A_591] : memref<256x16xi32, #tpu.memory_space<smem>>
    %convert_element_type3A_593 = arith.sitofp %get3A_589 : i32 to f32
    %add3A_594 = arith.addi %get3A_589, %get3A_592 : i32
    %convert_element_type3A_595 = arith.sitofp %add3A_594 : i32 to f32
    %sub3A_596 = arith.subf %convert_element_type3A_595, %convert_element_type3A_593 : f32
    %mul3A_597 = vector.broadcast %sub3A_596 : f32 to vector<2048x1xf32>
    %mul3A_598 = arith.mulf %mul3A_597, %div3A_2 : vector<2048x1xf32>
    %add3A_599 = vector.broadcast %convert_element_type3A_593 : f32 to vector<2048x1xf32>
    %add3A_600 = arith.addf %add3A_599, %mul3A_598 : vector<2048x1xf32>
    %div3A_601 = arith.constant 2.646000e+07 : f32
    %div3A_602 = vector.broadcast %div3A_601 : f32 to vector<2048x1xf32>
    %div3A_603 = arith.divf %add3A_600, %div3A_602 : vector<2048x1xf32>
    %mul3A_604 = arith.constant 1.280000e+02 : f32
    %mul3A_605 = vector.broadcast %mul3A_604 : f32 to vector<2048x1xf32>
    %mul3A_606 = arith.mulf %mul3A_605, %div3A_603 : vector<2048x1xf32>
    %div3A_607 = arith.divf %convert_element_type3A_593, %convert_element_type3A_586 : f32
    %div3A_608 = arith.divf %convert_element_type3A_595, %convert_element_type3A_586 : f32
    %jit3A_609 = arith.constant 0.000000e+00 : f32
    %jit3A_610 = arith.constant 1.000000e+00 : f32
    %max3A_611 = arith.maximumf %jit3A_609, %div3A_608 : f32
    %min3A_612 = arith.minimumf %jit3A_610, %max3A_611 : f32
    %sub3A_613 = arith.subf %min3A_612, %div3A_607 : f32
    %mul3A_614 = vector.broadcast %sub3A_613 : f32 to vector<2048x1xf32>
    %mul3A_615 = arith.mulf %mul3A_614, %div3A_2 : vector<2048x1xf32>
    %add3A_616 = vector.broadcast %div3A_607 : f32 to vector<2048x1xf32>
    %add3A_617 = arith.addf %add3A_616, %mul3A_615 : vector<2048x1xf32>
    %mul3A_618 = arith.constant 1.280000e+02 : f32
    %mul3A_619 = vector.broadcast %mul3A_618 : f32 to vector<2048x1xf32>
    %mul3A_620 = arith.mulf %mul3A_619, %add3A_617 : vector<2048x1xf32>
    %floor3A_621 = math.floor %mul3A_606 : vector<2048x1xf32>
    %convert_element_type3A_622 = arith.fptosi %floor3A_621 : vector<2048x1xf32> to vector<2048x1xi32>
    %min3A_623 = arith.constant 127 : i32
    %min3A_624 = vector.broadcast %min3A_623 : i32 to vector<2048x1xi32>
    %min3A_625 = arith.minsi %convert_element_type3A_622, %min3A_624 : vector<2048x1xi32>
    %floor3A_626 = math.floor %mul3A_620 : vector<2048x1xf32>
    %convert_element_type3A_627 = arith.fptosi %floor3A_626 : vector<2048x1xf32> to vector<2048x1xi32>
    %min3A_628 = arith.constant 127 : i32
    %min3A_629 = vector.broadcast %min3A_628 : i32 to vector<2048x1xi32>
    %min3A_630 = arith.minsi %convert_element_type3A_627, %min3A_629 : vector<2048x1xi32>
    %eq3A_631 = vector.broadcast %min3A_625 : vector<2048x1xi32> to vector<2048x128xi32>
    %eq3A_632 = vector.broadcast %iota3A : vector<1x128xi32> to vector<2048x128xi32>
    %eq3A_633 = arith.cmpi eq, %eq3A_631, %eq3A_632 : vector<2048x128xi32>
    %convert_element_type3A_634 = arith.extui %eq3A_633 : vector<2048x128xi1> to vector<2048x128xi32>
    %convert_element_type3A_635 = arith.sitofp %convert_element_type3A_634 : vector<2048x128xi32> to vector<2048x128xf32>
    %convert_element_type3A_636 = arith.truncf %convert_element_type3A_635 : vector<2048x128xf32> to vector<2048x128xbf16>
    %eq3A_637 = vector.broadcast %min3A_630 : vector<2048x1xi32> to vector<2048x128xi32>
    %eq3A_638 = vector.broadcast %iota3A : vector<1x128xi32> to vector<2048x128xi32>
    %eq3A_639 = arith.cmpi eq, %eq3A_637, %eq3A_638 : vector<2048x128xi32>
    %convert_element_type3A_640 = arith.extui %eq3A_639 : vector<2048x128xi1> to vector<2048x128xi32>
    %convert_element_type3A_641 = arith.sitofp %convert_element_type3A_640 : vector<2048x128xi32> to vector<2048x128xf32>
    %convert_element_type3A_642 = arith.truncf %convert_element_type3A_641 : vector<2048x128xf32> to vector<2048x128xbf16>
    %concatenate3A_643 = tpu.concatenate %convert_element_type3A_636, %convert_element_type3A_642 in 1 : vector<2048x128xbf16>, vector<2048x128xbf16> -> vector<2048x256xbf16>
    %get3A_644 = arith.constant 0 : index
    %get3A_645 = arith.constant 0 : index
    %get3A_646 = vector.load %arg2[%get3A_644, %get3A_645] : memref<256x64xbf16, #tpu.memory_space<vmem>>, vector<256x64xbf16>
    %dot_general3A_647 = arith.constant dense<0.000000e+00> : vector<2048x64xf32>
    %dot_general3A_648 = tpu.matmul %concatenate3A_643, %get3A_646, %dot_general3A_647 {dimension_numbers = #tpu.dot_dimension_numbers<[1], [0], [0], [1], [0, 0, 1, 1], [], []>, transpose_lhs_hint = false} : vector<2048x256xbf16>, vector<256x64xbf16>, vector<2048x64xf32> -> vector<2048x64xf32>
    %sub3A_649 = arith.constant 1.058400e+06 : f32
    %sub3A_650 = arith.subf %convert_element_type3A_586, %sub3A_649 : f32
    %div3A_651 = arith.constant 2.540160e+07 : f32
    %div3A_652 = arith.divf %sub3A_650, %div3A_651 : f32
    %mul3A_653 = arith.constant 1.280000e+02 : f32
    %mul3A_654 = arith.mulf %mul3A_653, %div3A_652 : f32
    %floor3A_655 = math.floor %mul3A_654 : f32
    %convert_element_type3A_656 = arith.fptosi %floor3A_655 : f32 to i32
    %min3A_657 = arith.constant 127 : i32
    %min3A_658 = arith.minsi %convert_element_type3A_656, %min3A_657 : i32
    %eq3A_659 = vector.broadcast %min3A_658 : i32 to vector<1x128xi32>
    %eq3A_660 = arith.cmpi eq, %eq3A_659, %iota3A : vector<1x128xi32>
    %convert_element_type3A_661 = arith.extui %eq3A_660 : vector<1x128xi1> to vector<1x128xi32>
    %convert_element_type3A_662 = arith.sitofp %convert_element_type3A_661 : vector<1x128xi32> to vector<1x128xf32>
    %convert_element_type3A_663 = arith.truncf %convert_element_type3A_662 : vector<1x128xf32> to vector<1x128xbf16>
    %get3A_664 = arith.constant 0 : index
    %get3A_665 = arith.constant 0 : index
    %get3A_666 = vector.load %arg3[%get3A_664, %get3A_665] : memref<128x64xbf16, #tpu.memory_space<vmem>>, vector<128x64xbf16>
    %dot_general3A_667 = arith.constant dense<0.000000e+00> : vector<1x64xf32>
    %dot_general3A_668 = tpu.matmul %convert_element_type3A_663, %get3A_666, %dot_general3A_667 {dimension_numbers = #tpu.dot_dimension_numbers<[1], [0], [0], [1], [0, 0, 1, 1], [], []>, transpose_lhs_hint = false} : vector<1x128xbf16>, vector<128x64xbf16>, vector<1x64xf32> -> vector<1x64xf32>
    %add3A_669 = vector.broadcast %dot_general3A_668 : vector<1x64xf32> to vector<2048x64xf32>
    %add3A_670 = arith.addf %dot_general3A_648, %add3A_669 : vector<2048x64xf32>
    %swap3A_671 = arith.constant 6 : index
    %swap3A_672 = arith.constant 0 : index
    %swap3A_673 = arith.constant 0 : index
    %swap3A_674 = vector.load %arg4[%swap3A_671, %swap3A_672, %swap3A_673] : memref<16x2048x64xf32, #tpu.memory_space<vmem>>, vector<1x2048x64xf32>
    %swap3A_675 = vector.shape_cast %swap3A_674 : vector<1x2048x64xf32> to vector<2048x64xf32>
    %swap3A_676 = vector.shape_cast %add3A_670 : vector<2048x64xf32> to vector<1x2048x64xf32>
    tpu.vector_store %arg4[%swap3A_671, %swap3A_672, %swap3A_673], %swap3A_676 {strides = array<i32>} : memref<16x2048x64xf32, #tpu.memory_space<vmem>>, vector<1x2048x64xf32>,
    %mul3A_677 = arith.constant 16 : i32
    %mul3A_678 = arith.muli %arg0, %mul3A_677 : i32
    %add3A_679 = arith.constant 7 : i32
    %add3A_680 = arith.addi %mul3A_678, %add3A_679 : i32
    %get3A_681 = arith.index_cast %add3A_680 : i32 to index
    %get3A_682 = arith.constant 0 : index
    %get3A_683 = memref.load %arg1[%get3A_681, %get3A_682] : memref<256x16xi32, #tpu.memory_space<smem>>
    %convert_element_type3A_684 = arith.sitofp %get3A_683 : i32 to f32
    %get3A_685 = arith.index_cast %add3A_680 : i32 to index
    %get3A_686 = arith.constant 1 : index
    %get3A_687 = memref.load %arg1[%get3A_685, %get3A_686] : memref<256x16xi32, #tpu.memory_space<smem>>
    %get3A_688 = arith.index_cast %add3A_680 : i32 to index
    %get3A_689 = arith.constant 2 : index
    %get3A_690 = memref.load %arg1[%get3A_688, %get3A_689] : memref<256x16xi32, #tpu.memory_space<smem>>
    %convert_element_type3A_691 = arith.sitofp %get3A_687 : i32 to f32
    %add3A_692 = arith.addi %get3A_687, %get3A_690 : i32
    %convert_element_type3A_693 = arith.sitofp %add3A_692 : i32 to f32
    %sub3A_694 = arith.subf %convert_element_type3A_693, %convert_element_type3A_691 : f32
    %mul3A_695 = vector.broadcast %sub3A_694 : f32 to vector<2048x1xf32>
    %mul3A_696 = arith.mulf %mul3A_695, %div3A_2 : vector<2048x1xf32>
    %add3A_697 = vector.broadcast %convert_element_type3A_691 : f32 to vector<2048x1xf32>
    %add3A_698 = arith.addf %add3A_697, %mul3A_696 : vector<2048x1xf32>
    %div3A_699 = arith.constant 2.646000e+07 : f32
    %div3A_700 = vector.broadcast %div3A_699 : f32 to vector<2048x1xf32>
    %div3A_701 = arith.divf %add3A_698, %div3A_700 : vector<2048x1xf32>
    %mul3A_702 = arith.constant 1.280000e+02 : f32
    %mul3A_703 = vector.broadcast %mul3A_702 : f32 to vector<2048x1xf32>
    %mul3A_704 = arith.mulf %mul3A_703, %div3A_701 : vector<2048x1xf32>
    %div3A_705 = arith.divf %convert_element_type3A_691, %convert_element_type3A_684 : f32
    %div3A_706 = arith.divf %convert_element_type3A_693, %convert_element_type3A_684 : f32
    %jit3A_707 = arith.constant 0.000000e+00 : f32
    %jit3A_708 = arith.constant 1.000000e+00 : f32
    %max3A_709 = arith.maximumf %jit3A_707, %div3A_706 : f32
    %min3A_710 = arith.minimumf %jit3A_708, %max3A_709 : f32
    %sub3A_711 = arith.subf %min3A_710, %div3A_705 : f32
    %mul3A_712 = vector.broadcast %sub3A_711 : f32 to vector<2048x1xf32>
    %mul3A_713 = arith.mulf %mul3A_712, %div3A_2 : vector<2048x1xf32>
    %add3A_714 = vector.broadcast %div3A_705 : f32 to vector<2048x1xf32>
    %add3A_715 = arith.addf %add3A_714, %mul3A_713 : vector<2048x1xf32>
    %mul3A_716 = arith.constant 1.280000e+02 : f32
    %mul3A_717 = vector.broadcast %mul3A_716 : f32 to vector<2048x1xf32>
    %mul3A_718 = arith.mulf %mul3A_717, %add3A_715 : vector<2048x1xf32>
    %floor3A_719 = math.floor %mul3A_704 : vector<2048x1xf32>
    %convert_element_type3A_720 = arith.fptosi %floor3A_719 : vector<2048x1xf32> to vector<2048x1xi32>
    %min3A_721 = arith.constant 127 : i32
    %min3A_722 = vector.broadcast %min3A_721 : i32 to vector<2048x1xi32>
    %min3A_723 = arith.minsi %convert_element_type3A_720, %min3A_722 : vector<2048x1xi32>
    %floor3A_724 = math.floor %mul3A_718 : vector<2048x1xf32>
    %convert_element_type3A_725 = arith.fptosi %floor3A_724 : vector<2048x1xf32> to vector<2048x1xi32>
    %min3A_726 = arith.constant 127 : i32
    %min3A_727 = vector.broadcast %min3A_726 : i32 to vector<2048x1xi32>
    %min3A_728 = arith.minsi %convert_element_type3A_725, %min3A_727 : vector<2048x1xi32>
    %eq3A_729 = vector.broadcast %min3A_723 : vector<2048x1xi32> to vector<2048x128xi32>
    %eq3A_730 = vector.broadcast %iota3A : vector<1x128xi32> to vector<2048x128xi32>
    %eq3A_731 = arith.cmpi eq, %eq3A_729, %eq3A_730 : vector<2048x128xi32>
    %convert_element_type3A_732 = arith.extui %eq3A_731 : vector<2048x128xi1> to vector<2048x128xi32>
    %convert_element_type3A_733 = arith.sitofp %convert_element_type3A_732 : vector<2048x128xi32> to vector<2048x128xf32>
    %convert_element_type3A_734 = arith.truncf %convert_element_type3A_733 : vector<2048x128xf32> to vector<2048x128xbf16>
    %eq3A_735 = vector.broadcast %min3A_728 : vector<2048x1xi32> to vector<2048x128xi32>
    %eq3A_736 = vector.broadcast %iota3A : vector<1x128xi32> to vector<2048x128xi32>
    %eq3A_737 = arith.cmpi eq, %eq3A_735, %eq3A_736 : vector<2048x128xi32>
    %convert_element_type3A_738 = arith.extui %eq3A_737 : vector<2048x128xi1> to vector<2048x128xi32>
    %convert_element_type3A_739 = arith.sitofp %convert_element_type3A_738 : vector<2048x128xi32> to vector<2048x128xf32>
    %convert_element_type3A_740 = arith.truncf %convert_element_type3A_739 : vector<2048x128xf32> to vector<2048x128xbf16>
    %concatenate3A_741 = tpu.concatenate %convert_element_type3A_734, %convert_element_type3A_740 in 1 : vector<2048x128xbf16>, vector<2048x128xbf16> -> vector<2048x256xbf16>
    %get3A_742 = arith.constant 0 : index
    %get3A_743 = arith.constant 0 : index
    %get3A_744 = vector.load %arg2[%get3A_742, %get3A_743] : memref<256x64xbf16, #tpu.memory_space<vmem>>, vector<256x64xbf16>
    %dot_general3A_745 = arith.constant dense<0.000000e+00> : vector<2048x64xf32>
    %dot_general3A_746 = tpu.matmul %concatenate3A_741, %get3A_744, %dot_general3A_745 {dimension_numbers = #tpu.dot_dimension_numbers<[1], [0], [0], [1], [0, 0, 1, 1], [], []>, transpose_lhs_hint = false} : vector<2048x256xbf16>, vector<256x64xbf16>, vector<2048x64xf32> -> vector<2048x64xf32>
    %sub3A_747 = arith.constant 1.058400e+06 : f32
    %sub3A_748 = arith.subf %convert_element_type3A_684, %sub3A_747 : f32
    %div3A_749 = arith.constant 2.540160e+07 : f32
    %div3A_750 = arith.divf %sub3A_748, %div3A_749 : f32
    %mul3A_751 = arith.constant 1.280000e+02 : f32
    %mul3A_752 = arith.mulf %mul3A_751, %div3A_750 : f32
    %floor3A_753 = math.floor %mul3A_752 : f32
    %convert_element_type3A_754 = arith.fptosi %floor3A_753 : f32 to i32
    %min3A_755 = arith.constant 127 : i32
    %min3A_756 = arith.minsi %convert_element_type3A_754, %min3A_755 : i32
    %eq3A_757 = vector.broadcast %min3A_756 : i32 to vector<1x128xi32>
    %eq3A_758 = arith.cmpi eq, %eq3A_757, %iota3A : vector<1x128xi32>
    %convert_element_type3A_759 = arith.extui %eq3A_758 : vector<1x128xi1> to vector<1x128xi32>
    %convert_element_type3A_760 = arith.sitofp %convert_element_type3A_759 : vector<1x128xi32> to vector<1x128xf32>
    %convert_element_type3A_761 = arith.truncf %convert_element_type3A_760 : vector<1x128xf32> to vector<1x128xbf16>
    %get3A_762 = arith.constant 0 : index
    %get3A_763 = arith.constant 0 : index
    %get3A_764 = vector.load %arg3[%get3A_762, %get3A_763] : memref<128x64xbf16, #tpu.memory_space<vmem>>, vector<128x64xbf16>
    %dot_general3A_765 = arith.constant dense<0.000000e+00> : vector<1x64xf32>
    %dot_general3A_766 = tpu.matmul %convert_element_type3A_761, %get3A_764, %dot_general3A_765 {dimension_numbers = #tpu.dot_dimension_numbers<[1], [0], [0], [1], [0, 0, 1, 1], [], []>, transpose_lhs_hint = false} : vector<1x128xbf16>, vector<128x64xbf16>, vector<1x64xf32> -> vector<1x64xf32>
    %add3A_767 = vector.broadcast %dot_general3A_766 : vector<1x64xf32> to vector<2048x64xf32>
    %add3A_768 = arith.addf %dot_general3A_746, %add3A_767 : vector<2048x64xf32>
    %swap3A_769 = arith.constant 7 : index
    %swap3A_770 = arith.constant 0 : index
    %swap3A_771 = arith.constant 0 : index
    %swap3A_772 = vector.load %arg4[%swap3A_769, %swap3A_770, %swap3A_771] : memref<16x2048x64xf32, #tpu.memory_space<vmem>>, vector<1x2048x64xf32>
    %swap3A_773 = vector.shape_cast %swap3A_772 : vector<1x2048x64xf32> to vector<2048x64xf32>
    %swap3A_774 = vector.shape_cast %add3A_768 : vector<2048x64xf32> to vector<1x2048x64xf32>
    tpu.vector_store %arg4[%swap3A_769, %swap3A_770, %swap3A_771], %swap3A_774 {strides = array<i32>} : memref<16x2048x64xf32, #tpu.memory_space<vmem>>, vector<1x2048x64xf32>,
    %mul3A_775 = arith.constant 16 : i32
    %mul3A_776 = arith.muli %arg0, %mul3A_775 : i32
    %add3A_777 = arith.constant 8 : i32
    %add3A_778 = arith.addi %mul3A_776, %add3A_777 : i32
    %get3A_779 = arith.index_cast %add3A_778 : i32 to index
    %get3A_780 = arith.constant 0 : index
    %get3A_781 = memref.load %arg1[%get3A_779, %get3A_780] : memref<256x16xi32, #tpu.memory_space<smem>>
    %convert_element_type3A_782 = arith.sitofp %get3A_781 : i32 to f32
    %get3A_783 = arith.index_cast %add3A_778 : i32 to index
    %get3A_784 = arith.constant 1 : index
    %get3A_785 = memref.load %arg1[%get3A_783, %get3A_784] : memref<256x16xi32, #tpu.memory_space<smem>>
    %get3A_786 = arith.index_cast %add3A_778 : i32 to index
    %get3A_787 = arith.constant 2 : index
    %get3A_788 = memref.load %arg1[%get3A_786, %get3A_787] : memref<256x16xi32, #tpu.memory_space<smem>>
    %convert_element_type3A_789 = arith.sitofp %get3A_785 : i32 to f32
    %add3A_790 = arith.addi %get3A_785, %get3A_788 : i32
    %convert_element_type3A_791 = arith.sitofp %add3A_790 : i32 to f32
    %sub3A_792 = arith.subf %convert_element_type3A_791, %convert_element_type3A_789 : f32
    %mul3A_793 = vector.broadcast %sub3A_792 : f32 to vector<2048x1xf32>
    %mul3A_794 = arith.mulf %mul3A_793, %div3A_2 : vector<2048x1xf32>
    %add3A_795 = vector.broadcast %convert_element_type3A_789 : f32 to vector<2048x1xf32>
    %add3A_796 = arith.addf %add3A_795, %mul3A_794 : vector<2048x1xf32>
    %div3A_797 = arith.constant 2.646000e+07 : f32
    %div3A_798 = vector.broadcast %div3A_797 : f32 to vector<2048x1xf32>
    %div3A_799 = arith.divf %add3A_796, %div3A_798 : vector<2048x1xf32>
    %mul3A_800 = arith.constant 1.280000e+02 : f32
    %mul3A_801 = vector.broadcast %mul3A_800 : f32 to vector<2048x1xf32>
    %mul3A_802 = arith.mulf %mul3A_801, %div3A_799 : vector<2048x1xf32>
    %div3A_803 = arith.divf %convert_element_type3A_789, %convert_element_type3A_782 : f32
    %div3A_804 = arith.divf %convert_element_type3A_791, %convert_element_type3A_782 : f32
    %jit3A_805 = arith.constant 0.000000e+00 : f32
    %jit3A_806 = arith.constant 1.000000e+00 : f32
    %max3A_807 = arith.maximumf %jit3A_805, %div3A_804 : f32
    %min3A_808 = arith.minimumf %jit3A_806, %max3A_807 : f32
    %sub3A_809 = arith.subf %min3A_808, %div3A_803 : f32
    %mul3A_810 = vector.broadcast %sub3A_809 : f32 to vector<2048x1xf32>
    %mul3A_811 = arith.mulf %mul3A_810, %div3A_2 : vector<2048x1xf32>
    %add3A_812 = vector.broadcast %div3A_803 : f32 to vector<2048x1xf32>
    %add3A_813 = arith.addf %add3A_812, %mul3A_811 : vector<2048x1xf32>
    %mul3A_814 = arith.constant 1.280000e+02 : f32
    %mul3A_815 = vector.broadcast %mul3A_814 : f32 to vector<2048x1xf32>
    %mul3A_816 = arith.mulf %mul3A_815, %add3A_813 : vector<2048x1xf32>
    %floor3A_817 = math.floor %mul3A_802 : vector<2048x1xf32>
    %convert_element_type3A_818 = arith.fptosi %floor3A_817 : vector<2048x1xf32> to vector<2048x1xi32>
    %min3A_819 = arith.constant 127 : i32
    %min3A_820 = vector.broadcast %min3A_819 : i32 to vector<2048x1xi32>
    %min3A_821 = arith.minsi %convert_element_type3A_818, %min3A_820 : vector<2048x1xi32>
    %floor3A_822 = math.floor %mul3A_816 : vector<2048x1xf32>
    %convert_element_type3A_823 = arith.fptosi %floor3A_822 : vector<2048x1xf32> to vector<2048x1xi32>
    %min3A_824 = arith.constant 127 : i32
    %min3A_825 = vector.broadcast %min3A_824 : i32 to vector<2048x1xi32>
    %min3A_826 = arith.minsi %convert_element_type3A_823, %min3A_825 : vector<2048x1xi32>
    %eq3A_827 = vector.broadcast %min3A_821 : vector<2048x1xi32> to vector<2048x128xi32>
    %eq3A_828 = vector.broadcast %iota3A : vector<1x128xi32> to vector<2048x128xi32>
    %eq3A_829 = arith.cmpi eq, %eq3A_827, %eq3A_828 : vector<2048x128xi32>
    %convert_element_type3A_830 = arith.extui %eq3A_829 : vector<2048x128xi1> to vector<2048x128xi32>
    %convert_element_type3A_831 = arith.sitofp %convert_element_type3A_830 : vector<2048x128xi32> to vector<2048x128xf32>
    %convert_element_type3A_832 = arith.truncf %convert_element_type3A_831 : vector<2048x128xf32> to vector<2048x128xbf16>
    %eq3A_833 = vector.broadcast %min3A_826 : vector<2048x1xi32> to vector<2048x128xi32>
    %eq3A_834 = vector.broadcast %iota3A : vector<1x128xi32> to vector<2048x128xi32>
    %eq3A_835 = arith.cmpi eq, %eq3A_833, %eq3A_834 : vector<2048x128xi32>
    %convert_element_type3A_836 = arith.extui %eq3A_835 : vector<2048x128xi1> to vector<2048x128xi32>
    %convert_element_type3A_837 = arith.sitofp %convert_element_type3A_836 : vector<2048x128xi32> to vector<2048x128xf32>
    %convert_element_type3A_838 = arith.truncf %convert_element_type3A_837 : vector<2048x128xf32> to vector<2048x128xbf16>
    %concatenate3A_839 = tpu.concatenate %convert_element_type3A_832, %convert_element_type3A_838 in 1 : vector<2048x128xbf16>, vector<2048x128xbf16> -> vector<2048x256xbf16>
    %get3A_840 = arith.constant 0 : index
    %get3A_841 = arith.constant 0 : index
    %get3A_842 = vector.load %arg2[%get3A_840, %get3A_841] : memref<256x64xbf16, #tpu.memory_space<vmem>>, vector<256x64xbf16>
    %dot_general3A_843 = arith.constant dense<0.000000e+00> : vector<2048x64xf32>
    %dot_general3A_844 = tpu.matmul %concatenate3A_839, %get3A_842, %dot_general3A_843 {dimension_numbers = #tpu.dot_dimension_numbers<[1], [0], [0], [1], [0, 0, 1, 1], [], []>, transpose_lhs_hint = false} : vector<2048x256xbf16>, vector<256x64xbf16>, vector<2048x64xf32> -> vector<2048x64xf32>
    %sub3A_845 = arith.constant 1.058400e+06 : f32
    %sub3A_846 = arith.subf %convert_element_type3A_782, %sub3A_845 : f32
    %div3A_847 = arith.constant 2.540160e+07 : f32
    %div3A_848 = arith.divf %sub3A_846, %div3A_847 : f32
    %mul3A_849 = arith.constant 1.280000e+02 : f32
    %mul3A_850 = arith.mulf %mul3A_849, %div3A_848 : f32
    %floor3A_851 = math.floor %mul3A_850 : f32
    %convert_element_type3A_852 = arith.fptosi %floor3A_851 : f32 to i32
    %min3A_853 = arith.constant 127 : i32
    %min3A_854 = arith.minsi %convert_element_type3A_852, %min3A_853 : i32
    %eq3A_855 = vector.broadcast %min3A_854 : i32 to vector<1x128xi32>
    %eq3A_856 = arith.cmpi eq, %eq3A_855, %iota3A : vector<1x128xi32>
    %convert_element_type3A_857 = arith.extui %eq3A_856 : vector<1x128xi1> to vector<1x128xi32>
    %convert_element_type3A_858 = arith.sitofp %convert_element_type3A_857 : vector<1x128xi32> to vector<1x128xf32>
    %convert_element_type3A_859 = arith.truncf %convert_element_type3A_858 : vector<1x128xf32> to vector<1x128xbf16>
    %get3A_860 = arith.constant 0 : index
    %get3A_861 = arith.constant 0 : index
    %get3A_862 = vector.load %arg3[%get3A_860, %get3A_861] : memref<128x64xbf16, #tpu.memory_space<vmem>>, vector<128x64xbf16>
    %dot_general3A_863 = arith.constant dense<0.000000e+00> : vector<1x64xf32>
    %dot_general3A_864 = tpu.matmul %convert_element_type3A_859, %get3A_862, %dot_general3A_863 {dimension_numbers = #tpu.dot_dimension_numbers<[1], [0], [0], [1], [0, 0, 1, 1], [], []>, transpose_lhs_hint = false} : vector<1x128xbf16>, vector<128x64xbf16>, vector<1x64xf32> -> vector<1x64xf32>
    %add3A_865 = vector.broadcast %dot_general3A_864 : vector<1x64xf32> to vector<2048x64xf32>
    %add3A_866 = arith.addf %dot_general3A_844, %add3A_865 : vector<2048x64xf32>
    %swap3A_867 = arith.constant 8 : index
    %swap3A_868 = arith.constant 0 : index
    %swap3A_869 = arith.constant 0 : index
    %swap3A_870 = vector.load %arg4[%swap3A_867, %swap3A_868, %swap3A_869] : memref<16x2048x64xf32, #tpu.memory_space<vmem>>, vector<1x2048x64xf32>
    %swap3A_871 = vector.shape_cast %swap3A_870 : vector<1x2048x64xf32> to vector<2048x64xf32>
    %swap3A_872 = vector.shape_cast %add3A_866 : vector<2048x64xf32> to vector<1x2048x64xf32>
    tpu.vector_store %arg4[%swap3A_867, %swap3A_868, %swap3A_869], %swap3A_872 {strides = array<i32>} : memref<16x2048x64xf32, #tpu.memory_space<vmem>>, vector<1x2048x64xf32>,
    %mul3A_873 = arith.constant 16 : i32
    %mul3A_874 = arith.muli %arg0, %mul3A_873 : i32
    %add3A_875 = arith.constant 9 : i32
    %add3A_876 = arith.addi %mul3A_874, %add3A_875 : i32
    %get3A_877 = arith.index_cast %add3A_876 : i32 to index
    %get3A_878 = arith.constant 0 : index
    %get3A_879 = memref.load %arg1[%get3A_877, %get3A_878] : memref<256x16xi32, #tpu.memory_space<smem>>
    %convert_element_type3A_880 = arith.sitofp %get3A_879 : i32 to f32
    %get3A_881 = arith.index_cast %add3A_876 : i32 to index
    %get3A_882 = arith.constant 1 : index
    %get3A_883 = memref.load %arg1[%get3A_881, %get3A_882] : memref<256x16xi32, #tpu.memory_space<smem>>
    %get3A_884 = arith.index_cast %add3A_876 : i32 to index
    %get3A_885 = arith.constant 2 : index
    %get3A_886 = memref.load %arg1[%get3A_884, %get3A_885] : memref<256x16xi32, #tpu.memory_space<smem>>
    %convert_element_type3A_887 = arith.sitofp %get3A_883 : i32 to f32
    %add3A_888 = arith.addi %get3A_883, %get3A_886 : i32
    %convert_element_type3A_889 = arith.sitofp %add3A_888 : i32 to f32
    %sub3A_890 = arith.subf %convert_element_type3A_889, %convert_element_type3A_887 : f32
    %mul3A_891 = vector.broadcast %sub3A_890 : f32 to vector<2048x1xf32>
    %mul3A_892 = arith.mulf %mul3A_891, %div3A_2 : vector<2048x1xf32>
    %add3A_893 = vector.broadcast %convert_element_type3A_887 : f32 to vector<2048x1xf32>
    %add3A_894 = arith.addf %add3A_893, %mul3A_892 : vector<2048x1xf32>
    %div3A_895 = arith.constant 2.646000e+07 : f32
    %div3A_896 = vector.broadcast %div3A_895 : f32 to vector<2048x1xf32>
    %div3A_897 = arith.divf %add3A_894, %div3A_896 : vector<2048x1xf32>
    %mul3A_898 = arith.constant 1.280000e+02 : f32
    %mul3A_899 = vector.broadcast %mul3A_898 : f32 to vector<2048x1xf32>
    %mul3A_900 = arith.mulf %mul3A_899, %div3A_897 : vector<2048x1xf32>
    %div3A_901 = arith.divf %convert_element_type3A_887, %convert_element_type3A_880 : f32
    %div3A_902 = arith.divf %convert_element_type3A_889, %convert_element_type3A_880 : f32
    %jit3A_903 = arith.constant 0.000000e+00 : f32
    %jit3A_904 = arith.constant 1.000000e+00 : f32
    %max3A_905 = arith.maximumf %jit3A_903, %div3A_902 : f32
    %min3A_906 = arith.minimumf %jit3A_904, %max3A_905 : f32
    %sub3A_907 = arith.subf %min3A_906, %div3A_901 : f32
    %mul3A_908 = vector.broadcast %sub3A_907 : f32 to vector<2048x1xf32>
    %mul3A_909 = arith.mulf %mul3A_908, %div3A_2 : vector<2048x1xf32>
    %add3A_910 = vector.broadcast %div3A_901 : f32 to vector<2048x1xf32>
    %add3A_911 = arith.addf %add3A_910, %mul3A_909 : vector<2048x1xf32>
    %mul3A_912 = arith.constant 1.280000e+02 : f32
    %mul3A_913 = vector.broadcast %mul3A_912 : f32 to vector<2048x1xf32>
    %mul3A_914 = arith.mulf %mul3A_913, %add3A_911 : vector<2048x1xf32>
    %floor3A_915 = math.floor %mul3A_900 : vector<2048x1xf32>
    %convert_element_type3A_916 = arith.fptosi %floor3A_915 : vector<2048x1xf32> to vector<2048x1xi32>
    %min3A_917 = arith.constant 127 : i32
    %min3A_918 = vector.broadcast %min3A_917 : i32 to vector<2048x1xi32>
    %min3A_919 = arith.minsi %convert_element_type3A_916, %min3A_918 : vector<2048x1xi32>
    %floor3A_920 = math.floor %mul3A_914 : vector<2048x1xf32>
    %convert_element_type3A_921 = arith.fptosi %floor3A_920 : vector<2048x1xf32> to vector<2048x1xi32>
    %min3A_922 = arith.constant 127 : i32
    %min3A_923 = vector.broadcast %min3A_922 : i32 to vector<2048x1xi32>
    %min3A_924 = arith.minsi %convert_element_type3A_921, %min3A_923 : vector<2048x1xi32>
    %eq3A_925 = vector.broadcast %min3A_919 : vector<2048x1xi32> to vector<2048x128xi32>
    %eq3A_926 = vector.broadcast %iota3A : vector<1x128xi32> to vector<2048x128xi32>
    %eq3A_927 = arith.cmpi eq, %eq3A_925, %eq3A_926 : vector<2048x128xi32>
    %convert_element_type3A_928 = arith.extui %eq3A_927 : vector<2048x128xi1> to vector<2048x128xi32>
    %convert_element_type3A_929 = arith.sitofp %convert_element_type3A_928 : vector<2048x128xi32> to vector<2048x128xf32>
    %convert_element_type3A_930 = arith.truncf %convert_element_type3A_929 : vector<2048x128xf32> to vector<2048x128xbf16>
    %eq3A_931 = vector.broadcast %min3A_924 : vector<2048x1xi32> to vector<2048x128xi32>
    %eq3A_932 = vector.broadcast %iota3A : vector<1x128xi32> to vector<2048x128xi32>
    %eq3A_933 = arith.cmpi eq, %eq3A_931, %eq3A_932 : vector<2048x128xi32>
    %convert_element_type3A_934 = arith.extui %eq3A_933 : vector<2048x128xi1> to vector<2048x128xi32>
    %convert_element_type3A_935 = arith.sitofp %convert_element_type3A_934 : vector<2048x128xi32> to vector<2048x128xf32>
    %convert_element_type3A_936 = arith.truncf %convert_element_type3A_935 : vector<2048x128xf32> to vector<2048x128xbf16>
    %concatenate3A_937 = tpu.concatenate %convert_element_type3A_930, %convert_element_type3A_936 in 1 : vector<2048x128xbf16>, vector<2048x128xbf16> -> vector<2048x256xbf16>
    %get3A_938 = arith.constant 0 : index
    %get3A_939 = arith.constant 0 : index
    %get3A_940 = vector.load %arg2[%get3A_938, %get3A_939] : memref<256x64xbf16, #tpu.memory_space<vmem>>, vector<256x64xbf16>
    %dot_general3A_941 = arith.constant dense<0.000000e+00> : vector<2048x64xf32>
    %dot_general3A_942 = tpu.matmul %concatenate3A_937, %get3A_940, %dot_general3A_941 {dimension_numbers = #tpu.dot_dimension_numbers<[1], [0], [0], [1], [0, 0, 1, 1], [], []>, transpose_lhs_hint = false} : vector<2048x256xbf16>, vector<256x64xbf16>, vector<2048x64xf32> -> vector<2048x64xf32>
    %sub3A_943 = arith.constant 1.058400e+06 : f32
    %sub3A_944 = arith.subf %convert_element_type3A_880, %sub3A_943 : f32
    %div3A_945 = arith.constant 2.540160e+07 : f32
    %div3A_946 = arith.divf %sub3A_944, %div3A_945 : f32
    %mul3A_947 = arith.constant 1.280000e+02 : f32
    %mul3A_948 = arith.mulf %mul3A_947, %div3A_946 : f32
    %floor3A_949 = math.floor %mul3A_948 : f32
    %convert_element_type3A_950 = arith.fptosi %floor3A_949 : f32 to i32
    %min3A_951 = arith.constant 127 : i32
    %min3A_952 = arith.minsi %convert_element_type3A_950, %min3A_951 : i32
    %eq3A_953 = vector.broadcast %min3A_952 : i32 to vector<1x128xi32>
    %eq3A_954 = arith.cmpi eq, %eq3A_953, %iota3A : vector<1x128xi32>
    %convert_element_type3A_955 = arith.extui %eq3A_954 : vector<1x128xi1> to vector<1x128xi32>
    %convert_element_type3A_956 = arith.sitofp %convert_element_type3A_955 : vector<1x128xi32> to vector<1x128xf32>
    %convert_element_type3A_957 = arith.truncf %convert_element_type3A_956 : vector<1x128xf32> to vector<1x128xbf16>
    %get3A_958 = arith.constant 0 : index
    %get3A_959 = arith.constant 0 : index
    %get3A_960 = vector.load %arg3[%get3A_958, %get3A_959] : memref<128x64xbf16, #tpu.memory_space<vmem>>, vector<128x64xbf16>
    %dot_general3A_961 = arith.constant dense<0.000000e+00> : vector<1x64xf32>
    %dot_general3A_962 = tpu.matmul %convert_element_type3A_957, %get3A_960, %dot_general3A_961 {dimension_numbers = #tpu.dot_dimension_numbers<[1], [0], [0], [1], [0, 0, 1, 1], [], []>, transpose_lhs_hint = false} : vector<1x128xbf16>, vector<128x64xbf16>, vector<1x64xf32> -> vector<1x64xf32>
    %add3A_963 = vector.broadcast %dot_general3A_962 : vector<1x64xf32> to vector<2048x64xf32>
    %add3A_964 = arith.addf %dot_general3A_942, %add3A_963 : vector<2048x64xf32>
    %swap3A_965 = arith.constant 9 : index
    %swap3A_966 = arith.constant 0 : index
    %swap3A_967 = arith.constant 0 : index
    %swap3A_968 = vector.load %arg4[%swap3A_965, %swap3A_966, %swap3A_967] : memref<16x2048x64xf32, #tpu.memory_space<vmem>>, vector<1x2048x64xf32>
    %swap3A_969 = vector.shape_cast %swap3A_968 : vector<1x2048x64xf32> to vector<2048x64xf32>
    %swap3A_970 = vector.shape_cast %add3A_964 : vector<2048x64xf32> to vector<1x2048x64xf32>
    tpu.vector_store %arg4[%swap3A_965, %swap3A_966, %swap3A_967], %swap3A_970 {strides = array<i32>} : memref<16x2048x64xf32, #tpu.memory_space<vmem>>, vector<1x2048x64xf32>,
    %mul3A_971 = arith.constant 16 : i32
    %mul3A_972 = arith.muli %arg0, %mul3A_971 : i32
    %add3A_973 = arith.constant 10 : i32
    %add3A_974 = arith.addi %mul3A_972, %add3A_973 : i32
    %get3A_975 = arith.index_cast %add3A_974 : i32 to index
    %get3A_976 = arith.constant 0 : index
    %get3A_977 = memref.load %arg1[%get3A_975, %get3A_976] : memref<256x16xi32, #tpu.memory_space<smem>>
    %convert_element_type3A_978 = arith.sitofp %get3A_977 : i32 to f32
    %get3A_979 = arith.index_cast %add3A_974 : i32 to index
    %get3A_980 = arith.constant 1 : index
    %get3A_981 = memref.load %arg1[%get3A_979, %get3A_980] : memref<256x16xi32, #tpu.memory_space<smem>>
    %get3A_982 = arith.index_cast %add3A_974 : i32 to index
    %get3A_983 = arith.constant 2 : index
    %get3A_984 = memref.load %arg1[%get3A_982, %get3A_983] : memref<256x16xi32, #tpu.memory_space<smem>>
    %convert_element_type3A_985 = arith.sitofp %get3A_981 : i32 to f32
    %add3A_986 = arith.addi %get3A_981, %get3A_984 : i32
    %convert_element_type3A_987 = arith.sitofp %add3A_986 : i32 to f32
    %sub3A_988 = arith.subf %convert_element_type3A_987, %convert_element_type3A_985 : f32
    %mul3A_989 = vector.broadcast %sub3A_988 : f32 to vector<2048x1xf32>
    %mul3A_990 = arith.mulf %mul3A_989, %div3A_2 : vector<2048x1xf32>
    %add3A_991 = vector.broadcast %convert_element_type3A_985 : f32 to vector<2048x1xf32>
    %add3A_992 = arith.addf %add3A_991, %mul3A_990 : vector<2048x1xf32>
    %div3A_993 = arith.constant 2.646000e+07 : f32
    %div3A_994 = vector.broadcast %div3A_993 : f32 to vector<2048x1xf32>
    %div3A_995 = arith.divf %add3A_992, %div3A_994 : vector<2048x1xf32>
    %mul3A_996 = arith.constant 1.280000e+02 : f32
    %mul3A_997 = vector.broadcast %mul3A_996 : f32 to vector<2048x1xf32>
    %mul3A_998 = arith.mulf %mul3A_997, %div3A_995 : vector<2048x1xf32>
    %div3A_999 = arith.divf %convert_element_type3A_985, %convert_element_type3A_978 : f32
    %div3A_1000 = arith.divf %convert_element_type3A_987, %convert_element_type3A_978 : f32
    %jit3A_1001 = arith.constant 0.000000e+00 : f32
    %jit3A_1002 = arith.constant 1.000000e+00 : f32
    %max3A_1003 = arith.maximumf %jit3A_1001, %div3A_1000 : f32
    %min3A_1004 = arith.minimumf %jit3A_1002, %max3A_1003 : f32
    %sub3A_1005 = arith.subf %min3A_1004, %div3A_999 : f32
    %mul3A_1006 = vector.broadcast %sub3A_1005 : f32 to vector<2048x1xf32>
    %mul3A_1007 = arith.mulf %mul3A_1006, %div3A_2 : vector<2048x1xf32>
    %add3A_1008 = vector.broadcast %div3A_999 : f32 to vector<2048x1xf32>
    %add3A_1009 = arith.addf %add3A_1008, %mul3A_1007 : vector<2048x1xf32>
    %mul3A_1010 = arith.constant 1.280000e+02 : f32
    %mul3A_1011 = vector.broadcast %mul3A_1010 : f32 to vector<2048x1xf32>
    %mul3A_1012 = arith.mulf %mul3A_1011, %add3A_1009 : vector<2048x1xf32>
    %floor3A_1013 = math.floor %mul3A_998 : vector<2048x1xf32>
    %convert_element_type3A_1014 = arith.fptosi %floor3A_1013 : vector<2048x1xf32> to vector<2048x1xi32>
    %min3A_1015 = arith.constant 127 : i32
    %min3A_1016 = vector.broadcast %min3A_1015 : i32 to vector<2048x1xi32>
    %min3A_1017 = arith.minsi %convert_element_type3A_1014, %min3A_1016 : vector<2048x1xi32>
    %floor3A_1018 = math.floor %mul3A_1012 : vector<2048x1xf32>
    %convert_element_type3A_1019 = arith.fptosi %floor3A_1018 : vector<2048x1xf32> to vector<2048x1xi32>
    %min3A_1020 = arith.constant 127 : i32
    %min3A_1021 = vector.broadcast %min3A_1020 : i32 to vector<2048x1xi32>
    %min3A_1022 = arith.minsi %convert_element_type3A_1019, %min3A_1021 : vector<2048x1xi32>
    %eq3A_1023 = vector.broadcast %min3A_1017 : vector<2048x1xi32> to vector<2048x128xi32>
    %eq3A_1024 = vector.broadcast %iota3A : vector<1x128xi32> to vector<2048x128xi32>
    %eq3A_1025 = arith.cmpi eq, %eq3A_1023, %eq3A_1024 : vector<2048x128xi32>
    %convert_element_type3A_1026 = arith.extui %eq3A_1025 : vector<2048x128xi1> to vector<2048x128xi32>
    %convert_element_type3A_1027 = arith.sitofp %convert_element_type3A_1026 : vector<2048x128xi32> to vector<2048x128xf32>
    %convert_element_type3A_1028 = arith.truncf %convert_element_type3A_1027 : vector<2048x128xf32> to vector<2048x128xbf16>
    %eq3A_1029 = vector.broadcast %min3A_1022 : vector<2048x1xi32> to vector<2048x128xi32>
    %eq3A_1030 = vector.broadcast %iota3A : vector<1x128xi32> to vector<2048x128xi32>
    %eq3A_1031 = arith.cmpi eq, %eq3A_1029, %eq3A_1030 : vector<2048x128xi32>
    %convert_element_type3A_1032 = arith.extui %eq3A_1031 : vector<2048x128xi1> to vector<2048x128xi32>
    %convert_element_type3A_1033 = arith.sitofp %convert_element_type3A_1032 : vector<2048x128xi32> to vector<2048x128xf32>
    %convert_element_type3A_1034 = arith.truncf %convert_element_type3A_1033 : vector<2048x128xf32> to vector<2048x128xbf16>
    %concatenate3A_1035 = tpu.concatenate %convert_element_type3A_1028, %convert_element_type3A_1034 in 1 : vector<2048x128xbf16>, vector<2048x128xbf16> -> vector<2048x256xbf16>
    %get3A_1036 = arith.constant 0 : index
    %get3A_1037 = arith.constant 0 : index
    %get3A_1038 = vector.load %arg2[%get3A_1036, %get3A_1037] : memref<256x64xbf16, #tpu.memory_space<vmem>>, vector<256x64xbf16>
    %dot_general3A_1039 = arith.constant dense<0.000000e+00> : vector<2048x64xf32>
    %dot_general3A_1040 = tpu.matmul %concatenate3A_1035, %get3A_1038, %dot_general3A_1039 {dimension_numbers = #tpu.dot_dimension_numbers<[1], [0], [0], [1], [0, 0, 1, 1], [], []>, transpose_lhs_hint = false} : vector<2048x256xbf16>, vector<256x64xbf16>, vector<2048x64xf32> -> vector<2048x64xf32>
    %sub3A_1041 = arith.constant 1.058400e+06 : f32
    %sub3A_1042 = arith.subf %convert_element_type3A_978, %sub3A_1041 : f32
    %div3A_1043 = arith.constant 2.540160e+07 : f32
    %div3A_1044 = arith.divf %sub3A_1042, %div3A_1043 : f32
    %mul3A_1045 = arith.constant 1.280000e+02 : f32
    %mul3A_1046 = arith.mulf %mul3A_1045, %div3A_1044 : f32
    %floor3A_1047 = math.floor %mul3A_1046 : f32
    %convert_element_type3A_1048 = arith.fptosi %floor3A_1047 : f32 to i32
    %min3A_1049 = arith.constant 127 : i32
    %min3A_1050 = arith.minsi %convert_element_type3A_1048, %min3A_1049 : i32
    %eq3A_1051 = vector.broadcast %min3A_1050 : i32 to vector<1x128xi32>
    %eq3A_1052 = arith.cmpi eq, %eq3A_1051, %iota3A : vector<1x128xi32>
    %convert_element_type3A_1053 = arith.extui %eq3A_1052 : vector<1x128xi1> to vector<1x128xi32>
    %convert_element_type3A_1054 = arith.sitofp %convert_element_type3A_1053 : vector<1x128xi32> to vector<1x128xf32>
    %convert_element_type3A_1055 = arith.truncf %convert_element_type3A_1054 : vector<1x128xf32> to vector<1x128xbf16>
    %get3A_1056 = arith.constant 0 : index
    %get3A_1057 = arith.constant 0 : index
    %get3A_1058 = vector.load %arg3[%get3A_1056, %get3A_1057] : memref<128x64xbf16, #tpu.memory_space<vmem>>, vector<128x64xbf16>
    %dot_general3A_1059 = arith.constant dense<0.000000e+00> : vector<1x64xf32>
    %dot_general3A_1060 = tpu.matmul %convert_element_type3A_1055, %get3A_1058, %dot_general3A_1059 {dimension_numbers = #tpu.dot_dimension_numbers<[1], [0], [0], [1], [0, 0, 1, 1], [], []>, transpose_lhs_hint = false} : vector<1x128xbf16>, vector<128x64xbf16>, vector<1x64xf32> -> vector<1x64xf32>
    %add3A_1061 = vector.broadcast %dot_general3A_1060 : vector<1x64xf32> to vector<2048x64xf32>
    %add3A_1062 = arith.addf %dot_general3A_1040, %add3A_1061 : vector<2048x64xf32>
    %swap3A_1063 = arith.constant 10 : index
    %swap3A_1064 = arith.constant 0 : index
    %swap3A_1065 = arith.constant 0 : index
    %swap3A_1066 = vector.load %arg4[%swap3A_1063, %swap3A_1064, %swap3A_1065] : memref<16x2048x64xf32, #tpu.memory_space<vmem>>, vector<1x2048x64xf32>
    %swap3A_1067 = vector.shape_cast %swap3A_1066 : vector<1x2048x64xf32> to vector<2048x64xf32>
    %swap3A_1068 = vector.shape_cast %add3A_1062 : vector<2048x64xf32> to vector<1x2048x64xf32>
    tpu.vector_store %arg4[%swap3A_1063, %swap3A_1064, %swap3A_1065], %swap3A_1068 {strides = array<i32>} : memref<16x2048x64xf32, #tpu.memory_space<vmem>>, vector<1x2048x64xf32>,
    %mul3A_1069 = arith.constant 16 : i32
    %mul3A_1070 = arith.muli %arg0, %mul3A_1069 : i32
    %add3A_1071 = arith.constant 11 : i32
    %add3A_1072 = arith.addi %mul3A_1070, %add3A_1071 : i32
    %get3A_1073 = arith.index_cast %add3A_1072 : i32 to index
    %get3A_1074 = arith.constant 0 : index
    %get3A_1075 = memref.load %arg1[%get3A_1073, %get3A_1074] : memref<256x16xi32, #tpu.memory_space<smem>>
    %convert_element_type3A_1076 = arith.sitofp %get3A_1075 : i32 to f32
    %get3A_1077 = arith.index_cast %add3A_1072 : i32 to index
    %get3A_1078 = arith.constant 1 : index
    %get3A_1079 = memref.load %arg1[%get3A_1077, %get3A_1078] : memref<256x16xi32, #tpu.memory_space<smem>>
    %get3A_1080 = arith.index_cast %add3A_1072 : i32 to index
    %get3A_1081 = arith.constant 2 : index
    %get3A_1082 = memref.load %arg1[%get3A_1080, %get3A_1081] : memref<256x16xi32, #tpu.memory_space<smem>>
    %convert_element_type3A_1083 = arith.sitofp %get3A_1079 : i32 to f32
    %add3A_1084 = arith.addi %get3A_1079, %get3A_1082 : i32
    %convert_element_type3A_1085 = arith.sitofp %add3A_1084 : i32 to f32
    %sub3A_1086 = arith.subf %convert_element_type3A_1085, %convert_element_type3A_1083 : f32
    %mul3A_1087 = vector.broadcast %sub3A_1086 : f32 to vector<2048x1xf32>
    %mul3A_1088 = arith.mulf %mul3A_1087, %div3A_2 : vector<2048x1xf32>
    %add3A_1089 = vector.broadcast %convert_element_type3A_1083 : f32 to vector<2048x1xf32>
    %add3A_1090 = arith.addf %add3A_1089, %mul3A_1088 : vector<2048x1xf32>
    %div3A_1091 = arith.constant 2.646000e+07 : f32
    %div3A_1092 = vector.broadcast %div3A_1091 : f32 to vector<2048x1xf32>
    %div3A_1093 = arith.divf %add3A_1090, %div3A_1092 : vector<2048x1xf32>
    %mul3A_1094 = arith.constant 1.280000e+02 : f32
    %mul3A_1095 = vector.broadcast %mul3A_1094 : f32 to vector<2048x1xf32>
    %mul3A_1096 = arith.mulf %mul3A_1095, %div3A_1093 : vector<2048x1xf32>
    %div3A_1097 = arith.divf %convert_element_type3A_1083, %convert_element_type3A_1076 : f32
    %div3A_1098 = arith.divf %convert_element_type3A_1085, %convert_element_type3A_1076 : f32
    %jit3A_1099 = arith.constant 0.000000e+00 : f32
    %jit3A_1100 = arith.constant 1.000000e+00 : f32
    %max3A_1101 = arith.maximumf %jit3A_1099, %div3A_1098 : f32
    %min3A_1102 = arith.minimumf %jit3A_1100, %max3A_1101 : f32
    %sub3A_1103 = arith.subf %min3A_1102, %div3A_1097 : f32
    %mul3A_1104 = vector.broadcast %sub3A_1103 : f32 to vector<2048x1xf32>
    %mul3A_1105 = arith.mulf %mul3A_1104, %div3A_2 : vector<2048x1xf32>
    %add3A_1106 = vector.broadcast %div3A_1097 : f32 to vector<2048x1xf32>
    %add3A_1107 = arith.addf %add3A_1106, %mul3A_1105 : vector<2048x1xf32>
    %mul3A_1108 = arith.constant 1.280000e+02 : f32
    %mul3A_1109 = vector.broadcast %mul3A_1108 : f32 to vector<2048x1xf32>
    %mul3A_1110 = arith.mulf %mul3A_1109, %add3A_1107 : vector<2048x1xf32>
    %floor3A_1111 = math.floor %mul3A_1096 : vector<2048x1xf32>
    %convert_element_type3A_1112 = arith.fptosi %floor3A_1111 : vector<2048x1xf32> to vector<2048x1xi32>
    %min3A_1113 = arith.constant 127 : i32
    %min3A_1114 = vector.broadcast %min3A_1113 : i32 to vector<2048x1xi32>
    %min3A_1115 = arith.minsi %convert_element_type3A_1112, %min3A_1114 : vector<2048x1xi32>
    %floor3A_1116 = math.floor %mul3A_1110 : vector<2048x1xf32>
    %convert_element_type3A_1117 = arith.fptosi %floor3A_1116 : vector<2048x1xf32> to vector<2048x1xi32>
    %min3A_1118 = arith.constant 127 : i32
    %min3A_1119 = vector.broadcast %min3A_1118 : i32 to vector<2048x1xi32>
    %min3A_1120 = arith.minsi %convert_element_type3A_1117, %min3A_1119 : vector<2048x1xi32>
    %eq3A_1121 = vector.broadcast %min3A_1115 : vector<2048x1xi32> to vector<2048x128xi32>
    %eq3A_1122 = vector.broadcast %iota3A : vector<1x128xi32> to vector<2048x128xi32>
    %eq3A_1123 = arith.cmpi eq, %eq3A_1121, %eq3A_1122 : vector<2048x128xi32>
    %convert_element_type3A_1124 = arith.extui %eq3A_1123 : vector<2048x128xi1> to vector<2048x128xi32>
    %convert_element_type3A_1125 = arith.sitofp %convert_element_type3A_1124 : vector<2048x128xi32> to vector<2048x128xf32>
    %convert_element_type3A_1126 = arith.truncf %convert_element_type3A_1125 : vector<2048x128xf32> to vector<2048x128xbf16>
    %eq3A_1127 = vector.broadcast %min3A_1120 : vector<2048x1xi32> to vector<2048x128xi32>
    %eq3A_1128 = vector.broadcast %iota3A : vector<1x128xi32> to vector<2048x128xi32>
    %eq3A_1129 = arith.cmpi eq, %eq3A_1127, %eq3A_1128 : vector<2048x128xi32>
    %convert_element_type3A_1130 = arith.extui %eq3A_1129 : vector<2048x128xi1> to vector<2048x128xi32>
    %convert_element_type3A_1131 = arith.sitofp %convert_element_type3A_1130 : vector<2048x128xi32> to vector<2048x128xf32>
    %convert_element_type3A_1132 = arith.truncf %convert_element_type3A_1131 : vector<2048x128xf32> to vector<2048x128xbf16>
    %concatenate3A_1133 = tpu.concatenate %convert_element_type3A_1126, %convert_element_type3A_1132 in 1 : vector<2048x128xbf16>, vector<2048x128xbf16> -> vector<2048x256xbf16>
    %get3A_1134 = arith.constant 0 : index
    %get3A_1135 = arith.constant 0 : index
    %get3A_1136 = vector.load %arg2[%get3A_1134, %get3A_1135] : memref<256x64xbf16, #tpu.memory_space<vmem>>, vector<256x64xbf16>
    %dot_general3A_1137 = arith.constant dense<0.000000e+00> : vector<2048x64xf32>
    %dot_general3A_1138 = tpu.matmul %concatenate3A_1133, %get3A_1136, %dot_general3A_1137 {dimension_numbers = #tpu.dot_dimension_numbers<[1], [0], [0], [1], [0, 0, 1, 1], [], []>, transpose_lhs_hint = false} : vector<2048x256xbf16>, vector<256x64xbf16>, vector<2048x64xf32> -> vector<2048x64xf32>
    %sub3A_1139 = arith.constant 1.058400e+06 : f32
    %sub3A_1140 = arith.subf %convert_element_type3A_1076, %sub3A_1139 : f32
    %div3A_1141 = arith.constant 2.540160e+07 : f32
    %div3A_1142 = arith.divf %sub3A_1140, %div3A_1141 : f32
    %mul3A_1143 = arith.constant 1.280000e+02 : f32
    %mul3A_1144 = arith.mulf %mul3A_1143, %div3A_1142 : f32
    %floor3A_1145 = math.floor %mul3A_1144 : f32
    %convert_element_type3A_1146 = arith.fptosi %floor3A_1145 : f32 to i32
    %min3A_1147 = arith.constant 127 : i32
    %min3A_1148 = arith.minsi %convert_element_type3A_1146, %min3A_1147 : i32
    %eq3A_1149 = vector.broadcast %min3A_1148 : i32 to vector<1x128xi32>
    %eq3A_1150 = arith.cmpi eq, %eq3A_1149, %iota3A : vector<1x128xi32>
    %convert_element_type3A_1151 = arith.extui %eq3A_1150 : vector<1x128xi1> to vector<1x128xi32>
    %convert_element_type3A_1152 = arith.sitofp %convert_element_type3A_1151 : vector<1x128xi32> to vector<1x128xf32>
    %convert_element_type3A_1153 = arith.truncf %convert_element_type3A_1152 : vector<1x128xf32> to vector<1x128xbf16>
    %get3A_1154 = arith.constant 0 : index
    %get3A_1155 = arith.constant 0 : index
    %get3A_1156 = vector.load %arg3[%get3A_1154, %get3A_1155] : memref<128x64xbf16, #tpu.memory_space<vmem>>, vector<128x64xbf16>
    %dot_general3A_1157 = arith.constant dense<0.000000e+00> : vector<1x64xf32>
    %dot_general3A_1158 = tpu.matmul %convert_element_type3A_1153, %get3A_1156, %dot_general3A_1157 {dimension_numbers = #tpu.dot_dimension_numbers<[1], [0], [0], [1], [0, 0, 1, 1], [], []>, transpose_lhs_hint = false} : vector<1x128xbf16>, vector<128x64xbf16>, vector<1x64xf32> -> vector<1x64xf32>
    %add3A_1159 = vector.broadcast %dot_general3A_1158 : vector<1x64xf32> to vector<2048x64xf32>
    %add3A_1160 = arith.addf %dot_general3A_1138, %add3A_1159 : vector<2048x64xf32>
    %swap3A_1161 = arith.constant 11 : index
    %swap3A_1162 = arith.constant 0 : index
    %swap3A_1163 = arith.constant 0 : index
    %swap3A_1164 = vector.load %arg4[%swap3A_1161, %swap3A_1162, %swap3A_1163] : memref<16x2048x64xf32, #tpu.memory_space<vmem>>, vector<1x2048x64xf32>
    %swap3A_1165 = vector.shape_cast %swap3A_1164 : vector<1x2048x64xf32> to vector<2048x64xf32>
    %swap3A_1166 = vector.shape_cast %add3A_1160 : vector<2048x64xf32> to vector<1x2048x64xf32>
    tpu.vector_store %arg4[%swap3A_1161, %swap3A_1162, %swap3A_1163], %swap3A_1166 {strides = array<i32>} : memref<16x2048x64xf32, #tpu.memory_space<vmem>>, vector<1x2048x64xf32>,
    %mul3A_1167 = arith.constant 16 : i32
    %mul3A_1168 = arith.muli %arg0, %mul3A_1167 : i32
    %add3A_1169 = arith.constant 12 : i32
    %add3A_1170 = arith.addi %mul3A_1168, %add3A_1169 : i32
    %get3A_1171 = arith.index_cast %add3A_1170 : i32 to index
    %get3A_1172 = arith.constant 0 : index
    %get3A_1173 = memref.load %arg1[%get3A_1171, %get3A_1172] : memref<256x16xi32, #tpu.memory_space<smem>>
    %convert_element_type3A_1174 = arith.sitofp %get3A_1173 : i32 to f32
    %get3A_1175 = arith.index_cast %add3A_1170 : i32 to index
    %get3A_1176 = arith.constant 1 : index
    %get3A_1177 = memref.load %arg1[%get3A_1175, %get3A_1176] : memref<256x16xi32, #tpu.memory_space<smem>>
    %get3A_1178 = arith.index_cast %add3A_1170 : i32 to index
    %get3A_1179 = arith.constant 2 : index
    %get3A_1180 = memref.load %arg1[%get3A_1178, %get3A_1179] : memref<256x16xi32, #tpu.memory_space<smem>>
    %convert_element_type3A_1181 = arith.sitofp %get3A_1177 : i32 to f32
    %add3A_1182 = arith.addi %get3A_1177, %get3A_1180 : i32
    %convert_element_type3A_1183 = arith.sitofp %add3A_1182 : i32 to f32
    %sub3A_1184 = arith.subf %convert_element_type3A_1183, %convert_element_type3A_1181 : f32
    %mul3A_1185 = vector.broadcast %sub3A_1184 : f32 to vector<2048x1xf32>
    %mul3A_1186 = arith.mulf %mul3A_1185, %div3A_2 : vector<2048x1xf32>
    %add3A_1187 = vector.broadcast %convert_element_type3A_1181 : f32 to vector<2048x1xf32>
    %add3A_1188 = arith.addf %add3A_1187, %mul3A_1186 : vector<2048x1xf32>
    %div3A_1189 = arith.constant 2.646000e+07 : f32
    %div3A_1190 = vector.broadcast %div3A_1189 : f32 to vector<2048x1xf32>
    %div3A_1191 = arith.divf %add3A_1188, %div3A_1190 : vector<2048x1xf32>
    %mul3A_1192 = arith.constant 1.280000e+02 : f32
    %mul3A_1193 = vector.broadcast %mul3A_1192 : f32 to vector<2048x1xf32>
    %mul3A_1194 = arith.mulf %mul3A_1193, %div3A_1191 : vector<2048x1xf32>
    %div3A_1195 = arith.divf %convert_element_type3A_1181, %convert_element_type3A_1174 : f32
    %div3A_1196 = arith.divf %convert_element_type3A_1183, %convert_element_type3A_1174 : f32
    %jit3A_1197 = arith.constant 0.000000e+00 : f32
    %jit3A_1198 = arith.constant 1.000000e+00 : f32
    %max3A_1199 = arith.maximumf %jit3A_1197, %div3A_1196 : f32
    %min3A_1200 = arith.minimumf %jit3A_1198, %max3A_1199 : f32
    %sub3A_1201 = arith.subf %min3A_1200, %div3A_1195 : f32
    %mul3A_1202 = vector.broadcast %sub3A_1201 : f32 to vector<2048x1xf32>
    %mul3A_1203 = arith.mulf %mul3A_1202, %div3A_2 : vector<2048x1xf32>
    %add3A_1204 = vector.broadcast %div3A_1195 : f32 to vector<2048x1xf32>
    %add3A_1205 = arith.addf %add3A_1204, %mul3A_1203 : vector<2048x1xf32>
    %mul3A_1206 = arith.constant 1.280000e+02 : f32
    %mul3A_1207 = vector.broadcast %mul3A_1206 : f32 to vector<2048x1xf32>
    %mul3A_1208 = arith.mulf %mul3A_1207, %add3A_1205 : vector<2048x1xf32>
    %floor3A_1209 = math.floor %mul3A_1194 : vector<2048x1xf32>
    %convert_element_type3A_1210 = arith.fptosi %floor3A_1209 : vector<2048x1xf32> to vector<2048x1xi32>
    %min3A_1211 = arith.constant 127 : i32
    %min3A_1212 = vector.broadcast %min3A_1211 : i32 to vector<2048x1xi32>
    %min3A_1213 = arith.minsi %convert_element_type3A_1210, %min3A_1212 : vector<2048x1xi32>
    %floor3A_1214 = math.floor %mul3A_1208 : vector<2048x1xf32>
    %convert_element_type3A_1215 = arith.fptosi %floor3A_1214 : vector<2048x1xf32> to vector<2048x1xi32>
    %min3A_1216 = arith.constant 127 : i32
    %min3A_1217 = vector.broadcast %min3A_1216 : i32 to vector<2048x1xi32>
    %min3A_1218 = arith.minsi %convert_element_type3A_1215, %min3A_1217 : vector<2048x1xi32>
    %eq3A_1219 = vector.broadcast %min3A_1213 : vector<2048x1xi32> to vector<2048x128xi32>
    %eq3A_1220 = vector.broadcast %iota3A : vector<1x128xi32> to vector<2048x128xi32>
    %eq3A_1221 = arith.cmpi eq, %eq3A_1219, %eq3A_1220 : vector<2048x128xi32>
    %convert_element_type3A_1222 = arith.extui %eq3A_1221 : vector<2048x128xi1> to vector<2048x128xi32>
    %convert_element_type3A_1223 = arith.sitofp %convert_element_type3A_1222 : vector<2048x128xi32> to vector<2048x128xf32>
    %convert_element_type3A_1224 = arith.truncf %convert_element_type3A_1223 : vector<2048x128xf32> to vector<2048x128xbf16>
    %eq3A_1225 = vector.broadcast %min3A_1218 : vector<2048x1xi32> to vector<2048x128xi32>
    %eq3A_1226 = vector.broadcast %iota3A : vector<1x128xi32> to vector<2048x128xi32>
    %eq3A_1227 = arith.cmpi eq, %eq3A_1225, %eq3A_1226 : vector<2048x128xi32>
    %convert_element_type3A_1228 = arith.extui %eq3A_1227 : vector<2048x128xi1> to vector<2048x128xi32>
    %convert_element_type3A_1229 = arith.sitofp %convert_element_type3A_1228 : vector<2048x128xi32> to vector<2048x128xf32>
    %convert_element_type3A_1230 = arith.truncf %convert_element_type3A_1229 : vector<2048x128xf32> to vector<2048x128xbf16>
    %concatenate3A_1231 = tpu.concatenate %convert_element_type3A_1224, %convert_element_type3A_1230 in 1 : vector<2048x128xbf16>, vector<2048x128xbf16> -> vector<2048x256xbf16>
    %get3A_1232 = arith.constant 0 : index
    %get3A_1233 = arith.constant 0 : index
    %get3A_1234 = vector.load %arg2[%get3A_1232, %get3A_1233] : memref<256x64xbf16, #tpu.memory_space<vmem>>, vector<256x64xbf16>
    %dot_general3A_1235 = arith.constant dense<0.000000e+00> : vector<2048x64xf32>
    %dot_general3A_1236 = tpu.matmul %concatenate3A_1231, %get3A_1234, %dot_general3A_1235 {dimension_numbers = #tpu.dot_dimension_numbers<[1], [0], [0], [1], [0, 0, 1, 1], [], []>, transpose_lhs_hint = false} : vector<2048x256xbf16>, vector<256x64xbf16>, vector<2048x64xf32> -> vector<2048x64xf32>
    %sub3A_1237 = arith.constant 1.058400e+06 : f32
    %sub3A_1238 = arith.subf %convert_element_type3A_1174, %sub3A_1237 : f32
    %div3A_1239 = arith.constant 2.540160e+07 : f32
    %div3A_1240 = arith.divf %sub3A_1238, %div3A_1239 : f32
    %mul3A_1241 = arith.constant 1.280000e+02 : f32
    %mul3A_1242 = arith.mulf %mul3A_1241, %div3A_1240 : f32
    %floor3A_1243 = math.floor %mul3A_1242 : f32
    %convert_element_type3A_1244 = arith.fptosi %floor3A_1243 : f32 to i32
    %min3A_1245 = arith.constant 127 : i32
    %min3A_1246 = arith.minsi %convert_element_type3A_1244, %min3A_1245 : i32
    %eq3A_1247 = vector.broadcast %min3A_1246 : i32 to vector<1x128xi32>
    %eq3A_1248 = arith.cmpi eq, %eq3A_1247, %iota3A : vector<1x128xi32>
    %convert_element_type3A_1249 = arith.extui %eq3A_1248 : vector<1x128xi1> to vector<1x128xi32>
    %convert_element_type3A_1250 = arith.sitofp %convert_element_type3A_1249 : vector<1x128xi32> to vector<1x128xf32>
    %convert_element_type3A_1251 = arith.truncf %convert_element_type3A_1250 : vector<1x128xf32> to vector<1x128xbf16>
    %get3A_1252 = arith.constant 0 : index
    %get3A_1253 = arith.constant 0 : index
    %get3A_1254 = vector.load %arg3[%get3A_1252, %get3A_1253] : memref<128x64xbf16, #tpu.memory_space<vmem>>, vector<128x64xbf16>
    %dot_general3A_1255 = arith.constant dense<0.000000e+00> : vector<1x64xf32>
    %dot_general3A_1256 = tpu.matmul %convert_element_type3A_1251, %get3A_1254, %dot_general3A_1255 {dimension_numbers = #tpu.dot_dimension_numbers<[1], [0], [0], [1], [0, 0, 1, 1], [], []>, transpose_lhs_hint = false} : vector<1x128xbf16>, vector<128x64xbf16>, vector<1x64xf32> -> vector<1x64xf32>
    %add3A_1257 = vector.broadcast %dot_general3A_1256 : vector<1x64xf32> to vector<2048x64xf32>
    %add3A_1258 = arith.addf %dot_general3A_1236, %add3A_1257 : vector<2048x64xf32>
    %swap3A_1259 = arith.constant 12 : index
    %swap3A_1260 = arith.constant 0 : index
    %swap3A_1261 = arith.constant 0 : index
    %swap3A_1262 = vector.load %arg4[%swap3A_1259, %swap3A_1260, %swap3A_1261] : memref<16x2048x64xf32, #tpu.memory_space<vmem>>, vector<1x2048x64xf32>
    %swap3A_1263 = vector.shape_cast %swap3A_1262 : vector<1x2048x64xf32> to vector<2048x64xf32>
    %swap3A_1264 = vector.shape_cast %add3A_1258 : vector<2048x64xf32> to vector<1x2048x64xf32>
    tpu.vector_store %arg4[%swap3A_1259, %swap3A_1260, %swap3A_1261], %swap3A_1264 {strides = array<i32>} : memref<16x2048x64xf32, #tpu.memory_space<vmem>>, vector<1x2048x64xf32>,
    %mul3A_1265 = arith.constant 16 : i32
    %mul3A_1266 = arith.muli %arg0, %mul3A_1265 : i32
    %add3A_1267 = arith.constant 13 : i32
    %add3A_1268 = arith.addi %mul3A_1266, %add3A_1267 : i32
    %get3A_1269 = arith.index_cast %add3A_1268 : i32 to index
    %get3A_1270 = arith.constant 0 : index
    %get3A_1271 = memref.load %arg1[%get3A_1269, %get3A_1270] : memref<256x16xi32, #tpu.memory_space<smem>>
    %convert_element_type3A_1272 = arith.sitofp %get3A_1271 : i32 to f32
    %get3A_1273 = arith.index_cast %add3A_1268 : i32 to index
    %get3A_1274 = arith.constant 1 : index
    %get3A_1275 = memref.load %arg1[%get3A_1273, %get3A_1274] : memref<256x16xi32, #tpu.memory_space<smem>>
    %get3A_1276 = arith.index_cast %add3A_1268 : i32 to index
    %get3A_1277 = arith.constant 2 : index
    %get3A_1278 = memref.load %arg1[%get3A_1276, %get3A_1277] : memref<256x16xi32, #tpu.memory_space<smem>>
    %convert_element_type3A_1279 = arith.sitofp %get3A_1275 : i32 to f32
    %add3A_1280 = arith.addi %get3A_1275, %get3A_1278 : i32
    %convert_element_type3A_1281 = arith.sitofp %add3A_1280 : i32 to f32
    %sub3A_1282 = arith.subf %convert_element_type3A_1281, %convert_element_type3A_1279 : f32
    %mul3A_1283 = vector.broadcast %sub3A_1282 : f32 to vector<2048x1xf32>
    %mul3A_1284 = arith.mulf %mul3A_1283, %div3A_2 : vector<2048x1xf32>
    %add3A_1285 = vector.broadcast %convert_element_type3A_1279 : f32 to vector<2048x1xf32>
    %add3A_1286 = arith.addf %add3A_1285, %mul3A_1284 : vector<2048x1xf32>
    %div3A_1287 = arith.constant 2.646000e+07 : f32
    %div3A_1288 = vector.broadcast %div3A_1287 : f32 to vector<2048x1xf32>
    %div3A_1289 = arith.divf %add3A_1286, %div3A_1288 : vector<2048x1xf32>
    %mul3A_1290 = arith.constant 1.280000e+02 : f32
    %mul3A_1291 = vector.broadcast %mul3A_1290 : f32 to vector<2048x1xf32>
    %mul3A_1292 = arith.mulf %mul3A_1291, %div3A_1289 : vector<2048x1xf32>
    %div3A_1293 = arith.divf %convert_element_type3A_1279, %convert_element_type3A_1272 : f32
    %div3A_1294 = arith.divf %convert_element_type3A_1281, %convert_element_type3A_1272 : f32
    %jit3A_1295 = arith.constant 0.000000e+00 : f32
    %jit3A_1296 = arith.constant 1.000000e+00 : f32
    %max3A_1297 = arith.maximumf %jit3A_1295, %div3A_1294 : f32
    %min3A_1298 = arith.minimumf %jit3A_1296, %max3A_1297 : f32
    %sub3A_1299 = arith.subf %min3A_1298, %div3A_1293 : f32
    %mul3A_1300 = vector.broadcast %sub3A_1299 : f32 to vector<2048x1xf32>
    %mul3A_1301 = arith.mulf %mul3A_1300, %div3A_2 : vector<2048x1xf32>
    %add3A_1302 = vector.broadcast %div3A_1293 : f32 to vector<2048x1xf32>
    %add3A_1303 = arith.addf %add3A_1302, %mul3A_1301 : vector<2048x1xf32>
    %mul3A_1304 = arith.constant 1.280000e+02 : f32
    %mul3A_1305 = vector.broadcast %mul3A_1304 : f32 to vector<2048x1xf32>
    %mul3A_1306 = arith.mulf %mul3A_1305, %add3A_1303 : vector<2048x1xf32>
    %floor3A_1307 = math.floor %mul3A_1292 : vector<2048x1xf32>
    %convert_element_type3A_1308 = arith.fptosi %floor3A_1307 : vector<2048x1xf32> to vector<2048x1xi32>
    %min3A_1309 = arith.constant 127 : i32
    %min3A_1310 = vector.broadcast %min3A_1309 : i32 to vector<2048x1xi32>
    %min3A_1311 = arith.minsi %convert_element_type3A_1308, %min3A_1310 : vector<2048x1xi32>
    %floor3A_1312 = math.floor %mul3A_1306 : vector<2048x1xf32>
    %convert_element_type3A_1313 = arith.fptosi %floor3A_1312 : vector<2048x1xf32> to vector<2048x1xi32>
    %min3A_1314 = arith.constant 127 : i32
    %min3A_1315 = vector.broadcast %min3A_1314 : i32 to vector<2048x1xi32>
    %min3A_1316 = arith.minsi %convert_element_type3A_1313, %min3A_1315 : vector<2048x1xi32>
    %eq3A_1317 = vector.broadcast %min3A_1311 : vector<2048x1xi32> to vector<2048x128xi32>
    %eq3A_1318 = vector.broadcast %iota3A : vector<1x128xi32> to vector<2048x128xi32>
    %eq3A_1319 = arith.cmpi eq, %eq3A_1317, %eq3A_1318 : vector<2048x128xi32>
    %convert_element_type3A_1320 = arith.extui %eq3A_1319 : vector<2048x128xi1> to vector<2048x128xi32>
    %convert_element_type3A_1321 = arith.sitofp %convert_element_type3A_1320 : vector<2048x128xi32> to vector<2048x128xf32>
    %convert_element_type3A_1322 = arith.truncf %convert_element_type3A_1321 : vector<2048x128xf32> to vector<2048x128xbf16>
    %eq3A_1323 = vector.broadcast %min3A_1316 : vector<2048x1xi32> to vector<2048x128xi32>
    %eq3A_1324 = vector.broadcast %iota3A : vector<1x128xi32> to vector<2048x128xi32>
    %eq3A_1325 = arith.cmpi eq, %eq3A_1323, %eq3A_1324 : vector<2048x128xi32>
    %convert_element_type3A_1326 = arith.extui %eq3A_1325 : vector<2048x128xi1> to vector<2048x128xi32>
    %convert_element_type3A_1327 = arith.sitofp %convert_element_type3A_1326 : vector<2048x128xi32> to vector<2048x128xf32>
    %convert_element_type3A_1328 = arith.truncf %convert_element_type3A_1327 : vector<2048x128xf32> to vector<2048x128xbf16>
    %concatenate3A_1329 = tpu.concatenate %convert_element_type3A_1322, %convert_element_type3A_1328 in 1 : vector<2048x128xbf16>, vector<2048x128xbf16> -> vector<2048x256xbf16>
    %get3A_1330 = arith.constant 0 : index
    %get3A_1331 = arith.constant 0 : index
    %get3A_1332 = vector.load %arg2[%get3A_1330, %get3A_1331] : memref<256x64xbf16, #tpu.memory_space<vmem>>, vector<256x64xbf16>
    %dot_general3A_1333 = arith.constant dense<0.000000e+00> : vector<2048x64xf32>
    %dot_general3A_1334 = tpu.matmul %concatenate3A_1329, %get3A_1332, %dot_general3A_1333 {dimension_numbers = #tpu.dot_dimension_numbers<[1], [0], [0], [1], [0, 0, 1, 1], [], []>, transpose_lhs_hint = false} : vector<2048x256xbf16>, vector<256x64xbf16>, vector<2048x64xf32> -> vector<2048x64xf32>
    %sub3A_1335 = arith.constant 1.058400e+06 : f32
    %sub3A_1336 = arith.subf %convert_element_type3A_1272, %sub3A_1335 : f32
    %div3A_1337 = arith.constant 2.540160e+07 : f32
    %div3A_1338 = arith.divf %sub3A_1336, %div3A_1337 : f32
    %mul3A_1339 = arith.constant 1.280000e+02 : f32
    %mul3A_1340 = arith.mulf %mul3A_1339, %div3A_1338 : f32
    %floor3A_1341 = math.floor %mul3A_1340 : f32
    %convert_element_type3A_1342 = arith.fptosi %floor3A_1341 : f32 to i32
    %min3A_1343 = arith.constant 127 : i32
    %min3A_1344 = arith.minsi %convert_element_type3A_1342, %min3A_1343 : i32
    %eq3A_1345 = vector.broadcast %min3A_1344 : i32 to vector<1x128xi32>
    %eq3A_1346 = arith.cmpi eq, %eq3A_1345, %iota3A : vector<1x128xi32>
    %convert_element_type3A_1347 = arith.extui %eq3A_1346 : vector<1x128xi1> to vector<1x128xi32>
    %convert_element_type3A_1348 = arith.sitofp %convert_element_type3A_1347 : vector<1x128xi32> to vector<1x128xf32>
    %convert_element_type3A_1349 = arith.truncf %convert_element_type3A_1348 : vector<1x128xf32> to vector<1x128xbf16>
    %get3A_1350 = arith.constant 0 : index
    %get3A_1351 = arith.constant 0 : index
    %get3A_1352 = vector.load %arg3[%get3A_1350, %get3A_1351] : memref<128x64xbf16, #tpu.memory_space<vmem>>, vector<128x64xbf16>
    %dot_general3A_1353 = arith.constant dense<0.000000e+00> : vector<1x64xf32>
    %dot_general3A_1354 = tpu.matmul %convert_element_type3A_1349, %get3A_1352, %dot_general3A_1353 {dimension_numbers = #tpu.dot_dimension_numbers<[1], [0], [0], [1], [0, 0, 1, 1], [], []>, transpose_lhs_hint = false} : vector<1x128xbf16>, vector<128x64xbf16>, vector<1x64xf32> -> vector<1x64xf32>
    %add3A_1355 = vector.broadcast %dot_general3A_1354 : vector<1x64xf32> to vector<2048x64xf32>
    %add3A_1356 = arith.addf %dot_general3A_1334, %add3A_1355 : vector<2048x64xf32>
    %swap3A_1357 = arith.constant 13 : index
    %swap3A_1358 = arith.constant 0 : index
    %swap3A_1359 = arith.constant 0 : index
    %swap3A_1360 = vector.load %arg4[%swap3A_1357, %swap3A_1358, %swap3A_1359] : memref<16x2048x64xf32, #tpu.memory_space<vmem>>, vector<1x2048x64xf32>
    %swap3A_1361 = vector.shape_cast %swap3A_1360 : vector<1x2048x64xf32> to vector<2048x64xf32>
    %swap3A_1362 = vector.shape_cast %add3A_1356 : vector<2048x64xf32> to vector<1x2048x64xf32>
    tpu.vector_store %arg4[%swap3A_1357, %swap3A_1358, %swap3A_1359], %swap3A_1362 {strides = array<i32>} : memref<16x2048x64xf32, #tpu.memory_space<vmem>>, vector<1x2048x64xf32>,
    %mul3A_1363 = arith.constant 16 : i32
    %mul3A_1364 = arith.muli %arg0, %mul3A_1363 : i32
    %add3A_1365 = arith.constant 14 : i32
    %add3A_1366 = arith.addi %mul3A_1364, %add3A_1365 : i32
    %get3A_1367 = arith.index_cast %add3A_1366 : i32 to index
    %get3A_1368 = arith.constant 0 : index
    %get3A_1369 = memref.load %arg1[%get3A_1367, %get3A_1368] : memref<256x16xi32, #tpu.memory_space<smem>>
    %convert_element_type3A_1370 = arith.sitofp %get3A_1369 : i32 to f32
    %get3A_1371 = arith.index_cast %add3A_1366 : i32 to index
    %get3A_1372 = arith.constant 1 : index
    %get3A_1373 = memref.load %arg1[%get3A_1371, %get3A_1372] : memref<256x16xi32, #tpu.memory_space<smem>>
    %get3A_1374 = arith.index_cast %add3A_1366 : i32 to index
    %get3A_1375 = arith.constant 2 : index
    %get3A_1376 = memref.load %arg1[%get3A_1374, %get3A_1375] : memref<256x16xi32, #tpu.memory_space<smem>>
    %convert_element_type3A_1377 = arith.sitofp %get3A_1373 : i32 to f32
    %add3A_1378 = arith.addi %get3A_1373, %get3A_1376 : i32
    %convert_element_type3A_1379 = arith.sitofp %add3A_1378 : i32 to f32
    %sub3A_1380 = arith.subf %convert_element_type3A_1379, %convert_element_type3A_1377 : f32
    %mul3A_1381 = vector.broadcast %sub3A_1380 : f32 to vector<2048x1xf32>
    %mul3A_1382 = arith.mulf %mul3A_1381, %div3A_2 : vector<2048x1xf32>
    %add3A_1383 = vector.broadcast %convert_element_type3A_1377 : f32 to vector<2048x1xf32>
    %add3A_1384 = arith.addf %add3A_1383, %mul3A_1382 : vector<2048x1xf32>
    %div3A_1385 = arith.constant 2.646000e+07 : f32
    %div3A_1386 = vector.broadcast %div3A_1385 : f32 to vector<2048x1xf32>
    %div3A_1387 = arith.divf %add3A_1384, %div3A_1386 : vector<2048x1xf32>
    %mul3A_1388 = arith.constant 1.280000e+02 : f32
    %mul3A_1389 = vector.broadcast %mul3A_1388 : f32 to vector<2048x1xf32>
    %mul3A_1390 = arith.mulf %mul3A_1389, %div3A_1387 : vector<2048x1xf32>
    %div3A_1391 = arith.divf %convert_element_type3A_1377, %convert_element_type3A_1370 : f32
    %div3A_1392 = arith.divf %convert_element_type3A_1379, %convert_element_type3A_1370 : f32
    %jit3A_1393 = arith.constant 0.000000e+00 : f32
    %jit3A_1394 = arith.constant 1.000000e+00 : f32
    %max3A_1395 = arith.maximumf %jit3A_1393, %div3A_1392 : f32
    %min3A_1396 = arith.minimumf %jit3A_1394, %max3A_1395 : f32
    %sub3A_1397 = arith.subf %min3A_1396, %div3A_1391 : f32
    %mul3A_1398 = vector.broadcast %sub3A_1397 : f32 to vector<2048x1xf32>
    %mul3A_1399 = arith.mulf %mul3A_1398, %div3A_2 : vector<2048x1xf32>
    %add3A_1400 = vector.broadcast %div3A_1391 : f32 to vector<2048x1xf32>
    %add3A_1401 = arith.addf %add3A_1400, %mul3A_1399 : vector<2048x1xf32>
    %mul3A_1402 = arith.constant 1.280000e+02 : f32
    %mul3A_1403 = vector.broadcast %mul3A_1402 : f32 to vector<2048x1xf32>
    %mul3A_1404 = arith.mulf %mul3A_1403, %add3A_1401 : vector<2048x1xf32>
    %floor3A_1405 = math.floor %mul3A_1390 : vector<2048x1xf32>
    %convert_element_type3A_1406 = arith.fptosi %floor3A_1405 : vector<2048x1xf32> to vector<2048x1xi32>
    %min3A_1407 = arith.constant 127 : i32
    %min3A_1408 = vector.broadcast %min3A_1407 : i32 to vector<2048x1xi32>
    %min3A_1409 = arith.minsi %convert_element_type3A_1406, %min3A_1408 : vector<2048x1xi32>
    %floor3A_1410 = math.floor %mul3A_1404 : vector<2048x1xf32>
    %convert_element_type3A_1411 = arith.fptosi %floor3A_1410 : vector<2048x1xf32> to vector<2048x1xi32>
    %min3A_1412 = arith.constant 127 : i32
    %min3A_1413 = vector.broadcast %min3A_1412 : i32 to vector<2048x1xi32>
    %min3A_1414 = arith.minsi %convert_element_type3A_1411, %min3A_1413 : vector<2048x1xi32>
    %eq3A_1415 = vector.broadcast %min3A_1409 : vector<2048x1xi32> to vector<2048x128xi32>
    %eq3A_1416 = vector.broadcast %iota3A : vector<1x128xi32> to vector<2048x128xi32>
    %eq3A_1417 = arith.cmpi eq, %eq3A_1415, %eq3A_1416 : vector<2048x128xi32>
    %convert_element_type3A_1418 = arith.extui %eq3A_1417 : vector<2048x128xi1> to vector<2048x128xi32>
    %convert_element_type3A_1419 = arith.sitofp %convert_element_type3A_1418 : vector<2048x128xi32> to vector<2048x128xf32>
    %convert_element_type3A_1420 = arith.truncf %convert_element_type3A_1419 : vector<2048x128xf32> to vector<2048x128xbf16>
    %eq3A_1421 = vector.broadcast %min3A_1414 : vector<2048x1xi32> to vector<2048x128xi32>
    %eq3A_1422 = vector.broadcast %iota3A : vector<1x128xi32> to vector<2048x128xi32>
    %eq3A_1423 = arith.cmpi eq, %eq3A_1421, %eq3A_1422 : vector<2048x128xi32>
    %convert_element_type3A_1424 = arith.extui %eq3A_1423 : vector<2048x128xi1> to vector<2048x128xi32>
    %convert_element_type3A_1425 = arith.sitofp %convert_element_type3A_1424 : vector<2048x128xi32> to vector<2048x128xf32>
    %convert_element_type3A_1426 = arith.truncf %convert_element_type3A_1425 : vector<2048x128xf32> to vector<2048x128xbf16>
    %concatenate3A_1427 = tpu.concatenate %convert_element_type3A_1420, %convert_element_type3A_1426 in 1 : vector<2048x128xbf16>, vector<2048x128xbf16> -> vector<2048x256xbf16>
    %get3A_1428 = arith.constant 0 : index
    %get3A_1429 = arith.constant 0 : index
    %get3A_1430 = vector.load %arg2[%get3A_1428, %get3A_1429] : memref<256x64xbf16, #tpu.memory_space<vmem>>, vector<256x64xbf16>
    %dot_general3A_1431 = arith.constant dense<0.000000e+00> : vector<2048x64xf32>
    %dot_general3A_1432 = tpu.matmul %concatenate3A_1427, %get3A_1430, %dot_general3A_1431 {dimension_numbers = #tpu.dot_dimension_numbers<[1], [0], [0], [1], [0, 0, 1, 1], [], []>, transpose_lhs_hint = false} : vector<2048x256xbf16>, vector<256x64xbf16>, vector<2048x64xf32> -> vector<2048x64xf32>
    %sub3A_1433 = arith.constant 1.058400e+06 : f32
    %sub3A_1434 = arith.subf %convert_element_type3A_1370, %sub3A_1433 : f32
    %div3A_1435 = arith.constant 2.540160e+07 : f32
    %div3A_1436 = arith.divf %sub3A_1434, %div3A_1435 : f32
    %mul3A_1437 = arith.constant 1.280000e+02 : f32
    %mul3A_1438 = arith.mulf %mul3A_1437, %div3A_1436 : f32
    %floor3A_1439 = math.floor %mul3A_1438 : f32
    %convert_element_type3A_1440 = arith.fptosi %floor3A_1439 : f32 to i32
    %min3A_1441 = arith.constant 127 : i32
    %min3A_1442 = arith.minsi %convert_element_type3A_1440, %min3A_1441 : i32
    %eq3A_1443 = vector.broadcast %min3A_1442 : i32 to vector<1x128xi32>
    %eq3A_1444 = arith.cmpi eq, %eq3A_1443, %iota3A : vector<1x128xi32>
    %convert_element_type3A_1445 = arith.extui %eq3A_1444 : vector<1x128xi1> to vector<1x128xi32>
    %convert_element_type3A_1446 = arith.sitofp %convert_element_type3A_1445 : vector<1x128xi32> to vector<1x128xf32>
    %convert_element_type3A_1447 = arith.truncf %convert_element_type3A_1446 : vector<1x128xf32> to vector<1x128xbf16>
    %get3A_1448 = arith.constant 0 : index
    %get3A_1449 = arith.constant 0 : index
    %get3A_1450 = vector.load %arg3[%get3A_1448, %get3A_1449] : memref<128x64xbf16, #tpu.memory_space<vmem>>, vector<128x64xbf16>
    %dot_general3A_1451 = arith.constant dense<0.000000e+00> : vector<1x64xf32>
    %dot_general3A_1452 = tpu.matmul %convert_element_type3A_1447, %get3A_1450, %dot_general3A_1451 {dimension_numbers = #tpu.dot_dimension_numbers<[1], [0], [0], [1], [0, 0, 1, 1], [], []>, transpose_lhs_hint = false} : vector<1x128xbf16>, vector<128x64xbf16>, vector<1x64xf32> -> vector<1x64xf32>
    %add3A_1453 = vector.broadcast %dot_general3A_1452 : vector<1x64xf32> to vector<2048x64xf32>
    %add3A_1454 = arith.addf %dot_general3A_1432, %add3A_1453 : vector<2048x64xf32>
    %swap3A_1455 = arith.constant 14 : index
    %swap3A_1456 = arith.constant 0 : index
    %swap3A_1457 = arith.constant 0 : index
    %swap3A_1458 = vector.load %arg4[%swap3A_1455, %swap3A_1456, %swap3A_1457] : memref<16x2048x64xf32, #tpu.memory_space<vmem>>, vector<1x2048x64xf32>
    %swap3A_1459 = vector.shape_cast %swap3A_1458 : vector<1x2048x64xf32> to vector<2048x64xf32>
    %swap3A_1460 = vector.shape_cast %add3A_1454 : vector<2048x64xf32> to vector<1x2048x64xf32>
    tpu.vector_store %arg4[%swap3A_1455, %swap3A_1456, %swap3A_1457], %swap3A_1460 {strides = array<i32>} : memref<16x2048x64xf32, #tpu.memory_space<vmem>>, vector<1x2048x64xf32>,
    %mul3A_1461 = arith.constant 16 : i32
    %mul3A_1462 = arith.muli %arg0, %mul3A_1461 : i32
    %add3A_1463 = arith.constant 15 : i32
    %add3A_1464 = arith.addi %mul3A_1462, %add3A_1463 : i32
    %get3A_1465 = arith.index_cast %add3A_1464 : i32 to index
    %get3A_1466 = arith.constant 0 : index
    %get3A_1467 = memref.load %arg1[%get3A_1465, %get3A_1466] : memref<256x16xi32, #tpu.memory_space<smem>>
    %convert_element_type3A_1468 = arith.sitofp %get3A_1467 : i32 to f32
    %get3A_1469 = arith.index_cast %add3A_1464 : i32 to index
    %get3A_1470 = arith.constant 1 : index
    %get3A_1471 = memref.load %arg1[%get3A_1469, %get3A_1470] : memref<256x16xi32, #tpu.memory_space<smem>>
    %get3A_1472 = arith.index_cast %add3A_1464 : i32 to index
    %get3A_1473 = arith.constant 2 : index
    %get3A_1474 = memref.load %arg1[%get3A_1472, %get3A_1473] : memref<256x16xi32, #tpu.memory_space<smem>>
    %convert_element_type3A_1475 = arith.sitofp %get3A_1471 : i32 to f32
    %add3A_1476 = arith.addi %get3A_1471, %get3A_1474 : i32
    %convert_element_type3A_1477 = arith.sitofp %add3A_1476 : i32 to f32
    %sub3A_1478 = arith.subf %convert_element_type3A_1477, %convert_element_type3A_1475 : f32
    %mul3A_1479 = vector.broadcast %sub3A_1478 : f32 to vector<2048x1xf32>
    %mul3A_1480 = arith.mulf %mul3A_1479, %div3A_2 : vector<2048x1xf32>
    %add3A_1481 = vector.broadcast %convert_element_type3A_1475 : f32 to vector<2048x1xf32>
    %add3A_1482 = arith.addf %add3A_1481, %mul3A_1480 : vector<2048x1xf32>
    %div3A_1483 = arith.constant 2.646000e+07 : f32
    %div3A_1484 = vector.broadcast %div3A_1483 : f32 to vector<2048x1xf32>
    %div3A_1485 = arith.divf %add3A_1482, %div3A_1484 : vector<2048x1xf32>
    %mul3A_1486 = arith.constant 1.280000e+02 : f32
    %mul3A_1487 = vector.broadcast %mul3A_1486 : f32 to vector<2048x1xf32>
    %mul3A_1488 = arith.mulf %mul3A_1487, %div3A_1485 : vector<2048x1xf32>
    %div3A_1489 = arith.divf %convert_element_type3A_1475, %convert_element_type3A_1468 : f32
    %div3A_1490 = arith.divf %convert_element_type3A_1477, %convert_element_type3A_1468 : f32
    %jit3A_1491 = arith.constant 0.000000e+00 : f32
    %jit3A_1492 = arith.constant 1.000000e+00 : f32
    %max3A_1493 = arith.maximumf %jit3A_1491, %div3A_1490 : f32
    %min3A_1494 = arith.minimumf %jit3A_1492, %max3A_1493 : f32
    %sub3A_1495 = arith.subf %min3A_1494, %div3A_1489 : f32
    %mul3A_1496 = vector.broadcast %sub3A_1495 : f32 to vector<2048x1xf32>
    %mul3A_1497 = arith.mulf %mul3A_1496, %div3A_2 : vector<2048x1xf32>
    %add3A_1498 = vector.broadcast %div3A_1489 : f32 to vector<2048x1xf32>
    %add3A_1499 = arith.addf %add3A_1498, %mul3A_1497 : vector<2048x1xf32>
    %mul3A_1500 = arith.constant 1.280000e+02 : f32
    %mul3A_1501 = vector.broadcast %mul3A_1500 : f32 to vector<2048x1xf32>
    %mul3A_1502 = arith.mulf %mul3A_1501, %add3A_1499 : vector<2048x1xf32>
    %floor3A_1503 = math.floor %mul3A_1488 : vector<2048x1xf32>
    %convert_element_type3A_1504 = arith.fptosi %floor3A_1503 : vector<2048x1xf32> to vector<2048x1xi32>
    %min3A_1505 = arith.constant 127 : i32
    %min3A_1506 = vector.broadcast %min3A_1505 : i32 to vector<2048x1xi32>
    %min3A_1507 = arith.minsi %convert_element_type3A_1504, %min3A_1506 : vector<2048x1xi32>
    %floor3A_1508 = math.floor %mul3A_1502 : vector<2048x1xf32>
    %convert_element_type3A_1509 = arith.fptosi %floor3A_1508 : vector<2048x1xf32> to vector<2048x1xi32>
    %min3A_1510 = arith.constant 127 : i32
    %min3A_1511 = vector.broadcast %min3A_1510 : i32 to vector<2048x1xi32>
    %min3A_1512 = arith.minsi %convert_element_type3A_1509, %min3A_1511 : vector<2048x1xi32>
    %eq3A_1513 = vector.broadcast %min3A_1507 : vector<2048x1xi32> to vector<2048x128xi32>
    %eq3A_1514 = vector.broadcast %iota3A : vector<1x128xi32> to vector<2048x128xi32>
    %eq3A_1515 = arith.cmpi eq, %eq3A_1513, %eq3A_1514 : vector<2048x128xi32>
    %convert_element_type3A_1516 = arith.extui %eq3A_1515 : vector<2048x128xi1> to vector<2048x128xi32>
    %convert_element_type3A_1517 = arith.sitofp %convert_element_type3A_1516 : vector<2048x128xi32> to vector<2048x128xf32>
    %convert_element_type3A_1518 = arith.truncf %convert_element_type3A_1517 : vector<2048x128xf32> to vector<2048x128xbf16>
    %eq3A_1519 = vector.broadcast %min3A_1512 : vector<2048x1xi32> to vector<2048x128xi32>
    %eq3A_1520 = vector.broadcast %iota3A : vector<1x128xi32> to vector<2048x128xi32>
    %eq3A_1521 = arith.cmpi eq, %eq3A_1519, %eq3A_1520 : vector<2048x128xi32>
    %convert_element_type3A_1522 = arith.extui %eq3A_1521 : vector<2048x128xi1> to vector<2048x128xi32>
    %convert_element_type3A_1523 = arith.sitofp %convert_element_type3A_1522 : vector<2048x128xi32> to vector<2048x128xf32>
    %convert_element_type3A_1524 = arith.truncf %convert_element_type3A_1523 : vector<2048x128xf32> to vector<2048x128xbf16>
    %concatenate3A_1525 = tpu.concatenate %convert_element_type3A_1518, %convert_element_type3A_1524 in 1 : vector<2048x128xbf16>, vector<2048x128xbf16> -> vector<2048x256xbf16>
    %get3A_1526 = arith.constant 0 : index
    %get3A_1527 = arith.constant 0 : index
    %get3A_1528 = vector.load %arg2[%get3A_1526, %get3A_1527] : memref<256x64xbf16, #tpu.memory_space<vmem>>, vector<256x64xbf16>
    %dot_general3A_1529 = arith.constant dense<0.000000e+00> : vector<2048x64xf32>
    %dot_general3A_1530 = tpu.matmul %concatenate3A_1525, %get3A_1528, %dot_general3A_1529 {dimension_numbers = #tpu.dot_dimension_numbers<[1], [0], [0], [1], [0, 0, 1, 1], [], []>, transpose_lhs_hint = false} : vector<2048x256xbf16>, vector<256x64xbf16>, vector<2048x64xf32> -> vector<2048x64xf32>
    %sub3A_1531 = arith.constant 1.058400e+06 : f32
    %sub3A_1532 = arith.subf %convert_element_type3A_1468, %sub3A_1531 : f32
    %div3A_1533 = arith.constant 2.540160e+07 : f32
    %div3A_1534 = arith.divf %sub3A_1532, %div3A_1533 : f32
    %mul3A_1535 = arith.constant 1.280000e+02 : f32
    %mul3A_1536 = arith.mulf %mul3A_1535, %div3A_1534 : f32
    %floor3A_1537 = math.floor %mul3A_1536 : f32
    %convert_element_type3A_1538 = arith.fptosi %floor3A_1537 : f32 to i32
    %min3A_1539 = arith.constant 127 : i32
    %min3A_1540 = arith.minsi %convert_element_type3A_1538, %min3A_1539 : i32
    %eq3A_1541 = vector.broadcast %min3A_1540 : i32 to vector<1x128xi32>
    %eq3A_1542 = arith.cmpi eq, %eq3A_1541, %iota3A : vector<1x128xi32>
    %convert_element_type3A_1543 = arith.extui %eq3A_1542 : vector<1x128xi1> to vector<1x128xi32>
    %convert_element_type3A_1544 = arith.sitofp %convert_element_type3A_1543 : vector<1x128xi32> to vector<1x128xf32>
    %convert_element_type3A_1545 = arith.truncf %convert_element_type3A_1544 : vector<1x128xf32> to vector<1x128xbf16>
    %get3A_1546 = arith.constant 0 : index
    %get3A_1547 = arith.constant 0 : index
    %get3A_1548 = vector.load %arg3[%get3A_1546, %get3A_1547] : memref<128x64xbf16, #tpu.memory_space<vmem>>, vector<128x64xbf16>
    %dot_general3A_1549 = arith.constant dense<0.000000e+00> : vector<1x64xf32>
    %dot_general3A_1550 = tpu.matmul %convert_element_type3A_1545, %get3A_1548, %dot_general3A_1549 {dimension_numbers = #tpu.dot_dimension_numbers<[1], [0], [0], [1], [0, 0, 1, 1], [], []>, transpose_lhs_hint = false} : vector<1x128xbf16>, vector<128x64xbf16>, vector<1x64xf32> -> vector<1x64xf32>
    %add3A_1551 = vector.broadcast %dot_general3A_1550 : vector<1x64xf32> to vector<2048x64xf32>
    %add3A_1552 = arith.addf %dot_general3A_1530, %add3A_1551 : vector<2048x64xf32>
    %swap3A_1553 = arith.constant 15 : index
    %swap3A_1554 = arith.constant 0 : index
    %swap3A_1555 = arith.constant 0 : index
    %swap3A_1556 = vector.load %arg4[%swap3A_1553, %swap3A_1554, %swap3A_1555] : memref<16x2048x64xf32, #tpu.memory_space<vmem>>, vector<1x2048x64xf32>
    %swap3A_1557 = vector.shape_cast %swap3A_1556 : vector<1x2048x64xf32> to vector<2048x64xf32>
    %swap3A_1558 = vector.shape_cast %add3A_1552 : vector<2048x64xf32> to vector<1x2048x64xf32>
    tpu.vector_store %arg4[%swap3A_1553, %swap3A_1554, %swap3A_1555], %swap3A_1558 {strides = array<i32>} : memref<16x2048x64xf32, #tpu.memory_space<vmem>>, vector<1x2048x64xf32>,
    return
  }
  func.func @transform_0(%arg0: i32) -> (i32, i32) {
    %c0_i32 = arith.constant 0 : i32
    %c0_i32_0 = arith.constant 0 : i32
    %c0_i32_1 = arith.constant 0 : i32
    return %c0_i32, %c0_i32_0 : i32, i32
  }
  func.func @transform_1(%arg0: i32) -> (i32, i32) {
    %c0_i32 = arith.constant 0 : i32
    %c0_i32_0 = arith.constant 0 : i32
    %c0_i32_1 = arith.constant 0 : i32
    return %c0_i32, %c0_i32_0 : i32, i32
  }
  func.func @transform_2(%arg0: i32) -> (i32, i32) {
    %c0_i32 = arith.constant 0 : i32
    %c0_i32_0 = arith.constant 0 : i32
    %c0_i32_1 = arith.constant 0 : i32
    return %c0_i32, %c0_i32_0 : i32, i32
  }
  func.func @transform_3(%arg0: i32) -> (i32, i32, i32) {
    %c0_i32 = arith.constant 0 : i32
    %c0_i32_0 = arith.constant 0 : i32
    %c0_i32_1 = arith.constant 0 : i32
    return %arg0, %c0_i32, %c0_i32_0 : i32, i32, i32
  }
}

</mosaic_0001>

<sc_bundles>
// kernel: kernel.4.cloned.1.call-start
scs
__scs_entry_jumppad:
0x0: {  	(pc) =	sbr.rel $0x88, $3  }
0x1: {  	(tag) =	ssettag $0x0;
	lr =	simm.s32 $0x1  }
0x2: {  	[smem:$0x3F9B] =	sst lr;
	_ =	strace $0xD0000000  }
0x3: {  	_ = 	snop  }
0x4: {  	_ = 	snop  }
0x5: {  	_ = 	snop  }
0x6: {  	_ = 	snop  }
0x7: {  	_ = 	snop  }
__scs_overlays_trampoline_lowered:
0x8: {  	[smem:$0x3FAA] =	sst s0  }
0x9: {  	[smem:$0x3FAB] =	sst s1  }
0xa: {  	[smem:$0x3FAC] =	sst s2  }
0xb: {  	[smem:$0x3FAD] =	sst s3  }
0xc: {  	[smem:$0x3FAE] =	sst s4  }
0xd: {  	[smem:$0x3FAF] =	sst s5  }
0xe: {  	[smem:$0x3FB0] =	sst s6  }
0xf: {  	[smem:$0x3FB1] =	sst s7  }
0x10: {  	[smem:$0x3FB2] =	sst s8  }
0x11: {  	[smem:$0x3FB3] =	sst s9;
	s0 =	simm.s32 @!p0 $0x0  }
0x12: {  	s1 =	sld [smem:$0x3F99];
	s0 =	simm.s32 @p0 $0x1  }
0x13: {  	[smem:$0x3FB4] =	sst s0;
	s0 =	simm.s32 @!p1 $0x0  }
0x14: {  	s2 =	sld [smem:$0x3F98];
	s0 =	simm.s32 @p1 $0x1  }
0x15: {  	[smem:$0x3FB5] =	sst s0;
	s0 =	simm.s32 @!p2 $0x0  }
0x16: {  	s3 =	sld [smem:$0x3FDB];
	s0 =	simm.s32 @p2 $0x1  }
0x17: {  	s4 =	simm.s32 $0x1BF5;
	[smem:$0x3FB7] =	sst s0  }
0x18: {  	s0 =	sld [smem:$0x3F9A];
	_ =	swait.ge [sflag:s4], $0x0  }
0x19: {  	s7 =	sld [smem:$0x3F9B]  }
0x1a: {  	s8 =	sadd.s32 $0xFFFFE003, lr  }
0x1b: {  	s9 =	sadd.s32 $0xFFFFFEF7, lr;
	s5 =	simm.s32 $0xFFFFFFFF;
	p2 =	slt.u32 s8, $0xFFFFF086  }
0x1c: {  	p1 =	slt.u32 s9, $0xF7A;
	s5 =	simm.s32 @!p2 $0x0  }
0x1d: {  	s5 =	simm.s32 @p1 $0x1;
	p0 =	seq.s32 s7, s2  }
0x1e: {  	s7 =	smul.u32 @!p0 $0xF7A, s2;
	p2 =	seq.s32 @!p0 s5, $0x0  }
0x1f: {  	s9 =	smul.u32 $0xF7A, s1;
	s8 =	simm.s32 @!p0 $0x1BF5;
	p2 =	por !p2, p0  }
0x20: {  	[sflag:s8] =	ssyncset.s32 @!p0 $0xFFFFF086;
	s6 =	sadd.s32 @!p0 s3, s7;
	s7 =	simm.s32 @!p0 $0x108  }
0x21: {  	s3 =	sadd.s32 s3, s9;
	s6 =	sadd.s32 @!p0 $0x88, s6;
	s7 =	simm.s32 @p2 $0x1082  }
0x22: {  	[simem:s7], [sflag:s8] =	dma.local @!p0 [hbm:s6], $0xF7A  }
0x23: {  	s9 =	sor.u32 $0xD0000000, s2;
	s6 =	simm.s32 $0x108;
	_ =	swait.ge @!p0 [sflag:s8], $0x0  }
0x24: {  	s3 =	sadd.s32 $0x88, s3;
	s6 =	simm.s32 @!p1 $0x1082;
	[sflag:s4] =	ssyncset.s32 $0xFFFFF086  }
0x25: {  	[simem:s6], [sflag:s4] =	dma.local [hbm:s3], $0xF7A  }
0x26: {  	[smem:$0x3F9B] =	sst s1;
	(tag) =	ssettag s2;
	_ =	strace s9  }
0x27: {  	s1 =	sld [smem:$0x3FAB]  }
0x28: {  	s2 =	sld [smem:$0x3FAC]  }
0x29: {  	s4 =	sld [smem:$0x3FAE]  }
0x2a: {  	p0 =	seq.s32 s5, $0x0;
	s5 =	sld [smem:$0x3FAF]  }
0x2b: {  	s6 =	sld [smem:$0x3FB0]  }
0x2c: {  	s7 =	sld [smem:$0x3FB1]  }
0x2d: {  	s3 =	simm.s32 $0x108;
	s8 =	sld [smem:$0x3FB2]  }
0x2e: {  	s3 =	simm.s32 @!p0 $0x1082;
	s9 =	sld [smem:$0x3FB3]  }
0x2f: {  	lr =	sadd.s32 s0, s3;
	s0 =	sld [smem:$0x3FAA]  }
0x30: {  	s3 =	sld [smem:$0x3FAD]  }
0x31: {  	[smem:$0x3FB6] =	sst s10  }
0x32: {  	s10 =	sld [smem:$0x3FB4];
	_ =	sdelay $0x3  }
0x33: {  	p0 =	seq.s32 s10, $0x1;
	s10 =	sld [smem:$0x3FB6];
	_ =	sdelay $0x3  }
0x34: {  	[smem:$0x3FB6] =	sst s10  }
0x35: {  	s10 =	sld [smem:$0x3FB5];
	_ =	sdelay $0x3  }
0x36: {  	p1 =	seq.s32 s10, $0x1;
	s10 =	sld [smem:$0x3FB6];
	_ =	sdelay $0x3  }
0x37: {  	[smem:$0x3FB6] =	sst s10  }
0x38: {  	s10 =	sld [smem:$0x3FB7]  }
0x39: {  	_ = 	snop;
	(pc) =	sbr.ind lr, $3  }
0x3a: {  	_ = 	snop  }
0x3b: {  	_ = 	snop  }
0x3c: {  	p2 =	seq.s32 s10, $0x1;
	s10 =	sld [smem:$0x3FB6]  }
0x3d: {  	_ =	shalt  }
0x3e: {  	_ =	shalt  }
0x3f: {  	_ =	shalt  }
0x40: {  	_ =	shalt  }
0x41: {  	_ =	shalt  }
0x42: {  	_ =	shalt  }
0x43: {  	_ =	shalt  }
0x44: {  	_ =	shalt  }
0x45: {  	_ =	shalt  }
0x46: {  	_ =	shalt  }
0x47: {  	_ =	shalt  }
0x48: {  	_ =	shalt  }
0x49: {  	_ =	shalt  }
0x4a: {  	_ =	shalt  }
0x4b: {  	_ =	shalt  }
0x4c: {  	_ =	shalt  }
0x4d: {  	_ =	shalt  }
0x4e: {  	_ =	shalt  }
0x4f: {  	_ =	shalt  }
0x50: {  	_ =	shalt  }
0x51: {  	_ =	shalt  }
0x52: {  	_ =	shalt  }
0x53: {  	_ =	shalt  }
0x54: {  	_ =	shalt  }
0x55: {  	_ =	shalt  }
0x56: {  	_ =	shalt  }
0x57: {  	_ =	shalt  }
0x58: {  	_ =	shalt  }
0x59: {  	_ =	shalt  }
0x5a: {  	_ =	shalt  }
0x5b: {  	_ =	shalt  }
0x5c: {  	_ =	shalt  }
0x5d: {  	_ =	shalt  }
0x5e: {  	_ =	shalt  }
0x5f: {  	_ =	shalt  }
0x60: {  	_ =	shalt  }
0x61: {  	_ =	shalt  }
0x62: {  	_ =	shalt  }
0x63: {  	_ =	shalt  }
0x64: {  	_ =	shalt  }
0x65: {  	_ =	shalt  }
0x66: {  	_ =	shalt  }
0x67: {  	_ =	shalt  }
0x68: {  	_ =	shalt  }
0x69: {  	_ =	shalt  }
0x6a: {  	_ =	shalt  }
0x6b: {  	_ =	shalt  }
0x6c: {  	_ =	shalt  }
0x6d: {  	_ =	shalt  }
0x6e: {  	_ =	shalt  }
0x6f: {  	_ =	shalt  }
0x70: {  	_ =	shalt  }
0x71: {  	_ =	shalt  }
0x72: {  	_ =	shalt  }
0x73: {  	_ =	shalt  }
0x74: {  	_ =	shalt  }
0x75: {  	_ =	shalt  }
0x76: {  	_ =	shalt  }
0x77: {  	_ =	shalt  }
0x78: {  	_ =	shalt  }
0x79: {  	_ =	shalt  }
0x7a: {  	_ =	shalt  }
0x7b: {  	_ =	shalt  }
0x7c: {  	_ =	shalt  }
0x7d: {  	_ =	shalt  }
0x7e: {  	_ =	shalt  }
0x7f: {  	_ =	shalt  }
0x80: {  	_ =	shalt  }
0x81: {  	_ =	shalt  }
0x82: {  	_ =	shalt  }
0x83: {  	_ =	shalt  }
0x84: {  	_ =	shalt  }
0x85: {  	_ =	shalt  }
0x86: {  	_ =	shalt  }
0x87: {  	_ =	shalt  }
.Lfunc_end0:
.L_simem_size_0:
called_computation_lowered:
.L_overlay_start_0:
0x88: {  	s2 =	sld [smem:$0x3FD9]  }
0x89: {  	s3 =	sld [smem:$0x3FFE];
	_ =	sdelay $0x1  }
0x8a: {  	s1 =	srdreg.scid  }
0x8b: {  	s0 =	sand.u32 $0x1, s1  }
0x8c: {  	s16 =	sshll.u32 s0, $0xA;
	s2 =	sadd.s32 s3, s2  }
0x8d: {  	s2 =	sadd.s32 s2, s16  }
0x8e: {  	[smem:$0x3FC2] =	sst s2  }
0x8f: {  	_ = 	snop  }
0x90: {  	(tm) =	ssettm $0x1  }
0x91: {  	s17 =	sld [smem:$0x3FFB];
	_ =	sdelay $0x3  }
0x92: {  	_ =	strace s17  }
0x93: {  	s2 =	sld [smem:$0x3FFC];
	_ =	sdelay $0x3  }
0x94: {  	_ =	strace s2  }
0x95: {  	s2 =	sld [smem:$0x3FFD];
	_ =	sdelay $0x3  }
0x96: {  	_ =	strace s2  }
0x97: {  	_ =	strace $0x8FFFFFFF  }
0x98: {  	s18 =	sld [smem:$0x3FDB];
	_ =	sdelay $0x1  }
0x99: {  	s19 =	simm.s32 $_scs_section_size  }
0x9a: {  	s4 =	simm.s32 $_size__tile_overlayer_lowered;
	s5 =	simm.s32 $_tile_overlayer_lowered  }
0x9b: {  	s22 =	simm.s32 $0x1BFF;
	s21 =	sshll.u32 s5, $0x1;
	s2 =	sadd.s32 s19, s18  }
0x9c: {  	s6 =	simm.s32 $0x0;
	s20 =	sshll.u32 s4, $0x1;
	s4 =	sadd.s32 s21, s2  }
0x9d: {  	[timem:s6], [sflag:s22] =	dma.local [hbm:s4], s20  }
0x9e: {  	_ =	swait.ge [sflag:s22], s20  }
0x9f: {  	s3 =	ssub.s32 $0x0, s20;
	[sflag:s22] =	ssyncset.done $0x0  }
0xa0: {  	[sflag:s22] =	ssyncadd.s32 s3;
	_ =	sdelay $0x1  }
0xa1: {  	s23 =	simm.s32 $0x1B8B  }
0xa2: {  	_ =	swait.ge [sflag:s23], $0x1  }
0xa3: {  	[sflag:s23] =	ssyncset.done $0x0  }
0xa4: {  	s25 =	simm.s32 $0x1B8E;
	s24 =	sld [smem:$0x3FFE];
	[sflag:s23] =	ssyncadd.s32 $0xFFFFFFFF  }
0xa5: {  	s26 =	simm.s32 $execute0_lowered;
	[smem:$0x3FD2] =	sst s25  }
0xa6: {  	s4 =	sshll.u32 s26, $0x1;
	_ =	strace $0x80000046;
	[dreg:$0x1] =	wrdreg $0xFFFFFFFF  }
0xa7: {  	s28 =	simm.s32 $_size_execute0_lowered;
	s2 =	sadd.s32 s2, s4;
	[dreg:$0x0] =	wrdreg $0x0  }
0xa8: {  	s4 =	sshll.u32 s28, $0x1;
	[dreg:$0x2] =	wrdreg s2  }
0xa9: {  	[dreg:$0x3] =	wrdreg s4  }
0xaa: {  	[dreg:$0x4] =	wrdreg $0xC0  }
0xab: {  	_ =	task [dreg:s6], $0x5FFFF  }
0xac: {  	[dreg:$0x1] =	wrdreg $0xFFFFFFFF  }
0xad: {  	[dreg:$0x0] =	wrdreg $0x60  }
0xae: {  	[dreg:$0x2] =	wrdreg s24  }
0xaf: {  	[dreg:$0x3] =	wrdreg $0x9  }
0xb0: {  	_ =	task.clear_ibuf [dreg:s6], $0x4FFFF;
	_ =	strace $0x90000046  }
0xb1: {  	s29 =	simm.s32 $0x9;
	_ =	strace $0x80000048  }
0xb2: {  	_ =	swait.ge [sflag:s29], $0x1  }
0xb3: {  	[sflag:s29] =	ssyncadd.s32 $0xFFFFFFFF  }
0xb4: {  	_ =	strace $0x90000048  }
0xb5: {  	_ =	sfence  }
0xb6: {  	s30 =	sld [smem:$0x0];
	_ =	sdelay $0x2  }
0xb7: {  	s31 =	sshll.u32 s1, $0xD;
	s1 =	sshrl.u32 s1, $0x2  }
0xb8: {  	s3 =	sand.u32 $0x4000, s31;
	s1 =	sadd.s32 s1, s30  }
0xb9: {  	s0 =	sor.u32 s3, s0;
	s1 =	sshll.u32 s1, $0x11  }
0xba: {  	s0 =	sor.u32 s1, s0  }
0xbb: {  	s0 =	sadd.s32 $0x8F2B, s0  }
0xbc: {  	[sflag:s0] =	ssyncadd.remote.s32 $0x1  }
0xbd: {  	_ =	sfence.sel $0xFFFF  }
0xbe: {  	[dreg:$0x0] =	wrdreg $0xFFFFFFFF;
	(pc) =	sbr.abs _section_cstart, $3  }
0xbf: {  	[dreg:$0x1] =	wrdreg $0xFFFFFFFF  }
0xc0: {  	_ =	task.clear_ibuf [dreg:s6], $0x2FFFF;
	_ =	strace $0x9FFFFFFF  }
0xc1: {  	(tm) =	ssettm $0x7FFFFFFF  }
tec
execute0_lowered:
.L_overlay_start_1:
0x0: {  	(tag) =	ssettag $0x1  }
0x1: {  	s1 =	srdreg.scid  }
0x2: {  	s0 =	stileid.u32;
	s5 =	rddreg [dreg:$0x0];
	s2 =	simm.s32 $0x0  }
0x3: {  	s11 =	simm.s32 $0x68;
	s12 =	simm.s32 $0x1;
	s13 =	simm.s32 $0x60  }
0x4: {  	s14 =	simm.s32 $0x268;
	s4 =	sand.u32 $0x1, s1;
	s1 =	rddreg [dreg:$0x1]  }
0x5: {  	s15 =	simm.s32 $0x1A68;
	s30 =	sshll.u32 s0, $0x1;
	[smem:$0x7FF] =	sst s2  }
0x6: {  	s6 =	sor.u32 s4, s30;
	_ =	strace $0x80000047;
	s9 =	ssub.s32 $0x2, s4  }
0x7: {  	s3 =	smul.u32 $0xC, s6;
	s7 =	sadd.s32 s6, s5;
	s6 =	sshll.u32 s6, $0x6  }
0x8: {  	s4 =	sadd.s32 $0xC4600, s5;
	s31 =	sshrl.u32 s9, $0x1;
	s10 =	sadd.s32 s6, s5  }
0x9: {  	s9 =	ssub.s32 s9, s31;
	s8 =	sadd.s32 s3, s5;
	s3 =	sadd.s32 $0x1000, s5  }
0xa: {  	s5 =	sadd.s32 $0xE00, s7;
	s7 =	sadd.s32 $0xC6800, s10;
	s10 =	simm.s32 $0x8  }
0xb: {  	s6 =	sadd.s32 $0xC6600, s8;
	s8 =	smax.u32 s9, $0x1;
	s9 =	simm.s32 $0x2  }
.LBB2_1:
0xc: {  	[tilespmem:s2], [sflag:$0x2] =	stream.linear.gather [hbm4b:s5+s2], $0x8, $0x38;
	[tilespmem:$0x1C68] =	vst v63  }
0xd: {  	_ =	swait.ge [sflag:s9], $0x8  }
0xe: {  	[sflag:s9] =	ssyncset.done $0x0  }
0xf: {  	[sflag:s9] =	ssyncadd.s32 $0xFFFFFFF8  }
0x10: {  	[tilespmem:s10], [sflag:$0x2] =	stream.linear.gather [hbm4b:s6+s2], $0x60, $0x38;
	[tilespmem:$0x1C68] =	vst v63  }
0x11: {  	_ =	swait.ge [sflag:s9], $0x60  }
0x12: {  	[sflag:s9] =	ssyncset.done $0x0  }
0x13: {  	[sflag:s9] =	ssyncadd.s32 $0xFFFFFFA0  }
0x14: {  	[tilespmem:s11], [sflag:$0x1] =	stream.indirect.gather [hbm4b:s3+s10], $0x40, s2, s10, $0xb8;
	[tilespmem:$0x1C68] =	vst v63  }
0x15: {  	_ =	swait.ge [sflag:s12], $0x200  }
0x16: {  	[sflag:s12] =	ssyncset.done $0x0  }
0x17: {  	[sflag:s12] =	ssyncadd.s32 $0xFFFFFE00  }
0x18: {  	[tilespmem:s14], [sflag:$0x1] =	stream.indirect.gather [hbm4b:s4+s13], $0x40, s10, s13, $0xb8;
	[tilespmem:$0x1C68] =	vst v63  }
0x19: {  	_ =	swait.ge [sflag:s12], $0x1800  }
0x1a: {  	[sflag:s12] =	ssyncset.done $0x0  }
0x1b: {  	[sflag:s12] =	ssyncadd.s32 $0xFFFFE800  }
0x1c: {  	v62 =	vld [tilespmem:$0x6C8];
	_ =	sdelay $0x4  }
0x1d: {  	[tilespmem:$0x1F360] =	vst v62;
	v62 =	vld [tilespmem:$0x868];
	_ =	sdelay $0x4  }
0x1e: {  	[tilespmem:$0x1F4D0] =	vst v62;
	v62 =	vld [tilespmem:$0x9E8];
	_ =	sdelay $0x4  }
0x1f: {  	[tilespmem:$0x1F610] =	vst v62;
	v62 =	vld [tilespmem:$0xF8];
	_ =	sdelay $0x4  }
0x20: {  	[tilespmem:$0x1F4F0] =	vst v62;
	v62 =	vld [tilespmem:$0x9B8];
	_ =	sdelay $0x4  }
0x21: {  	[tilespmem:$0x1F5F0] =	vst v62;
	v62 =	vld [tilespmem:$0xB38];
	_ =	sdelay $0x4  }
0x22: {  	[tilespmem:$0x1F770] =	vst v62;
	v62 =	vld [tilespmem:$0x988];
	_ =	sdelay $0x4  }
0x23: {  	[tilespmem:$0x1F5E0] =	vst v62;
	v62 =	vld [tilespmem:$0xA88];
	_ =	sdelay $0x4  }
0x24: {  	[tilespmem:$0x1F6E0] =	vst v62;
	v62 =	vld [tilespmem:$0x958];
	_ =	sdelay $0x4  }
0x25: {  	[tilespmem:$0x1F5C0] =	vst v62;
	v62 =	vld [tilespmem:$0x998];
	_ =	sdelay $0x4  }
0x26: {  	[tilespmem:$0x1F600] =	vst v62;
	v62 =	vld [tilespmem:$0x9D8];
	_ =	sdelay $0x4  }
0x27: {  	[tilespmem:$0x1F640] =	vst v62;
	v62 =	vld [tilespmem:$0xA18];
	_ =	sdelay $0x4  }
0x28: {  	[tilespmem:$0x1F680] =	vst v62;
	v62 =	vld [tilespmem:$0xA58];
	_ =	sdelay $0x4  }
0x29: {  	[tilespmem:$0x1F6C0] =	vst v62;
	v62 =	vld [tilespmem:$0xA98];
	_ =	sdelay $0x4  }
0x2a: {  	[tilespmem:$0x1F700] =	vst v62;
	v62 =	vld [tilespmem:$0xAD8];
	_ =	sdelay $0x4  }
0x2b: {  	[tilespmem:$0x1F740] =	vst v62;
	v62 =	vld [tilespmem:$0xB18];
	_ =	sdelay $0x4  }
0x2c: {  	[tilespmem:$0x1F780] =	vst v62;
	v62 =	vld [tilespmem:$0xB58];
	_ =	sdelay $0x4  }
0x2d: {  	[tilespmem:$0x1F7C0] =	vst v62;
	v62 =	vld [tilespmem:$0x128];
	_ =	sdelay $0x4  }
0x2e: {  	[tilespmem:$0x1F7A0] =	vst v62;
	v62 =	vld [tilespmem:$0xB68];
	_ =	sdelay $0x4  }
0x2f: {  	[tilespmem:$0x1F7B0] =	vst v62;
	v62 =	vld [tilespmem:$0xBA8];
	_ =	sdelay $0x4  }
0x30: {  	[tilespmem:$0x1F7F0] =	vst v62;
	v62 =	vld [tilespmem:$0xBE8];
	_ =	sdelay $0x4  }
0x31: {  	[tilespmem:$0x1F850] =	vst v62;
	v62 =	vld [tilespmem:$0xC28];
	_ =	sdelay $0x4  }
0x32: {  	[tilespmem:$0x1F890] =	vst v62;
	v62 =	vld [tilespmem:$0xC68];
	_ =	sdelay $0x4  }
0x33: {  	[tilespmem:$0x1F8D0] =	vst v62;
	v62 =	vld [tilespmem:$0xCA8];
	_ =	sdelay $0x4  }
0x34: {  	[tilespmem:$0x1F910] =	vst v62;
	v62 =	vld [tilespmem:$0xCE8];
	_ =	sdelay $0x4  }
0x35: {  	[tilespmem:$0x1F950] =	vst v62;
	v62 =	vld [tilespmem:$0xD28];
	_ =	sdelay $0x4  }
0x36: {  	[tilespmem:$0x1F990] =	vst v62;
	v62 =	vld [tilespmem:$0xD68];
	_ =	sdelay $0x4  }
0x37: {  	[tilespmem:$0x1F9D0] =	vst v62;
	v62 =	vld [tilespmem:$0xDA8];
	_ =	sdelay $0x4  }
0x38: {  	[tilespmem:$0x1FA10] =	vst v62;
	v62 =	vld [tilespmem:$0xDE8];
	_ =	sdelay $0x4  }
0x39: {  	[tilespmem:$0x1FA50] =	vst v62;
	v62 =	vld [tilespmem:$0xE28];
	_ =	sdelay $0x4  }
0x3a: {  	[tilespmem:$0x1FA90] =	vst v62;
	v62 =	vld [tilespmem:$0x138];
	_ =	sdelay $0x4  }
0x3b: {  	[tilespmem:$0x1F7D0] =	vst v62;
	v62 =	vld [tilespmem:$0xB78];
	_ =	sdelay $0x4  }
0x3c: {  	[tilespmem:$0x1F7E0] =	vst v62;
	v62 =	vld [tilespmem:$0xBB8];
	_ =	sdelay $0x4  }
0x3d: {  	[tilespmem:$0x1F820] =	vst v62;
	v62 =	vld [tilespmem:$0xBF8];
	_ =	sdelay $0x4  }
0x3e: {  	[tilespmem:$0x1F870] =	vst v62;
	v62 =	vld [tilespmem:$0xC38];
	_ =	sdelay $0x4  }
0x3f: {  	[tilespmem:$0x1F8B0] =	vst v62;
	v62 =	vld [tilespmem:$0xC78];
	_ =	sdelay $0x4  }
0x40: {  	[tilespmem:$0x1F8F0] =	vst v62;
	v62 =	vld [tilespmem:$0xCB8];
	_ =	sdelay $0x4  }
0x41: {  	[tilespmem:$0x1F930] =	vst v62;
	v62 =	vld [tilespmem:$0xCF8];
	_ =	sdelay $0x4  }
0x42: {  	[tilespmem:$0x1F970] =	vst v62;
	v62 =	vld [tilespmem:$0xD38];
	_ =	sdelay $0x4  }
0x43: {  	[tilespmem:$0x1F9B0] =	vst v62;
	v62 =	vld [tilespmem:$0xD78];
	_ =	sdelay $0x4  }
0x44: {  	[tilespmem:$0x1F9F0] =	vst v62;
	v62 =	vld [tilespmem:$0xDB8];
	_ =	sdelay $0x4  }
0x45: {  	[tilespmem:$0x1FA30] =	vst v62;
	v62 =	vld [tilespmem:$0xDF8];
	_ =	sdelay $0x4  }
0x46: {  	[tilespmem:$0x1FA70] =	vst v62;
	v62 =	vld [tilespmem:$0xE38];
	_ =	sdelay $0x4  }
0x47: {  	[tilespmem:$0x1FAB0] =	vst v62;
	v62 =	vld [tilespmem:$0x148];
	_ =	sdelay $0x4  }
0x48: {  	[tilespmem:$0x1F800] =	vst v62;
	v62 =	vld [tilespmem:$0xB88];
	_ =	sdelay $0x4  }
0x49: {  	[tilespmem:$0x1F810] =	vst v62;
	v62 =	vld [tilespmem:$0xBC8];
	_ =	sdelay $0x4  }
0x4a: {  	[tilespmem:$0x1F860] =	vst v62;
	v62 =	vld [tilespmem:$0xC08];
	_ =	sdelay $0x4  }
0x4b: {  	[tilespmem:$0x1F8A0] =	vst v62;
	v62 =	vld [tilespmem:$0xC48];
	_ =	sdelay $0x4  }
0x4c: {  	[tilespmem:$0x1F8E0] =	vst v62;
	v62 =	vld [tilespmem:$0xC88];
	_ =	sdelay $0x4  }
0x4d: {  	[tilespmem:$0x1F920] =	vst v62;
	v62 =	vld [tilespmem:$0xCC8];
	_ =	sdelay $0x4  }
0x4e: {  	[tilespmem:$0x1F960] =	vst v62;
	v62 =	vld [tilespmem:$0xD08];
	_ =	sdelay $0x4  }
0x4f: {  	[tilespmem:$0x1F9A0] =	vst v62;
	v62 =	vld [tilespmem:$0xD48];
	_ =	sdelay $0x4  }
0x50: {  	[tilespmem:$0x1F9E0] =	vst v62;
	v62 =	vld [tilespmem:$0xD88];
	_ =	sdelay $0x4  }
0x51: {  	[tilespmem:$0x1FA20] =	vst v62;
	v62 =	vld [tilespmem:$0xDC8];
	_ =	sdelay $0x3  }
0x52: {  	v25 =	vld [tilespmem:$0x68]  }
0x53: {  	[tilespmem:$0x1FA60] =	vst v62;
	v62 =	vld [tilespmem:$0xE08]  }
0x54: {  	v24 =	vld [tilespmem:$0x268]  }
0x55: {  	v26 =	vld [tilespmem:$0x2A8]  }
0x56: {  	v32 =	vld [tilespmem:$0x2E8]  }
0x57: {  	v44 =	vld [tilespmem:$0x328]  }
0x58: {  	[tilespmem:$0x1FAA0] =	vst v62;
	v62 =	vld [tilespmem:$0xE48]  }
0x59: {  	v61 =	vld [tilespmem:$0x368]  }
0x5a: {  	v0 =	vld [tilespmem:$0x3A8]  }
0x5b: {  	v4 =	vld [tilespmem:$0x3E8]  }
0x5c: {  	v5 =	vld [tilespmem:$0x428]  }
0x5d: {  	[tilespmem:$0x1FAD0] =	vst v62;
	v62 =	vld [tilespmem:$0x158]  }
0x5e: {  	v6 =	vld [tilespmem:$0x468]  }
0x5f: {  	v7 =	vld [tilespmem:$0x4A8]  }
0x60: {  	v8 =	vld [tilespmem:$0x4E8]  }
0x61: {  	v9 =	vld [tilespmem:$0x528]  }
0x62: {  	[tilespmem:$0x1F830] =	vst v62;
	v62 =	vld [tilespmem:$0xB98]  }
0x63: {  	v12 =	vld [tilespmem:$0x78]  }
0x64: {  	v14 =	vld [tilespmem:$0x2B8]  }
0x65: {  	v18 =	vld [tilespmem:$0x2F8]  }
0x66: {  	v27 =	vld [tilespmem:$0x338]  }
0x67: {  	[tilespmem:$0x1F840] =	vst v62;
	v62 =	vld [tilespmem:$0xBD8]  }
0x68: {  	v33 =	vld [tilespmem:$0x378]  }
0x69: {  	v42 =	vld [tilespmem:$0x3B8]  }
0x6a: {  	v49 =	vld [tilespmem:$0x3F8]  }
0x6b: {  	v10 =	vld [tilespmem:$0x438]  }
0x6c: {  	[tilespmem:$0x1F880] =	vst v62;
	v62 =	vld [tilespmem:$0xC18]  }
0x6d: {  	v11 =	vld [tilespmem:$0x478]  }
0x6e: {  	v13 =	vld [tilespmem:$0x4B8]  }
0x6f: {  	v15 =	vld [tilespmem:$0x4F8]  }
0x70: {  	v16 =	vld [tilespmem:$0x538]  }
0x71: {  	[tilespmem:$0x1F8C0] =	vst v62;
	v62 =	vld [tilespmem:$0xC58]  }
0x72: {  	v20 =	vld [tilespmem:$0x388]  }
0x73: {  	v28 =	vld [tilespmem:$0x3C8]  }
0x74: {  	v36 =	vld [tilespmem:$0x408]  }
0x75: {  	v47 =	vld [tilespmem:$0x448]  }
0x76: {  	[tilespmem:$0x1F900] =	vst v62;
	v62 =	vld [tilespmem:$0xC98]  }
0x77: {  	v54 =	vld [tilespmem:$0x488]  }
0x78: {  	v17 =	vld [tilespmem:$0x4C8]  }
0x79: {  	v19 =	vld [tilespmem:$0x508]  }
0x7a: {  	v21 =	vld [tilespmem:$0x548]  }
0x7b: {  	[tilespmem:$0x1F940] =	vst v62;
	v62 =	vld [tilespmem:$0xCD8]  }
0x7c: {  	v1 =	vld [tilespmem:$0x98]  }
0x7d: {  	v2 =	vld [tilespmem:$0x2D8]  }
0x7e: {  	v3 =	vld [tilespmem:$0x318]  }
0x7f: {  	v29 =	vld [tilespmem:$0x458]  }
0x80: {  	[tilespmem:$0x1F980] =	vst v62;
	v62 =	vld [tilespmem:$0xD18]  }
0x81: {  	v37 =	vld [tilespmem:$0x498]  }
0x82: {  	v45 =	vld [tilespmem:$0x4D8]  }
0x83: {  	v53 =	vld [tilespmem:$0x518]  }
0x84: {  	v59 =	vld [tilespmem:$0xA8]  }
0x85: {  	[tilespmem:$0x1F9C0] =	vst v62;
	v62 =	vld [tilespmem:$0xD58]  }
0x86: {  	v52 =	vld [tilespmem:$0x568]  }
0x87: {  	v22 =	vld [tilespmem:$0x5A8]  }
0x88: {  	v23 =	vld [tilespmem:$0x5E8]  }
0x89: {  	v30 =	vld [tilespmem:$0x628]  }
0x8a: {  	[tilespmem:$0x1FA00] =	vst v62;
	v62 =	vld [tilespmem:$0xD98]  }
0x8b: {  	v31 =	vld [tilespmem:$0x668]  }
0x8c: {  	v34 =	vld [tilespmem:$0x6A8]  }
0x8d: {  	v35 =	vld [tilespmem:$0x6E8]  }
0x8e: {  	v38 =	vld [tilespmem:$0x728]  }
0x8f: {  	[tilespmem:$0x1FA40] =	vst v62;
	v62 =	vld [tilespmem:$0xDD8]  }
0x90: {  	v39 =	vld [tilespmem:$0x768]  }
0x91: {  	v40 =	vld [tilespmem:$0x7A8]  }
0x92: {  	v41 =	vld [tilespmem:$0x7E8]  }
0x93: {  	v43 =	vld [tilespmem:$0x828]  }
0x94: {  	[tilespmem:$0x1FA80] =	vst v62;
	v62 =	vld [tilespmem:$0xE18]  }
0x95: {  	v51 =	vld [tilespmem:$0x5F8]  }
0x96: {  	v63 =	vld [tilespmem:$0x638]  }
0x97: {  	v46 =	vld [tilespmem:$0x678]  }
0x98: {  	v48 =	vld [tilespmem:$0x6B8]  }
0x99: {  	[tilespmem:$0x1FAC0] =	vst v62;
	v62 =	vld [tilespmem:$0xE58]  }
0x9a: {  	v50 =	vld [tilespmem:$0x6F8]  }
0x9b: {  	v55 =	vld [tilespmem:$0x738]  }
0x9c: {  	v56 =	vld [tilespmem:$0x778]  }
0x9d: {  	v57 =	vld [tilespmem:$0x7B8]  }
0x9e: {  	[tilespmem:$0x1FB00] =	vst v62;
	v62 =	vld [tilespmem:$0x168]  }
0x9f: {  	v58 =	vld [tilespmem:$0x7F8]  }
0xa0: {  	v60 =	vld [tilespmem:$0x838]  }
0xa1: {  	[tilespmem:$0x1F260] =	vst v8;
	v8 =	vld [tilespmem:$0x278]  }
0xa2: {  	[tilespmem:$0x1F200] =	vst v5;
	v5 =	vld [tilespmem:$0x88]  }
0xa3: {  	[tilespmem:$0x1FAE0] =	vst v62;
	v62 =	vld [tilespmem:$0xE68]  }
0xa4: {  	[tilespmem:$0x1F1F0] =	vst v4;
	v4 =	vld [tilespmem:$0x288]  }
0xa5: {  	[tilespmem:$0x1F220] =	vst v6;
	v6 =	vld [tilespmem:$0x2C8]  }
0xa6: {  	[tilespmem:$0x1F290] =	vst v9;
	v9 =	vld [tilespmem:$0x308]  }
0xa7: {  	[tilespmem:$0x1F280] =	vst v15;
	v15 =	vld [tilespmem:$0x348]  }
0xa8: {  	[tilespmem:$0x1FAF0] =	vst v62;
	v62 =	vld [tilespmem:$0xEA8]  }
0xa9: {  	[tilespmem:$0x1F1E0] =	vst v0;
	v0 =	vld [tilespmem:$0x298]  }
0xaa: {  	[tilespmem:$0x1F240] =	vst v7;
	v7 =	vld [tilespmem:$0x358]  }
0xab: {  	[tilespmem:$0x1F210] =	vst v10;
	v10 =	vld [tilespmem:$0x398]  }
0xac: {  	[tilespmem:$0x1F2B0] =	vst v16;
	v16 =	vld [tilespmem:$0x3D8]  }
0xad: {  	[tilespmem:$0x1FB30] =	vst v62;
	v62 =	vld [tilespmem:$0xEE8]  }
0xae: {  	[tilespmem:$0x1F2C0] =	vst v21;
	v21 =	vld [tilespmem:$0x418]  }
0xaf: {  	[tilespmem:$0x1F230] =	vst v11;
	v11 =	vld [tilespmem:$0x558]  }
0xb0: {  	[tilespmem:$0x1F3F0] =	vst v40;
	v40 =	vld [tilespmem:$0xB8]  }
0xb1: {  	[tilespmem:$0x1F380] =	vst v38;
	v38 =	vld [tilespmem:$0x578]  }
0xb2: {  	[tilespmem:$0x1FB50] =	vst v62;
	v62 =	vld [tilespmem:$0xF28]  }
0xb3: {  	[tilespmem:$0x1F470] =	vst v43;
	v43 =	vld [tilespmem:$0x5B8]  }
0xb4: {  	[tilespmem:$0x1F2F0] =	vst v23;
	v23 =	vld [tilespmem:$0xC8]  }
0xb5: {  	[tilespmem:$0x1F2E0] =	vst v22;
	v22 =	vld [tilespmem:$0x588]  }
0xb6: {  	[tilespmem:$0x1F300] =	vst v30;
	v30 =	vld [tilespmem:$0x5C8]  }
0xb7: {  	[tilespmem:$0x1FB70] =	vst v62;
	v62 =	vld [tilespmem:$0xF68]  }
0xb8: {  	[tilespmem:$0x1F3B0] =	vst v39;
	v39 =	vld [tilespmem:$0x608]  }
0xb9: {  	[tilespmem:$0x1F320] =	vst v46;
	v46 =	vld [tilespmem:$0x648]  }
0xba: {  	[tilespmem:$0x1F3A0] =	vst v55;
	v55 =	vld [tilespmem:$0x688]  }
0xbb: {  	[tilespmem:$0x1F250] =	vst v13;
	v13 =	vld [tilespmem:$0x708]  }
0xbc: {  	[tilespmem:$0x1FBA0] =	vst v62;
	v62 =	vld [tilespmem:$0xFA8]  }
0xbd: {  	[tilespmem:$0x1F270] =	vst v17;
	v17 =	vld [tilespmem:$0x748]  }
0xbe: {  	[tilespmem:$0x1F2A0] =	vst v19;
	v19 =	vld [tilespmem:$0x788]  }
0xbf: {  	[tilespmem:$0x1F310] =	vst v31;
	v31 =	vld [tilespmem:$0x7C8]  }
0xc0: {  	[tilespmem:$0x1F330] =	vst v34;
	v34 =	vld [tilespmem:$0x808]  }
0xc1: {  	[tilespmem:$0x1FBC0] =	vst v62;
	v62 =	vld [tilespmem:$0xFE8]  }
0xc2: {  	[tilespmem:$0x1F350] =	vst v35;
	v35 =	vld [tilespmem:$0x848]  }
0xc3: {  	[tilespmem:$0x1F340] =	vst v48;
	v48 =	vld [tilespmem:$0x6D8]  }
0xc4: {  	[tilespmem:$0x1F3D0] =	vst v56;
	v56 =	vld [tilespmem:$0x718]  }
0xc5: {  	[tilespmem:$0x1F430] =	vst v41;
	v41 =	vld [tilespmem:$0x798]  }
0xc6: {  	[tilespmem:$0x1FBF0] =	vst v62;
	v62 =	vld [tilespmem:$0x1028]  }
0xc7: {  	[tilespmem:$0x1F370] =	vst v50;
	v50 =	vld [tilespmem:$0x7D8]  }
0xc8: {  	[tilespmem:$0x1F410] =	vst v57;
	v57 =	vld [tilespmem:$0x818]  }
0xc9: {  	[tilespmem:$0x1F450] =	vst v58;
	v58 =	vld [tilespmem:$0x858]  }
0xca: {  	[tilespmem:$0x1F490] =	vst v60;
	v60 =	vld [tilespmem:$0xE8]  }
0xcb: {  	[tilespmem:$0x1FC20] =	vst v62;
	v62 =	vld [tilespmem:$0x1068]  }
0xcc: {  	v24 =	vadd.f32 v24, v25;
	v25 =	vld [tilespmem:$0xFF8]  }
0xcd: {  	[tilespmem:$0x1F390] =	vst v13;
	v13 =	vld [tilespmem:$0xD8]  }
0xce: {  	[tilespmem:$0x1F2D0] =	vst v11;
	v11 =	vld [tilespmem:$0x598]  }
0xcf: {  	[tilespmem:$0x1F3C0] =	vst v17;
	v17 =	vld [tilespmem:$0x5D8]  }
0xd0: {  	[tilespmem:$0x1FC50] =	vst v62;
	v62 =	vld [tilespmem:$0x10A8]  }
0xd1: {  	[tilespmem:$0x1F400] =	vst v19;
	v19 =	vld [tilespmem:$0x618]  }
0xd2: {  	[tilespmem:$0x1F440] =	vst v31;
	v31 =	vld [tilespmem:$0x658]  }
0xd3: {  	[tilespmem:$0x1F480] =	vst v34;
	v34 =	vld [tilespmem:$0x698]  }
0xd4: {  	[tilespmem:$0x1F4B0] =	vst v35;
	v35 =	vld [tilespmem:$0x758]  }
0xd5: {  	[tilespmem:$0x1FC70] =	vst v62;
	v62 =	vld [tilespmem:$0x10E8]  }
0xd6: {  	[tilespmem:$0x1F420] =	vst v41;
	v41 =	vld [tilespmem:$0x8A8]  }
0xd7: {  	[tilespmem:$0x1F460] =	vst v50;
	v50 =	vld [tilespmem:$0x8E8]  }
0xd8: {  	[tilespmem:$0x1F4A0] =	vst v57;
	v57 =	vld [tilespmem:$0x928]  }
0xd9: {  	[tilespmem:$0x1F4E0] =	vst v58;
	v58 =	vld [tilespmem:$0x968]  }
0xda: {  	[tilespmem:$0x1FC90] =	vst v62;
	v62 =	vld [tilespmem:$0x1128]  }
0xdb: {  	[tilespmem:$0x1F4C0] =	vst v60;
	v60 =	vld [tilespmem:$0x9A8];
	v8 =	vadd.f32 v8, v12  }
0xdc: {  	v26 =	vadd.f32 v26, v24;
	v12 =	vld [tilespmem:$0x10B8]  }
0xdd: {  	v4 =	vadd.f32 v4, v5;
	v24 =	vadd.f32 v14, v8;
	v8 =	vld [tilespmem:$0x1078]  }
0xde: {  	v14 =	vld [tilespmem:$0x10F8]  }
0xdf: {  	v4 =	vadd.f32 v6, v4;
	[tilespmem:$0x1FCA0] =	vst v62;
	v62 =	vld [tilespmem:$0x178]  }
0xe0: {  	v6 =	vld [tilespmem:$0x1138]  }
0xe1: {  	[tilespmem:$0x1FC10] =	vst v25;
	v25 =	vadd.f32 v32, v26;
	v26 =	vadd.f32 v9, v4;
	v9 =	vld [tilespmem:$0x188]  }
0xe2: {  	v5 =	vadd.f32 v18, v24;
	v24 =	vld [tilespmem:$0xE88];
	[tilespmem:$0x1F3E0] =	vst v35  }
0xe3: {  	[tilespmem:$0x1F510] =	vst v41;
	v41 =	vld [tilespmem:$0xA28]  }
0xe4: {  	[tilespmem:$0x1FB10] =	vst v62;
	v62 =	vld [tilespmem:$0xE78]  }
0xe5: {  	[tilespmem:$0x1F530] =	vst v50;
	v50 =	vld [tilespmem:$0xA68]  }
0xe6: {  	[tilespmem:$0x1F560] =	vst v57;
	v57 =	vld [tilespmem:$0xAA8]  }
0xe7: {  	[tilespmem:$0x1F590] =	vst v58;
	v58 =	vld [tilespmem:$0xAE8]  }
0xe8: {  	[tilespmem:$0x1F5D0] =	vst v60;
	v60 =	vld [tilespmem:$0xB28]  }
0xe9: {  	[tilespmem:$0x1FB20] =	vst v62;
	v62 =	vld [tilespmem:$0xEB8]  }
0xea: {  	v35 =	vld [tilespmem:$0x898];
	[tilespmem:$0x1F650] =	vst v41  }
0xeb: {  	[tilespmem:$0x1F690] =	vst v50;
	v41 =	vld [tilespmem:$0x878]  }
0xec: {  	[tilespmem:$0x1F6D0] =	vst v57;
	v50 =	vld [tilespmem:$0x8B8]  }
0xed: {  	[tilespmem:$0x1F710] =	vst v58;
	v58 =	vld [tilespmem:$0x938]  }
0xee: {  	[tilespmem:$0x1FB40] =	vst v62;
	v62 =	vld [tilespmem:$0xEF8]  }
0xef: {  	[tilespmem:$0x1F750] =	vst v60;
	v57 =	vld [tilespmem:$0x8F8]  }
0xf0: {  	[tilespmem:$0x1F500] =	vst v41;
	v41 =	vld [tilespmem:$0x9F8]  }
0xf1: {  	[tilespmem:$0x1F520] =	vst v50;
	v50 =	vld [tilespmem:$0xA38]  }
0xf2: {  	[tilespmem:$0x1F580] =	vst v58;
	v58 =	vld [tilespmem:$0xAB8]  }
0xf3: {  	[tilespmem:$0x1FB60] =	vst v62;
	v62 =	vld [tilespmem:$0xF38]  }
0xf4: {  	v60 =	vld [tilespmem:$0x978];
	[tilespmem:$0x1F550] =	vst v57  }
0xf5: {  	[tilespmem:$0x1F630] =	vst v41;
	v41 =	vld [tilespmem:$0x8C8]  }
0xf6: {  	[tilespmem:$0x1F670] =	vst v50;
	v50 =	vld [tilespmem:$0x908]  }
0xf7: {  	[tilespmem:$0x1F6F0] =	vst v58;
	v58 =	vld [tilespmem:$0x948]  }
0xf8: {  	[tilespmem:$0x1FB90] =	vst v62;
	v62 =	vld [tilespmem:$0xF78]  }
0xf9: {  	[tilespmem:$0x1F5B0] =	vst v60;
	v57 =	vld [tilespmem:$0xA78]  }
0xfa: {  	[tilespmem:$0x1F540] =	vst v41;
	v41 =	vld [tilespmem:$0x9C8]  }
0xfb: {  	[tilespmem:$0x1F570] =	vst v50;
	v50 =	vld [tilespmem:$0xA08]  }
0xfc: {  	[tilespmem:$0x1F5A0] =	vst v58;
	v58 =	vld [tilespmem:$0xA48]  }
0xfd: {  	[tilespmem:$0x1FBB0] =	vst v62;
	v62 =	vld [tilespmem:$0xFB8]  }
0xfe: {  	v60 =	vld [tilespmem:$0xAF8];
	[tilespmem:$0x1F6B0] =	vst v57  }
0xff: {  	[tilespmem:$0x1F620] =	vst v41;
	v41 =	vld [tilespmem:$0xAC8]  }
0x100: {  	[tilespmem:$0x1F660] =	vst v50;
	v50 =	vld [tilespmem:$0xB08]  }
0x101: {  	[tilespmem:$0x1F6A0] =	vst v58;
	v58 =	vld [tilespmem:$0xB48]  }
0x102: {  	[tilespmem:$0x1FBE0] =	vst v62;
	v62 =	vld [tilespmem:$0x1038]  }
0x103: {  	[tilespmem:$0x1F730] =	vst v60;
	v60 =	vld [tilespmem:$0x108]  }
0x104: {  	v0 =	vadd.f32 v0, v1;
	v57 =	vld [tilespmem:$0x888];
	[tilespmem:$0x1F720] =	vst v41  }
0x105: {  	[tilespmem:$0x1F760] =	vst v50;
	v41 =	vld [tilespmem:$0x118]  }
0x106: {  	v0 =	vadd.f32 v2, v0;
	[tilespmem:$0x1F790] =	vst v58;
	v50 =	vld [tilespmem:$0x8D8]  }
0x107: {  	v1 =	vadd.f32 v44, v25;
	v32 =	vadd.f32 v27, v5;
	v58 =	vld [tilespmem:$0x918];
	[tilespmem:$0x1FC40] =	vst v62  }
0x108: {  	v0 =	vadd.f32 v3, v0;
	v18 =	vld [tilespmem:$0xEC8]  }
0x109: {  	v1 =	vadd.f32 v61, v1;
	v44 =	vadd.f32 v33, v32;
	v61 =	vld [tilespmem:$0x1F1E0]  }
0x10a: {  	v0 =	vadd.f32 v7, v0;
	v62 =	vld [tilespmem:$0xF08]  }
0x10b: {  	v3 =	vadd.f32 v42, v44;
	v42 =	vld [tilespmem:$0xF48]  }
0x10c: {  	v2 =	vadd.f32 v15, v26;
	v0 =	vadd.f32 v10, v0;
	v10 =	vld [tilespmem:$0x1F1F0]  }
0x10d: {  	v15 =	vld [tilespmem:$0xF88]  }
0x10e: {  	v2 =	vadd.f32 v20, v2;
	v20 =	vld [tilespmem:$0xFC8]  }
0x10f: {  	v25 =	vld [tilespmem:$0x1F200]  }
0x110: {  	v26 =	vld [tilespmem:$0x1008]  }
0x111: {  	v27 =	vld [tilespmem:$0x1F210]  }
0x112: {  	v2 =	vadd.f32 v28, v2;
	v28 =	vld [tilespmem:$0x1048]  }
0x113: {  	v32 =	vld [tilespmem:$0x1F220]  }
0x114: {  	v0 =	vadd.f32 v16, v0;
	v33 =	vld [tilespmem:$0x1088]  }
0x115: {  	v2 =	vadd.f32 v36, v2;
	v36 =	vld [tilespmem:$0x1F230]  }
0x116: {  	v0 =	vadd.f32 v21, v0;
	v16 =	vld [tilespmem:$0x10C8]  }
0x117: {  	v44 =	vld [tilespmem:$0x1F240]  }
0x118: {  	v2 =	vadd.f32 v47, v2;
	v0 =	vadd.f32 v29, v0;
	v47 =	vld [tilespmem:$0x1F250]  }
0x119: {  	v3 =	vadd.f32 v49, v3;
	v49 =	vld [tilespmem:$0x1F260]  }
0x11a: {  	v2 =	vadd.f32 v54, v2;
	v0 =	vadd.f32 v37, v0;
	v54 =	vld [tilespmem:$0x1F270]  }
0x11b: {  	v7 =	vld [tilespmem:$0x1F2A0]  }
0x11c: {  	v0 =	vadd.f32 v45, v0;
	v21 =	vld [tilespmem:$0x1F2B0]  }
0x11d: {  	v5 =	vld [tilespmem:$0xF58]  }
0x11e: {  	v0 =	vadd.f32 v53, v0;
	v53 =	vld [tilespmem:$0xF98]  }
0x11f: {  	v29 =	vld [tilespmem:$0x1F2E0]  }
0x120: {  	v37 =	vld [tilespmem:$0x1018]  }
0x121: {  	v45 =	vld [tilespmem:$0x1F320]  }
0x122: {  	v4 =	vld [tilespmem:$0x1B8]  }
0x123: {  	[tilespmem:$0x1FBD0] =	vst v15;
	v15 =	vld [tilespmem:$0x1108]  }
0x124: {  	[tilespmem:$0x1FC00] =	vst v20;
	v20 =	vld [tilespmem:$0x198]  }
0x125: {  	v1 =	vadd.f32 v61, v1;
	v61 =	vld [tilespmem:$0x1F280]  }
0x126: {  	[tilespmem:$0x1FB80] =	vst v62;
	v62 =	vld [tilespmem:$0x1F290]  }
0x127: {  	v2 =	vadd.f32 v54, v2;
	v54 =	vld [tilespmem:$0xF18]  }
0x128: {  	v3 =	vadd.f32 v27, v3;
	v27 =	vld [tilespmem:$0x1F2D0]  }
0x129: {  	[tilespmem:$0x1FC30] =	vst v26;
	v26 =	vadd.f32 v52, v59;
	v59 =	vld [tilespmem:$0xFD8]  }
0x12a: {  	v52 =	vld [tilespmem:$0x1058]  }
0x12b: {  	[tilespmem:$0x1FC80] =	vst v33;
	v33 =	vadd.f32 v11, v13;
	v11 =	vld [tilespmem:$0x1098]  }
0x12c: {  	[tilespmem:$0x1FC60] =	vst v28;
	v28 =	vadd.f32 v38, v40;
	v38 =	vld [tilespmem:$0x1F300]  }
0x12d: {  	v13 =	vld [tilespmem:$0x10D8]  }
0x12e: {  	v40 =	vld [tilespmem:$0x1118]  }
0x12f: {  	[tilespmem:$0x1FCF0] =	vst v4;
	v4 =	vld [tilespmem:$0x1F770]  }
0x130: {  	v1 =	vadd.f32 v10, v1;
	v3 =	vadd.f32 v36, v3;
	v10 =	vld [tilespmem:$0x1148]  }
0x131: {  	v36 =	vld [tilespmem:$0x1F2F0]  }
0x132: {  	v3 =	vadd.f32 v47, v3;
	v47 =	vld [tilespmem:$0xED8]  }
0x133: {  	v1 =	vadd.f32 v25, v1;
	v25 =	vld [tilespmem:$0x1F2C0]  }
0x134: {  	v0 =	vadd.f32 v27, v0;
	v27 =	vld [tilespmem:$0x1268]  }
0x135: {  	[tilespmem:$0x1FCB0] =	vst v40;
	v40 =	vld [tilespmem:$0x1368]  }
0x136: {  	v3 =	vadd.f32 v61, v3;
	v61 =	vld [tilespmem:$0x1168]  }
0x137: {  	v1 =	vadd.f32 v32, v1;
	v32 =	vadd.f32 v22, v23;
	v22 =	vld [tilespmem:$0x1F370]  }
0x138: {  	v23 =	vld [tilespmem:$0x1228]  }
0x139: {  	[tilespmem:$0x1FF30] =	vst v0;
	v0 =	vadd.f32 v43, v28;
	v43 =	vld [tilespmem:$0x1F310]  }
0x13a: {  	v28 =	vld [tilespmem:$0x1F3A0]  }
0x13b: {  	v1 =	vadd.f32 v44, v1;
	v44 =	vld [tilespmem:$0x1158]  }
0x13c: {  	v0 =	vadd.f32 v51, v0;
	v51 =	vld [tilespmem:$0x1F330]  }
0x13d: {  	v1 =	vadd.f32 v49, v1;
	v49 =	vld [tilespmem:$0xE98]  }
0x13e: {  	[tilespmem:$0x1FDE0] =	vst v40;
	v40 =	vld [tilespmem:$0x1178]  }
0x13f: {  	[tilespmem:$0x1FD60] =	vst v27;
	v27 =	vld [tilespmem:$0x1F500]  }
0x140: {  	v0 =	vadd.f32 v63, v0;
	v63 =	vld [tilespmem:$0x11A8]  }
0x141: {  	[tilespmem:$0x1FCD0] =	vst v61;
	v61 =	vld [tilespmem:$0x1428]  }
0x142: {  	[tilespmem:$0x1FD40] =	vst v23;
	v23 =	vld [tilespmem:$0x11B8]  }
0x143: {  	v1 =	vadd.f32 v62, v1;
	v62 =	vld [tilespmem:$0x1F340]  }
0x144: {  	[tilespmem:$0x1FCE0] =	vst v44;
	v44 =	vld [tilespmem:$0x1F420]  }
0x145: {  	v0 =	vadd.f32 v45, v0;
	v45 =	vld [tilespmem:$0x13A8];
	[tilespmem:$0x1FEE0] =	vst v1;
	v1 =	vadd.f32 v7, v2  }
0x146: {  	v2 =	vadd.f32 v21, v3;
	v3 =	vadd.f32 v17, v33;
	v17 =	vld [tilespmem:$0x1F350]  }
0x147: {  	v21 =	vld [tilespmem:$0x11E8]  }
0x148: {  	v33 =	vld [tilespmem:$0x1F3D0]  }
0x149: {  	v7 =	vld [tilespmem:$0x1F490]  }
0x14a: {  	v3 =	vadd.f32 v19, v3;
	v19 =	vld [tilespmem:$0x1F360]  }
0x14b: {  	v1 =	vadd.f32 v25, v1;
	v25 =	vld [tilespmem:$0x1F380]  }
0x14c: {  	[tilespmem:$0x1FF00] =	vst v2;
	v2 =	vadd.f32 v30, v32;
	v30 =	vld [tilespmem:$0x1F3B0]  }
0x14d: {  	v32 =	vld [tilespmem:$0x12E8]  }
0x14e: {  	[tilespmem:$0x1FD00] =	vst v63;
	v63 =	vld [tilespmem:$0x1F480]  }
0x14f: {  	[tilespmem:$0x1FE70] =	vst v61;
	v61 =	vld [tilespmem:$0x1F5E0]  }
0x150: {  	[tilespmem:$0x1FD10] =	vst v23;
	v23 =	vld [tilespmem:$0x1F640]  }
0x151: {  	v0 =	vadd.f32 v62, v0;
	v62 =	vld [tilespmem:$0x1F470]  }
0x152: {  	[tilespmem:$0x1FF10] =	vst v1;
	v1 =	vadd.f32 v29, v26;
	v26 =	vld [tilespmem:$0x1F390]  }
0x153: {  	v29 =	vld [tilespmem:$0x12A8]  }
0x154: {  	v3 =	vadd.f32 v31, v3;
	v31 =	vld [tilespmem:$0x1F3C0]  }
0x155: {  	v2 =	vadd.f32 v39, v2;
	v39 =	vld [tilespmem:$0x1F400]  }
0x156: {  	[tilespmem:$0x1FE10] =	vst v45;
	v45 =	vld [tilespmem:$0x1338]  }
0x157: {  	[tilespmem:$0x1FD20] =	vst v21;
	v21 =	vld [tilespmem:$0x1F4C0]  }
0x158: {  	v0 =	vadd.f32 v22, v0;
	v22 =	vld [tilespmem:$0x1F4D0]  }
0x159: {  	v2 =	vadd.f32 v46, v2;
	v46 =	vld [tilespmem:$0x1A8]  }
0x15a: {  	v3 =	vadd.f32 v34, v3;
	v34 =	vld [tilespmem:$0x1F3E0]  }
0x15b: {  	v1 =	vadd.f32 v36, v1;
	v36 =	vld [tilespmem:$0x1328]  }
0x15c: {  	v0 =	vadd.f32 v28, v0;
	v28 =	vld [tilespmem:$0x11F8]  }
0x15d: {  	[tilespmem:$0x1FDA0] =	vst v32;
	v32 =	vld [tilespmem:$0x1F520]  }
0x15e: {  	v1 =	vadd.f32 v38, v1;
	v38 =	vld [tilespmem:$0x1F3F0]  }
0x15f: {  	v3 =	vadd.f32 v48, v3;
	v48 =	vld [tilespmem:$0x1F440]  }
0x160: {  	v2 =	vadd.f32 v55, v2;
	v55 =	vld [tilespmem:$0x1F450]  }
0x161: {  	[tilespmem:$0x1FD80] =	vst v29;
	v29 =	vld [tilespmem:$0x1F510]  }
0x162: {  	v0 =	vadd.f32 v33, v0;
	v33 =	vadd.f32 v35, v41;
	v35 =	vld [tilespmem:$0x1F530]  }
0x163: {  	v41 =	vld [tilespmem:$0x12F8]  }
0x164: {  	[tilespmem:$0x1FDD0] =	vst v45;
	v45 =	vld [tilespmem:$0x1388]  }
0x165: {  	v1 =	vadd.f32 v43, v1;
	v43 =	vld [tilespmem:$0x1F410]  }
0x166: {  	v3 =	vadd.f32 v56, v3;
	v56 =	vld [tilespmem:$0x1F460]  }
0x167: {  	v2 =	vadd.f32 v19, v2;
	v19 =	vld [tilespmem:$0x1F4B0]  }
0x168: {  	[tilespmem:$0x1FCC0] =	vst v46;
	v46 =	vld [tilespmem:$0x1F430]  }
0x169: {  	[tilespmem:$0x1FDC0] =	vst v36;
	v36 =	vld [tilespmem:$0x1F540]  }
0x16a: {  	v1 =	vadd.f32 v51, v1;
	v51 =	vld [tilespmem:$0x13E8]  }
0x16b: {  	v2 =	vadd.f32 v26, v2;
	v26 =	vld [tilespmem:$0x1F4F0]  }
0x16c: {  	v3 =	vadd.f32 v34, v3;
	v34 =	vld [tilespmem:$0x1278]  }
0x16d: {  	[tilespmem:$0x1FD30] =	vst v28;
	v28 =	vld [tilespmem:$0x1F670]  }
0x16e: {  	v1 =	vadd.f32 v17, v1;
	v17 =	vld [tilespmem:$0x1F4A0]  }
0x16f: {  	v2 =	vadd.f32 v31, v2;
	v31 =	vld [tilespmem:$0x1238]  }
0x170: {  	v3 =	vadd.f32 v44, v3;
	v44 =	vld [tilespmem:$0x1F570]  }
0x171: {  	[tilespmem:$0x1FDB0] =	vst v41;
	v41 =	vld [tilespmem:$0x1348]  }
0x172: {  	[tilespmem:$0x1FE20] =	vst v45;
	v45 =	vld [tilespmem:$0x1F8C0]  }
0x173: {  	v0 =	vadd.f32 v43, v0;
	v43 =	vld [tilespmem:$0x1F560]  }
0x174: {  	v1 =	vadd.f32 v25, v1;
	v25 =	vld [tilespmem:$0x1F4E0]  }
0x175: {  	v2 =	vadd.f32 v39, v2;
	v39 =	vld [tilespmem:$0x1F550]  }
0x176: {  	v3 =	vadd.f32 v56, v3;
	v56 =	vld [tilespmem:$0x1F5B0]  }
0x177: {  	[tilespmem:$0x1FE40] =	vst v51;
	v51 =	vld [tilespmem:$0x1F5A0]  }
0x178: {  	v0 =	vadd.f32 v55, v0;
	v55 =	vld [tilespmem:$0x13B8]  }
0x179: {  	[tilespmem:$0x1FD70] =	vst v34;
	v34 =	vld [tilespmem:$0x1F6C0]  }
0x17a: {  	v2 =	vadd.f32 v48, v2;
	v48 =	vld [tilespmem:$0x1378]  }
0x17b: {  	v1 =	vadd.f32 v30, v1;
	v30 =	vadd.f32 v57, v60;
	v57 =	vld [tilespmem:$0x1F5C0]  }
0x17c: {  	v60 =	vld [tilespmem:$0x1F5D0]  }
0x17d: {  	[tilespmem:$0x1FD50] =	vst v31;
	v31 =	vld [tilespmem:$0x1F690]  }
0x17e: {  	v0 =	vadd.f32 v7, v0;
	v7 =	vld [tilespmem:$0x1F780]  }
0x17f: {  	[tilespmem:$0x1FDF0] =	vst v41;
	v41 =	vld [tilespmem:$0x1F890]  }
0x180: {  	v1 =	vadd.f32 v38, v1;
	v38 =	vld [tilespmem:$0x12B8]  }
0x181: {  	[tilespmem:$0x1FF50] =	vst v0;
	v0 =	vadd.f32 v17, v3;
	v3 =	vadd.f32 v50, v33;
	v50 =	vld [tilespmem:$0x1F590]  }
0x182: {  	v17 =	vld [tilespmem:$0x1F600]  }
0x183: {  	v33 =	vld [tilespmem:$0x1F6B0]  }
0x184: {  	v1 =	vadd.f32 v46, v1;
	v46 =	vld [tilespmem:$0x1F580]  }
0x185: {  	[tilespmem:$0x1FE30] =	vst v55;
	v55 =	vld [tilespmem:$0x1288]  }
0x186: {  	v3 =	vadd.f32 v58, v3;
	v58 =	vld [tilespmem:$0x13F8]  }
0x187: {  	[tilespmem:$0x1FE00] =	vst v48;
	v48 =	vld [tilespmem:$0x11C8]  }
0x188: {  	v0 =	vadd.f32 v25, v0;
	v25 =	vld [tilespmem:$0x1F650]  }
0x189: {  	v1 =	vadd.f32 v62, v1;
	v62 =	vld [tilespmem:$0x1438]  }
0x18a: {  	[tilespmem:$0x1FF70] =	vst v0;
	v0 =	vadd.f32 v27, v26;
	v27 =	vld [tilespmem:$0x1188]  }
0x18b: {  	v26 =	vld [tilespmem:$0x1F660]  }
0x18c: {  	v3 =	vadd.f32 v57, v3;
	v57 =	vld [tilespmem:$0x1248]  }
0x18d: {  	[tilespmem:$0x1FD90] =	vst v38;
	v38 =	vld [tilespmem:$0x1F6F0]  }
0x18e: {  	[tilespmem:$0x1FF40] =	vst v1;
	v1 =	vadd.f32 v63, v2;
	v63 =	vld [tilespmem:$0x1F5F0]  }
0x18f: {  	v2 =	vadd.f32 v36, v30;
	v30 =	vld [tilespmem:$0x1C8]  }
0x190: {  	v36 =	vld [tilespmem:$0x1F6E0]  }
0x191: {  	v0 =	vadd.f32 v32, v0;
	v32 =	vld [tilespmem:$0x1F6A0]  }
0x192: {  	v3 =	vadd.f32 v17, v3;
	v17 =	vld [tilespmem:$0x1448]  }
0x193: {  	v1 =	vadd.f32 v19, v1;
	v19 =	vld [tilespmem:$0x1F610]  }
0x194: {  	v2 =	vadd.f32 v44, v2;
	v44 =	vld [tilespmem:$0x1F720]  }
0x195: {  	[tilespmem:$0x1FE60] =	vst v58;
	v58 =	vld [tilespmem:$0x1F750]  }
0x196: {  	v0 =	vadd.f32 v39, v0;
	v39 =	vld [tilespmem:$0x1F700]  }
0x197: {  	[tilespmem:$0x1FE90] =	vst v62;
	v62 =	vld [tilespmem:$0x1F760]  }
0x198: {  	v3 =	vadd.f32 v23, v3;
	v23 =	vld [tilespmem:$0x1F7C0]  }
0x199: {  	[tilespmem:$0x1FF60] =	vst v1;
	v1 =	vadd.f32 v22, v21;
	v21 =	vld [tilespmem:$0x1F620]  }
0x19a: {  	v22 =	vld [tilespmem:$0x1F630]  }
0x19b: {  	v2 =	vadd.f32 v51, v2;
	v51 =	vld [tilespmem:$0x1F740]  }
0x19c: {  	v0 =	vadd.f32 v46, v0;
	v46 =	vld [tilespmem:$0x1F730]  }
0x19d: {  	v1 =	vadd.f32 v29, v1;
	v29 =	vld [tilespmem:$0x1F680]  }
0x19e: {  	v2 =	vadd.f32 v61, v2;
	v61 =	vld [tilespmem:$0x1308]  }
0x19f: {  	[tilespmem:$0x1FEA0] =	vst v17;
	v17 =	vld [tilespmem:$0x1F930]  }
0x1a0: {  	v0 =	vadd.f32 v56, v0;
	v56 =	vld [tilespmem:$0x13C8]  }
0x1a1: {  	v1 =	vadd.f32 v35, v1;
	v35 =	vld [tilespmem:$0x1F6D0]  }
0x1a2: {  	v0 =	vadd.f32 v63, v0;
	v63 =	vld [tilespmem:$0x1408]  }
0x1a3: {  	v2 =	vadd.f32 v21, v2;
	v21 =	vld [tilespmem:$0x1F7A0]  }
0x1a4: {  	v1 =	vadd.f32 v43, v1;
	v43 =	vld [tilespmem:$0x1F710]  }
0x1a5: {  	v0 =	vadd.f32 v22, v0;
	v22 =	vld [tilespmem:$0x1F7B0]  }
0x1a6: {  	v2 =	vadd.f32 v26, v2;
	v26 =	vld [tilespmem:$0x1F7E0]  }
0x1a7: {  	v3 =	vadd.f32 v29, v3;
	v29 =	vld [tilespmem:$0x1F800]  }
0x1a8: {  	v1 =	vadd.f32 v50, v1;
	v50 =	vld [tilespmem:$0x12C8]  }
0x1a9: {  	[tilespmem:$0x1FE50] =	vst v56;
	v56 =	vld [tilespmem:$0x1F8F0]  }
0x1aa: {  	v0 =	vadd.f32 v28, v0;
	v28 =	vld [tilespmem:$0x1F7F0]  }
0x1ab: {  	v2 =	vadd.f32 v32, v2;
	v32 =	vld [tilespmem:$0x1F820]  }
0x1ac: {  	v3 =	vadd.f32 v34, v3;
	v34 =	vld [tilespmem:$0x1F840]  }
0x1ad: {  	v1 =	vadd.f32 v60, v1;
	v60 =	vld [tilespmem:$0x1208]  }
0x1ae: {  	[tilespmem:$0x1FE80] =	vst v63;
	v63 =	vld [tilespmem:$0x1F920]  }
0x1af: {  	v0 =	vadd.f32 v33, v0;
	v33 =	vld [tilespmem:$0x1F830]  }
0x1b0: {  	v2 =	vadd.f32 v36, v2;
	v36 =	vld [tilespmem:$0x1F860]  }
0x1b1: {  	v3 =	vadd.f32 v39, v3;
	v39 =	vld [tilespmem:$0x1F880]  }
0x1b2: {  	v1 =	vadd.f32 v19, v1;
	v19 =	vld [tilespmem:$0x1F790]  }
0x1b3: {  	v0 =	vadd.f32 v38, v0;
	v38 =	vld [tilespmem:$0x1F870]  }
0x1b4: {  	v2 =	vadd.f32 v44, v2;
	v44 =	vld [tilespmem:$0x1F8B0]  }
0x1b5: {  	v3 =	vadd.f32 v51, v3;
	v51 =	vld [tilespmem:$0x1F8E0]  }
0x1b6: {  	v1 =	vadd.f32 v25, v1;
	v25 =	vld [tilespmem:$0x1F7D0]  }
0x1b7: {  	v0 =	vadd.f32 v46, v0;
	v46 =	vld [tilespmem:$0x1F8D0]  }
0x1b8: {  	v1 =	vadd.f32 v31, v1;
	v31 =	vld [tilespmem:$0x1F810]  }
0x1b9: {  	v0 =	vadd.f32 v4, v0;
	v4 =	vld [tilespmem:$0x1FAB0]  }
0x1ba: {  	v1 =	vadd.f32 v35, v1;
	v35 =	vld [tilespmem:$0x1F850]  }
0x1bb: {  	[tilespmem:$0x1FF90] =	vst v0;
	v0 =	vadd.f32 v7, v3;
	v3 =	vadd.f32 v34, v33;
	v33 =	vld [tilespmem:$0x1358]  }
0x1bc: {  	v34 =	vld [tilespmem:$0x1F960]  }
0x1bd: {  	v7 =	vld [tilespmem:$0x1FAC0]  }
0x1be: {  	v1 =	vadd.f32 v43, v1;
	v43 =	vld [tilespmem:$0x1F8A0]  }
0x1bf: {  	v0 =	vadd.f32 v23, v0;
	v23 =	vld [tilespmem:$0x11D8]  }
0x1c0: {  	v3 =	vadd.f32 v39, v3;
	v39 =	vld [tilespmem:$0x1F990]  }
0x1c1: {  	v1 =	vadd.f32 v58, v1;
	v58 =	vld [tilespmem:$0x1F900]  }
0x1c2: {  	[tilespmem:$0x1FFB0] =	vst v0;
	v0 =	vadd.f32 v26, v25;
	v25 =	vld [tilespmem:$0x1218]  }
0x1c3: {  	v26 =	vld [tilespmem:$0x1258]  }
0x1c4: {  	v3 =	vadd.f32 v45, v3;
	v45 =	vld [tilespmem:$0x1F9B0]  }
0x1c5: {  	[tilespmem:$0x1FF80] =	vst v1;
	v1 =	vadd.f32 v62, v2;
	v2 =	vadd.f32 v31, v29;
	v29 =	vld [tilespmem:$0x12D8]  }
0x1c6: {  	v31 =	vld [tilespmem:$0x1318]  }
0x1c7: {  	v62 =	vld [tilespmem:$0x1F910]  }
0x1c8: {  	v0 =	vadd.f32 v32, v0;
	v32 =	vld [tilespmem:$0x1F950]  }
0x1c9: {  	v1 =	vadd.f32 v19, v1;
	v19 =	vld [tilespmem:$0x1198]  }
0x1ca: {  	v2 =	vadd.f32 v36, v2;
	v36 =	vld [tilespmem:$0x1F970]  }
0x1cb: {  	v0 =	vadd.f32 v38, v0;
	v38 =	vld [tilespmem:$0x1F980]  }
0x1cc: {  	v3 =	vadd.f32 v58, v3;
	v58 =	vld [tilespmem:$0x1F9D0]  }
0x1cd: {  	[tilespmem:$0x1FFA0] =	vst v1;
	v1 =	vadd.f32 v22, v21;
	v22 =	vld [tilespmem:$0x1D8]  }
0x1ce: {  	v21 =	vld [tilespmem:$0x1F940]  }
0x1cf: {  	v2 =	vadd.f32 v43, v2;
	v43 =	vld [tilespmem:$0x1F9A0]  }
0x1d0: {  	v0 =	vadd.f32 v44, v0;
	v44 =	vld [tilespmem:$0x1E8]  }
0x1d1: {  	v1 =	vadd.f32 v28, v1;
	v28 =	vld [tilespmem:$0x1298]  }
0x1d2: {  	v2 =	vadd.f32 v51, v2;
	v51 =	vld [tilespmem:$0x1458]  }
0x1d3: {  	v0 =	vadd.f32 v56, v0;
	v56 =	vld [tilespmem:$0x1F9C0]  }
0x1d4: {  	v1 =	vadd.f32 v35, v1;
	v35 =	vld [tilespmem:$0x1398]  }
0x1d5: {  	v2 =	vadd.f32 v63, v2;
	v63 =	vld [tilespmem:$0x1F9F0]  }
0x1d6: {  	v0 =	vadd.f32 v17, v0;
	v17 =	vld [tilespmem:$0x1FA00]  }
0x1d7: {  	v3 =	vadd.f32 v21, v3;
	v21 =	vld [tilespmem:$0x1FA10]  }
0x1d8: {  	v19 =	vadd.f32 v19, v22;
	v22 =	vld [tilespmem:$0x1FD20]  }
0x1d9: {  	v1 =	vadd.f32 v41, v1;
	v41 =	vld [tilespmem:$0x13D8]  }
0x1da: {  	v2 =	vadd.f32 v34, v2;
	v34 =	vld [tilespmem:$0x1FA30]  }
0x1db: {  	v0 =	vadd.f32 v36, v0;
	v36 =	vld [tilespmem:$0x1FA40]  }
0x1dc: {  	v3 =	vadd.f32 v38, v3;
	v38 =	vld [tilespmem:$0x1FA50]  }
0x1dd: {  	v19 =	vadd.f32 v23, v19;
	v23 =	vld [tilespmem:$0x1498]  }
0x1de: {  	v1 =	vadd.f32 v46, v1;
	v46 =	vld [tilespmem:$0x1418]  }
0x1df: {  	v2 =	vadd.f32 v43, v2;
	v43 =	vld [tilespmem:$0x14A8]  }
0x1e0: {  	v0 =	vadd.f32 v45, v0;
	v45 =	vld [tilespmem:$0x14E8]  }
0x1e1: {  	v3 =	vadd.f32 v56, v3;
	v56 =	vld [tilespmem:$0x1528]  }
0x1e2: {  	v19 =	vadd.f32 v25, v19;
	v25 =	vld [tilespmem:$0x1518]  }
0x1e3: {  	v1 =	vadd.f32 v62, v1;
	v62 =	vld [tilespmem:$0x1F9E0]  }
0x1e4: {  	v0 =	vadd.f32 v63, v0;
	v63 =	vld [tilespmem:$0x1FA60]  }
0x1e5: {  	v3 =	vadd.f32 v17, v3;
	v17 =	vld [tilespmem:$0x1FA70]  }
0x1e6: {  	v19 =	vadd.f32 v26, v19;
	v26 =	vld [tilespmem:$0x1598]  }
0x1e7: {  	v1 =	vadd.f32 v32, v1;
	v32 =	vld [tilespmem:$0x1FA20]  }
0x1e8: {  	v0 =	vadd.f32 v34, v0;
	v34 =	vld [tilespmem:$0x1FA90]  }
0x1e9: {  	v3 =	vadd.f32 v36, v3;
	v36 =	vld [tilespmem:$0x1FAA0]  }
0x1ea: {  	v19 =	vadd.f32 v28, v19;
	v28 =	vld [tilespmem:$0x1618]  }
0x1eb: {  	v1 =	vadd.f32 v39, v1;
	v39 =	vld [tilespmem:$0x1468]  }
0x1ec: {  	v2 =	vadd.f32 v62, v2;
	v62 =	vld [tilespmem:$0x15A8]  }
0x1ed: {  	v19 =	vadd.f32 v29, v19;
	v29 =	vld [tilespmem:$0x1698]  }
0x1ee: {  	v1 =	vadd.f32 v58, v1;
	v58 =	vld [tilespmem:$0x1568]  }
0x1ef: {  	v0 =	vadd.f32 v17, v0;
	v17 =	vld [tilespmem:$0x16A8]  }
0x1f0: {  	v2 =	vadd.f32 v32, v2;
	v32 =	vld [tilespmem:$0x1628]  }
0x1f1: {  	v19 =	vadd.f32 v31, v19;
	v31 =	vld [tilespmem:$0x1718]  }
0x1f2: {  	v1 =	vadd.f32 v21, v1;
	v21 =	vld [tilespmem:$0x1FA80]  }
0x1f3: {  	v0 =	vadd.f32 v4, v0;
	v4 =	vld [tilespmem:$0x1FB10]  }
0x1f4: {  	v2 =	vadd.f32 v63, v2;
	v63 =	vld [tilespmem:$0x15E8]  }
0x1f5: {  	v19 =	vadd.f32 v33, v19;
	v33 =	vld [tilespmem:$0x228]  }
0x1f6: {  	v1 =	vadd.f32 v38, v1;
	v38 =	vld [tilespmem:$0x1668]  }
0x1f7: {  	[tilespmem:$0x1FED0] =	vst v17;
	v17 =	vld [tilespmem:$0x1728]  }
0x1f8: {  	v19 =	vadd.f32 v35, v19;
	v35 =	vld [tilespmem:$0x17A8]  }
0x1f9: {  	[tilespmem:$0x1FEB0] =	vst v32;
	v32 =	vld [tilespmem:$0x1FAE0]  }
0x1fa: {  	v1 =	vadd.f32 v34, v1;
	v34 =	vld [tilespmem:$0x1FAF0]  }
0x1fb: {  	v3 =	vadd.f32 v21, v3;
	v21 =	vld [tilespmem:$0x1FAD0]  }
0x1fc: {  	[tilespmem:$0x1FFC0] =	vst v1;
	v1 =	vadd.f32 v36, v2;
	v36 =	vld [tilespmem:$0x16E8]  }
0x1fd: {  	[tilespmem:$0x1FEC0] =	vst v38;
	v38 =	vld [tilespmem:$0x1FB00]  }
0x1fe: {  	[tilespmem:$0x1FFD0] =	vst v0;
	v0 =	vadd.f32 v7, v3;
	v7 =	vld [tilespmem:$0x1FB20]  }
0x1ff: {  	v3 =	vadd.f32 v41, v19;
	v41 =	vld [tilespmem:$0x1FE70]  }
0x200: {  	[tilespmem:$0x1FF20] =	vst v17;
	v17 =	vld [tilespmem:$0x1478]  }
0x201: {  	v3 =	vadd.f32 v46, v3;
	v46 =	vld [tilespmem:$0x18A8];
	v1 =	vadd.f32 v21, v1  }
0x202: {  	v21 =	vld [tilespmem:$0x1FB30]  }
0x203: {  	[tilespmem:$0x1FFE0] =	vst v1;
	v1 =	vadd.f32 v34, v32;
	v32 =	vadd.f32 v24, v9;
	v34 =	vld [tilespmem:$0x1FB40]  }
0x204: {  	v0 =	vadd.f32 v38, v0;
	v24 =	vadd.f32 v49, v20;
	v38 =	vld [tilespmem:$0x1FB50]  }
0x205: {  	v49 =	vadd.f32 v18, v32;
	v18 =	vld [tilespmem:$0x14B8]  }
0x206: {  	[tilespmem:$0x1FFF0] =	vst v0;
	v0 =	vadd.f32 v7, v4;
	v7 =	vadd.f32 v47, v24;
	v47 =	vld [tilespmem:$0x1FB80]  }
0x207: {  	v24 =	vld [tilespmem:$0x14F8]  }
0x208: {  	v1 =	vadd.f32 v21, v1;
	v21 =	vld [tilespmem:$0x1F8]  }
0x209: {  	[tilespmem:$0x1FEF0] =	vst v36;
	v36 =	vadd.f32 v34, v0;
	v34 =	vld [tilespmem:$0x1FB60]  }
0x20a: {  	v9 =	vadd.f32 v38, v1;
	v38 =	vld [tilespmem:$0x1FB70]  }
0x20b: {  	v20 =	vadd.f32 v47, v49;
	v49 =	vld [tilespmem:$0x1FB90]  }
0x20c: {  	v47 =	vadd.f32 v54, v7;
	v54 =	vld [tilespmem:$0x1FBA0]  }
0x20d: {  	v7 =	vld [tilespmem:$0x1FBB0]  }
0x20e: {  	v20 =	vadd.f32 v42, v20;
	v42 =	vld [tilespmem:$0x15F8]  }
0x20f: {  	v47 =	vadd.f32 v5, v47;
	v5 =	vld [tilespmem:$0x1FBF0]  }
0x210: {  	v36 =	vadd.f32 v34, v36;
	v34 =	vld [tilespmem:$0x1538]  }
0x211: {  	v9 =	vadd.f32 v38, v9;
	v38 =	vld [tilespmem:$0x15B8]  }
0x212: {  	v47 =	vadd.f32 v53, v47;
	v53 =	vld [tilespmem:$0x1678]  }
0x213: {  	v32 =	vadd.f32 v49, v36;
	v36 =	vld [tilespmem:$0x1578]  }
0x214: {  	v4 =	vadd.f32 v54, v9;
	v54 =	vld [tilespmem:$0x1FBD0]  }
0x215: {  	v9 =	vld [tilespmem:$0x1FBC0]  }
0x216: {  	v59 =	vadd.f32 v59, v47;
	v47 =	vld [tilespmem:$0x16F8]  }
0x217: {  	v32 =	vadd.f32 v7, v32;
	v7 =	vld [tilespmem:$0x1FC00]  }
0x218: {  	v37 =	vadd.f32 v37, v59;
	v59 =	vld [tilespmem:$0x1FC60]  }
0x219: {  	v20 =	vadd.f32 v54, v20;
	v54 =	vld [tilespmem:$0x1638]  }
0x21a: {  	v49 =	vadd.f32 v9, v4;
	v4 =	vld [tilespmem:$0x1FBE0]  }
0x21b: {  	v9 =	vld [tilespmem:$0x1FC10]  }
0x21c: {  	v0 =	vadd.f32 v5, v49;
	v49 =	vld [tilespmem:$0x16B8]  }
0x21d: {  	v37 =	vadd.f32 v52, v37;
	v5 =	vld [tilespmem:$0x1FC30]  }
0x21e: {  	v20 =	vadd.f32 v7, v20;
	v7 =	vld [tilespmem:$0x1FC40]  }
0x21f: {  	v37 =	vadd.f32 v11, v37;
	v11 =	vld [tilespmem:$0x1548]  }
0x220: {  	v32 =	vadd.f32 v4, v32;
	v4 =	vld [tilespmem:$0x1FC20]  }
0x221: {  	v37 =	vadd.f32 v13, v37;
	v13 =	vld [tilespmem:$0x15C8]  }
0x222: {  	v32 =	vadd.f32 v9, v32;
	v9 =	vld [tilespmem:$0x1FC50]  }
0x223: {  	v1 =	vadd.f32 v5, v20;
	v5 =	vld [tilespmem:$0x1488]  }
0x224: {  	v32 =	vadd.f32 v7, v32;
	v7 =	vld [tilespmem:$0x208]  }
0x225: {  	v0 =	vadd.f32 v4, v0;
	v4 =	vld [tilespmem:$0x1FC70]  }
0x226: {  	v32 =	vadd.f32 v8, v32;
	v8 =	vld [tilespmem:$0x14C8]  }
0x227: {  	v0 =	vadd.f32 v9, v0;
	v9 =	vld [tilespmem:$0x1FC80]  }
0x228: {  	v20 =	vld [tilespmem:$0x1738]  }
0x229: {  	v32 =	vadd.f32 v12, v32;
	v12 =	vld [tilespmem:$0x1FC90]  }
0x22a: {  	v1 =	vadd.f32 v59, v1;
	v59 =	vld [tilespmem:$0x1FCA0];
	v5 =	vadd.f32 v5, v7  }
0x22b: {  	v7 =	vld [tilespmem:$0x1968];
	v0 =	vadd.f32 v4, v0  }
0x22c: {  	v8 =	vadd.f32 v8, v5;
	v5 =	vld [tilespmem:$0x1A28];
	v1 =	vadd.f32 v9, v1  }
0x22d: {  	v9 =	vld [tilespmem:$0x1508]  }
0x22e: {  	v0 =	vadd.f32 v12, v0;
	v12 =	vld [tilespmem:$0x1588];
	v1 =	vadd.f32 v16, v1  }
0x22f: {  	v16 =	vadd.f32 v14, v32;
	v14 =	vld [tilespmem:$0x1608]  }
0x230: {  	v4 =	vadd.f32 v15, v1;
	v15 =	vld [tilespmem:$0x1FCB0]  }
0x231: {  	v32 =	vadd.f32 v59, v0;
	v59 =	vadd.f32 v6, v16;
	v16 =	vld [tilespmem:$0x1FCC0]  }
0x232: {  	v6 =	vld [tilespmem:$0x1FCE0]  }
0x233: {  	v52 =	vadd.f32 v10, v4;
	v10 =	vld [tilespmem:$0x1FCF0]  }
0x234: {  	v8 =	vadd.f32 v9, v8;
	v4 =	vld [tilespmem:$0x1FCD0]  }
0x235: {  	v9 =	vld [tilespmem:$0x238]  }
0x236: {  	v8 =	vadd.f32 v11, v8;
	v11 =	vld [tilespmem:$0x17B8]  }
0x237: {  	v37 =	vadd.f32 v15, v37;
	v15 =	vld [tilespmem:$0x1648]  }
0x238: {  	v1 =	vadd.f32 v40, v10;
	v10 =	vld [tilespmem:$0x1FD10]  }
0x239: {  	v8 =	vadd.f32 v12, v8;
	v0 =	vadd.f32 v4, v16;
	v4 =	vld [tilespmem:$0x1FD00]  }
0x23a: {  	v12 =	vld [tilespmem:$0x1838];
	v37 =	vadd.f32 v6, v37;
	v6 =	vadd.f32 v27, v30  }
0x23b: {  	v16 =	vld [tilespmem:$0x1688]  }
0x23c: {  	v2 =	vadd.f32 v48, v6;
	v6 =	vld [tilespmem:$0x1FD30]  }
0x23d: {  	v1 =	vadd.f32 v10, v1;
	v10 =	vld [tilespmem:$0x1FD40]  }
0x23e: {  	v40 =	vld [tilespmem:$0x16C8];
	v0 =	vadd.f32 v4, v0  }
0x23f: {  	v30 =	vld [tilespmem:$0x1708]  }
0x240: {  	v0 =	vadd.f32 v22, v0;
	v22 =	vld [tilespmem:$0x1FD50]  }
0x241: {  	v1 =	vadd.f32 v6, v1;
	v6 =	vld [tilespmem:$0x1FD60]  }
0x242: {  	v0 =	vadd.f32 v10, v0;
	v10 =	vld [tilespmem:$0x1FD70]  }
0x243: {  	v27 =	vld [tilespmem:$0x1748]  }
0x244: {  	v8 =	vadd.f32 v13, v8;
	v13 =	vld [tilespmem:$0x18B8]  }
0x245: {  	v1 =	vadd.f32 v22, v1;
	v22 =	vld [tilespmem:$0x1FD80]  }
0x246: {  	v0 =	vadd.f32 v6, v0;
	v6 =	vld [tilespmem:$0x1FD90]  }
0x247: {  	v1 =	vadd.f32 v10, v1;
	v10 =	vld [tilespmem:$0x1FDA0]  }
0x248: {  	v48 =	vld [tilespmem:$0x218]  }
0x249: {  	v8 =	vadd.f32 v14, v8;
	v14 =	vld [tilespmem:$0x1938]  }
0x24a: {  	v0 =	vadd.f32 v22, v0;
	v22 =	vld [tilespmem:$0x1FDB0]  }
0x24b: {  	v2 =	vadd.f32 v60, v2;
	v1 =	vadd.f32 v6, v1;
	v6 =	vld [tilespmem:$0x1FDC0]  }
0x24c: {  	v0 =	vadd.f32 v10, v0;
	v10 =	vld [tilespmem:$0x1FDD0]  }
0x24d: {  	v60 =	vld [tilespmem:$0x14D8];
	v2 =	vadd.f32 v57, v2  }
0x24e: {  	v8 =	vadd.f32 v15, v8;
	v15 =	vld [tilespmem:$0x19B8]  }
0x24f: {  	v4 =	vld [tilespmem:$0x1768];
	v2 =	vadd.f32 v55, v2;
	v1 =	vadd.f32 v22, v1  }
0x250: {  	v0 =	vadd.f32 v6, v0;
	v6 =	vld [tilespmem:$0x1FDF0]  }
0x251: {  	v2 =	vadd.f32 v50, v2;
	v1 =	vadd.f32 v10, v1;
	v10 =	vld [tilespmem:$0x1FE00]  }
0x252: {  	v57 =	vld [tilespmem:$0x1558]  }
0x253: {  	v2 =	vadd.f32 v61, v2;
	v22 =	vld [tilespmem:$0x1FDE0]  }
0x254: {  	v8 =	vadd.f32 v16, v8;
	v16 =	vld [tilespmem:$0x1A38]  }
0x255: {  	v2 =	vadd.f32 v6, v2;
	v6 =	vld [tilespmem:$0x1FE10]  }
0x256: {  	v1 =	vadd.f32 v10, v1;
	v10 =	vld [tilespmem:$0x1FE20]  }
0x257: {  	v23 =	vadd.f32 v23, v48;
	v48 =	vld [tilespmem:$0x1FEC0]  }
0x258: {  	v55 =	vld [tilespmem:$0x15D8];
	v0 =	vadd.f32 v22, v0  }
0x259: {  	v8 =	vadd.f32 v40, v8;
	v40 =	vld [tilespmem:$0x18D8]  }
0x25a: {  	v0 =	vadd.f32 v6, v0;
	v6 =	vld [tilespmem:$0x1FE30]  }
0x25b: {  	v23 =	vadd.f32 v60, v23;
	v2 =	vadd.f32 v10, v2;
	v10 =	vld [tilespmem:$0x1FE40]  }
0x25c: {  	v60 =	vld [tilespmem:$0x1FF20]  }
0x25d: {  	v50 =	vld [tilespmem:$0x1658];
	v23 =	vadd.f32 v25, v23  }
0x25e: {  	v4 =	vadd.f32 v4, v33;
	v33 =	vld [tilespmem:$0x18C8]  }
0x25f: {  	v25 =	vld [tilespmem:$0x17F8];
	v23 =	vadd.f32 v57, v23  }
0x260: {  	v1 =	vadd.f32 v6, v1;
	v6 =	vld [tilespmem:$0x1FE50];
	v0 =	vadd.f32 v10, v0  }
0x261: {  	v61 =	vld [tilespmem:$0x16D8];
	v23 =	vadd.f32 v26, v23  }
0x262: {  	v19 =	vadd.f32 v41, v0;
	v41 =	vld [tilespmem:$0x1FE80]  }
0x263: {  	v4 =	vadd.f32 v35, v4;
	v35 =	vld [tilespmem:$0x1FFC0];
	v23 =	vadd.f32 v55, v23  }
0x264: {  	v57 =	vld [tilespmem:$0x258]  }
0x265: {  	v23 =	vadd.f32 v28, v23;
	v10 =	vld [tilespmem:$0x1FE60];
	v2 =	vadd.f32 v6, v2  }
0x266: {  	v26 =	vld [tilespmem:$0x1878]  }
0x267: {  	v23 =	vadd.f32 v50, v23;
	v0 =	vadd.f32 v41, v2;
	v41 =	vld [tilespmem:$0x1FE90]  }
0x268: {  	v55 =	vld [tilespmem:$0x1788]  }
0x269: {  	v28 =	vld [tilespmem:$0x1978];
	v23 =	vadd.f32 v29, v23  }
0x26a: {  	v50 =	vld [tilespmem:$0x1FED0];
	v1 =	vadd.f32 v10, v1  }
0x26b: {  	v23 =	vadd.f32 v61, v23;
	v61 =	vld [tilespmem:$0x1798]  }
0x26c: {  	v41 =	vadd.f32 v41, v1;
	v1 =	vld [tilespmem:$0x1FEA0]  }
0x26d: {  	v22 =	vld [tilespmem:$0x1758]  }
0x26e: {  	v6 =	vld [tilespmem:$0x17E8]  }
0x26f: {  	v10 =	vld [tilespmem:$0x1828]  }
0x270: {  	v2 =	vld [tilespmem:$0x1868]  }
0x271: {  	v1 =	vadd.f32 v1, v0;
	v0 =	vadd.f32 v39, v44;
	v44 =	vld [tilespmem:$0x18E8]  }
0x272: {  	v39 =	vadd.f32 v51, v3;
	v51 =	vadd.f32 v17, v21;
	v17 =	vld [tilespmem:$0x1928]  }
0x273: {  	v3 =	vld [tilespmem:$0x19E8]  }
0x274: {  	v43 =	vadd.f32 v43, v0;
	v18 =	vadd.f32 v18, v51;
	v0 =	vld [tilespmem:$0x19A8]  }
0x275: {  	v51 =	vld [tilespmem:$0x248]  }
0x276: {  	v18 =	vadd.f32 v24, v18;
	v24 =	vld [tilespmem:$0x1778]  }
0x277: {  	v21 =	vadd.f32 v45, v43;
	v45 =	vld [tilespmem:$0x1FEB0]  }
0x278: {  	v43 =	vld [tilespmem:$0x1FF40]  }
0x279: {  	v18 =	vadd.f32 v34, v18;
	v34 =	vld [tilespmem:$0x18F8]  }
0x27a: {  	v21 =	vadd.f32 v56, v21;
	v56 =	vld [tilespmem:$0x1FF00]  }
0x27b: {  	v18 =	vadd.f32 v36, v18;
	v36 =	vld [tilespmem:$0x19F8]  }
0x27c: {  	v21 =	vadd.f32 v58, v21;
	v58 =	vld [tilespmem:$0x1FF10]  }
0x27d: {  	v4 =	vadd.f32 v6, v4;
	[tilespmem:$0x1AA8] =	vst v43;
	v43 =	vld [tilespmem:$0x1908]  }
0x27e: {  	v21 =	vadd.f32 v62, v21;
	v18 =	vadd.f32 v38, v18;
	v62 =	vld [tilespmem:$0x1FF30]  }
0x27f: {  	[tilespmem:$0x1A78] =	vst v56;
	v56 =	vld [tilespmem:$0x1FF80]  }
0x280: {  	v4 =	vadd.f32 v10, v4;
	v18 =	vadd.f32 v42, v18;
	v42 =	vld [tilespmem:$0x17C8]  }
0x281: {  	v21 =	vadd.f32 v63, v21;
	v63 =	vadd.f32 v31, v23;
	v31 =	vld [tilespmem:$0x1FFB0]  }
0x282: {  	[tilespmem:$0x1A88] =	vst v58;
	v58 =	vld [tilespmem:$0x1858]  }
0x283: {  	v2 =	vadd.f32 v2, v4;
	v18 =	vadd.f32 v54, v18;
	v54 =	vld [tilespmem:$0x1FEF0]  }
0x284: {  	v21 =	vadd.f32 v45, v21;
	v45 =	vld [tilespmem:$0x17D8]  }
0x285: {  	v8 =	vadd.f32 v30, v8;
	v2 =	vadd.f32 v46, v2;
	[tilespmem:$0x1A98] =	vst v62;
	v62 =	vld [tilespmem:$0x1FFA0]  }
0x286: {  	v9 =	vadd.f32 v24, v9;
	v18 =	vadd.f32 v53, v18;
	v53 =	vld [tilespmem:$0x1FEE0]  }
0x287: {  	v8 =	vadd.f32 v27, v8;
	v21 =	vadd.f32 v48, v21;
	v48 =	vld [tilespmem:$0x1808]  }
0x288: {  	v2 =	vadd.f32 v44, v2;
	v9 =	vadd.f32 v11, v9;
	[tilespmem:$0x1AE8] =	vst v56;
	v56 =	vld [tilespmem:$0x1A08]  }
0x289: {  	v21 =	vadd.f32 v50, v21;
	v18 =	vadd.f32 v49, v18;
	v49 =	vld [tilespmem:$0x1FF60]  }
0x28a: {  	[tilespmem:$0x1B68] =	vst v32;
	v2 =	vadd.f32 v17, v2;
	v50 =	vadd.f32 v55, v51;
	v51 =	vld [tilespmem:$0x1818]  }
0x28b: {  	[tilespmem:$0x1B78] =	vst v59;
	v9 =	vadd.f32 v25, v9;
	v55 =	vld [tilespmem:$0x1848];
	v21 =	vadd.f32 v54, v21  }
0x28c: {  	[tilespmem:$0x1B88] =	vst v52;
	v18 =	vadd.f32 v47, v18;
	v47 =	vld [tilespmem:$0x1FF50];
	v54 =	vadd.f32 v61, v57  }
0x28d: {  	[tilespmem:$0x1B98] =	vst v37;
	v9 =	vadd.f32 v12, v9;
	v57 =	vadd.f32 v42, v50;
	v61 =	vld [tilespmem:$0x1888]  }
0x28e: {  	[tilespmem:$0x1C08] =	vst v8;
	v42 =	vld [tilespmem:$0x1FFD0];
	v18 =	vadd.f32 v20, v18;
	v11 =	vadd.f32 v45, v54  }
0x28f: {  	[tilespmem:$0x1B28] =	vst v35;
	v20 =	vadd.f32 v22, v63;
	v6 =	vadd.f32 v48, v57;
	v63 =	vld [tilespmem:$0x1898]  }
0x290: {  	[tilespmem:$0x1BA8] =	vst v19;
	v2 =	vadd.f32 v7, v2;
	v50 =	vld [tilespmem:$0x1958];
	v11 =	vadd.f32 v51, v11  }
0x291: {  	v9 =	vadd.f32 v26, v9;
	[tilespmem:$0x1A68] =	vst v53;
	v53 =	vld [tilespmem:$0x1FF70];
	v38 =	vadd.f32 v55, v6  }
0x292: {  	[tilespmem:$0x1BB8] =	vst v41;
	v21 =	vadd.f32 v60, v21;
	v60 =	vld [tilespmem:$0x1FF90];
	v11 =	vadd.f32 v58, v11  }
0x293: {  	v0 =	vadd.f32 v0, v2;
	[tilespmem:$0x1AB8] =	vst v47;
	v47 =	vld [tilespmem:$0x1918];
	v4 =	vadd.f32 v61, v38  }
0x294: {  	v9 =	vadd.f32 v13, v9;
	[tilespmem:$0x1AC8] =	vst v49;
	v49 =	vld [tilespmem:$0x1948];
	v10 =	vadd.f32 v63, v11  }
0x295: {  	[tilespmem:$0x1BC8] =	vst v1;
	v0 =	vadd.f32 v3, v0;
	v45 =	vld [tilespmem:$0x1FFE0];
	v4 =	vadd.f32 v33, v4  }
0x296: {  	[tilespmem:$0x1BD8] =	vst v39;
	v9 =	vadd.f32 v34, v9;
	v51 =	vld [tilespmem:$0x1988];
	v6 =	vadd.f32 v40, v10  }
0x297: {  	v0 =	vadd.f32 v5, v0;
	[tilespmem:$0x1AD8] =	vst v53;
	v53 =	vld [tilespmem:$0x1998];
	v4 =	vadd.f32 v43, v4  }
0x298: {  	[tilespmem:$0x1B18] =	vst v31;
	v54 =	vld [tilespmem:$0x19C8];
	v9 =	vadd.f32 v14, v9;
	v6 =	vadd.f32 v47, v6  }
0x299: {  	[tilespmem:$0x1C28] =	vst v0;
	v55 =	vld [tilespmem:$0x19D8];
	v4 =	vadd.f32 v49, v4  }
0x29a: {  	[tilespmem:$0x1B08] =	vst v62;
	v48 =	vld [tilespmem:$0x1FFF0];
	v9 =	vadd.f32 v28, v9;
	v6 =	vadd.f32 v50, v6  }
0x29b: {  	[tilespmem:$0x1BE8] =	vst v21;
	v58 =	vld [tilespmem:$0x1A18];
	v57 =	vadd.f32 v51, v4  }
0x29c: {  	[tilespmem:$0x1AF8] =	vst v60;
	v59 =	vadd.f32 v15, v9;
	v60 =	vld [tilespmem:$0x1A48];
	v6 =	vadd.f32 v53, v6  }
0x29d: {  	[tilespmem:$0x1BF8] =	vst v18;
	v61 =	vld [tilespmem:$0x1A58];
	v1 =	vadd.f32 v54, v57  }
0x29e: {  	[tilespmem:$0x1C18] =	vst v20;
	v4 =	vadd.f32 v36, v59;
	v6 =	vadd.f32 v55, v6  }
0x29f: {  	[tilespmem:$0x1B38] =	vst v42;
	v1 =	vadd.f32 v56, v1  }
0x2a0: {  	[tilespmem:$0x1B48] =	vst v45;
	v4 =	vadd.f32 v16, v4;
	v2 =	vadd.f32 v58, v6  }
0x2a1: {  	[tilespmem:$0x1B58] =	vst v48;
	v62 =	vadd.f32 v60, v1  }
0x2a2: {  	[tilespmem:$0x1C38] =	vst v4;
	v63 =	vadd.f32 v61, v2  }
0x2a3: {  	p0 =	sne.s32 s8, $0x1;
	[tilespmem:$0x1C48] =	vst v62  }
.Ltmp0:
0x2a4: {  	[tilespmem:$0x1C58] =	vst v63;
	(pc) =	sbr.rel @p0 .LBB2_1-.Ltmp0, $4  }
0x2a5: {  	[hbm4b:s7+s2] =	stream.linear.scatter [tilespmem:s15], [sflag:$0x2], $0x200, $0x38;
	[tilespmem:$0x1C68] =	vst v63  }
0x2a6: {  	_ =	swait.ge [sflag:s9], $0x200  }
0x2a7: {  	[sflag:s9] =	ssyncset.done $0x0  }
0x2a8: {  	s8 =	sadd.s32 $0xFFFFFFFF, s8;
	[sflag:s9] =	ssyncadd.s32 $0xFFFFFE00  }
0x2a9: {  	_ =	sfence.sel $0x180000  }
0x2aa: {  	[bflag:$0x0] =	sbarrier.arrive $0xFFFF  }
0x2ab: {  	p0 =	sne.s32 s0, $0x0;
	_ =	strace $0x90000047  }
0x2ac: {  	s0 =	sadd.s32 @!p0 $0x100000, s1;
	[bflag:$0x2] =	sbarrier.arrive $0xFFFF  }
0x2ad: {  	[sflag:s0] =	ssyncadd.tile.s32 @!p0 $0x1;
	_ =	shalt  }
.Lfunc_end2:
_tile_overlayer_lowered:
.L_overlay_start_2:
0x2ae: {  	(tag) =	ssettag $0x2  }
0x2af: {  	s0 =	rddreg [dreg:$0x0];
	s2 =	stileid.u32  }
0x2b0: {  	s1 =	rddreg [dreg:$0x1];
	p0 =	sne.s32 s2, $0x0  }
0x2b1: {  	s3 =	rddreg [dreg:$0x2];
	[bflag:$0x3] =	sbarrier.arrive $0xFFFF;
	s2 =	simm.s32 @!p0 $0x1C02  }
0x2b2: {  	[timem:s3], [sflag:s2] =	dma.local @!p0 [hbm:s0], s1  }
0x2b3: {  	s0 =	simm.s32 @!p0 $0x2  }
0x2b4: {  	_ =	swait.ge @!p0 [sflag:s0], s1  }
0x2b5: {  	s1 =	ssub.s32 @!p0 $0x0, s1;
	[sflag:s0] =	ssyncset.done @!p0 $0x0  }
0x2b6: {  	[sflag:s0] =	ssyncadd.s32 @!p0 s1  }
0x2b7: {  	[bflag:$0x3] =	sbarrier.arrive $0xFFFF  }
0x2b8: {  	_ =	shalt  }

</sc_bundles>
